<compile_context>
chip_gen: v7x
topology: tpu7x:2x2x1
jax: 0.10.2.dev20260603
libtpu: 0.0.44.dev20260713+nightly
codegen_flags: <defaults>
</compile_context>

<pallas_src>
import functools

import jax
import jax.numpy as jnp
from jax import lax
from jax.experimental import pallas as pl
from jax.experimental.pallas import tpu as pltpu
from jax.experimental.pallas import tpu_sc as plsc

_C = 21
_NBINS = 448
_BL = 131072
_NW = 32
_CHUNK = 16384
_LANES = 16


def _bins_body(xt_ref, gt_ref, out_ref):
    x = xt_ref[...]
    sub = lax.broadcasted_iota(jnp.int32, x.shape, 0)
    xm = jnp.where(sub == 0, -jnp.inf, x)
    m = jnp.max(xm, axis=0)
    pred21 = jnp.min(jnp.where(xm == m[None, :], sub * _C, _C * _C), axis=0)
    out_ref[...] = pred21 + gt_ref[...]


def _compute_bins(xt, gt, half, nhalf):
    nblk = nhalf // _BL
    off = half * nblk
    return pl.pallas_call(
        _bins_body,
        grid=(nblk,),
        in_specs=[
            pl.BlockSpec((_C, _BL), lambda i: (0, i + off)),
            pl.BlockSpec((_BL,), lambda i: (i + off,)),
        ],
        out_specs=pl.BlockSpec((_BL,), lambda i: (i,)),
        out_shape=jax.ShapeDtypeStruct((nhalf,), jnp.int32),
    )(xt, gt)


@functools.cache
def _make_hist(n):
    per_w = n // _NW
    n_chunks = per_w // _CHUNK
    mesh = plsc.VectorSubcoreMesh(core_axis_name="c", subcore_axis_name="s")

    @functools.partial(
        pl.kernel,
        out_type=jax.ShapeDtypeStruct((_NW, _NBINS), jnp.float32),
        mesh=mesh,
        compiler_params=pltpu.CompilerParams(needs_layout_passes=False),
        scratch_types=[
            pltpu.VMEM((2, _CHUNK), jnp.int32),
            pltpu.VMEM((_LANES * _NBINS,), jnp.float32),
            pltpu.VMEM((_NBINS,), jnp.float32),
            pltpu.SemaphoreType.DMA,
            pltpu.SemaphoreType.DMA,
        ],
    )
    def hist(bins_hbm, out_hbm, chunk_v, hist_v, part_v, sem0, sem1):
        cid = lax.axis_index("c")
        sid = lax.axis_index("s")
        wid = sid * 2 + cid
        base = wid * per_w
        lane = lax.iota(jnp.int32, _LANES)
        zeros16 = jnp.zeros((_LANES,), jnp.float32)
        ones16 = jnp.ones((_LANES,), jnp.float32)
        sems = (sem0, sem1)

        @plsc.parallel_loop(0, (_LANES * _NBINS) // _LANES, 1, unroll=8)
        def _zinit(i):
            hist_v[pl.ds(i * _LANES, _LANES)] = zeros16

        _U = 8
        handles = [None, None]
        handles[0] = pltpu.async_copy(
            bins_hbm.at[pl.ds(base, _CHUNK)], chunk_v.at[0], sems[0])
        for t in range(n_chunks):
            tb = t % 2
            if t + 1 < n_chunks:
                nb = (t + 1) % 2
                handles[nb] = pltpu.async_copy(
                    bins_hbm.at[pl.ds(base + (t + 1) * _CHUNK, _CHUNK)],
                    chunk_v.at[nb], sems[nb])
            handles[tb].wait()

            @plsc.parallel_loop(0, _CHUNK // _LANES, 1, unroll=_U)
            def _inner(i, tb=tb):
                b = chunk_v[tb, pl.ds(i * _LANES, _LANES)]
                plsc.addupdate_scatter(hist_v, [b * _LANES + lane], ones16)

        gidx = lane * _LANES
        for jb in range(_NBINS // _LANES):
            acc = zeros16
            for l in range(_LANES):
                g = plsc.load_gather(hist_v,
                                     [gidx + (jb * _LANES * _LANES + l)])
                acc = acc + g
            part_v[pl.ds(jb * _LANES, _LANES)] = acc
        pltpu.sync_copy(part_v, out_hbm.at[wid])

    return hist


def kernel(pred_logits, gt_labels):
    n = pred_logits.shape[0]
    xt = jnp.transpose(pred_logits)
    gt = gt_labels.astype(jnp.int32)
    bins = _compute_bins(xt, gt, 0, n)
    parts = _make_hist(n)(bins)
    return parts.sum(axis=0)[: _C * _C].reshape(_C, _C)

# --- scband reference (transcript-rebuilt; emitter-appended) ---
"""Pipeline reference for scband-classification-metrics-28948079575127 (READ-ONLY COPY).

The authoritative reference and input builder live on the scoring server;
editing this copy changes nothing except your own understanding.
"""

import jax, jax.numpy as jnp
import numpy as np

N_CLASSES = 21
IGNORE_INDEX = 0
N = 2097152

def setup_inputs(seed: int = 0) -> dict:
    key = jax.random.key(seed)
    k1, k2 = jax.random.split(key)
    pred_logits = jax.random.normal(k1, (N, N_CLASSES), dtype=jnp.float32)
    gt_labels = jax.random.randint(k2, (N,), 0, N_CLASSES, dtype=jnp.int32)
    return {"pred_logits": pred_logits, "gt_labels": gt_labels}

def reference(pred_logits, gt_labels):
    # pred_logits[:, ignore_index] = -inf
    logits = pred_logits.at[:, IGNORE_INDEX].set(-jnp.inf)
    # softmax (does not change argmax, but kept for faithfulness)
    probs = jax.nn.softmax(logits, axis=1)
    pred_labels = jnp.argmax(probs, axis=1).astype(jnp.int32)
    gt = gt_labels.astype(jnp.int32)
    # confusion_matrix.index_put_((pred_labels, gt_labels), ones, accumulate=True)
    cm = jnp.zeros((N_CLASSES, N_CLASSES), dtype=jnp.float32)
    cm = cm.at[pred_labels, gt].add(jnp.ones((N,), dtype=jnp.float32))
    return cm

if __name__ == "__main__":
    import jax
    _d = setup_inputs()
    print(jax.jit(kernel)(*tuple(_d.values())))

</pallas_src>

<mosaic_0001>
#map = affine_map<(d0, d1) -> (0)>
#map1 = affine_map<(d0, d1) -> (0, 0)>
module attributes {stable_mosaic.version = 14 : i64} {
  func.func @hist(%arg0: i32, %arg1: i32, %arg2: memref<2097152xi32, #tpu.memory_space<hbm>>, %arg3: memref<32x448xf32, #tpu.memory_space<hbm>>, %arg4: memref<2x16384xi32, #tpu.memory_space<vmem>>, %arg5: memref<7168xf32, #tpu.memory_space<vmem>>, %arg6: memref<448xf32, #tpu.memory_space<vmem>>, %arg7: memref<!tpu.dma_semaphore, #tpu.memory_space<semaphore_mem>>, %arg8: memref<!tpu.dma_semaphore, #tpu.memory_space<semaphore_mem>>) attributes {dimension_semantics = [#tpu.dimension_semantics<core_parallel>, #tpu.dimension_semantics<subcore_parallel>], iteration_bounds = array<i64: 2, 16>, scalar_prefetch = 0 : i64, scratch_operands = 5 : i64, tpu.core_type = #tpu.core_type<sc_vector_subcore>, window_params = [{transform_indices = #map}, {transform_indices = #map1}]} {
    %mul3A = arith.constant 2 : i32
    %mul3A_0 = arith.muli %arg1, %mul3A : i32
    %add3A = arith.addi %mul3A_0, %arg0 : i32
    %mul3A_1 = arith.constant 65536 : i32
    %mul3A_2 = arith.muli %add3A, %mul3A_1 : i32
    %iota3A = tpu.iota {dimensions = array<i32: 0>} : vector<16xi32>
    %broadcast_in_dim3A = arith.constant 0.000000e+00 : f32
    %broadcast_in_dim3A_3 = vector.broadcast %broadcast_in_dim3A : f32 to vector<16xf32>
    %broadcast_in_dim3A_4 = arith.constant 1.000000e+00 : f32
    %broadcast_in_dim3A_5 = vector.broadcast %broadcast_in_dim3A_4 : f32 to vector<16xf32>
    %parallel_loop3A = arith.constant 0 : i32
    %parallel_loop3A_6 = arith.constant 448 : i32
    %parallel_loop3A_7 = arith.constant 1 : i32
    scf.for %parallel_loop3A_2393 = %parallel_loop3A to %parallel_loop3A_6 step %parallel_loop3A_7  : i32 {
      %parallel_loop3A_2394 = arith.constant 16 : i32
      %parallel_loop3A_2395 = arith.muli %parallel_loop3A_2393, %parallel_loop3A_2394 : i32
      %parallel_loop3A_2396 = arith.index_cast %parallel_loop3A_2395 : i32 to index
      %parallel_loop3A_2397 = tpu.vector_load %arg5[%parallel_loop3A_2396] {strides = array<i32>} : memref<7168xf32, #tpu.memory_space<vmem>>, vector<16xf32>,
      tpu.vector_store %arg5[%parallel_loop3A_2396], %broadcast_in_dim3A_3 {strides = array<i32>} : memref<7168xf32, #tpu.memory_space<vmem>>, vector<16xf32>,
    } {sc.loop_unroll_factor = 8 : i64, sc.parallel_access}
    %dma_start3A = arith.constant 0 : i32
    %dma_start3A_8 = arith.constant 0 : i32
    %dma_start3A_9 = tpu.memref_slice %arg4[%dma_start3A, %dma_start3A_8] : memref<2x16384xi32, #tpu.memory_space<vmem>> -> memref<1x16384xi32, #tpu.memory_space<vmem>>
    %dma_start3A_10 = tpu.memref_squeeze %dma_start3A_9 : memref<1x16384xi32, #tpu.memory_space<vmem>> -> memref<16384xi32, #tpu.memory_space<vmem>>
    %dma_start3A_11 = tpu.memref_slice %arg2[%mul3A_2] : memref<2097152xi32, #tpu.memory_space<hbm>> -> memref<16384xi32, #tpu.memory_space<hbm>>
    %dma_start3A_12 = arith.constant 0 : i32
    %dma_start3A_13 = tpu.memref_slice %arg4[%dma_start3A, %dma_start3A_12] : memref<2x16384xi32, #tpu.memory_space<vmem>> -> memref<1x16384xi32, #tpu.memory_space<vmem>>
    %dma_start3A_14 = tpu.memref_squeeze %dma_start3A_13 : memref<1x16384xi32, #tpu.memory_space<vmem>> -> memref<16384xi32, #tpu.memory_space<vmem>>
    %dma_start3A_15 = tpu.memref_slice %arg2[%mul3A_2] : memref<2097152xi32, #tpu.memory_space<hbm>> -> memref<16384xi32, #tpu.memory_space<hbm>>
    tpu.enqueue_dma source(%dma_start3A_15 : memref<16384xi32, #tpu.memory_space<hbm>>) target(%dma_start3A_14 : memref<16384xi32, #tpu.memory_space<vmem>>) target_semaphore(%arg7 : memref<!tpu.dma_semaphore, #tpu.memory_space<semaphore_mem>>)
    %add3A_16 = arith.constant 16384 : i32
    %add3A_17 = arith.addi %mul3A_2, %add3A_16 : i32
    %dma_start3A_18 = arith.constant 1 : i32
    %dma_start3A_19 = arith.constant 0 : i32
    %dma_start3A_20 = tpu.memref_slice %arg4[%dma_start3A_18, %dma_start3A_19] : memref<2x16384xi32, #tpu.memory_space<vmem>> -> memref<1x16384xi32, #tpu.memory_space<vmem>>
    %dma_start3A_21 = tpu.memref_squeeze %dma_start3A_20 : memref<1x16384xi32, #tpu.memory_space<vmem>> -> memref<16384xi32, #tpu.memory_space<vmem>>
    %dma_start3A_22 = tpu.memref_slice %arg2[%add3A_17] : memref<2097152xi32, #tpu.memory_space<hbm>> -> memref<16384xi32, #tpu.memory_space<hbm>>
    %dma_start3A_23 = arith.constant 0 : i32
    %dma_start3A_24 = tpu.memref_slice %arg4[%dma_start3A_18, %dma_start3A_23] : memref<2x16384xi32, #tpu.memory_space<vmem>> -> memref<1x16384xi32, #tpu.memory_space<vmem>>
    %dma_start3A_25 = tpu.memref_squeeze %dma_start3A_24 : memref<1x16384xi32, #tpu.memory_space<vmem>> -> memref<16384xi32, #tpu.memory_space<vmem>>
    %dma_start3A_26 = tpu.memref_slice %arg2[%add3A_17] : memref<2097152xi32, #tpu.memory_space<hbm>> -> memref<16384xi32, #tpu.memory_space<hbm>>
    tpu.enqueue_dma source(%dma_start3A_26 : memref<16384xi32, #tpu.memory_space<hbm>>) target(%dma_start3A_25 : memref<16384xi32, #tpu.memory_space<vmem>>) target_semaphore(%arg8 : memref<!tpu.dma_semaphore, #tpu.memory_space<semaphore_mem>>)
    %dma_wait3A = arith.constant 0 : i32
    %dma_wait3A_27 = arith.constant 0 : i32
    %dma_wait3A_28 = tpu.memref_slice %arg4[%dma_wait3A, %dma_wait3A_27] : memref<2x16384xi32, #tpu.memory_space<vmem>> -> memref<1x16384xi32, #tpu.memory_space<vmem>>
    %dma_wait3A_29 = tpu.memref_squeeze %dma_wait3A_28 : memref<1x16384xi32, #tpu.memory_space<vmem>> -> memref<16384xi32, #tpu.memory_space<vmem>>
    %dma_wait3A_30 = tpu.memref_slice %arg2[%mul3A_2] : memref<2097152xi32, #tpu.memory_space<hbm>> -> memref<16384xi32, #tpu.memory_space<hbm>>
    %dma_wait3A_31 = arith.constant 0 : i32
    %dma_wait3A_32 = tpu.memref_slice %arg4[%dma_wait3A, %dma_wait3A_31] : memref<2x16384xi32, #tpu.memory_space<vmem>> -> memref<1x16384xi32, #tpu.memory_space<vmem>>
    %dma_wait3A_33 = tpu.memref_squeeze %dma_wait3A_32 : memref<1x16384xi32, #tpu.memory_space<vmem>> -> memref<16384xi32, #tpu.memory_space<vmem>>
    %dma_wait3A_34 = tpu.memref_slice %arg2[%mul3A_2] : memref<2097152xi32, #tpu.memory_space<hbm>> -> memref<16384xi32, #tpu.memory_space<hbm>>
    tpu.wait_dma2 semaphore(%arg7 : memref<!tpu.dma_semaphore, #tpu.memory_space<semaphore_mem>>) src(%dma_wait3A_34 : memref<16384xi32, #tpu.memory_space<hbm>>) dst(%dma_wait3A_33 : memref<16384xi32, #tpu.memory_space<vmem>>)
    %parallel_loop3A_35 = arith.constant 0 : i32
    %parallel_loop3A_36 = arith.constant 1024 : i32
    %parallel_loop3A_37 = arith.constant 1 : i32
    scf.for %parallel_loop3A_2393 = %parallel_loop3A_35 to %parallel_loop3A_36 step %parallel_loop3A_37  : i32 {
      %parallel_loop3A_2394 = arith.constant 16 : i32
      %parallel_loop3A_2395 = arith.muli %parallel_loop3A_2393, %parallel_loop3A_2394 : i32
      %parallel_loop3A_2396 = arith.constant 0 : i32
      %parallel_loop3A_2397 = arith.index_cast %parallel_loop3A_2396 : i32 to index
      %parallel_loop3A_2398 = arith.index_cast %parallel_loop3A_2395 : i32 to index
      %parallel_loop3A_2399 = tpu.vector_load %arg4[%parallel_loop3A_2397, %parallel_loop3A_2398] {strides = array<i32>} : memref<2x16384xi32, #tpu.memory_space<vmem>>, vector<16xi32>,
      %parallel_loop3A_2400 = arith.constant 16 : i32
      %parallel_loop3A_2401 = vector.broadcast %parallel_loop3A_2400 : i32 to vector<16xi32>
      %parallel_loop3A_2402 = arith.muli %parallel_loop3A_2399, %parallel_loop3A_2401 : vector<16xi32>
      %parallel_loop3A_2403 = arith.addi %parallel_loop3A_2402, %iota3A : vector<16xi32>
      tpu.vector_store_idx %arg5[%parallel_loop3A_2403], %broadcast_in_dim3A_5 {add = true} : memref<7168xf32, #tpu.memory_space<vmem>>[vector<16xi32>], vector<16xf32>,
    } {sc.loop_unroll_factor = 8 : i64, sc.parallel_access}
    %add3A_38 = arith.constant 32768 : i32
    %add3A_39 = arith.addi %mul3A_2, %add3A_38 : i32
    %dma_start3A_40 = arith.constant 0 : i32
    %dma_start3A_41 = arith.constant 0 : i32
    %dma_start3A_42 = tpu.memref_slice %arg4[%dma_start3A_40, %dma_start3A_41] : memref<2x16384xi32, #tpu.memory_space<vmem>> -> memref<1x16384xi32, #tpu.memory_space<vmem>>
    %dma_start3A_43 = tpu.memref_squeeze %dma_start3A_42 : memref<1x16384xi32, #tpu.memory_space<vmem>> -> memref<16384xi32, #tpu.memory_space<vmem>>
    %dma_start3A_44 = tpu.memref_slice %arg2[%add3A_39] : memref<2097152xi32, #tpu.memory_space<hbm>> -> memref<16384xi32, #tpu.memory_space<hbm>>
    %dma_start3A_45 = arith.constant 0 : i32
    %dma_start3A_46 = tpu.memref_slice %arg4[%dma_start3A_40, %dma_start3A_45] : memref<2x16384xi32, #tpu.memory_space<vmem>> -> memref<1x16384xi32, #tpu.memory_space<vmem>>
    %dma_start3A_47 = tpu.memref_squeeze %dma_start3A_46 : memref<1x16384xi32, #tpu.memory_space<vmem>> -> memref<16384xi32, #tpu.memory_space<vmem>>
    %dma_start3A_48 = tpu.memref_slice %arg2[%add3A_39] : memref<2097152xi32, #tpu.memory_space<hbm>> -> memref<16384xi32, #tpu.memory_space<hbm>>
    tpu.enqueue_dma source(%dma_start3A_48 : memref<16384xi32, #tpu.memory_space<hbm>>) target(%dma_start3A_47 : memref<16384xi32, #tpu.memory_space<vmem>>) target_semaphore(%arg7 : memref<!tpu.dma_semaphore, #tpu.memory_space<semaphore_mem>>)
    %dma_wait3A_49 = arith.constant 1 : i32
    %dma_wait3A_50 = arith.constant 0 : i32
    %dma_wait3A_51 = tpu.memref_slice %arg4[%dma_wait3A_49, %dma_wait3A_50] : memref<2x16384xi32, #tpu.memory_space<vmem>> -> memref<1x16384xi32, #tpu.memory_space<vmem>>
    %dma_wait3A_52 = tpu.memref_squeeze %dma_wait3A_51 : memref<1x16384xi32, #tpu.memory_space<vmem>> -> memref<16384xi32, #tpu.memory_space<vmem>>
    %dma_wait3A_53 = tpu.memref_slice %arg2[%add3A_17] : memref<2097152xi32, #tpu.memory_space<hbm>> -> memref<16384xi32, #tpu.memory_space<hbm>>
    %dma_wait3A_54 = arith.constant 0 : i32
    %dma_wait3A_55 = tpu.memref_slice %arg4[%dma_wait3A_49, %dma_wait3A_54] : memref<2x16384xi32, #tpu.memory_space<vmem>> -> memref<1x16384xi32, #tpu.memory_space<vmem>>
    %dma_wait3A_56 = tpu.memref_squeeze %dma_wait3A_55 : memref<1x16384xi32, #tpu.memory_space<vmem>> -> memref<16384xi32, #tpu.memory_space<vmem>>
    %dma_wait3A_57 = tpu.memref_slice %arg2[%add3A_17] : memref<2097152xi32, #tpu.memory_space<hbm>> -> memref<16384xi32, #tpu.memory_space<hbm>>
    tpu.wait_dma2 semaphore(%arg8 : memref<!tpu.dma_semaphore, #tpu.memory_space<semaphore_mem>>) src(%dma_wait3A_57 : memref<16384xi32, #tpu.memory_space<hbm>>) dst(%dma_wait3A_56 : memref<16384xi32, #tpu.memory_space<vmem>>)
    %parallel_loop3A_58 = arith.constant 0 : i32
    %parallel_loop3A_59 = arith.constant 1024 : i32
    %parallel_loop3A_60 = arith.constant 1 : i32
    scf.for %parallel_loop3A_2393 = %parallel_loop3A_58 to %parallel_loop3A_59 step %parallel_loop3A_60  : i32 {
      %parallel_loop3A_2394 = arith.constant 16 : i32
      %parallel_loop3A_2395 = arith.muli %parallel_loop3A_2393, %parallel_loop3A_2394 : i32
      %parallel_loop3A_2396 = arith.constant 1 : i32
      %parallel_loop3A_2397 = arith.index_cast %parallel_loop3A_2396 : i32 to index
      %parallel_loop3A_2398 = arith.index_cast %parallel_loop3A_2395 : i32 to index
      %parallel_loop3A_2399 = tpu.vector_load %arg4[%parallel_loop3A_2397, %parallel_loop3A_2398] {strides = array<i32>} : memref<2x16384xi32, #tpu.memory_space<vmem>>, vector<16xi32>,
      %parallel_loop3A_2400 = arith.constant 16 : i32
      %parallel_loop3A_2401 = vector.broadcast %parallel_loop3A_2400 : i32 to vector<16xi32>
      %parallel_loop3A_2402 = arith.muli %parallel_loop3A_2399, %parallel_loop3A_2401 : vector<16xi32>
      %parallel_loop3A_2403 = arith.addi %parallel_loop3A_2402, %iota3A : vector<16xi32>
      tpu.vector_store_idx %arg5[%parallel_loop3A_2403], %broadcast_in_dim3A_5 {add = true} : memref<7168xf32, #tpu.memory_space<vmem>>[vector<16xi32>], vector<16xf32>,
    } {sc.loop_unroll_factor = 8 : i64, sc.parallel_access}
    %add3A_61 = arith.constant 49152 : i32
    %add3A_62 = arith.addi %mul3A_2, %add3A_61 : i32
    %dma_start3A_63 = arith.constant 1 : i32
    %dma_start3A_64 = arith.constant 0 : i32
    %dma_start3A_65 = tpu.memref_slice %arg4[%dma_start3A_63, %dma_start3A_64] : memref<2x16384xi32, #tpu.memory_space<vmem>> -> memref<1x16384xi32, #tpu.memory_space<vmem>>
    %dma_start3A_66 = tpu.memref_squeeze %dma_start3A_65 : memref<1x16384xi32, #tpu.memory_space<vmem>> -> memref<16384xi32, #tpu.memory_space<vmem>>
    %dma_start3A_67 = tpu.memref_slice %arg2[%add3A_62] : memref<2097152xi32, #tpu.memory_space<hbm>> -> memref<16384xi32, #tpu.memory_space<hbm>>
    %dma_start3A_68 = arith.constant 0 : i32
    %dma_start3A_69 = tpu.memref_slice %arg4[%dma_start3A_63, %dma_start3A_68] : memref<2x16384xi32, #tpu.memory_space<vmem>> -> memref<1x16384xi32, #tpu.memory_space<vmem>>
    %dma_start3A_70 = tpu.memref_squeeze %dma_start3A_69 : memref<1x16384xi32, #tpu.memory_space<vmem>> -> memref<16384xi32, #tpu.memory_space<vmem>>
    %dma_start3A_71 = tpu.memref_slice %arg2[%add3A_62] : memref<2097152xi32, #tpu.memory_space<hbm>> -> memref<16384xi32, #tpu.memory_space<hbm>>
    tpu.enqueue_dma source(%dma_start3A_71 : memref<16384xi32, #tpu.memory_space<hbm>>) target(%dma_start3A_70 : memref<16384xi32, #tpu.memory_space<vmem>>) target_semaphore(%arg8 : memref<!tpu.dma_semaphore, #tpu.memory_space<semaphore_mem>>)
    %dma_wait3A_72 = arith.constant 0 : i32
    %dma_wait3A_73 = arith.constant 0 : i32
    %dma_wait3A_74 = tpu.memref_slice %arg4[%dma_wait3A_72, %dma_wait3A_73] : memref<2x16384xi32, #tpu.memory_space<vmem>> -> memref<1x16384xi32, #tpu.memory_space<vmem>>
    %dma_wait3A_75 = tpu.memref_squeeze %dma_wait3A_74 : memref<1x16384xi32, #tpu.memory_space<vmem>> -> memref<16384xi32, #tpu.memory_space<vmem>>
    %dma_wait3A_76 = tpu.memref_slice %arg2[%add3A_39] : memref<2097152xi32, #tpu.memory_space<hbm>> -> memref<16384xi32, #tpu.memory_space<hbm>>
    %dma_wait3A_77 = arith.constant 0 : i32
    %dma_wait3A_78 = tpu.memref_slice %arg4[%dma_wait3A_72, %dma_wait3A_77] : memref<2x16384xi32, #tpu.memory_space<vmem>> -> memref<1x16384xi32, #tpu.memory_space<vmem>>
    %dma_wait3A_79 = tpu.memref_squeeze %dma_wait3A_78 : memref<1x16384xi32, #tpu.memory_space<vmem>> -> memref<16384xi32, #tpu.memory_space<vmem>>
    %dma_wait3A_80 = tpu.memref_slice %arg2[%add3A_39] : memref<2097152xi32, #tpu.memory_space<hbm>> -> memref<16384xi32, #tpu.memory_space<hbm>>
    tpu.wait_dma2 semaphore(%arg7 : memref<!tpu.dma_semaphore, #tpu.memory_space<semaphore_mem>>) src(%dma_wait3A_80 : memref<16384xi32, #tpu.memory_space<hbm>>) dst(%dma_wait3A_79 : memref<16384xi32, #tpu.memory_space<vmem>>)
    %parallel_loop3A_81 = arith.constant 0 : i32
    %parallel_loop3A_82 = arith.constant 1024 : i32
    %parallel_loop3A_83 = arith.constant 1 : i32
    scf.for %parallel_loop3A_2393 = %parallel_loop3A_81 to %parallel_loop3A_82 step %parallel_loop3A_83  : i32 {
      %parallel_loop3A_2394 = arith.constant 16 : i32
      %parallel_loop3A_2395 = arith.muli %parallel_loop3A_2393, %parallel_loop3A_2394 : i32
      %parallel_loop3A_2396 = arith.constant 0 : i32
      %parallel_loop3A_2397 = arith.index_cast %parallel_loop3A_2396 : i32 to index
      %parallel_loop3A_2398 = arith.index_cast %parallel_loop3A_2395 : i32 to index
      %parallel_loop3A_2399 = tpu.vector_load %arg4[%parallel_loop3A_2397, %parallel_loop3A_2398] {strides = array<i32>} : memref<2x16384xi32, #tpu.memory_space<vmem>>, vector<16xi32>,
      %parallel_loop3A_2400 = arith.constant 16 : i32
      %parallel_loop3A_2401 = vector.broadcast %parallel_loop3A_2400 : i32 to vector<16xi32>
      %parallel_loop3A_2402 = arith.muli %parallel_loop3A_2399, %parallel_loop3A_2401 : vector<16xi32>
      %parallel_loop3A_2403 = arith.addi %parallel_loop3A_2402, %iota3A : vector<16xi32>
      tpu.vector_store_idx %arg5[%parallel_loop3A_2403], %broadcast_in_dim3A_5 {add = true} : memref<7168xf32, #tpu.memory_space<vmem>>[vector<16xi32>], vector<16xf32>,
    } {sc.loop_unroll_factor = 8 : i64, sc.parallel_access}
    %dma_wait3A_84 = arith.constant 1 : i32
    %dma_wait3A_85 = arith.constant 0 : i32
    %dma_wait3A_86 = tpu.memref_slice %arg4[%dma_wait3A_84, %dma_wait3A_85] : memref<2x16384xi32, #tpu.memory_space<vmem>> -> memref<1x16384xi32, #tpu.memory_space<vmem>>
    %dma_wait3A_87 = tpu.memref_squeeze %dma_wait3A_86 : memref<1x16384xi32, #tpu.memory_space<vmem>> -> memref<16384xi32, #tpu.memory_space<vmem>>
    %dma_wait3A_88 = tpu.memref_slice %arg2[%add3A_62] : memref<2097152xi32, #tpu.memory_space<hbm>> -> memref<16384xi32, #tpu.memory_space<hbm>>
    %dma_wait3A_89 = arith.constant 0 : i32
    %dma_wait3A_90 = tpu.memref_slice %arg4[%dma_wait3A_84, %dma_wait3A_89] : memref<2x16384xi32, #tpu.memory_space<vmem>> -> memref<1x16384xi32, #tpu.memory_space<vmem>>
    %dma_wait3A_91 = tpu.memref_squeeze %dma_wait3A_90 : memref<1x16384xi32, #tpu.memory_space<vmem>> -> memref<16384xi32, #tpu.memory_space<vmem>>
    %dma_wait3A_92 = tpu.memref_slice %arg2[%add3A_62] : memref<2097152xi32, #tpu.memory_space<hbm>> -> memref<16384xi32, #tpu.memory_space<hbm>>
    tpu.wait_dma2 semaphore(%arg8 : memref<!tpu.dma_semaphore, #tpu.memory_space<semaphore_mem>>) src(%dma_wait3A_92 : memref<16384xi32, #tpu.memory_space<hbm>>) dst(%dma_wait3A_91 : memref<16384xi32, #tpu.memory_space<vmem>>)
    %parallel_loop3A_93 = arith.constant 0 : i32
    %parallel_loop3A_94 = arith.constant 1024 : i32
    %parallel_loop3A_95 = arith.constant 1 : i32
    scf.for %parallel_loop3A_2393 = %parallel_loop3A_93 to %parallel_loop3A_94 step %parallel_loop3A_95  : i32 {
      %parallel_loop3A_2394 = arith.constant 16 : i32
      %parallel_loop3A_2395 = arith.muli %parallel_loop3A_2393, %parallel_loop3A_2394 : i32
      %parallel_loop3A_2396 = arith.constant 1 : i32
      %parallel_loop3A_2397 = arith.index_cast %parallel_loop3A_2396 : i32 to index
      %parallel_loop3A_2398 = arith.index_cast %parallel_loop3A_2395 : i32 to index
      %parallel_loop3A_2399 = tpu.vector_load %arg4[%parallel_loop3A_2397, %parallel_loop3A_2398] {strides = array<i32>} : memref<2x16384xi32, #tpu.memory_space<vmem>>, vector<16xi32>,
      %parallel_loop3A_2400 = arith.constant 16 : i32
      %parallel_loop3A_2401 = vector.broadcast %parallel_loop3A_2400 : i32 to vector<16xi32>
      %parallel_loop3A_2402 = arith.muli %parallel_loop3A_2399, %parallel_loop3A_2401 : vector<16xi32>
      %parallel_loop3A_2403 = arith.addi %parallel_loop3A_2402, %iota3A : vector<16xi32>
      tpu.vector_store_idx %arg5[%parallel_loop3A_2403], %broadcast_in_dim3A_5 {add = true} : memref<7168xf32, #tpu.memory_space<vmem>>[vector<16xi32>], vector<16xf32>,
    } {sc.loop_unroll_factor = 8 : i64, sc.parallel_access}
    %mul3A_96 = arith.constant 16 : i32
    %mul3A_97 = vector.broadcast %mul3A_96 : i32 to vector<16xi32>
    %mul3A_98 = arith.muli %iota3A, %mul3A_97 : vector<16xi32>
    %add3A_99 = arith.constant 0 : i32
    %add3A_100 = vector.broadcast %add3A_99 : i32 to vector<16xi32>
    %add3A_101 = arith.addi %mul3A_98, %add3A_100 : vector<16xi32>
    %gather3A = tpu.vector_load_idx %arg5[%add3A_101] : memref<7168xf32, #tpu.memory_space<vmem>>[vector<16xi32>], vector<16xf32>,
    %add3A_102 = arith.addf %broadcast_in_dim3A_3, %gather3A : vector<16xf32>
    %add3A_103 = arith.constant 1 : i32
    %add3A_104 = vector.broadcast %add3A_103 : i32 to vector<16xi32>
    %add3A_105 = arith.addi %mul3A_98, %add3A_104 : vector<16xi32>
    %gather3A_106 = tpu.vector_load_idx %arg5[%add3A_105] : memref<7168xf32, #tpu.memory_space<vmem>>[vector<16xi32>], vector<16xf32>,
    %add3A_107 = arith.addf %add3A_102, %gather3A_106 : vector<16xf32>
    %add3A_108 = arith.constant 2 : i32
    %add3A_109 = vector.broadcast %add3A_108 : i32 to vector<16xi32>
    %add3A_110 = arith.addi %mul3A_98, %add3A_109 : vector<16xi32>
    %gather3A_111 = tpu.vector_load_idx %arg5[%add3A_110] : memref<7168xf32, #tpu.memory_space<vmem>>[vector<16xi32>], vector<16xf32>,
    %add3A_112 = arith.addf %add3A_107, %gather3A_111 : vector<16xf32>
    %add3A_113 = arith.constant 3 : i32
    %add3A_114 = vector.broadcast %add3A_113 : i32 to vector<16xi32>
    %add3A_115 = arith.addi %mul3A_98, %add3A_114 : vector<16xi32>
    %gather3A_116 = tpu.vector_load_idx %arg5[%add3A_115] : memref<7168xf32, #tpu.memory_space<vmem>>[vector<16xi32>], vector<16xf32>,
    %add3A_117 = arith.addf %add3A_112, %gather3A_116 : vector<16xf32>
    %add3A_118 = arith.constant 4 : i32
    %add3A_119 = vector.broadcast %add3A_118 : i32 to vector<16xi32>
    %add3A_120 = arith.addi %mul3A_98, %add3A_119 : vector<16xi32>
    %gather3A_121 = tpu.vector_load_idx %arg5[%add3A_120] : memref<7168xf32, #tpu.memory_space<vmem>>[vector<16xi32>], vector<16xf32>,
    %add3A_122 = arith.addf %add3A_117, %gather3A_121 : vector<16xf32>
    %add3A_123 = arith.constant 5 : i32
    %add3A_124 = vector.broadcast %add3A_123 : i32 to vector<16xi32>
    %add3A_125 = arith.addi %mul3A_98, %add3A_124 : vector<16xi32>
    %gather3A_126 = tpu.vector_load_idx %arg5[%add3A_125] : memref<7168xf32, #tpu.memory_space<vmem>>[vector<16xi32>], vector<16xf32>,
    %add3A_127 = arith.addf %add3A_122, %gather3A_126 : vector<16xf32>
    %add3A_128 = arith.constant 6 : i32
    %add3A_129 = vector.broadcast %add3A_128 : i32 to vector<16xi32>
    %add3A_130 = arith.addi %mul3A_98, %add3A_129 : vector<16xi32>
    %gather3A_131 = tpu.vector_load_idx %arg5[%add3A_130] : memref<7168xf32, #tpu.memory_space<vmem>>[vector<16xi32>], vector<16xf32>,
    %add3A_132 = arith.addf %add3A_127, %gather3A_131 : vector<16xf32>
    %add3A_133 = arith.constant 7 : i32
    %add3A_134 = vector.broadcast %add3A_133 : i32 to vector<16xi32>
    %add3A_135 = arith.addi %mul3A_98, %add3A_134 : vector<16xi32>
    %gather3A_136 = tpu.vector_load_idx %arg5[%add3A_135] : memref<7168xf32, #tpu.memory_space<vmem>>[vector<16xi32>], vector<16xf32>,
    %add3A_137 = arith.addf %add3A_132, %gather3A_136 : vector<16xf32>
    %add3A_138 = arith.constant 8 : i32
    %add3A_139 = vector.broadcast %add3A_138 : i32 to vector<16xi32>
    %add3A_140 = arith.addi %mul3A_98, %add3A_139 : vector<16xi32>
    %gather3A_141 = tpu.vector_load_idx %arg5[%add3A_140] : memref<7168xf32, #tpu.memory_space<vmem>>[vector<16xi32>], vector<16xf32>,
    %add3A_142 = arith.addf %add3A_137, %gather3A_141 : vector<16xf32>
    %add3A_143 = arith.constant 9 : i32
    %add3A_144 = vector.broadcast %add3A_143 : i32 to vector<16xi32>
    %add3A_145 = arith.addi %mul3A_98, %add3A_144 : vector<16xi32>
    %gather3A_146 = tpu.vector_load_idx %arg5[%add3A_145] : memref<7168xf32, #tpu.memory_space<vmem>>[vector<16xi32>], vector<16xf32>,
    %add3A_147 = arith.addf %add3A_142, %gather3A_146 : vector<16xf32>
    %add3A_148 = arith.constant 10 : i32
    %add3A_149 = vector.broadcast %add3A_148 : i32 to vector<16xi32>
    %add3A_150 = arith.addi %mul3A_98, %add3A_149 : vector<16xi32>
    %gather3A_151 = tpu.vector_load_idx %arg5[%add3A_150] : memref<7168xf32, #tpu.memory_space<vmem>>[vector<16xi32>], vector<16xf32>,
    %add3A_152 = arith.addf %add3A_147, %gather3A_151 : vector<16xf32>
    %add3A_153 = arith.constant 11 : i32
    %add3A_154 = vector.broadcast %add3A_153 : i32 to vector<16xi32>
    %add3A_155 = arith.addi %mul3A_98, %add3A_154 : vector<16xi32>
    %gather3A_156 = tpu.vector_load_idx %arg5[%add3A_155] : memref<7168xf32, #tpu.memory_space<vmem>>[vector<16xi32>], vector<16xf32>,
    %add3A_157 = arith.addf %add3A_152, %gather3A_156 : vector<16xf32>
    %add3A_158 = arith.constant 12 : i32
    %add3A_159 = vector.broadcast %add3A_158 : i32 to vector<16xi32>
    %add3A_160 = arith.addi %mul3A_98, %add3A_159 : vector<16xi32>
    %gather3A_161 = tpu.vector_load_idx %arg5[%add3A_160] : memref<7168xf32, #tpu.memory_space<vmem>>[vector<16xi32>], vector<16xf32>,
    %add3A_162 = arith.addf %add3A_157, %gather3A_161 : vector<16xf32>
    %add3A_163 = arith.constant 13 : i32
    %add3A_164 = vector.broadcast %add3A_163 : i32 to vector<16xi32>
    %add3A_165 = arith.addi %mul3A_98, %add3A_164 : vector<16xi32>
    %gather3A_166 = tpu.vector_load_idx %arg5[%add3A_165] : memref<7168xf32, #tpu.memory_space<vmem>>[vector<16xi32>], vector<16xf32>,
    %add3A_167 = arith.addf %add3A_162, %gather3A_166 : vector<16xf32>
    %add3A_168 = arith.constant 14 : i32
    %add3A_169 = vector.broadcast %add3A_168 : i32 to vector<16xi32>
    %add3A_170 = arith.addi %mul3A_98, %add3A_169 : vector<16xi32>
    %gather3A_171 = tpu.vector_load_idx %arg5[%add3A_170] : memref<7168xf32, #tpu.memory_space<vmem>>[vector<16xi32>], vector<16xf32>,
    %add3A_172 = arith.addf %add3A_167, %gather3A_171 : vector<16xf32>
    %add3A_173 = arith.constant 15 : i32
    %add3A_174 = vector.broadcast %add3A_173 : i32 to vector<16xi32>
    %add3A_175 = arith.addi %mul3A_98, %add3A_174 : vector<16xi32>
    %gather3A_176 = tpu.vector_load_idx %arg5[%add3A_175] : memref<7168xf32, #tpu.memory_space<vmem>>[vector<16xi32>], vector<16xf32>,
    %add3A_177 = arith.addf %add3A_172, %gather3A_176 : vector<16xf32>
    %swap3A = arith.constant 0 : index
    %swap3A_178 = tpu.vector_load %arg6[%swap3A] {strides = array<i32>} : memref<448xf32, #tpu.memory_space<vmem>>, vector<16xf32>,
    tpu.vector_store %arg6[%swap3A], %add3A_177 {strides = array<i32>} : memref<448xf32, #tpu.memory_space<vmem>>, vector<16xf32>,
    %add3A_179 = arith.constant 256 : i32
    %add3A_180 = vector.broadcast %add3A_179 : i32 to vector<16xi32>
    %add3A_181 = arith.addi %mul3A_98, %add3A_180 : vector<16xi32>
    %gather3A_182 = tpu.vector_load_idx %arg5[%add3A_181] : memref<7168xf32, #tpu.memory_space<vmem>>[vector<16xi32>], vector<16xf32>,
    %add3A_183 = arith.addf %broadcast_in_dim3A_3, %gather3A_182 : vector<16xf32>
    %add3A_184 = arith.constant 257 : i32
    %add3A_185 = vector.broadcast %add3A_184 : i32 to vector<16xi32>
    %add3A_186 = arith.addi %mul3A_98, %add3A_185 : vector<16xi32>
    %gather3A_187 = tpu.vector_load_idx %arg5[%add3A_186] : memref<7168xf32, #tpu.memory_space<vmem>>[vector<16xi32>], vector<16xf32>,
    %add3A_188 = arith.addf %add3A_183, %gather3A_187 : vector<16xf32>
    %add3A_189 = arith.constant 258 : i32
    %add3A_190 = vector.broadcast %add3A_189 : i32 to vector<16xi32>
    %add3A_191 = arith.addi %mul3A_98, %add3A_190 : vector<16xi32>
    %gather3A_192 = tpu.vector_load_idx %arg5[%add3A_191] : memref<7168xf32, #tpu.memory_space<vmem>>[vector<16xi32>], vector<16xf32>,
    %add3A_193 = arith.addf %add3A_188, %gather3A_192 : vector<16xf32>
    %add3A_194 = arith.constant 259 : i32
    %add3A_195 = vector.broadcast %add3A_194 : i32 to vector<16xi32>
    %add3A_196 = arith.addi %mul3A_98, %add3A_195 : vector<16xi32>
    %gather3A_197 = tpu.vector_load_idx %arg5[%add3A_196] : memref<7168xf32, #tpu.memory_space<vmem>>[vector<16xi32>], vector<16xf32>,
    %add3A_198 = arith.addf %add3A_193, %gather3A_197 : vector<16xf32>
    %add3A_199 = arith.constant 260 : i32
    %add3A_200 = vector.broadcast %add3A_199 : i32 to vector<16xi32>
    %add3A_201 = arith.addi %mul3A_98, %add3A_200 : vector<16xi32>
    %gather3A_202 = tpu.vector_load_idx %arg5[%add3A_201] : memref<7168xf32, #tpu.memory_space<vmem>>[vector<16xi32>], vector<16xf32>,
    %add3A_203 = arith.addf %add3A_198, %gather3A_202 : vector<16xf32>
    %add3A_204 = arith.constant 261 : i32
    %add3A_205 = vector.broadcast %add3A_204 : i32 to vector<16xi32>
    %add3A_206 = arith.addi %mul3A_98, %add3A_205 : vector<16xi32>
    %gather3A_207 = tpu.vector_load_idx %arg5[%add3A_206] : memref<7168xf32, #tpu.memory_space<vmem>>[vector<16xi32>], vector<16xf32>,
    %add3A_208 = arith.addf %add3A_203, %gather3A_207 : vector<16xf32>
    %add3A_209 = arith.constant 262 : i32
    %add3A_210 = vector.broadcast %add3A_209 : i32 to vector<16xi32>
    %add3A_211 = arith.addi %mul3A_98, %add3A_210 : vector<16xi32>
    %gather3A_212 = tpu.vector_load_idx %arg5[%add3A_211] : memref<7168xf32, #tpu.memory_space<vmem>>[vector<16xi32>], vector<16xf32>,
    %add3A_213 = arith.addf %add3A_208, %gather3A_212 : vector<16xf32>
    %add3A_214 = arith.constant 263 : i32
    %add3A_215 = vector.broadcast %add3A_214 : i32 to vector<16xi32>
    %add3A_216 = arith.addi %mul3A_98, %add3A_215 : vector<16xi32>
    %gather3A_217 = tpu.vector_load_idx %arg5[%add3A_216] : memref<7168xf32, #tpu.memory_space<vmem>>[vector<16xi32>], vector<16xf32>,
    %add3A_218 = arith.addf %add3A_213, %gather3A_217 : vector<16xf32>
    %add3A_219 = arith.constant 264 : i32
    %add3A_220 = vector.broadcast %add3A_219 : i32 to vector<16xi32>
    %add3A_221 = arith.addi %mul3A_98, %add3A_220 : vector<16xi32>
    %gather3A_222 = tpu.vector_load_idx %arg5[%add3A_221] : memref<7168xf32, #tpu.memory_space<vmem>>[vector<16xi32>], vector<16xf32>,
    %add3A_223 = arith.addf %add3A_218, %gather3A_222 : vector<16xf32>
    %add3A_224 = arith.constant 265 : i32
    %add3A_225 = vector.broadcast %add3A_224 : i32 to vector<16xi32>
    %add3A_226 = arith.addi %mul3A_98, %add3A_225 : vector<16xi32>
    %gather3A_227 = tpu.vector_load_idx %arg5[%add3A_226] : memref<7168xf32, #tpu.memory_space<vmem>>[vector<16xi32>], vector<16xf32>,
    %add3A_228 = arith.addf %add3A_223, %gather3A_227 : vector<16xf32>
    %add3A_229 = arith.constant 266 : i32
    %add3A_230 = vector.broadcast %add3A_229 : i32 to vector<16xi32>
    %add3A_231 = arith.addi %mul3A_98, %add3A_230 : vector<16xi32>
    %gather3A_232 = tpu.vector_load_idx %arg5[%add3A_231] : memref<7168xf32, #tpu.memory_space<vmem>>[vector<16xi32>], vector<16xf32>,
    %add3A_233 = arith.addf %add3A_228, %gather3A_232 : vector<16xf32>
    %add3A_234 = arith.constant 267 : i32
    %add3A_235 = vector.broadcast %add3A_234 : i32 to vector<16xi32>
    %add3A_236 = arith.addi %mul3A_98, %add3A_235 : vector<16xi32>
    %gather3A_237 = tpu.vector_load_idx %arg5[%add3A_236] : memref<7168xf32, #tpu.memory_space<vmem>>[vector<16xi32>], vector<16xf32>,
    %add3A_238 = arith.addf %add3A_233, %gather3A_237 : vector<16xf32>
    %add3A_239 = arith.constant 268 : i32
    %add3A_240 = vector.broadcast %add3A_239 : i32 to vector<16xi32>
    %add3A_241 = arith.addi %mul3A_98, %add3A_240 : vector<16xi32>
    %gather3A_242 = tpu.vector_load_idx %arg5[%add3A_241] : memref<7168xf32, #tpu.memory_space<vmem>>[vector<16xi32>], vector<16xf32>,
    %add3A_243 = arith.addf %add3A_238, %gather3A_242 : vector<16xf32>
    %add3A_244 = arith.constant 269 : i32
    %add3A_245 = vector.broadcast %add3A_244 : i32 to vector<16xi32>
    %add3A_246 = arith.addi %mul3A_98, %add3A_245 : vector<16xi32>
    %gather3A_247 = tpu.vector_load_idx %arg5[%add3A_246] : memref<7168xf32, #tpu.memory_space<vmem>>[vector<16xi32>], vector<16xf32>,
    %add3A_248 = arith.addf %add3A_243, %gather3A_247 : vector<16xf32>
    %add3A_249 = arith.constant 270 : i32
    %add3A_250 = vector.broadcast %add3A_249 : i32 to vector<16xi32>
    %add3A_251 = arith.addi %mul3A_98, %add3A_250 : vector<16xi32>
    %gather3A_252 = tpu.vector_load_idx %arg5[%add3A_251] : memref<7168xf32, #tpu.memory_space<vmem>>[vector<16xi32>], vector<16xf32>,
    %add3A_253 = arith.addf %add3A_248, %gather3A_252 : vector<16xf32>
    %add3A_254 = arith.constant 271 : i32
    %add3A_255 = vector.broadcast %add3A_254 : i32 to vector<16xi32>
    %add3A_256 = arith.addi %mul3A_98, %add3A_255 : vector<16xi32>
    %gather3A_257 = tpu.vector_load_idx %arg5[%add3A_256] : memref<7168xf32, #tpu.memory_space<vmem>>[vector<16xi32>], vector<16xf32>,
    %add3A_258 = arith.addf %add3A_253, %gather3A_257 : vector<16xf32>
    %swap3A_259 = arith.constant 16 : index
    %swap3A_260 = tpu.vector_load %arg6[%swap3A_259] {strides = array<i32>} : memref<448xf32, #tpu.memory_space<vmem>>, vector<16xf32>,
    tpu.vector_store %arg6[%swap3A_259], %add3A_258 {strides = array<i32>} : memref<448xf32, #tpu.memory_space<vmem>>, vector<16xf32>,
    %add3A_261 = arith.constant 512 : i32
    %add3A_262 = vector.broadcast %add3A_261 : i32 to vector<16xi32>
    %add3A_263 = arith.addi %mul3A_98, %add3A_262 : vector<16xi32>
    %gather3A_264 = tpu.vector_load_idx %arg5[%add3A_263] : memref<7168xf32, #tpu.memory_space<vmem>>[vector<16xi32>], vector<16xf32>,
    %add3A_265 = arith.addf %broadcast_in_dim3A_3, %gather3A_264 : vector<16xf32>
    %add3A_266 = arith.constant 513 : i32
    %add3A_267 = vector.broadcast %add3A_266 : i32 to vector<16xi32>
    %add3A_268 = arith.addi %mul3A_98, %add3A_267 : vector<16xi32>
    %gather3A_269 = tpu.vector_load_idx %arg5[%add3A_268] : memref<7168xf32, #tpu.memory_space<vmem>>[vector<16xi32>], vector<16xf32>,
    %add3A_270 = arith.addf %add3A_265, %gather3A_269 : vector<16xf32>
    %add3A_271 = arith.constant 514 : i32
    %add3A_272 = vector.broadcast %add3A_271 : i32 to vector<16xi32>
    %add3A_273 = arith.addi %mul3A_98, %add3A_272 : vector<16xi32>
    %gather3A_274 = tpu.vector_load_idx %arg5[%add3A_273] : memref<7168xf32, #tpu.memory_space<vmem>>[vector<16xi32>], vector<16xf32>,
    %add3A_275 = arith.addf %add3A_270, %gather3A_274 : vector<16xf32>
    %add3A_276 = arith.constant 515 : i32
    %add3A_277 = vector.broadcast %add3A_276 : i32 to vector<16xi32>
    %add3A_278 = arith.addi %mul3A_98, %add3A_277 : vector<16xi32>
    %gather3A_279 = tpu.vector_load_idx %arg5[%add3A_278] : memref<7168xf32, #tpu.memory_space<vmem>>[vector<16xi32>], vector<16xf32>,
    %add3A_280 = arith.addf %add3A_275, %gather3A_279 : vector<16xf32>
    %add3A_281 = arith.constant 516 : i32
    %add3A_282 = vector.broadcast %add3A_281 : i32 to vector<16xi32>
    %add3A_283 = arith.addi %mul3A_98, %add3A_282 : vector<16xi32>
    %gather3A_284 = tpu.vector_load_idx %arg5[%add3A_283] : memref<7168xf32, #tpu.memory_space<vmem>>[vector<16xi32>], vector<16xf32>,
    %add3A_285 = arith.addf %add3A_280, %gather3A_284 : vector<16xf32>
    %add3A_286 = arith.constant 517 : i32
    %add3A_287 = vector.broadcast %add3A_286 : i32 to vector<16xi32>
    %add3A_288 = arith.addi %mul3A_98, %add3A_287 : vector<16xi32>
    %gather3A_289 = tpu.vector_load_idx %arg5[%add3A_288] : memref<7168xf32, #tpu.memory_space<vmem>>[vector<16xi32>], vector<16xf32>,
    %add3A_290 = arith.addf %add3A_285, %gather3A_289 : vector<16xf32>
    %add3A_291 = arith.constant 518 : i32
    %add3A_292 = vector.broadcast %add3A_291 : i32 to vector<16xi32>
    %add3A_293 = arith.addi %mul3A_98, %add3A_292 : vector<16xi32>
    %gather3A_294 = tpu.vector_load_idx %arg5[%add3A_293] : memref<7168xf32, #tpu.memory_space<vmem>>[vector<16xi32>], vector<16xf32>,
    %add3A_295 = arith.addf %add3A_290, %gather3A_294 : vector<16xf32>
    %add3A_296 = arith.constant 519 : i32
    %add3A_297 = vector.broadcast %add3A_296 : i32 to vector<16xi32>
    %add3A_298 = arith.addi %mul3A_98, %add3A_297 : vector<16xi32>
    %gather3A_299 = tpu.vector_load_idx %arg5[%add3A_298] : memref<7168xf32, #tpu.memory_space<vmem>>[vector<16xi32>], vector<16xf32>,
    %add3A_300 = arith.addf %add3A_295, %gather3A_299 : vector<16xf32>
    %add3A_301 = arith.constant 520 : i32
    %add3A_302 = vector.broadcast %add3A_301 : i32 to vector<16xi32>
    %add3A_303 = arith.addi %mul3A_98, %add3A_302 : vector<16xi32>
    %gather3A_304 = tpu.vector_load_idx %arg5[%add3A_303] : memref<7168xf32, #tpu.memory_space<vmem>>[vector<16xi32>], vector<16xf32>,
    %add3A_305 = arith.addf %add3A_300, %gather3A_304 : vector<16xf32>
    %add3A_306 = arith.constant 521 : i32
    %add3A_307 = vector.broadcast %add3A_306 : i32 to vector<16xi32>
    %add3A_308 = arith.addi %mul3A_98, %add3A_307 : vector<16xi32>
    %gather3A_309 = tpu.vector_load_idx %arg5[%add3A_308] : memref<7168xf32, #tpu.memory_space<vmem>>[vector<16xi32>], vector<16xf32>,
    %add3A_310 = arith.addf %add3A_305, %gather3A_309 : vector<16xf32>
    %add3A_311 = arith.constant 522 : i32
    %add3A_312 = vector.broadcast %add3A_311 : i32 to vector<16xi32>
    %add3A_313 = arith.addi %mul3A_98, %add3A_312 : vector<16xi32>
    %gather3A_314 = tpu.vector_load_idx %arg5[%add3A_313] : memref<7168xf32, #tpu.memory_space<vmem>>[vector<16xi32>], vector<16xf32>,
    %add3A_315 = arith.addf %add3A_310, %gather3A_314 : vector<16xf32>
    %add3A_316 = arith.constant 523 : i32
    %add3A_317 = vector.broadcast %add3A_316 : i32 to vector<16xi32>
    %add3A_318 = arith.addi %mul3A_98, %add3A_317 : vector<16xi32>
    %gather3A_319 = tpu.vector_load_idx %arg5[%add3A_318] : memref<7168xf32, #tpu.memory_space<vmem>>[vector<16xi32>], vector<16xf32>,
    %add3A_320 = arith.addf %add3A_315, %gather3A_319 : vector<16xf32>
    %add3A_321 = arith.constant 524 : i32
    %add3A_322 = vector.broadcast %add3A_321 : i32 to vector<16xi32>
    %add3A_323 = arith.addi %mul3A_98, %add3A_322 : vector<16xi32>
    %gather3A_324 = tpu.vector_load_idx %arg5[%add3A_323] : memref<7168xf32, #tpu.memory_space<vmem>>[vector<16xi32>], vector<16xf32>,
    %add3A_325 = arith.addf %add3A_320, %gather3A_324 : vector<16xf32>
    %add3A_326 = arith.constant 525 : i32
    %add3A_327 = vector.broadcast %add3A_326 : i32 to vector<16xi32>
    %add3A_328 = arith.addi %mul3A_98, %add3A_327 : vector<16xi32>
    %gather3A_329 = tpu.vector_load_idx %arg5[%add3A_328] : memref<7168xf32, #tpu.memory_space<vmem>>[vector<16xi32>], vector<16xf32>,
    %add3A_330 = arith.addf %add3A_325, %gather3A_329 : vector<16xf32>
    %add3A_331 = arith.constant 526 : i32
    %add3A_332 = vector.broadcast %add3A_331 : i32 to vector<16xi32>
    %add3A_333 = arith.addi %mul3A_98, %add3A_332 : vector<16xi32>
    %gather3A_334 = tpu.vector_load_idx %arg5[%add3A_333] : memref<7168xf32, #tpu.memory_space<vmem>>[vector<16xi32>], vector<16xf32>,
    %add3A_335 = arith.addf %add3A_330, %gather3A_334 : vector<16xf32>
    %add3A_336 = arith.constant 527 : i32
    %add3A_337 = vector.broadcast %add3A_336 : i32 to vector<16xi32>
    %add3A_338 = arith.addi %mul3A_98, %add3A_337 : vector<16xi32>
    %gather3A_339 = tpu.vector_load_idx %arg5[%add3A_338] : memref<7168xf32, #tpu.memory_space<vmem>>[vector<16xi32>], vector<16xf32>,
    %add3A_340 = arith.addf %add3A_335, %gather3A_339 : vector<16xf32>
    %swap3A_341 = arith.constant 32 : index
    %swap3A_342 = tpu.vector_load %arg6[%swap3A_341] {strides = array<i32>} : memref<448xf32, #tpu.memory_space<vmem>>, vector<16xf32>,
    tpu.vector_store %arg6[%swap3A_341], %add3A_340 {strides = array<i32>} : memref<448xf32, #tpu.memory_space<vmem>>, vector<16xf32>,
    %add3A_343 = arith.constant 768 : i32
    %add3A_344 = vector.broadcast %add3A_343 : i32 to vector<16xi32>
    %add3A_345 = arith.addi %mul3A_98, %add3A_344 : vector<16xi32>
    %gather3A_346 = tpu.vector_load_idx %arg5[%add3A_345] : memref<7168xf32, #tpu.memory_space<vmem>>[vector<16xi32>], vector<16xf32>,
    %add3A_347 = arith.addf %broadcast_in_dim3A_3, %gather3A_346 : vector<16xf32>
    %add3A_348 = arith.constant 769 : i32
    %add3A_349 = vector.broadcast %add3A_348 : i32 to vector<16xi32>
    %add3A_350 = arith.addi %mul3A_98, %add3A_349 : vector<16xi32>
    %gather3A_351 = tpu.vector_load_idx %arg5[%add3A_350] : memref<7168xf32, #tpu.memory_space<vmem>>[vector<16xi32>], vector<16xf32>,
    %add3A_352 = arith.addf %add3A_347, %gather3A_351 : vector<16xf32>
    %add3A_353 = arith.constant 770 : i32
    %add3A_354 = vector.broadcast %add3A_353 : i32 to vector<16xi32>
    %add3A_355 = arith.addi %mul3A_98, %add3A_354 : vector<16xi32>
    %gather3A_356 = tpu.vector_load_idx %arg5[%add3A_355] : memref<7168xf32, #tpu.memory_space<vmem>>[vector<16xi32>], vector<16xf32>,
    %add3A_357 = arith.addf %add3A_352, %gather3A_356 : vector<16xf32>
    %add3A_358 = arith.constant 771 : i32
    %add3A_359 = vector.broadcast %add3A_358 : i32 to vector<16xi32>
    %add3A_360 = arith.addi %mul3A_98, %add3A_359 : vector<16xi32>
    %gather3A_361 = tpu.vector_load_idx %arg5[%add3A_360] : memref<7168xf32, #tpu.memory_space<vmem>>[vector<16xi32>], vector<16xf32>,
    %add3A_362 = arith.addf %add3A_357, %gather3A_361 : vector<16xf32>
    %add3A_363 = arith.constant 772 : i32
    %add3A_364 = vector.broadcast %add3A_363 : i32 to vector<16xi32>
    %add3A_365 = arith.addi %mul3A_98, %add3A_364 : vector<16xi32>
    %gather3A_366 = tpu.vector_load_idx %arg5[%add3A_365] : memref<7168xf32, #tpu.memory_space<vmem>>[vector<16xi32>], vector<16xf32>,
    %add3A_367 = arith.addf %add3A_362, %gather3A_366 : vector<16xf32>
    %add3A_368 = arith.constant 773 : i32
    %add3A_369 = vector.broadcast %add3A_368 : i32 to vector<16xi32>
    %add3A_370 = arith.addi %mul3A_98, %add3A_369 : vector<16xi32>
    %gather3A_371 = tpu.vector_load_idx %arg5[%add3A_370] : memref<7168xf32, #tpu.memory_space<vmem>>[vector<16xi32>], vector<16xf32>,
    %add3A_372 = arith.addf %add3A_367, %gather3A_371 : vector<16xf32>
    %add3A_373 = arith.constant 774 : i32
    %add3A_374 = vector.broadcast %add3A_373 : i32 to vector<16xi32>
    %add3A_375 = arith.addi %mul3A_98, %add3A_374 : vector<16xi32>
    %gather3A_376 = tpu.vector_load_idx %arg5[%add3A_375] : memref<7168xf32, #tpu.memory_space<vmem>>[vector<16xi32>], vector<16xf32>,
    %add3A_377 = arith.addf %add3A_372, %gather3A_376 : vector<16xf32>
    %add3A_378 = arith.constant 775 : i32
    %add3A_379 = vector.broadcast %add3A_378 : i32 to vector<16xi32>
    %add3A_380 = arith.addi %mul3A_98, %add3A_379 : vector<16xi32>
    %gather3A_381 = tpu.vector_load_idx %arg5[%add3A_380] : memref<7168xf32, #tpu.memory_space<vmem>>[vector<16xi32>], vector<16xf32>,
    %add3A_382 = arith.addf %add3A_377, %gather3A_381 : vector<16xf32>
    %add3A_383 = arith.constant 776 : i32
    %add3A_384 = vector.broadcast %add3A_383 : i32 to vector<16xi32>
    %add3A_385 = arith.addi %mul3A_98, %add3A_384 : vector<16xi32>
    %gather3A_386 = tpu.vector_load_idx %arg5[%add3A_385] : memref<7168xf32, #tpu.memory_space<vmem>>[vector<16xi32>], vector<16xf32>,
    %add3A_387 = arith.addf %add3A_382, %gather3A_386 : vector<16xf32>
    %add3A_388 = arith.constant 777 : i32
    %add3A_389 = vector.broadcast %add3A_388 : i32 to vector<16xi32>
    %add3A_390 = arith.addi %mul3A_98, %add3A_389 : vector<16xi32>
    %gather3A_391 = tpu.vector_load_idx %arg5[%add3A_390] : memref<7168xf32, #tpu.memory_space<vmem>>[vector<16xi32>], vector<16xf32>,
    %add3A_392 = arith.addf %add3A_387, %gather3A_391 : vector<16xf32>
    %add3A_393 = arith.constant 778 : i32
    %add3A_394 = vector.broadcast %add3A_393 : i32 to vector<16xi32>
    %add3A_395 = arith.addi %mul3A_98, %add3A_394 : vector<16xi32>
    %gather3A_396 = tpu.vector_load_idx %arg5[%add3A_395] : memref<7168xf32, #tpu.memory_space<vmem>>[vector<16xi32>], vector<16xf32>,
    %add3A_397 = arith.addf %add3A_392, %gather3A_396 : vector<16xf32>
    %add3A_398 = arith.constant 779 : i32
    %add3A_399 = vector.broadcast %add3A_398 : i32 to vector<16xi32>
    %add3A_400 = arith.addi %mul3A_98, %add3A_399 : vector<16xi32>
    %gather3A_401 = tpu.vector_load_idx %arg5[%add3A_400] : memref<7168xf32, #tpu.memory_space<vmem>>[vector<16xi32>], vector<16xf32>,
    %add3A_402 = arith.addf %add3A_397, %gather3A_401 : vector<16xf32>
    %add3A_403 = arith.constant 780 : i32
    %add3A_404 = vector.broadcast %add3A_403 : i32 to vector<16xi32>
    %add3A_405 = arith.addi %mul3A_98, %add3A_404 : vector<16xi32>
    %gather3A_406 = tpu.vector_load_idx %arg5[%add3A_405] : memref<7168xf32, #tpu.memory_space<vmem>>[vector<16xi32>], vector<16xf32>,
    %add3A_407 = arith.addf %add3A_402, %gather3A_406 : vector<16xf32>
    %add3A_408 = arith.constant 781 : i32
    %add3A_409 = vector.broadcast %add3A_408 : i32 to vector<16xi32>
    %add3A_410 = arith.addi %mul3A_98, %add3A_409 : vector<16xi32>
    %gather3A_411 = tpu.vector_load_idx %arg5[%add3A_410] : memref<7168xf32, #tpu.memory_space<vmem>>[vector<16xi32>], vector<16xf32>,
    %add3A_412 = arith.addf %add3A_407, %gather3A_411 : vector<16xf32>
    %add3A_413 = arith.constant 782 : i32
    %add3A_414 = vector.broadcast %add3A_413 : i32 to vector<16xi32>
    %add3A_415 = arith.addi %mul3A_98, %add3A_414 : vector<16xi32>
    %gather3A_416 = tpu.vector_load_idx %arg5[%add3A_415] : memref<7168xf32, #tpu.memory_space<vmem>>[vector<16xi32>], vector<16xf32>,
    %add3A_417 = arith.addf %add3A_412, %gather3A_416 : vector<16xf32>
    %add3A_418 = arith.constant 783 : i32
    %add3A_419 = vector.broadcast %add3A_418 : i32 to vector<16xi32>
    %add3A_420 = arith.addi %mul3A_98, %add3A_419 : vector<16xi32>
    %gather3A_421 = tpu.vector_load_idx %arg5[%add3A_420] : memref<7168xf32, #tpu.memory_space<vmem>>[vector<16xi32>], vector<16xf32>,
    %add3A_422 = arith.addf %add3A_417, %gather3A_421 : vector<16xf32>
    %swap3A_423 = arith.constant 48 : index
    %swap3A_424 = tpu.vector_load %arg6[%swap3A_423] {strides = array<i32>} : memref<448xf32, #tpu.memory_space<vmem>>, vector<16xf32>,
    tpu.vector_store %arg6[%swap3A_423], %add3A_422 {strides = array<i32>} : memref<448xf32, #tpu.memory_space<vmem>>, vector<16xf32>,
    %add3A_425 = arith.constant 1024 : i32
    %add3A_426 = vector.broadcast %add3A_425 : i32 to vector<16xi32>
    %add3A_427 = arith.addi %mul3A_98, %add3A_426 : vector<16xi32>
    %gather3A_428 = tpu.vector_load_idx %arg5[%add3A_427] : memref<7168xf32, #tpu.memory_space<vmem>>[vector<16xi32>], vector<16xf32>,
    %add3A_429 = arith.addf %broadcast_in_dim3A_3, %gather3A_428 : vector<16xf32>
    %add3A_430 = arith.constant 1025 : i32
    %add3A_431 = vector.broadcast %add3A_430 : i32 to vector<16xi32>
    %add3A_432 = arith.addi %mul3A_98, %add3A_431 : vector<16xi32>
    %gather3A_433 = tpu.vector_load_idx %arg5[%add3A_432] : memref<7168xf32, #tpu.memory_space<vmem>>[vector<16xi32>], vector<16xf32>,
    %add3A_434 = arith.addf %add3A_429, %gather3A_433 : vector<16xf32>
    %add3A_435 = arith.constant 1026 : i32
    %add3A_436 = vector.broadcast %add3A_435 : i32 to vector<16xi32>
    %add3A_437 = arith.addi %mul3A_98, %add3A_436 : vector<16xi32>
    %gather3A_438 = tpu.vector_load_idx %arg5[%add3A_437] : memref<7168xf32, #tpu.memory_space<vmem>>[vector<16xi32>], vector<16xf32>,
    %add3A_439 = arith.addf %add3A_434, %gather3A_438 : vector<16xf32>
    %add3A_440 = arith.constant 1027 : i32
    %add3A_441 = vector.broadcast %add3A_440 : i32 to vector<16xi32>
    %add3A_442 = arith.addi %mul3A_98, %add3A_441 : vector<16xi32>
    %gather3A_443 = tpu.vector_load_idx %arg5[%add3A_442] : memref<7168xf32, #tpu.memory_space<vmem>>[vector<16xi32>], vector<16xf32>,
    %add3A_444 = arith.addf %add3A_439, %gather3A_443 : vector<16xf32>
    %add3A_445 = arith.constant 1028 : i32
    %add3A_446 = vector.broadcast %add3A_445 : i32 to vector<16xi32>
    %add3A_447 = arith.addi %mul3A_98, %add3A_446 : vector<16xi32>
    %gather3A_448 = tpu.vector_load_idx %arg5[%add3A_447] : memref<7168xf32, #tpu.memory_space<vmem>>[vector<16xi32>], vector<16xf32>,
    %add3A_449 = arith.addf %add3A_444, %gather3A_448 : vector<16xf32>
    %add3A_450 = arith.constant 1029 : i32
    %add3A_451 = vector.broadcast %add3A_450 : i32 to vector<16xi32>
    %add3A_452 = arith.addi %mul3A_98, %add3A_451 : vector<16xi32>
    %gather3A_453 = tpu.vector_load_idx %arg5[%add3A_452] : memref<7168xf32, #tpu.memory_space<vmem>>[vector<16xi32>], vector<16xf32>,
    %add3A_454 = arith.addf %add3A_449, %gather3A_453 : vector<16xf32>
    %add3A_455 = arith.constant 1030 : i32
    %add3A_456 = vector.broadcast %add3A_455 : i32 to vector<16xi32>
    %add3A_457 = arith.addi %mul3A_98, %add3A_456 : vector<16xi32>
    %gather3A_458 = tpu.vector_load_idx %arg5[%add3A_457] : memref<7168xf32, #tpu.memory_space<vmem>>[vector<16xi32>], vector<16xf32>,
    %add3A_459 = arith.addf %add3A_454, %gather3A_458 : vector<16xf32>
    %add3A_460 = arith.constant 1031 : i32
    %add3A_461 = vector.broadcast %add3A_460 : i32 to vector<16xi32>
    %add3A_462 = arith.addi %mul3A_98, %add3A_461 : vector<16xi32>
    %gather3A_463 = tpu.vector_load_idx %arg5[%add3A_462] : memref<7168xf32, #tpu.memory_space<vmem>>[vector<16xi32>], vector<16xf32>,
    %add3A_464 = arith.addf %add3A_459, %gather3A_463 : vector<16xf32>
    %add3A_465 = arith.constant 1032 : i32
    %add3A_466 = vector.broadcast %add3A_465 : i32 to vector<16xi32>
    %add3A_467 = arith.addi %mul3A_98, %add3A_466 : vector<16xi32>
    %gather3A_468 = tpu.vector_load_idx %arg5[%add3A_467] : memref<7168xf32, #tpu.memory_space<vmem>>[vector<16xi32>], vector<16xf32>,
    %add3A_469 = arith.addf %add3A_464, %gather3A_468 : vector<16xf32>
    %add3A_470 = arith.constant 1033 : i32
    %add3A_471 = vector.broadcast %add3A_470 : i32 to vector<16xi32>
    %add3A_472 = arith.addi %mul3A_98, %add3A_471 : vector<16xi32>
    %gather3A_473 = tpu.vector_load_idx %arg5[%add3A_472] : memref<7168xf32, #tpu.memory_space<vmem>>[vector<16xi32>], vector<16xf32>,
    %add3A_474 = arith.addf %add3A_469, %gather3A_473 : vector<16xf32>
    %add3A_475 = arith.constant 1034 : i32
    %add3A_476 = vector.broadcast %add3A_475 : i32 to vector<16xi32>
    %add3A_477 = arith.addi %mul3A_98, %add3A_476 : vector<16xi32>
    %gather3A_478 = tpu.vector_load_idx %arg5[%add3A_477] : memref<7168xf32, #tpu.memory_space<vmem>>[vector<16xi32>], vector<16xf32>,
    %add3A_479 = arith.addf %add3A_474, %gather3A_478 : vector<16xf32>
    %add3A_480 = arith.constant 1035 : i32
    %add3A_481 = vector.broadcast %add3A_480 : i32 to vector<16xi32>
    %add3A_482 = arith.addi %mul3A_98, %add3A_481 : vector<16xi32>
    %gather3A_483 = tpu.vector_load_idx %arg5[%add3A_482] : memref<7168xf32, #tpu.memory_space<vmem>>[vector<16xi32>], vector<16xf32>,
    %add3A_484 = arith.addf %add3A_479, %gather3A_483 : vector<16xf32>
    %add3A_485 = arith.constant 1036 : i32
    %add3A_486 = vector.broadcast %add3A_485 : i32 to vector<16xi32>
    %add3A_487 = arith.addi %mul3A_98, %add3A_486 : vector<16xi32>
    %gather3A_488 = tpu.vector_load_idx %arg5[%add3A_487] : memref<7168xf32, #tpu.memory_space<vmem>>[vector<16xi32>], vector<16xf32>,
    %add3A_489 = arith.addf %add3A_484, %gather3A_488 : vector<16xf32>
    %add3A_490 = arith.constant 1037 : i32
    %add3A_491 = vector.broadcast %add3A_490 : i32 to vector<16xi32>
    %add3A_492 = arith.addi %mul3A_98, %add3A_491 : vector<16xi32>
    %gather3A_493 = tpu.vector_load_idx %arg5[%add3A_492] : memref<7168xf32, #tpu.memory_space<vmem>>[vector<16xi32>], vector<16xf32>,
    %add3A_494 = arith.addf %add3A_489, %gather3A_493 : vector<16xf32>
    %add3A_495 = arith.constant 1038 : i32
    %add3A_496 = vector.broadcast %add3A_495 : i32 to vector<16xi32>
    %add3A_497 = arith.addi %mul3A_98, %add3A_496 : vector<16xi32>
    %gather3A_498 = tpu.vector_load_idx %arg5[%add3A_497] : memref<7168xf32, #tpu.memory_space<vmem>>[vector<16xi32>], vector<16xf32>,
    %add3A_499 = arith.addf %add3A_494, %gather3A_498 : vector<16xf32>
    %add3A_500 = arith.constant 1039 : i32
    %add3A_501 = vector.broadcast %add3A_500 : i32 to vector<16xi32>
    %add3A_502 = arith.addi %mul3A_98, %add3A_501 : vector<16xi32>
    %gather3A_503 = tpu.vector_load_idx %arg5[%add3A_502] : memref<7168xf32, #tpu.memory_space<vmem>>[vector<16xi32>], vector<16xf32>,
    %add3A_504 = arith.addf %add3A_499, %gather3A_503 : vector<16xf32>
    %swap3A_505 = arith.constant 64 : index
    %swap3A_506 = tpu.vector_load %arg6[%swap3A_505] {strides = array<i32>} : memref<448xf32, #tpu.memory_space<vmem>>, vector<16xf32>,
    tpu.vector_store %arg6[%swap3A_505], %add3A_504 {strides = array<i32>} : memref<448xf32, #tpu.memory_space<vmem>>, vector<16xf32>,
    %add3A_507 = arith.constant 1280 : i32
    %add3A_508 = vector.broadcast %add3A_507 : i32 to vector<16xi32>
    %add3A_509 = arith.addi %mul3A_98, %add3A_508 : vector<16xi32>
    %gather3A_510 = tpu.vector_load_idx %arg5[%add3A_509] : memref<7168xf32, #tpu.memory_space<vmem>>[vector<16xi32>], vector<16xf32>,
    %add3A_511 = arith.addf %broadcast_in_dim3A_3, %gather3A_510 : vector<16xf32>
    %add3A_512 = arith.constant 1281 : i32
    %add3A_513 = vector.broadcast %add3A_512 : i32 to vector<16xi32>
    %add3A_514 = arith.addi %mul3A_98, %add3A_513 : vector<16xi32>
    %gather3A_515 = tpu.vector_load_idx %arg5[%add3A_514] : memref<7168xf32, #tpu.memory_space<vmem>>[vector<16xi32>], vector<16xf32>,
    %add3A_516 = arith.addf %add3A_511, %gather3A_515 : vector<16xf32>
    %add3A_517 = arith.constant 1282 : i32
    %add3A_518 = vector.broadcast %add3A_517 : i32 to vector<16xi32>
    %add3A_519 = arith.addi %mul3A_98, %add3A_518 : vector<16xi32>
    %gather3A_520 = tpu.vector_load_idx %arg5[%add3A_519] : memref<7168xf32, #tpu.memory_space<vmem>>[vector<16xi32>], vector<16xf32>,
    %add3A_521 = arith.addf %add3A_516, %gather3A_520 : vector<16xf32>
    %add3A_522 = arith.constant 1283 : i32
    %add3A_523 = vector.broadcast %add3A_522 : i32 to vector<16xi32>
    %add3A_524 = arith.addi %mul3A_98, %add3A_523 : vector<16xi32>
    %gather3A_525 = tpu.vector_load_idx %arg5[%add3A_524] : memref<7168xf32, #tpu.memory_space<vmem>>[vector<16xi32>], vector<16xf32>,
    %add3A_526 = arith.addf %add3A_521, %gather3A_525 : vector<16xf32>
    %add3A_527 = arith.constant 1284 : i32
    %add3A_528 = vector.broadcast %add3A_527 : i32 to vector<16xi32>
    %add3A_529 = arith.addi %mul3A_98, %add3A_528 : vector<16xi32>
    %gather3A_530 = tpu.vector_load_idx %arg5[%add3A_529] : memref<7168xf32, #tpu.memory_space<vmem>>[vector<16xi32>], vector<16xf32>,
    %add3A_531 = arith.addf %add3A_526, %gather3A_530 : vector<16xf32>
    %add3A_532 = arith.constant 1285 : i32
    %add3A_533 = vector.broadcast %add3A_532 : i32 to vector<16xi32>
    %add3A_534 = arith.addi %mul3A_98, %add3A_533 : vector<16xi32>
    %gather3A_535 = tpu.vector_load_idx %arg5[%add3A_534] : memref<7168xf32, #tpu.memory_space<vmem>>[vector<16xi32>], vector<16xf32>,
    %add3A_536 = arith.addf %add3A_531, %gather3A_535 : vector<16xf32>
    %add3A_537 = arith.constant 1286 : i32
    %add3A_538 = vector.broadcast %add3A_537 : i32 to vector<16xi32>
    %add3A_539 = arith.addi %mul3A_98, %add3A_538 : vector<16xi32>
    %gather3A_540 = tpu.vector_load_idx %arg5[%add3A_539] : memref<7168xf32, #tpu.memory_space<vmem>>[vector<16xi32>], vector<16xf32>,
    %add3A_541 = arith.addf %add3A_536, %gather3A_540 : vector<16xf32>
    %add3A_542 = arith.constant 1287 : i32
    %add3A_543 = vector.broadcast %add3A_542 : i32 to vector<16xi32>
    %add3A_544 = arith.addi %mul3A_98, %add3A_543 : vector<16xi32>
    %gather3A_545 = tpu.vector_load_idx %arg5[%add3A_544] : memref<7168xf32, #tpu.memory_space<vmem>>[vector<16xi32>], vector<16xf32>,
    %add3A_546 = arith.addf %add3A_541, %gather3A_545 : vector<16xf32>
    %add3A_547 = arith.constant 1288 : i32
    %add3A_548 = vector.broadcast %add3A_547 : i32 to vector<16xi32>
    %add3A_549 = arith.addi %mul3A_98, %add3A_548 : vector<16xi32>
    %gather3A_550 = tpu.vector_load_idx %arg5[%add3A_549] : memref<7168xf32, #tpu.memory_space<vmem>>[vector<16xi32>], vector<16xf32>,
    %add3A_551 = arith.addf %add3A_546, %gather3A_550 : vector<16xf32>
    %add3A_552 = arith.constant 1289 : i32
    %add3A_553 = vector.broadcast %add3A_552 : i32 to vector<16xi32>
    %add3A_554 = arith.addi %mul3A_98, %add3A_553 : vector<16xi32>
    %gather3A_555 = tpu.vector_load_idx %arg5[%add3A_554] : memref<7168xf32, #tpu.memory_space<vmem>>[vector<16xi32>], vector<16xf32>,
    %add3A_556 = arith.addf %add3A_551, %gather3A_555 : vector<16xf32>
    %add3A_557 = arith.constant 1290 : i32
    %add3A_558 = vector.broadcast %add3A_557 : i32 to vector<16xi32>
    %add3A_559 = arith.addi %mul3A_98, %add3A_558 : vector<16xi32>
    %gather3A_560 = tpu.vector_load_idx %arg5[%add3A_559] : memref<7168xf32, #tpu.memory_space<vmem>>[vector<16xi32>], vector<16xf32>,
    %add3A_561 = arith.addf %add3A_556, %gather3A_560 : vector<16xf32>
    %add3A_562 = arith.constant 1291 : i32
    %add3A_563 = vector.broadcast %add3A_562 : i32 to vector<16xi32>
    %add3A_564 = arith.addi %mul3A_98, %add3A_563 : vector<16xi32>
    %gather3A_565 = tpu.vector_load_idx %arg5[%add3A_564] : memref<7168xf32, #tpu.memory_space<vmem>>[vector<16xi32>], vector<16xf32>,
    %add3A_566 = arith.addf %add3A_561, %gather3A_565 : vector<16xf32>
    %add3A_567 = arith.constant 1292 : i32
    %add3A_568 = vector.broadcast %add3A_567 : i32 to vector<16xi32>
    %add3A_569 = arith.addi %mul3A_98, %add3A_568 : vector<16xi32>
    %gather3A_570 = tpu.vector_load_idx %arg5[%add3A_569] : memref<7168xf32, #tpu.memory_space<vmem>>[vector<16xi32>], vector<16xf32>,
    %add3A_571 = arith.addf %add3A_566, %gather3A_570 : vector<16xf32>
    %add3A_572 = arith.constant 1293 : i32
    %add3A_573 = vector.broadcast %add3A_572 : i32 to vector<16xi32>
    %add3A_574 = arith.addi %mul3A_98, %add3A_573 : vector<16xi32>
    %gather3A_575 = tpu.vector_load_idx %arg5[%add3A_574] : memref<7168xf32, #tpu.memory_space<vmem>>[vector<16xi32>], vector<16xf32>,
    %add3A_576 = arith.addf %add3A_571, %gather3A_575 : vector<16xf32>
    %add3A_577 = arith.constant 1294 : i32
    %add3A_578 = vector.broadcast %add3A_577 : i32 to vector<16xi32>
    %add3A_579 = arith.addi %mul3A_98, %add3A_578 : vector<16xi32>
    %gather3A_580 = tpu.vector_load_idx %arg5[%add3A_579] : memref<7168xf32, #tpu.memory_space<vmem>>[vector<16xi32>], vector<16xf32>,
    %add3A_581 = arith.addf %add3A_576, %gather3A_580 : vector<16xf32>
    %add3A_582 = arith.constant 1295 : i32
    %add3A_583 = vector.broadcast %add3A_582 : i32 to vector<16xi32>
    %add3A_584 = arith.addi %mul3A_98, %add3A_583 : vector<16xi32>
    %gather3A_585 = tpu.vector_load_idx %arg5[%add3A_584] : memref<7168xf32, #tpu.memory_space<vmem>>[vector<16xi32>], vector<16xf32>,
    %add3A_586 = arith.addf %add3A_581, %gather3A_585 : vector<16xf32>
    %swap3A_587 = arith.constant 80 : index
    %swap3A_588 = tpu.vector_load %arg6[%swap3A_587] {strides = array<i32>} : memref<448xf32, #tpu.memory_space<vmem>>, vector<16xf32>,
    tpu.vector_store %arg6[%swap3A_587], %add3A_586 {strides = array<i32>} : memref<448xf32, #tpu.memory_space<vmem>>, vector<16xf32>,
    %add3A_589 = arith.constant 1536 : i32
    %add3A_590 = vector.broadcast %add3A_589 : i32 to vector<16xi32>
    %add3A_591 = arith.addi %mul3A_98, %add3A_590 : vector<16xi32>
    %gather3A_592 = tpu.vector_load_idx %arg5[%add3A_591] : memref<7168xf32, #tpu.memory_space<vmem>>[vector<16xi32>], vector<16xf32>,
    %add3A_593 = arith.addf %broadcast_in_dim3A_3, %gather3A_592 : vector<16xf32>
    %add3A_594 = arith.constant 1537 : i32
    %add3A_595 = vector.broadcast %add3A_594 : i32 to vector<16xi32>
    %add3A_596 = arith.addi %mul3A_98, %add3A_595 : vector<16xi32>
    %gather3A_597 = tpu.vector_load_idx %arg5[%add3A_596] : memref<7168xf32, #tpu.memory_space<vmem>>[vector<16xi32>], vector<16xf32>,
    %add3A_598 = arith.addf %add3A_593, %gather3A_597 : vector<16xf32>
    %add3A_599 = arith.constant 1538 : i32
    %add3A_600 = vector.broadcast %add3A_599 : i32 to vector<16xi32>
    %add3A_601 = arith.addi %mul3A_98, %add3A_600 : vector<16xi32>
    %gather3A_602 = tpu.vector_load_idx %arg5[%add3A_601] : memref<7168xf32, #tpu.memory_space<vmem>>[vector<16xi32>], vector<16xf32>,
    %add3A_603 = arith.addf %add3A_598, %gather3A_602 : vector<16xf32>
    %add3A_604 = arith.constant 1539 : i32
    %add3A_605 = vector.broadcast %add3A_604 : i32 to vector<16xi32>
    %add3A_606 = arith.addi %mul3A_98, %add3A_605 : vector<16xi32>
    %gather3A_607 = tpu.vector_load_idx %arg5[%add3A_606] : memref<7168xf32, #tpu.memory_space<vmem>>[vector<16xi32>], vector<16xf32>,
    %add3A_608 = arith.addf %add3A_603, %gather3A_607 : vector<16xf32>
    %add3A_609 = arith.constant 1540 : i32
    %add3A_610 = vector.broadcast %add3A_609 : i32 to vector<16xi32>
    %add3A_611 = arith.addi %mul3A_98, %add3A_610 : vector<16xi32>
    %gather3A_612 = tpu.vector_load_idx %arg5[%add3A_611] : memref<7168xf32, #tpu.memory_space<vmem>>[vector<16xi32>], vector<16xf32>,
    %add3A_613 = arith.addf %add3A_608, %gather3A_612 : vector<16xf32>
    %add3A_614 = arith.constant 1541 : i32
    %add3A_615 = vector.broadcast %add3A_614 : i32 to vector<16xi32>
    %add3A_616 = arith.addi %mul3A_98, %add3A_615 : vector<16xi32>
    %gather3A_617 = tpu.vector_load_idx %arg5[%add3A_616] : memref<7168xf32, #tpu.memory_space<vmem>>[vector<16xi32>], vector<16xf32>,
    %add3A_618 = arith.addf %add3A_613, %gather3A_617 : vector<16xf32>
    %add3A_619 = arith.constant 1542 : i32
    %add3A_620 = vector.broadcast %add3A_619 : i32 to vector<16xi32>
    %add3A_621 = arith.addi %mul3A_98, %add3A_620 : vector<16xi32>
    %gather3A_622 = tpu.vector_load_idx %arg5[%add3A_621] : memref<7168xf32, #tpu.memory_space<vmem>>[vector<16xi32>], vector<16xf32>,
    %add3A_623 = arith.addf %add3A_618, %gather3A_622 : vector<16xf32>
    %add3A_624 = arith.constant 1543 : i32
    %add3A_625 = vector.broadcast %add3A_624 : i32 to vector<16xi32>
    %add3A_626 = arith.addi %mul3A_98, %add3A_625 : vector<16xi32>
    %gather3A_627 = tpu.vector_load_idx %arg5[%add3A_626] : memref<7168xf32, #tpu.memory_space<vmem>>[vector<16xi32>], vector<16xf32>,
    %add3A_628 = arith.addf %add3A_623, %gather3A_627 : vector<16xf32>
    %add3A_629 = arith.constant 1544 : i32
    %add3A_630 = vector.broadcast %add3A_629 : i32 to vector<16xi32>
    %add3A_631 = arith.addi %mul3A_98, %add3A_630 : vector<16xi32>
    %gather3A_632 = tpu.vector_load_idx %arg5[%add3A_631] : memref<7168xf32, #tpu.memory_space<vmem>>[vector<16xi32>], vector<16xf32>,
    %add3A_633 = arith.addf %add3A_628, %gather3A_632 : vector<16xf32>
    %add3A_634 = arith.constant 1545 : i32
    %add3A_635 = vector.broadcast %add3A_634 : i32 to vector<16xi32>
    %add3A_636 = arith.addi %mul3A_98, %add3A_635 : vector<16xi32>
    %gather3A_637 = tpu.vector_load_idx %arg5[%add3A_636] : memref<7168xf32, #tpu.memory_space<vmem>>[vector<16xi32>], vector<16xf32>,
    %add3A_638 = arith.addf %add3A_633, %gather3A_637 : vector<16xf32>
    %add3A_639 = arith.constant 1546 : i32
    %add3A_640 = vector.broadcast %add3A_639 : i32 to vector<16xi32>
    %add3A_641 = arith.addi %mul3A_98, %add3A_640 : vector<16xi32>
    %gather3A_642 = tpu.vector_load_idx %arg5[%add3A_641] : memref<7168xf32, #tpu.memory_space<vmem>>[vector<16xi32>], vector<16xf32>,
    %add3A_643 = arith.addf %add3A_638, %gather3A_642 : vector<16xf32>
    %add3A_644 = arith.constant 1547 : i32
    %add3A_645 = vector.broadcast %add3A_644 : i32 to vector<16xi32>
    %add3A_646 = arith.addi %mul3A_98, %add3A_645 : vector<16xi32>
    %gather3A_647 = tpu.vector_load_idx %arg5[%add3A_646] : memref<7168xf32, #tpu.memory_space<vmem>>[vector<16xi32>], vector<16xf32>,
    %add3A_648 = arith.addf %add3A_643, %gather3A_647 : vector<16xf32>
    %add3A_649 = arith.constant 1548 : i32
    %add3A_650 = vector.broadcast %add3A_649 : i32 to vector<16xi32>
    %add3A_651 = arith.addi %mul3A_98, %add3A_650 : vector<16xi32>
    %gather3A_652 = tpu.vector_load_idx %arg5[%add3A_651] : memref<7168xf32, #tpu.memory_space<vmem>>[vector<16xi32>], vector<16xf32>,
    %add3A_653 = arith.addf %add3A_648, %gather3A_652 : vector<16xf32>
    %add3A_654 = arith.constant 1549 : i32
    %add3A_655 = vector.broadcast %add3A_654 : i32 to vector<16xi32>
    %add3A_656 = arith.addi %mul3A_98, %add3A_655 : vector<16xi32>
    %gather3A_657 = tpu.vector_load_idx %arg5[%add3A_656] : memref<7168xf32, #tpu.memory_space<vmem>>[vector<16xi32>], vector<16xf32>,
    %add3A_658 = arith.addf %add3A_653, %gather3A_657 : vector<16xf32>
    %add3A_659 = arith.constant 1550 : i32
    %add3A_660 = vector.broadcast %add3A_659 : i32 to vector<16xi32>
    %add3A_661 = arith.addi %mul3A_98, %add3A_660 : vector<16xi32>
    %gather3A_662 = tpu.vector_load_idx %arg5[%add3A_661] : memref<7168xf32, #tpu.memory_space<vmem>>[vector<16xi32>], vector<16xf32>,
    %add3A_663 = arith.addf %add3A_658, %gather3A_662 : vector<16xf32>
    %add3A_664 = arith.constant 1551 : i32
    %add3A_665 = vector.broadcast %add3A_664 : i32 to vector<16xi32>
    %add3A_666 = arith.addi %mul3A_98, %add3A_665 : vector<16xi32>
    %gather3A_667 = tpu.vector_load_idx %arg5[%add3A_666] : memref<7168xf32, #tpu.memory_space<vmem>>[vector<16xi32>], vector<16xf32>,
    %add3A_668 = arith.addf %add3A_663, %gather3A_667 : vector<16xf32>
    %swap3A_669 = arith.constant 96 : index
    %swap3A_670 = tpu.vector_load %arg6[%swap3A_669] {strides = array<i32>} : memref<448xf32, #tpu.memory_space<vmem>>, vector<16xf32>,
    tpu.vector_store %arg6[%swap3A_669], %add3A_668 {strides = array<i32>} : memref<448xf32, #tpu.memory_space<vmem>>, vector<16xf32>,
    %add3A_671 = arith.constant 1792 : i32
    %add3A_672 = vector.broadcast %add3A_671 : i32 to vector<16xi32>
    %add3A_673 = arith.addi %mul3A_98, %add3A_672 : vector<16xi32>
    %gather3A_674 = tpu.vector_load_idx %arg5[%add3A_673] : memref<7168xf32, #tpu.memory_space<vmem>>[vector<16xi32>], vector<16xf32>,
    %add3A_675 = arith.addf %broadcast_in_dim3A_3, %gather3A_674 : vector<16xf32>
    %add3A_676 = arith.constant 1793 : i32
    %add3A_677 = vector.broadcast %add3A_676 : i32 to vector<16xi32>
    %add3A_678 = arith.addi %mul3A_98, %add3A_677 : vector<16xi32>
    %gather3A_679 = tpu.vector_load_idx %arg5[%add3A_678] : memref<7168xf32, #tpu.memory_space<vmem>>[vector<16xi32>], vector<16xf32>,
    %add3A_680 = arith.addf %add3A_675, %gather3A_679 : vector<16xf32>
    %add3A_681 = arith.constant 1794 : i32
    %add3A_682 = vector.broadcast %add3A_681 : i32 to vector<16xi32>
    %add3A_683 = arith.addi %mul3A_98, %add3A_682 : vector<16xi32>
    %gather3A_684 = tpu.vector_load_idx %arg5[%add3A_683] : memref<7168xf32, #tpu.memory_space<vmem>>[vector<16xi32>], vector<16xf32>,
    %add3A_685 = arith.addf %add3A_680, %gather3A_684 : vector<16xf32>
    %add3A_686 = arith.constant 1795 : i32
    %add3A_687 = vector.broadcast %add3A_686 : i32 to vector<16xi32>
    %add3A_688 = arith.addi %mul3A_98, %add3A_687 : vector<16xi32>
    %gather3A_689 = tpu.vector_load_idx %arg5[%add3A_688] : memref<7168xf32, #tpu.memory_space<vmem>>[vector<16xi32>], vector<16xf32>,
    %add3A_690 = arith.addf %add3A_685, %gather3A_689 : vector<16xf32>
    %add3A_691 = arith.constant 1796 : i32
    %add3A_692 = vector.broadcast %add3A_691 : i32 to vector<16xi32>
    %add3A_693 = arith.addi %mul3A_98, %add3A_692 : vector<16xi32>
    %gather3A_694 = tpu.vector_load_idx %arg5[%add3A_693] : memref<7168xf32, #tpu.memory_space<vmem>>[vector<16xi32>], vector<16xf32>,
    %add3A_695 = arith.addf %add3A_690, %gather3A_694 : vector<16xf32>
    %add3A_696 = arith.constant 1797 : i32
    %add3A_697 = vector.broadcast %add3A_696 : i32 to vector<16xi32>
    %add3A_698 = arith.addi %mul3A_98, %add3A_697 : vector<16xi32>
    %gather3A_699 = tpu.vector_load_idx %arg5[%add3A_698] : memref<7168xf32, #tpu.memory_space<vmem>>[vector<16xi32>], vector<16xf32>,
    %add3A_700 = arith.addf %add3A_695, %gather3A_699 : vector<16xf32>
    %add3A_701 = arith.constant 1798 : i32
    %add3A_702 = vector.broadcast %add3A_701 : i32 to vector<16xi32>
    %add3A_703 = arith.addi %mul3A_98, %add3A_702 : vector<16xi32>
    %gather3A_704 = tpu.vector_load_idx %arg5[%add3A_703] : memref<7168xf32, #tpu.memory_space<vmem>>[vector<16xi32>], vector<16xf32>,
    %add3A_705 = arith.addf %add3A_700, %gather3A_704 : vector<16xf32>
    %add3A_706 = arith.constant 1799 : i32
    %add3A_707 = vector.broadcast %add3A_706 : i32 to vector<16xi32>
    %add3A_708 = arith.addi %mul3A_98, %add3A_707 : vector<16xi32>
    %gather3A_709 = tpu.vector_load_idx %arg5[%add3A_708] : memref<7168xf32, #tpu.memory_space<vmem>>[vector<16xi32>], vector<16xf32>,
    %add3A_710 = arith.addf %add3A_705, %gather3A_709 : vector<16xf32>
    %add3A_711 = arith.constant 1800 : i32
    %add3A_712 = vector.broadcast %add3A_711 : i32 to vector<16xi32>
    %add3A_713 = arith.addi %mul3A_98, %add3A_712 : vector<16xi32>
    %gather3A_714 = tpu.vector_load_idx %arg5[%add3A_713] : memref<7168xf32, #tpu.memory_space<vmem>>[vector<16xi32>], vector<16xf32>,
    %add3A_715 = arith.addf %add3A_710, %gather3A_714 : vector<16xf32>
    %add3A_716 = arith.constant 1801 : i32
    %add3A_717 = vector.broadcast %add3A_716 : i32 to vector<16xi32>
    %add3A_718 = arith.addi %mul3A_98, %add3A_717 : vector<16xi32>
    %gather3A_719 = tpu.vector_load_idx %arg5[%add3A_718] : memref<7168xf32, #tpu.memory_space<vmem>>[vector<16xi32>], vector<16xf32>,
    %add3A_720 = arith.addf %add3A_715, %gather3A_719 : vector<16xf32>
    %add3A_721 = arith.constant 1802 : i32
    %add3A_722 = vector.broadcast %add3A_721 : i32 to vector<16xi32>
    %add3A_723 = arith.addi %mul3A_98, %add3A_722 : vector<16xi32>
    %gather3A_724 = tpu.vector_load_idx %arg5[%add3A_723] : memref<7168xf32, #tpu.memory_space<vmem>>[vector<16xi32>], vector<16xf32>,
    %add3A_725 = arith.addf %add3A_720, %gather3A_724 : vector<16xf32>
    %add3A_726 = arith.constant 1803 : i32
    %add3A_727 = vector.broadcast %add3A_726 : i32 to vector<16xi32>
    %add3A_728 = arith.addi %mul3A_98, %add3A_727 : vector<16xi32>
    %gather3A_729 = tpu.vector_load_idx %arg5[%add3A_728] : memref<7168xf32, #tpu.memory_space<vmem>>[vector<16xi32>], vector<16xf32>,
    %add3A_730 = arith.addf %add3A_725, %gather3A_729 : vector<16xf32>
    %add3A_731 = arith.constant 1804 : i32
    %add3A_732 = vector.broadcast %add3A_731 : i32 to vector<16xi32>
    %add3A_733 = arith.addi %mul3A_98, %add3A_732 : vector<16xi32>
    %gather3A_734 = tpu.vector_load_idx %arg5[%add3A_733] : memref<7168xf32, #tpu.memory_space<vmem>>[vector<16xi32>], vector<16xf32>,
    %add3A_735 = arith.addf %add3A_730, %gather3A_734 : vector<16xf32>
    %add3A_736 = arith.constant 1805 : i32
    %add3A_737 = vector.broadcast %add3A_736 : i32 to vector<16xi32>
    %add3A_738 = arith.addi %mul3A_98, %add3A_737 : vector<16xi32>
    %gather3A_739 = tpu.vector_load_idx %arg5[%add3A_738] : memref<7168xf32, #tpu.memory_space<vmem>>[vector<16xi32>], vector<16xf32>,
    %add3A_740 = arith.addf %add3A_735, %gather3A_739 : vector<16xf32>
    %add3A_741 = arith.constant 1806 : i32
    %add3A_742 = vector.broadcast %add3A_741 : i32 to vector<16xi32>
    %add3A_743 = arith.addi %mul3A_98, %add3A_742 : vector<16xi32>
    %gather3A_744 = tpu.vector_load_idx %arg5[%add3A_743] : memref<7168xf32, #tpu.memory_space<vmem>>[vector<16xi32>], vector<16xf32>,
    %add3A_745 = arith.addf %add3A_740, %gather3A_744 : vector<16xf32>
    %add3A_746 = arith.constant 1807 : i32
    %add3A_747 = vector.broadcast %add3A_746 : i32 to vector<16xi32>
    %add3A_748 = arith.addi %mul3A_98, %add3A_747 : vector<16xi32>
    %gather3A_749 = tpu.vector_load_idx %arg5[%add3A_748] : memref<7168xf32, #tpu.memory_space<vmem>>[vector<16xi32>], vector<16xf32>,
    %add3A_750 = arith.addf %add3A_745, %gather3A_749 : vector<16xf32>
    %swap3A_751 = arith.constant 112 : index
    %swap3A_752 = tpu.vector_load %arg6[%swap3A_751] {strides = array<i32>} : memref<448xf32, #tpu.memory_space<vmem>>, vector<16xf32>,
    tpu.vector_store %arg6[%swap3A_751], %add3A_750 {strides = array<i32>} : memref<448xf32, #tpu.memory_space<vmem>>, vector<16xf32>,
    %add3A_753 = arith.constant 2048 : i32
    %add3A_754 = vector.broadcast %add3A_753 : i32 to vector<16xi32>
    %add3A_755 = arith.addi %mul3A_98, %add3A_754 : vector<16xi32>
    %gather3A_756 = tpu.vector_load_idx %arg5[%add3A_755] : memref<7168xf32, #tpu.memory_space<vmem>>[vector<16xi32>], vector<16xf32>,
    %add3A_757 = arith.addf %broadcast_in_dim3A_3, %gather3A_756 : vector<16xf32>
    %add3A_758 = arith.constant 2049 : i32
    %add3A_759 = vector.broadcast %add3A_758 : i32 to vector<16xi32>
    %add3A_760 = arith.addi %mul3A_98, %add3A_759 : vector<16xi32>
    %gather3A_761 = tpu.vector_load_idx %arg5[%add3A_760] : memref<7168xf32, #tpu.memory_space<vmem>>[vector<16xi32>], vector<16xf32>,
    %add3A_762 = arith.addf %add3A_757, %gather3A_761 : vector<16xf32>
    %add3A_763 = arith.constant 2050 : i32
    %add3A_764 = vector.broadcast %add3A_763 : i32 to vector<16xi32>
    %add3A_765 = arith.addi %mul3A_98, %add3A_764 : vector<16xi32>
    %gather3A_766 = tpu.vector_load_idx %arg5[%add3A_765] : memref<7168xf32, #tpu.memory_space<vmem>>[vector<16xi32>], vector<16xf32>,
    %add3A_767 = arith.addf %add3A_762, %gather3A_766 : vector<16xf32>
    %add3A_768 = arith.constant 2051 : i32
    %add3A_769 = vector.broadcast %add3A_768 : i32 to vector<16xi32>
    %add3A_770 = arith.addi %mul3A_98, %add3A_769 : vector<16xi32>
    %gather3A_771 = tpu.vector_load_idx %arg5[%add3A_770] : memref<7168xf32, #tpu.memory_space<vmem>>[vector<16xi32>], vector<16xf32>,
    %add3A_772 = arith.addf %add3A_767, %gather3A_771 : vector<16xf32>
    %add3A_773 = arith.constant 2052 : i32
    %add3A_774 = vector.broadcast %add3A_773 : i32 to vector<16xi32>
    %add3A_775 = arith.addi %mul3A_98, %add3A_774 : vector<16xi32>
    %gather3A_776 = tpu.vector_load_idx %arg5[%add3A_775] : memref<7168xf32, #tpu.memory_space<vmem>>[vector<16xi32>], vector<16xf32>,
    %add3A_777 = arith.addf %add3A_772, %gather3A_776 : vector<16xf32>
    %add3A_778 = arith.constant 2053 : i32
    %add3A_779 = vector.broadcast %add3A_778 : i32 to vector<16xi32>
    %add3A_780 = arith.addi %mul3A_98, %add3A_779 : vector<16xi32>
    %gather3A_781 = tpu.vector_load_idx %arg5[%add3A_780] : memref<7168xf32, #tpu.memory_space<vmem>>[vector<16xi32>], vector<16xf32>,
    %add3A_782 = arith.addf %add3A_777, %gather3A_781 : vector<16xf32>
    %add3A_783 = arith.constant 2054 : i32
    %add3A_784 = vector.broadcast %add3A_783 : i32 to vector<16xi32>
    %add3A_785 = arith.addi %mul3A_98, %add3A_784 : vector<16xi32>
    %gather3A_786 = tpu.vector_load_idx %arg5[%add3A_785] : memref<7168xf32, #tpu.memory_space<vmem>>[vector<16xi32>], vector<16xf32>,
    %add3A_787 = arith.addf %add3A_782, %gather3A_786 : vector<16xf32>
    %add3A_788 = arith.constant 2055 : i32
    %add3A_789 = vector.broadcast %add3A_788 : i32 to vector<16xi32>
    %add3A_790 = arith.addi %mul3A_98, %add3A_789 : vector<16xi32>
    %gather3A_791 = tpu.vector_load_idx %arg5[%add3A_790] : memref<7168xf32, #tpu.memory_space<vmem>>[vector<16xi32>], vector<16xf32>,
    %add3A_792 = arith.addf %add3A_787, %gather3A_791 : vector<16xf32>
    %add3A_793 = arith.constant 2056 : i32
    %add3A_794 = vector.broadcast %add3A_793 : i32 to vector<16xi32>
    %add3A_795 = arith.addi %mul3A_98, %add3A_794 : vector<16xi32>
    %gather3A_796 = tpu.vector_load_idx %arg5[%add3A_795] : memref<7168xf32, #tpu.memory_space<vmem>>[vector<16xi32>], vector<16xf32>,
    %add3A_797 = arith.addf %add3A_792, %gather3A_796 : vector<16xf32>
    %add3A_798 = arith.constant 2057 : i32
    %add3A_799 = vector.broadcast %add3A_798 : i32 to vector<16xi32>
    %add3A_800 = arith.addi %mul3A_98, %add3A_799 : vector<16xi32>
    %gather3A_801 = tpu.vector_load_idx %arg5[%add3A_800] : memref<7168xf32, #tpu.memory_space<vmem>>[vector<16xi32>], vector<16xf32>,
    %add3A_802 = arith.addf %add3A_797, %gather3A_801 : vector<16xf32>
    %add3A_803 = arith.constant 2058 : i32
    %add3A_804 = vector.broadcast %add3A_803 : i32 to vector<16xi32>
    %add3A_805 = arith.addi %mul3A_98, %add3A_804 : vector<16xi32>
    %gather3A_806 = tpu.vector_load_idx %arg5[%add3A_805] : memref<7168xf32, #tpu.memory_space<vmem>>[vector<16xi32>], vector<16xf32>,
    %add3A_807 = arith.addf %add3A_802, %gather3A_806 : vector<16xf32>
    %add3A_808 = arith.constant 2059 : i32
    %add3A_809 = vector.broadcast %add3A_808 : i32 to vector<16xi32>
    %add3A_810 = arith.addi %mul3A_98, %add3A_809 : vector<16xi32>
    %gather3A_811 = tpu.vector_load_idx %arg5[%add3A_810] : memref<7168xf32, #tpu.memory_space<vmem>>[vector<16xi32>], vector<16xf32>,
    %add3A_812 = arith.addf %add3A_807, %gather3A_811 : vector<16xf32>
    %add3A_813 = arith.constant 2060 : i32
    %add3A_814 = vector.broadcast %add3A_813 : i32 to vector<16xi32>
    %add3A_815 = arith.addi %mul3A_98, %add3A_814 : vector<16xi32>
    %gather3A_816 = tpu.vector_load_idx %arg5[%add3A_815] : memref<7168xf32, #tpu.memory_space<vmem>>[vector<16xi32>], vector<16xf32>,
    %add3A_817 = arith.addf %add3A_812, %gather3A_816 : vector<16xf32>
    %add3A_818 = arith.constant 2061 : i32
    %add3A_819 = vector.broadcast %add3A_818 : i32 to vector<16xi32>
    %add3A_820 = arith.addi %mul3A_98, %add3A_819 : vector<16xi32>
    %gather3A_821 = tpu.vector_load_idx %arg5[%add3A_820] : memref<7168xf32, #tpu.memory_space<vmem>>[vector<16xi32>], vector<16xf32>,
    %add3A_822 = arith.addf %add3A_817, %gather3A_821 : vector<16xf32>
    %add3A_823 = arith.constant 2062 : i32
    %add3A_824 = vector.broadcast %add3A_823 : i32 to vector<16xi32>
    %add3A_825 = arith.addi %mul3A_98, %add3A_824 : vector<16xi32>
    %gather3A_826 = tpu.vector_load_idx %arg5[%add3A_825] : memref<7168xf32, #tpu.memory_space<vmem>>[vector<16xi32>], vector<16xf32>,
    %add3A_827 = arith.addf %add3A_822, %gather3A_826 : vector<16xf32>
    %add3A_828 = arith.constant 2063 : i32
    %add3A_829 = vector.broadcast %add3A_828 : i32 to vector<16xi32>
    %add3A_830 = arith.addi %mul3A_98, %add3A_829 : vector<16xi32>
    %gather3A_831 = tpu.vector_load_idx %arg5[%add3A_830] : memref<7168xf32, #tpu.memory_space<vmem>>[vector<16xi32>], vector<16xf32>,
    %add3A_832 = arith.addf %add3A_827, %gather3A_831 : vector<16xf32>
    %swap3A_833 = arith.constant 128 : index
    %swap3A_834 = tpu.vector_load %arg6[%swap3A_833] {strides = array<i32>} : memref<448xf32, #tpu.memory_space<vmem>>, vector<16xf32>,
    tpu.vector_store %arg6[%swap3A_833], %add3A_832 {strides = array<i32>} : memref<448xf32, #tpu.memory_space<vmem>>, vector<16xf32>,
    %add3A_835 = arith.constant 2304 : i32
    %add3A_836 = vector.broadcast %add3A_835 : i32 to vector<16xi32>
    %add3A_837 = arith.addi %mul3A_98, %add3A_836 : vector<16xi32>
    %gather3A_838 = tpu.vector_load_idx %arg5[%add3A_837] : memref<7168xf32, #tpu.memory_space<vmem>>[vector<16xi32>], vector<16xf32>,
    %add3A_839 = arith.addf %broadcast_in_dim3A_3, %gather3A_838 : vector<16xf32>
    %add3A_840 = arith.constant 2305 : i32
    %add3A_841 = vector.broadcast %add3A_840 : i32 to vector<16xi32>
    %add3A_842 = arith.addi %mul3A_98, %add3A_841 : vector<16xi32>
    %gather3A_843 = tpu.vector_load_idx %arg5[%add3A_842] : memref<7168xf32, #tpu.memory_space<vmem>>[vector<16xi32>], vector<16xf32>,
    %add3A_844 = arith.addf %add3A_839, %gather3A_843 : vector<16xf32>
    %add3A_845 = arith.constant 2306 : i32
    %add3A_846 = vector.broadcast %add3A_845 : i32 to vector<16xi32>
    %add3A_847 = arith.addi %mul3A_98, %add3A_846 : vector<16xi32>
    %gather3A_848 = tpu.vector_load_idx %arg5[%add3A_847] : memref<7168xf32, #tpu.memory_space<vmem>>[vector<16xi32>], vector<16xf32>,
    %add3A_849 = arith.addf %add3A_844, %gather3A_848 : vector<16xf32>
    %add3A_850 = arith.constant 2307 : i32
    %add3A_851 = vector.broadcast %add3A_850 : i32 to vector<16xi32>
    %add3A_852 = arith.addi %mul3A_98, %add3A_851 : vector<16xi32>
    %gather3A_853 = tpu.vector_load_idx %arg5[%add3A_852] : memref<7168xf32, #tpu.memory_space<vmem>>[vector<16xi32>], vector<16xf32>,
    %add3A_854 = arith.addf %add3A_849, %gather3A_853 : vector<16xf32>
    %add3A_855 = arith.constant 2308 : i32
    %add3A_856 = vector.broadcast %add3A_855 : i32 to vector<16xi32>
    %add3A_857 = arith.addi %mul3A_98, %add3A_856 : vector<16xi32>
    %gather3A_858 = tpu.vector_load_idx %arg5[%add3A_857] : memref<7168xf32, #tpu.memory_space<vmem>>[vector<16xi32>], vector<16xf32>,
    %add3A_859 = arith.addf %add3A_854, %gather3A_858 : vector<16xf32>
    %add3A_860 = arith.constant 2309 : i32
    %add3A_861 = vector.broadcast %add3A_860 : i32 to vector<16xi32>
    %add3A_862 = arith.addi %mul3A_98, %add3A_861 : vector<16xi32>
    %gather3A_863 = tpu.vector_load_idx %arg5[%add3A_862] : memref<7168xf32, #tpu.memory_space<vmem>>[vector<16xi32>], vector<16xf32>,
    %add3A_864 = arith.addf %add3A_859, %gather3A_863 : vector<16xf32>
    %add3A_865 = arith.constant 2310 : i32
    %add3A_866 = vector.broadcast %add3A_865 : i32 to vector<16xi32>
    %add3A_867 = arith.addi %mul3A_98, %add3A_866 : vector<16xi32>
    %gather3A_868 = tpu.vector_load_idx %arg5[%add3A_867] : memref<7168xf32, #tpu.memory_space<vmem>>[vector<16xi32>], vector<16xf32>,
    %add3A_869 = arith.addf %add3A_864, %gather3A_868 : vector<16xf32>
    %add3A_870 = arith.constant 2311 : i32
    %add3A_871 = vector.broadcast %add3A_870 : i32 to vector<16xi32>
    %add3A_872 = arith.addi %mul3A_98, %add3A_871 : vector<16xi32>
    %gather3A_873 = tpu.vector_load_idx %arg5[%add3A_872] : memref<7168xf32, #tpu.memory_space<vmem>>[vector<16xi32>], vector<16xf32>,
    %add3A_874 = arith.addf %add3A_869, %gather3A_873 : vector<16xf32>
    %add3A_875 = arith.constant 2312 : i32
    %add3A_876 = vector.broadcast %add3A_875 : i32 to vector<16xi32>
    %add3A_877 = arith.addi %mul3A_98, %add3A_876 : vector<16xi32>
    %gather3A_878 = tpu.vector_load_idx %arg5[%add3A_877] : memref<7168xf32, #tpu.memory_space<vmem>>[vector<16xi32>], vector<16xf32>,
    %add3A_879 = arith.addf %add3A_874, %gather3A_878 : vector<16xf32>
    %add3A_880 = arith.constant 2313 : i32
    %add3A_881 = vector.broadcast %add3A_880 : i32 to vector<16xi32>
    %add3A_882 = arith.addi %mul3A_98, %add3A_881 : vector<16xi32>
    %gather3A_883 = tpu.vector_load_idx %arg5[%add3A_882] : memref<7168xf32, #tpu.memory_space<vmem>>[vector<16xi32>], vector<16xf32>,
    %add3A_884 = arith.addf %add3A_879, %gather3A_883 : vector<16xf32>
    %add3A_885 = arith.constant 2314 : i32
    %add3A_886 = vector.broadcast %add3A_885 : i32 to vector<16xi32>
    %add3A_887 = arith.addi %mul3A_98, %add3A_886 : vector<16xi32>
    %gather3A_888 = tpu.vector_load_idx %arg5[%add3A_887] : memref<7168xf32, #tpu.memory_space<vmem>>[vector<16xi32>], vector<16xf32>,
    %add3A_889 = arith.addf %add3A_884, %gather3A_888 : vector<16xf32>
    %add3A_890 = arith.constant 2315 : i32
    %add3A_891 = vector.broadcast %add3A_890 : i32 to vector<16xi32>
    %add3A_892 = arith.addi %mul3A_98, %add3A_891 : vector<16xi32>
    %gather3A_893 = tpu.vector_load_idx %arg5[%add3A_892] : memref<7168xf32, #tpu.memory_space<vmem>>[vector<16xi32>], vector<16xf32>,
    %add3A_894 = arith.addf %add3A_889, %gather3A_893 : vector<16xf32>
    %add3A_895 = arith.constant 2316 : i32
    %add3A_896 = vector.broadcast %add3A_895 : i32 to vector<16xi32>
    %add3A_897 = arith.addi %mul3A_98, %add3A_896 : vector<16xi32>
    %gather3A_898 = tpu.vector_load_idx %arg5[%add3A_897] : memref<7168xf32, #tpu.memory_space<vmem>>[vector<16xi32>], vector<16xf32>,
    %add3A_899 = arith.addf %add3A_894, %gather3A_898 : vector<16xf32>
    %add3A_900 = arith.constant 2317 : i32
    %add3A_901 = vector.broadcast %add3A_900 : i32 to vector<16xi32>
    %add3A_902 = arith.addi %mul3A_98, %add3A_901 : vector<16xi32>
    %gather3A_903 = tpu.vector_load_idx %arg5[%add3A_902] : memref<7168xf32, #tpu.memory_space<vmem>>[vector<16xi32>], vector<16xf32>,
    %add3A_904 = arith.addf %add3A_899, %gather3A_903 : vector<16xf32>
    %add3A_905 = arith.constant 2318 : i32
    %add3A_906 = vector.broadcast %add3A_905 : i32 to vector<16xi32>
    %add3A_907 = arith.addi %mul3A_98, %add3A_906 : vector<16xi32>
    %gather3A_908 = tpu.vector_load_idx %arg5[%add3A_907] : memref<7168xf32, #tpu.memory_space<vmem>>[vector<16xi32>], vector<16xf32>,
    %add3A_909 = arith.addf %add3A_904, %gather3A_908 : vector<16xf32>
    %add3A_910 = arith.constant 2319 : i32
    %add3A_911 = vector.broadcast %add3A_910 : i32 to vector<16xi32>
    %add3A_912 = arith.addi %mul3A_98, %add3A_911 : vector<16xi32>
    %gather3A_913 = tpu.vector_load_idx %arg5[%add3A_912] : memref<7168xf32, #tpu.memory_space<vmem>>[vector<16xi32>], vector<16xf32>,
    %add3A_914 = arith.addf %add3A_909, %gather3A_913 : vector<16xf32>
    %swap3A_915 = arith.constant 144 : index
    %swap3A_916 = tpu.vector_load %arg6[%swap3A_915] {strides = array<i32>} : memref<448xf32, #tpu.memory_space<vmem>>, vector<16xf32>,
    tpu.vector_store %arg6[%swap3A_915], %add3A_914 {strides = array<i32>} : memref<448xf32, #tpu.memory_space<vmem>>, vector<16xf32>,
    %add3A_917 = arith.constant 2560 : i32
    %add3A_918 = vector.broadcast %add3A_917 : i32 to vector<16xi32>
    %add3A_919 = arith.addi %mul3A_98, %add3A_918 : vector<16xi32>
    %gather3A_920 = tpu.vector_load_idx %arg5[%add3A_919] : memref<7168xf32, #tpu.memory_space<vmem>>[vector<16xi32>], vector<16xf32>,
    %add3A_921 = arith.addf %broadcast_in_dim3A_3, %gather3A_920 : vector<16xf32>
    %add3A_922 = arith.constant 2561 : i32
    %add3A_923 = vector.broadcast %add3A_922 : i32 to vector<16xi32>
    %add3A_924 = arith.addi %mul3A_98, %add3A_923 : vector<16xi32>
    %gather3A_925 = tpu.vector_load_idx %arg5[%add3A_924] : memref<7168xf32, #tpu.memory_space<vmem>>[vector<16xi32>], vector<16xf32>,
    %add3A_926 = arith.addf %add3A_921, %gather3A_925 : vector<16xf32>
    %add3A_927 = arith.constant 2562 : i32
    %add3A_928 = vector.broadcast %add3A_927 : i32 to vector<16xi32>
    %add3A_929 = arith.addi %mul3A_98, %add3A_928 : vector<16xi32>
    %gather3A_930 = tpu.vector_load_idx %arg5[%add3A_929] : memref<7168xf32, #tpu.memory_space<vmem>>[vector<16xi32>], vector<16xf32>,
    %add3A_931 = arith.addf %add3A_926, %gather3A_930 : vector<16xf32>
    %add3A_932 = arith.constant 2563 : i32
    %add3A_933 = vector.broadcast %add3A_932 : i32 to vector<16xi32>
    %add3A_934 = arith.addi %mul3A_98, %add3A_933 : vector<16xi32>
    %gather3A_935 = tpu.vector_load_idx %arg5[%add3A_934] : memref<7168xf32, #tpu.memory_space<vmem>>[vector<16xi32>], vector<16xf32>,
    %add3A_936 = arith.addf %add3A_931, %gather3A_935 : vector<16xf32>
    %add3A_937 = arith.constant 2564 : i32
    %add3A_938 = vector.broadcast %add3A_937 : i32 to vector<16xi32>
    %add3A_939 = arith.addi %mul3A_98, %add3A_938 : vector<16xi32>
    %gather3A_940 = tpu.vector_load_idx %arg5[%add3A_939] : memref<7168xf32, #tpu.memory_space<vmem>>[vector<16xi32>], vector<16xf32>,
    %add3A_941 = arith.addf %add3A_936, %gather3A_940 : vector<16xf32>
    %add3A_942 = arith.constant 2565 : i32
    %add3A_943 = vector.broadcast %add3A_942 : i32 to vector<16xi32>
    %add3A_944 = arith.addi %mul3A_98, %add3A_943 : vector<16xi32>
    %gather3A_945 = tpu.vector_load_idx %arg5[%add3A_944] : memref<7168xf32, #tpu.memory_space<vmem>>[vector<16xi32>], vector<16xf32>,
    %add3A_946 = arith.addf %add3A_941, %gather3A_945 : vector<16xf32>
    %add3A_947 = arith.constant 2566 : i32
    %add3A_948 = vector.broadcast %add3A_947 : i32 to vector<16xi32>
    %add3A_949 = arith.addi %mul3A_98, %add3A_948 : vector<16xi32>
    %gather3A_950 = tpu.vector_load_idx %arg5[%add3A_949] : memref<7168xf32, #tpu.memory_space<vmem>>[vector<16xi32>], vector<16xf32>,
    %add3A_951 = arith.addf %add3A_946, %gather3A_950 : vector<16xf32>
    %add3A_952 = arith.constant 2567 : i32
    %add3A_953 = vector.broadcast %add3A_952 : i32 to vector<16xi32>
    %add3A_954 = arith.addi %mul3A_98, %add3A_953 : vector<16xi32>
    %gather3A_955 = tpu.vector_load_idx %arg5[%add3A_954] : memref<7168xf32, #tpu.memory_space<vmem>>[vector<16xi32>], vector<16xf32>,
    %add3A_956 = arith.addf %add3A_951, %gather3A_955 : vector<16xf32>
    %add3A_957 = arith.constant 2568 : i32
    %add3A_958 = vector.broadcast %add3A_957 : i32 to vector<16xi32>
    %add3A_959 = arith.addi %mul3A_98, %add3A_958 : vector<16xi32>
    %gather3A_960 = tpu.vector_load_idx %arg5[%add3A_959] : memref<7168xf32, #tpu.memory_space<vmem>>[vector<16xi32>], vector<16xf32>,
    %add3A_961 = arith.addf %add3A_956, %gather3A_960 : vector<16xf32>
    %add3A_962 = arith.constant 2569 : i32
    %add3A_963 = vector.broadcast %add3A_962 : i32 to vector<16xi32>
    %add3A_964 = arith.addi %mul3A_98, %add3A_963 : vector<16xi32>
    %gather3A_965 = tpu.vector_load_idx %arg5[%add3A_964] : memref<7168xf32, #tpu.memory_space<vmem>>[vector<16xi32>], vector<16xf32>,
    %add3A_966 = arith.addf %add3A_961, %gather3A_965 : vector<16xf32>
    %add3A_967 = arith.constant 2570 : i32
    %add3A_968 = vector.broadcast %add3A_967 : i32 to vector<16xi32>
    %add3A_969 = arith.addi %mul3A_98, %add3A_968 : vector<16xi32>
    %gather3A_970 = tpu.vector_load_idx %arg5[%add3A_969] : memref<7168xf32, #tpu.memory_space<vmem>>[vector<16xi32>], vector<16xf32>,
    %add3A_971 = arith.addf %add3A_966, %gather3A_970 : vector<16xf32>
    %add3A_972 = arith.constant 2571 : i32
    %add3A_973 = vector.broadcast %add3A_972 : i32 to vector<16xi32>
    %add3A_974 = arith.addi %mul3A_98, %add3A_973 : vector<16xi32>
    %gather3A_975 = tpu.vector_load_idx %arg5[%add3A_974] : memref<7168xf32, #tpu.memory_space<vmem>>[vector<16xi32>], vector<16xf32>,
    %add3A_976 = arith.addf %add3A_971, %gather3A_975 : vector<16xf32>
    %add3A_977 = arith.constant 2572 : i32
    %add3A_978 = vector.broadcast %add3A_977 : i32 to vector<16xi32>
    %add3A_979 = arith.addi %mul3A_98, %add3A_978 : vector<16xi32>
    %gather3A_980 = tpu.vector_load_idx %arg5[%add3A_979] : memref<7168xf32, #tpu.memory_space<vmem>>[vector<16xi32>], vector<16xf32>,
    %add3A_981 = arith.addf %add3A_976, %gather3A_980 : vector<16xf32>
    %add3A_982 = arith.constant 2573 : i32
    %add3A_983 = vector.broadcast %add3A_982 : i32 to vector<16xi32>
    %add3A_984 = arith.addi %mul3A_98, %add3A_983 : vector<16xi32>
    %gather3A_985 = tpu.vector_load_idx %arg5[%add3A_984] : memref<7168xf32, #tpu.memory_space<vmem>>[vector<16xi32>], vector<16xf32>,
    %add3A_986 = arith.addf %add3A_981, %gather3A_985 : vector<16xf32>
    %add3A_987 = arith.constant 2574 : i32
    %add3A_988 = vector.broadcast %add3A_987 : i32 to vector<16xi32>
    %add3A_989 = arith.addi %mul3A_98, %add3A_988 : vector<16xi32>
    %gather3A_990 = tpu.vector_load_idx %arg5[%add3A_989] : memref<7168xf32, #tpu.memory_space<vmem>>[vector<16xi32>], vector<16xf32>,
    %add3A_991 = arith.addf %add3A_986, %gather3A_990 : vector<16xf32>
    %add3A_992 = arith.constant 2575 : i32
    %add3A_993 = vector.broadcast %add3A_992 : i32 to vector<16xi32>
    %add3A_994 = arith.addi %mul3A_98, %add3A_993 : vector<16xi32>
    %gather3A_995 = tpu.vector_load_idx %arg5[%add3A_994] : memref<7168xf32, #tpu.memory_space<vmem>>[vector<16xi32>], vector<16xf32>,
    %add3A_996 = arith.addf %add3A_991, %gather3A_995 : vector<16xf32>
    %swap3A_997 = arith.constant 160 : index
    %swap3A_998 = tpu.vector_load %arg6[%swap3A_997] {strides = array<i32>} : memref<448xf32, #tpu.memory_space<vmem>>, vector<16xf32>,
    tpu.vector_store %arg6[%swap3A_997], %add3A_996 {strides = array<i32>} : memref<448xf32, #tpu.memory_space<vmem>>, vector<16xf32>,
    %add3A_999 = arith.constant 2816 : i32
    %add3A_1000 = vector.broadcast %add3A_999 : i32 to vector<16xi32>
    %add3A_1001 = arith.addi %mul3A_98, %add3A_1000 : vector<16xi32>
    %gather3A_1002 = tpu.vector_load_idx %arg5[%add3A_1001] : memref<7168xf32, #tpu.memory_space<vmem>>[vector<16xi32>], vector<16xf32>,
    %add3A_1003 = arith.addf %broadcast_in_dim3A_3, %gather3A_1002 : vector<16xf32>
    %add3A_1004 = arith.constant 2817 : i32
    %add3A_1005 = vector.broadcast %add3A_1004 : i32 to vector<16xi32>
    %add3A_1006 = arith.addi %mul3A_98, %add3A_1005 : vector<16xi32>
    %gather3A_1007 = tpu.vector_load_idx %arg5[%add3A_1006] : memref<7168xf32, #tpu.memory_space<vmem>>[vector<16xi32>], vector<16xf32>,
    %add3A_1008 = arith.addf %add3A_1003, %gather3A_1007 : vector<16xf32>
    %add3A_1009 = arith.constant 2818 : i32
    %add3A_1010 = vector.broadcast %add3A_1009 : i32 to vector<16xi32>
    %add3A_1011 = arith.addi %mul3A_98, %add3A_1010 : vector<16xi32>
    %gather3A_1012 = tpu.vector_load_idx %arg5[%add3A_1011] : memref<7168xf32, #tpu.memory_space<vmem>>[vector<16xi32>], vector<16xf32>,
    %add3A_1013 = arith.addf %add3A_1008, %gather3A_1012 : vector<16xf32>
    %add3A_1014 = arith.constant 2819 : i32
    %add3A_1015 = vector.broadcast %add3A_1014 : i32 to vector<16xi32>
    %add3A_1016 = arith.addi %mul3A_98, %add3A_1015 : vector<16xi32>
    %gather3A_1017 = tpu.vector_load_idx %arg5[%add3A_1016] : memref<7168xf32, #tpu.memory_space<vmem>>[vector<16xi32>], vector<16xf32>,
    %add3A_1018 = arith.addf %add3A_1013, %gather3A_1017 : vector<16xf32>
    %add3A_1019 = arith.constant 2820 : i32
    %add3A_1020 = vector.broadcast %add3A_1019 : i32 to vector<16xi32>
    %add3A_1021 = arith.addi %mul3A_98, %add3A_1020 : vector<16xi32>
    %gather3A_1022 = tpu.vector_load_idx %arg5[%add3A_1021] : memref<7168xf32, #tpu.memory_space<vmem>>[vector<16xi32>], vector<16xf32>,
    %add3A_1023 = arith.addf %add3A_1018, %gather3A_1022 : vector<16xf32>
    %add3A_1024 = arith.constant 2821 : i32
    %add3A_1025 = vector.broadcast %add3A_1024 : i32 to vector<16xi32>
    %add3A_1026 = arith.addi %mul3A_98, %add3A_1025 : vector<16xi32>
    %gather3A_1027 = tpu.vector_load_idx %arg5[%add3A_1026] : memref<7168xf32, #tpu.memory_space<vmem>>[vector<16xi32>], vector<16xf32>,
    %add3A_1028 = arith.addf %add3A_1023, %gather3A_1027 : vector<16xf32>
    %add3A_1029 = arith.constant 2822 : i32
    %add3A_1030 = vector.broadcast %add3A_1029 : i32 to vector<16xi32>
    %add3A_1031 = arith.addi %mul3A_98, %add3A_1030 : vector<16xi32>
    %gather3A_1032 = tpu.vector_load_idx %arg5[%add3A_1031] : memref<7168xf32, #tpu.memory_space<vmem>>[vector<16xi32>], vector<16xf32>,
    %add3A_1033 = arith.addf %add3A_1028, %gather3A_1032 : vector<16xf32>
    %add3A_1034 = arith.constant 2823 : i32
    %add3A_1035 = vector.broadcast %add3A_1034 : i32 to vector<16xi32>
    %add3A_1036 = arith.addi %mul3A_98, %add3A_1035 : vector<16xi32>
    %gather3A_1037 = tpu.vector_load_idx %arg5[%add3A_1036] : memref<7168xf32, #tpu.memory_space<vmem>>[vector<16xi32>], vector<16xf32>,
    %add3A_1038 = arith.addf %add3A_1033, %gather3A_1037 : vector<16xf32>
    %add3A_1039 = arith.constant 2824 : i32
    %add3A_1040 = vector.broadcast %add3A_1039 : i32 to vector<16xi32>
    %add3A_1041 = arith.addi %mul3A_98, %add3A_1040 : vector<16xi32>
    %gather3A_1042 = tpu.vector_load_idx %arg5[%add3A_1041] : memref<7168xf32, #tpu.memory_space<vmem>>[vector<16xi32>], vector<16xf32>,
    %add3A_1043 = arith.addf %add3A_1038, %gather3A_1042 : vector<16xf32>
    %add3A_1044 = arith.constant 2825 : i32
    %add3A_1045 = vector.broadcast %add3A_1044 : i32 to vector<16xi32>
    %add3A_1046 = arith.addi %mul3A_98, %add3A_1045 : vector<16xi32>
    %gather3A_1047 = tpu.vector_load_idx %arg5[%add3A_1046] : memref<7168xf32, #tpu.memory_space<vmem>>[vector<16xi32>], vector<16xf32>,
    %add3A_1048 = arith.addf %add3A_1043, %gather3A_1047 : vector<16xf32>
    %add3A_1049 = arith.constant 2826 : i32
    %add3A_1050 = vector.broadcast %add3A_1049 : i32 to vector<16xi32>
    %add3A_1051 = arith.addi %mul3A_98, %add3A_1050 : vector<16xi32>
    %gather3A_1052 = tpu.vector_load_idx %arg5[%add3A_1051] : memref<7168xf32, #tpu.memory_space<vmem>>[vector<16xi32>], vector<16xf32>,
    %add3A_1053 = arith.addf %add3A_1048, %gather3A_1052 : vector<16xf32>
    %add3A_1054 = arith.constant 2827 : i32
    %add3A_1055 = vector.broadcast %add3A_1054 : i32 to vector<16xi32>
    %add3A_1056 = arith.addi %mul3A_98, %add3A_1055 : vector<16xi32>
    %gather3A_1057 = tpu.vector_load_idx %arg5[%add3A_1056] : memref<7168xf32, #tpu.memory_space<vmem>>[vector<16xi32>], vector<16xf32>,
    %add3A_1058 = arith.addf %add3A_1053, %gather3A_1057 : vector<16xf32>
    %add3A_1059 = arith.constant 2828 : i32
    %add3A_1060 = vector.broadcast %add3A_1059 : i32 to vector<16xi32>
    %add3A_1061 = arith.addi %mul3A_98, %add3A_1060 : vector<16xi32>
    %gather3A_1062 = tpu.vector_load_idx %arg5[%add3A_1061] : memref<7168xf32, #tpu.memory_space<vmem>>[vector<16xi32>], vector<16xf32>,
    %add3A_1063 = arith.addf %add3A_1058, %gather3A_1062 : vector<16xf32>
    %add3A_1064 = arith.constant 2829 : i32
    %add3A_1065 = vector.broadcast %add3A_1064 : i32 to vector<16xi32>
    %add3A_1066 = arith.addi %mul3A_98, %add3A_1065 : vector<16xi32>
    %gather3A_1067 = tpu.vector_load_idx %arg5[%add3A_1066] : memref<7168xf32, #tpu.memory_space<vmem>>[vector<16xi32>], vector<16xf32>,
    %add3A_1068 = arith.addf %add3A_1063, %gather3A_1067 : vector<16xf32>
    %add3A_1069 = arith.constant 2830 : i32
    %add3A_1070 = vector.broadcast %add3A_1069 : i32 to vector<16xi32>
    %add3A_1071 = arith.addi %mul3A_98, %add3A_1070 : vector<16xi32>
    %gather3A_1072 = tpu.vector_load_idx %arg5[%add3A_1071] : memref<7168xf32, #tpu.memory_space<vmem>>[vector<16xi32>], vector<16xf32>,
    %add3A_1073 = arith.addf %add3A_1068, %gather3A_1072 : vector<16xf32>
    %add3A_1074 = arith.constant 2831 : i32
    %add3A_1075 = vector.broadcast %add3A_1074 : i32 to vector<16xi32>
    %add3A_1076 = arith.addi %mul3A_98, %add3A_1075 : vector<16xi32>
    %gather3A_1077 = tpu.vector_load_idx %arg5[%add3A_1076] : memref<7168xf32, #tpu.memory_space<vmem>>[vector<16xi32>], vector<16xf32>,
    %add3A_1078 = arith.addf %add3A_1073, %gather3A_1077 : vector<16xf32>
    %swap3A_1079 = arith.constant 176 : index
    %swap3A_1080 = tpu.vector_load %arg6[%swap3A_1079] {strides = array<i32>} : memref<448xf32, #tpu.memory_space<vmem>>, vector<16xf32>,
    tpu.vector_store %arg6[%swap3A_1079], %add3A_1078 {strides = array<i32>} : memref<448xf32, #tpu.memory_space<vmem>>, vector<16xf32>,
    %add3A_1081 = arith.constant 3072 : i32
    %add3A_1082 = vector.broadcast %add3A_1081 : i32 to vector<16xi32>
    %add3A_1083 = arith.addi %mul3A_98, %add3A_1082 : vector<16xi32>
    %gather3A_1084 = tpu.vector_load_idx %arg5[%add3A_1083] : memref<7168xf32, #tpu.memory_space<vmem>>[vector<16xi32>], vector<16xf32>,
    %add3A_1085 = arith.addf %broadcast_in_dim3A_3, %gather3A_1084 : vector<16xf32>
    %add3A_1086 = arith.constant 3073 : i32
    %add3A_1087 = vector.broadcast %add3A_1086 : i32 to vector<16xi32>
    %add3A_1088 = arith.addi %mul3A_98, %add3A_1087 : vector<16xi32>
    %gather3A_1089 = tpu.vector_load_idx %arg5[%add3A_1088] : memref<7168xf32, #tpu.memory_space<vmem>>[vector<16xi32>], vector<16xf32>,
    %add3A_1090 = arith.addf %add3A_1085, %gather3A_1089 : vector<16xf32>
    %add3A_1091 = arith.constant 3074 : i32
    %add3A_1092 = vector.broadcast %add3A_1091 : i32 to vector<16xi32>
    %add3A_1093 = arith.addi %mul3A_98, %add3A_1092 : vector<16xi32>
    %gather3A_1094 = tpu.vector_load_idx %arg5[%add3A_1093] : memref<7168xf32, #tpu.memory_space<vmem>>[vector<16xi32>], vector<16xf32>,
    %add3A_1095 = arith.addf %add3A_1090, %gather3A_1094 : vector<16xf32>
    %add3A_1096 = arith.constant 3075 : i32
    %add3A_1097 = vector.broadcast %add3A_1096 : i32 to vector<16xi32>
    %add3A_1098 = arith.addi %mul3A_98, %add3A_1097 : vector<16xi32>
    %gather3A_1099 = tpu.vector_load_idx %arg5[%add3A_1098] : memref<7168xf32, #tpu.memory_space<vmem>>[vector<16xi32>], vector<16xf32>,
    %add3A_1100 = arith.addf %add3A_1095, %gather3A_1099 : vector<16xf32>
    %add3A_1101 = arith.constant 3076 : i32
    %add3A_1102 = vector.broadcast %add3A_1101 : i32 to vector<16xi32>
    %add3A_1103 = arith.addi %mul3A_98, %add3A_1102 : vector<16xi32>
    %gather3A_1104 = tpu.vector_load_idx %arg5[%add3A_1103] : memref<7168xf32, #tpu.memory_space<vmem>>[vector<16xi32>], vector<16xf32>,
    %add3A_1105 = arith.addf %add3A_1100, %gather3A_1104 : vector<16xf32>
    %add3A_1106 = arith.constant 3077 : i32
    %add3A_1107 = vector.broadcast %add3A_1106 : i32 to vector<16xi32>
    %add3A_1108 = arith.addi %mul3A_98, %add3A_1107 : vector<16xi32>
    %gather3A_1109 = tpu.vector_load_idx %arg5[%add3A_1108] : memref<7168xf32, #tpu.memory_space<vmem>>[vector<16xi32>], vector<16xf32>,
    %add3A_1110 = arith.addf %add3A_1105, %gather3A_1109 : vector<16xf32>
    %add3A_1111 = arith.constant 3078 : i32
    %add3A_1112 = vector.broadcast %add3A_1111 : i32 to vector<16xi32>
    %add3A_1113 = arith.addi %mul3A_98, %add3A_1112 : vector<16xi32>
    %gather3A_1114 = tpu.vector_load_idx %arg5[%add3A_1113] : memref<7168xf32, #tpu.memory_space<vmem>>[vector<16xi32>], vector<16xf32>,
    %add3A_1115 = arith.addf %add3A_1110, %gather3A_1114 : vector<16xf32>
    %add3A_1116 = arith.constant 3079 : i32
    %add3A_1117 = vector.broadcast %add3A_1116 : i32 to vector<16xi32>
    %add3A_1118 = arith.addi %mul3A_98, %add3A_1117 : vector<16xi32>
    %gather3A_1119 = tpu.vector_load_idx %arg5[%add3A_1118] : memref<7168xf32, #tpu.memory_space<vmem>>[vector<16xi32>], vector<16xf32>,
    %add3A_1120 = arith.addf %add3A_1115, %gather3A_1119 : vector<16xf32>
    %add3A_1121 = arith.constant 3080 : i32
    %add3A_1122 = vector.broadcast %add3A_1121 : i32 to vector<16xi32>
    %add3A_1123 = arith.addi %mul3A_98, %add3A_1122 : vector<16xi32>
    %gather3A_1124 = tpu.vector_load_idx %arg5[%add3A_1123] : memref<7168xf32, #tpu.memory_space<vmem>>[vector<16xi32>], vector<16xf32>,
    %add3A_1125 = arith.addf %add3A_1120, %gather3A_1124 : vector<16xf32>
    %add3A_1126 = arith.constant 3081 : i32
    %add3A_1127 = vector.broadcast %add3A_1126 : i32 to vector<16xi32>
    %add3A_1128 = arith.addi %mul3A_98, %add3A_1127 : vector<16xi32>
    %gather3A_1129 = tpu.vector_load_idx %arg5[%add3A_1128] : memref<7168xf32, #tpu.memory_space<vmem>>[vector<16xi32>], vector<16xf32>,
    %add3A_1130 = arith.addf %add3A_1125, %gather3A_1129 : vector<16xf32>
    %add3A_1131 = arith.constant 3082 : i32
    %add3A_1132 = vector.broadcast %add3A_1131 : i32 to vector<16xi32>
    %add3A_1133 = arith.addi %mul3A_98, %add3A_1132 : vector<16xi32>
    %gather3A_1134 = tpu.vector_load_idx %arg5[%add3A_1133] : memref<7168xf32, #tpu.memory_space<vmem>>[vector<16xi32>], vector<16xf32>,
    %add3A_1135 = arith.addf %add3A_1130, %gather3A_1134 : vector<16xf32>
    %add3A_1136 = arith.constant 3083 : i32
    %add3A_1137 = vector.broadcast %add3A_1136 : i32 to vector<16xi32>
    %add3A_1138 = arith.addi %mul3A_98, %add3A_1137 : vector<16xi32>
    %gather3A_1139 = tpu.vector_load_idx %arg5[%add3A_1138] : memref<7168xf32, #tpu.memory_space<vmem>>[vector<16xi32>], vector<16xf32>,
    %add3A_1140 = arith.addf %add3A_1135, %gather3A_1139 : vector<16xf32>
    %add3A_1141 = arith.constant 3084 : i32
    %add3A_1142 = vector.broadcast %add3A_1141 : i32 to vector<16xi32>
    %add3A_1143 = arith.addi %mul3A_98, %add3A_1142 : vector<16xi32>
    %gather3A_1144 = tpu.vector_load_idx %arg5[%add3A_1143] : memref<7168xf32, #tpu.memory_space<vmem>>[vector<16xi32>], vector<16xf32>,
    %add3A_1145 = arith.addf %add3A_1140, %gather3A_1144 : vector<16xf32>
    %add3A_1146 = arith.constant 3085 : i32
    %add3A_1147 = vector.broadcast %add3A_1146 : i32 to vector<16xi32>
    %add3A_1148 = arith.addi %mul3A_98, %add3A_1147 : vector<16xi32>
    %gather3A_1149 = tpu.vector_load_idx %arg5[%add3A_1148] : memref<7168xf32, #tpu.memory_space<vmem>>[vector<16xi32>], vector<16xf32>,
    %add3A_1150 = arith.addf %add3A_1145, %gather3A_1149 : vector<16xf32>
    %add3A_1151 = arith.constant 3086 : i32
    %add3A_1152 = vector.broadcast %add3A_1151 : i32 to vector<16xi32>
    %add3A_1153 = arith.addi %mul3A_98, %add3A_1152 : vector<16xi32>
    %gather3A_1154 = tpu.vector_load_idx %arg5[%add3A_1153] : memref<7168xf32, #tpu.memory_space<vmem>>[vector<16xi32>], vector<16xf32>,
    %add3A_1155 = arith.addf %add3A_1150, %gather3A_1154 : vector<16xf32>
    %add3A_1156 = arith.constant 3087 : i32
    %add3A_1157 = vector.broadcast %add3A_1156 : i32 to vector<16xi32>
    %add3A_1158 = arith.addi %mul3A_98, %add3A_1157 : vector<16xi32>
    %gather3A_1159 = tpu.vector_load_idx %arg5[%add3A_1158] : memref<7168xf32, #tpu.memory_space<vmem>>[vector<16xi32>], vector<16xf32>,
    %add3A_1160 = arith.addf %add3A_1155, %gather3A_1159 : vector<16xf32>
    %swap3A_1161 = arith.constant 192 : index
    %swap3A_1162 = tpu.vector_load %arg6[%swap3A_1161] {strides = array<i32>} : memref<448xf32, #tpu.memory_space<vmem>>, vector<16xf32>,
    tpu.vector_store %arg6[%swap3A_1161], %add3A_1160 {strides = array<i32>} : memref<448xf32, #tpu.memory_space<vmem>>, vector<16xf32>,
    %add3A_1163 = arith.constant 3328 : i32
    %add3A_1164 = vector.broadcast %add3A_1163 : i32 to vector<16xi32>
    %add3A_1165 = arith.addi %mul3A_98, %add3A_1164 : vector<16xi32>
    %gather3A_1166 = tpu.vector_load_idx %arg5[%add3A_1165] : memref<7168xf32, #tpu.memory_space<vmem>>[vector<16xi32>], vector<16xf32>,
    %add3A_1167 = arith.addf %broadcast_in_dim3A_3, %gather3A_1166 : vector<16xf32>
    %add3A_1168 = arith.constant 3329 : i32
    %add3A_1169 = vector.broadcast %add3A_1168 : i32 to vector<16xi32>
    %add3A_1170 = arith.addi %mul3A_98, %add3A_1169 : vector<16xi32>
    %gather3A_1171 = tpu.vector_load_idx %arg5[%add3A_1170] : memref<7168xf32, #tpu.memory_space<vmem>>[vector<16xi32>], vector<16xf32>,
    %add3A_1172 = arith.addf %add3A_1167, %gather3A_1171 : vector<16xf32>
    %add3A_1173 = arith.constant 3330 : i32
    %add3A_1174 = vector.broadcast %add3A_1173 : i32 to vector<16xi32>
    %add3A_1175 = arith.addi %mul3A_98, %add3A_1174 : vector<16xi32>
    %gather3A_1176 = tpu.vector_load_idx %arg5[%add3A_1175] : memref<7168xf32, #tpu.memory_space<vmem>>[vector<16xi32>], vector<16xf32>,
    %add3A_1177 = arith.addf %add3A_1172, %gather3A_1176 : vector<16xf32>
    %add3A_1178 = arith.constant 3331 : i32
    %add3A_1179 = vector.broadcast %add3A_1178 : i32 to vector<16xi32>
    %add3A_1180 = arith.addi %mul3A_98, %add3A_1179 : vector<16xi32>
    %gather3A_1181 = tpu.vector_load_idx %arg5[%add3A_1180] : memref<7168xf32, #tpu.memory_space<vmem>>[vector<16xi32>], vector<16xf32>,
    %add3A_1182 = arith.addf %add3A_1177, %gather3A_1181 : vector<16xf32>
    %add3A_1183 = arith.constant 3332 : i32
    %add3A_1184 = vector.broadcast %add3A_1183 : i32 to vector<16xi32>
    %add3A_1185 = arith.addi %mul3A_98, %add3A_1184 : vector<16xi32>
    %gather3A_1186 = tpu.vector_load_idx %arg5[%add3A_1185] : memref<7168xf32, #tpu.memory_space<vmem>>[vector<16xi32>], vector<16xf32>,
    %add3A_1187 = arith.addf %add3A_1182, %gather3A_1186 : vector<16xf32>
    %add3A_1188 = arith.constant 3333 : i32
    %add3A_1189 = vector.broadcast %add3A_1188 : i32 to vector<16xi32>
    %add3A_1190 = arith.addi %mul3A_98, %add3A_1189 : vector<16xi32>
    %gather3A_1191 = tpu.vector_load_idx %arg5[%add3A_1190] : memref<7168xf32, #tpu.memory_space<vmem>>[vector<16xi32>], vector<16xf32>,
    %add3A_1192 = arith.addf %add3A_1187, %gather3A_1191 : vector<16xf32>
    %add3A_1193 = arith.constant 3334 : i32
    %add3A_1194 = vector.broadcast %add3A_1193 : i32 to vector<16xi32>
    %add3A_1195 = arith.addi %mul3A_98, %add3A_1194 : vector<16xi32>
    %gather3A_1196 = tpu.vector_load_idx %arg5[%add3A_1195] : memref<7168xf32, #tpu.memory_space<vmem>>[vector<16xi32>], vector<16xf32>,
    %add3A_1197 = arith.addf %add3A_1192, %gather3A_1196 : vector<16xf32>
    %add3A_1198 = arith.constant 3335 : i32
    %add3A_1199 = vector.broadcast %add3A_1198 : i32 to vector<16xi32>
    %add3A_1200 = arith.addi %mul3A_98, %add3A_1199 : vector<16xi32>
    %gather3A_1201 = tpu.vector_load_idx %arg5[%add3A_1200] : memref<7168xf32, #tpu.memory_space<vmem>>[vector<16xi32>], vector<16xf32>,
    %add3A_1202 = arith.addf %add3A_1197, %gather3A_1201 : vector<16xf32>
    %add3A_1203 = arith.constant 3336 : i32
    %add3A_1204 = vector.broadcast %add3A_1203 : i32 to vector<16xi32>
    %add3A_1205 = arith.addi %mul3A_98, %add3A_1204 : vector<16xi32>
    %gather3A_1206 = tpu.vector_load_idx %arg5[%add3A_1205] : memref<7168xf32, #tpu.memory_space<vmem>>[vector<16xi32>], vector<16xf32>,
    %add3A_1207 = arith.addf %add3A_1202, %gather3A_1206 : vector<16xf32>
    %add3A_1208 = arith.constant 3337 : i32
    %add3A_1209 = vector.broadcast %add3A_1208 : i32 to vector<16xi32>
    %add3A_1210 = arith.addi %mul3A_98, %add3A_1209 : vector<16xi32>
    %gather3A_1211 = tpu.vector_load_idx %arg5[%add3A_1210] : memref<7168xf32, #tpu.memory_space<vmem>>[vector<16xi32>], vector<16xf32>,
    %add3A_1212 = arith.addf %add3A_1207, %gather3A_1211 : vector<16xf32>
    %add3A_1213 = arith.constant 3338 : i32
    %add3A_1214 = vector.broadcast %add3A_1213 : i32 to vector<16xi32>
    %add3A_1215 = arith.addi %mul3A_98, %add3A_1214 : vector<16xi32>
    %gather3A_1216 = tpu.vector_load_idx %arg5[%add3A_1215] : memref<7168xf32, #tpu.memory_space<vmem>>[vector<16xi32>], vector<16xf32>,
    %add3A_1217 = arith.addf %add3A_1212, %gather3A_1216 : vector<16xf32>
    %add3A_1218 = arith.constant 3339 : i32
    %add3A_1219 = vector.broadcast %add3A_1218 : i32 to vector<16xi32>
    %add3A_1220 = arith.addi %mul3A_98, %add3A_1219 : vector<16xi32>
    %gather3A_1221 = tpu.vector_load_idx %arg5[%add3A_1220] : memref<7168xf32, #tpu.memory_space<vmem>>[vector<16xi32>], vector<16xf32>,
    %add3A_1222 = arith.addf %add3A_1217, %gather3A_1221 : vector<16xf32>
    %add3A_1223 = arith.constant 3340 : i32
    %add3A_1224 = vector.broadcast %add3A_1223 : i32 to vector<16xi32>
    %add3A_1225 = arith.addi %mul3A_98, %add3A_1224 : vector<16xi32>
    %gather3A_1226 = tpu.vector_load_idx %arg5[%add3A_1225] : memref<7168xf32, #tpu.memory_space<vmem>>[vector<16xi32>], vector<16xf32>,
    %add3A_1227 = arith.addf %add3A_1222, %gather3A_1226 : vector<16xf32>
    %add3A_1228 = arith.constant 3341 : i32
    %add3A_1229 = vector.broadcast %add3A_1228 : i32 to vector<16xi32>
    %add3A_1230 = arith.addi %mul3A_98, %add3A_1229 : vector<16xi32>
    %gather3A_1231 = tpu.vector_load_idx %arg5[%add3A_1230] : memref<7168xf32, #tpu.memory_space<vmem>>[vector<16xi32>], vector<16xf32>,
    %add3A_1232 = arith.addf %add3A_1227, %gather3A_1231 : vector<16xf32>
    %add3A_1233 = arith.constant 3342 : i32
    %add3A_1234 = vector.broadcast %add3A_1233 : i32 to vector<16xi32>
    %add3A_1235 = arith.addi %mul3A_98, %add3A_1234 : vector<16xi32>
    %gather3A_1236 = tpu.vector_load_idx %arg5[%add3A_1235] : memref<7168xf32, #tpu.memory_space<vmem>>[vector<16xi32>], vector<16xf32>,
    %add3A_1237 = arith.addf %add3A_1232, %gather3A_1236 : vector<16xf32>
    %add3A_1238 = arith.constant 3343 : i32
    %add3A_1239 = vector.broadcast %add3A_1238 : i32 to vector<16xi32>
    %add3A_1240 = arith.addi %mul3A_98, %add3A_1239 : vector<16xi32>
    %gather3A_1241 = tpu.vector_load_idx %arg5[%add3A_1240] : memref<7168xf32, #tpu.memory_space<vmem>>[vector<16xi32>], vector<16xf32>,
    %add3A_1242 = arith.addf %add3A_1237, %gather3A_1241 : vector<16xf32>
    %swap3A_1243 = arith.constant 208 : index
    %swap3A_1244 = tpu.vector_load %arg6[%swap3A_1243] {strides = array<i32>} : memref<448xf32, #tpu.memory_space<vmem>>, vector<16xf32>,
    tpu.vector_store %arg6[%swap3A_1243], %add3A_1242 {strides = array<i32>} : memref<448xf32, #tpu.memory_space<vmem>>, vector<16xf32>,
    %add3A_1245 = arith.constant 3584 : i32
    %add3A_1246 = vector.broadcast %add3A_1245 : i32 to vector<16xi32>
    %add3A_1247 = arith.addi %mul3A_98, %add3A_1246 : vector<16xi32>
    %gather3A_1248 = tpu.vector_load_idx %arg5[%add3A_1247] : memref<7168xf32, #tpu.memory_space<vmem>>[vector<16xi32>], vector<16xf32>,
    %add3A_1249 = arith.addf %broadcast_in_dim3A_3, %gather3A_1248 : vector<16xf32>
    %add3A_1250 = arith.constant 3585 : i32
    %add3A_1251 = vector.broadcast %add3A_1250 : i32 to vector<16xi32>
    %add3A_1252 = arith.addi %mul3A_98, %add3A_1251 : vector<16xi32>
    %gather3A_1253 = tpu.vector_load_idx %arg5[%add3A_1252] : memref<7168xf32, #tpu.memory_space<vmem>>[vector<16xi32>], vector<16xf32>,
    %add3A_1254 = arith.addf %add3A_1249, %gather3A_1253 : vector<16xf32>
    %add3A_1255 = arith.constant 3586 : i32
    %add3A_1256 = vector.broadcast %add3A_1255 : i32 to vector<16xi32>
    %add3A_1257 = arith.addi %mul3A_98, %add3A_1256 : vector<16xi32>
    %gather3A_1258 = tpu.vector_load_idx %arg5[%add3A_1257] : memref<7168xf32, #tpu.memory_space<vmem>>[vector<16xi32>], vector<16xf32>,
    %add3A_1259 = arith.addf %add3A_1254, %gather3A_1258 : vector<16xf32>
    %add3A_1260 = arith.constant 3587 : i32
    %add3A_1261 = vector.broadcast %add3A_1260 : i32 to vector<16xi32>
    %add3A_1262 = arith.addi %mul3A_98, %add3A_1261 : vector<16xi32>
    %gather3A_1263 = tpu.vector_load_idx %arg5[%add3A_1262] : memref<7168xf32, #tpu.memory_space<vmem>>[vector<16xi32>], vector<16xf32>,
    %add3A_1264 = arith.addf %add3A_1259, %gather3A_1263 : vector<16xf32>
    %add3A_1265 = arith.constant 3588 : i32
    %add3A_1266 = vector.broadcast %add3A_1265 : i32 to vector<16xi32>
    %add3A_1267 = arith.addi %mul3A_98, %add3A_1266 : vector<16xi32>
    %gather3A_1268 = tpu.vector_load_idx %arg5[%add3A_1267] : memref<7168xf32, #tpu.memory_space<vmem>>[vector<16xi32>], vector<16xf32>,
    %add3A_1269 = arith.addf %add3A_1264, %gather3A_1268 : vector<16xf32>
    %add3A_1270 = arith.constant 3589 : i32
    %add3A_1271 = vector.broadcast %add3A_1270 : i32 to vector<16xi32>
    %add3A_1272 = arith.addi %mul3A_98, %add3A_1271 : vector<16xi32>
    %gather3A_1273 = tpu.vector_load_idx %arg5[%add3A_1272] : memref<7168xf32, #tpu.memory_space<vmem>>[vector<16xi32>], vector<16xf32>,
    %add3A_1274 = arith.addf %add3A_1269, %gather3A_1273 : vector<16xf32>
    %add3A_1275 = arith.constant 3590 : i32
    %add3A_1276 = vector.broadcast %add3A_1275 : i32 to vector<16xi32>
    %add3A_1277 = arith.addi %mul3A_98, %add3A_1276 : vector<16xi32>
    %gather3A_1278 = tpu.vector_load_idx %arg5[%add3A_1277] : memref<7168xf32, #tpu.memory_space<vmem>>[vector<16xi32>], vector<16xf32>,
    %add3A_1279 = arith.addf %add3A_1274, %gather3A_1278 : vector<16xf32>
    %add3A_1280 = arith.constant 3591 : i32
    %add3A_1281 = vector.broadcast %add3A_1280 : i32 to vector<16xi32>
    %add3A_1282 = arith.addi %mul3A_98, %add3A_1281 : vector<16xi32>
    %gather3A_1283 = tpu.vector_load_idx %arg5[%add3A_1282] : memref<7168xf32, #tpu.memory_space<vmem>>[vector<16xi32>], vector<16xf32>,
    %add3A_1284 = arith.addf %add3A_1279, %gather3A_1283 : vector<16xf32>
    %add3A_1285 = arith.constant 3592 : i32
    %add3A_1286 = vector.broadcast %add3A_1285 : i32 to vector<16xi32>
    %add3A_1287 = arith.addi %mul3A_98, %add3A_1286 : vector<16xi32>
    %gather3A_1288 = tpu.vector_load_idx %arg5[%add3A_1287] : memref<7168xf32, #tpu.memory_space<vmem>>[vector<16xi32>], vector<16xf32>,
    %add3A_1289 = arith.addf %add3A_1284, %gather3A_1288 : vector<16xf32>
    %add3A_1290 = arith.constant 3593 : i32
    %add3A_1291 = vector.broadcast %add3A_1290 : i32 to vector<16xi32>
    %add3A_1292 = arith.addi %mul3A_98, %add3A_1291 : vector<16xi32>
    %gather3A_1293 = tpu.vector_load_idx %arg5[%add3A_1292] : memref<7168xf32, #tpu.memory_space<vmem>>[vector<16xi32>], vector<16xf32>,
    %add3A_1294 = arith.addf %add3A_1289, %gather3A_1293 : vector<16xf32>
    %add3A_1295 = arith.constant 3594 : i32
    %add3A_1296 = vector.broadcast %add3A_1295 : i32 to vector<16xi32>
    %add3A_1297 = arith.addi %mul3A_98, %add3A_1296 : vector<16xi32>
    %gather3A_1298 = tpu.vector_load_idx %arg5[%add3A_1297] : memref<7168xf32, #tpu.memory_space<vmem>>[vector<16xi32>], vector<16xf32>,
    %add3A_1299 = arith.addf %add3A_1294, %gather3A_1298 : vector<16xf32>
    %add3A_1300 = arith.constant 3595 : i32
    %add3A_1301 = vector.broadcast %add3A_1300 : i32 to vector<16xi32>
    %add3A_1302 = arith.addi %mul3A_98, %add3A_1301 : vector<16xi32>
    %gather3A_1303 = tpu.vector_load_idx %arg5[%add3A_1302] : memref<7168xf32, #tpu.memory_space<vmem>>[vector<16xi32>], vector<16xf32>,
    %add3A_1304 = arith.addf %add3A_1299, %gather3A_1303 : vector<16xf32>
    %add3A_1305 = arith.constant 3596 : i32
    %add3A_1306 = vector.broadcast %add3A_1305 : i32 to vector<16xi32>
    %add3A_1307 = arith.addi %mul3A_98, %add3A_1306 : vector<16xi32>
    %gather3A_1308 = tpu.vector_load_idx %arg5[%add3A_1307] : memref<7168xf32, #tpu.memory_space<vmem>>[vector<16xi32>], vector<16xf32>,
    %add3A_1309 = arith.addf %add3A_1304, %gather3A_1308 : vector<16xf32>
    %add3A_1310 = arith.constant 3597 : i32
    %add3A_1311 = vector.broadcast %add3A_1310 : i32 to vector<16xi32>
    %add3A_1312 = arith.addi %mul3A_98, %add3A_1311 : vector<16xi32>
    %gather3A_1313 = tpu.vector_load_idx %arg5[%add3A_1312] : memref<7168xf32, #tpu.memory_space<vmem>>[vector<16xi32>], vector<16xf32>,
    %add3A_1314 = arith.addf %add3A_1309, %gather3A_1313 : vector<16xf32>
    %add3A_1315 = arith.constant 3598 : i32
    %add3A_1316 = vector.broadcast %add3A_1315 : i32 to vector<16xi32>
    %add3A_1317 = arith.addi %mul3A_98, %add3A_1316 : vector<16xi32>
    %gather3A_1318 = tpu.vector_load_idx %arg5[%add3A_1317] : memref<7168xf32, #tpu.memory_space<vmem>>[vector<16xi32>], vector<16xf32>,
    %add3A_1319 = arith.addf %add3A_1314, %gather3A_1318 : vector<16xf32>
    %add3A_1320 = arith.constant 3599 : i32
    %add3A_1321 = vector.broadcast %add3A_1320 : i32 to vector<16xi32>
    %add3A_1322 = arith.addi %mul3A_98, %add3A_1321 : vector<16xi32>
    %gather3A_1323 = tpu.vector_load_idx %arg5[%add3A_1322] : memref<7168xf32, #tpu.memory_space<vmem>>[vector<16xi32>], vector<16xf32>,
    %add3A_1324 = arith.addf %add3A_1319, %gather3A_1323 : vector<16xf32>
    %swap3A_1325 = arith.constant 224 : index
    %swap3A_1326 = tpu.vector_load %arg6[%swap3A_1325] {strides = array<i32>} : memref<448xf32, #tpu.memory_space<vmem>>, vector<16xf32>,
    tpu.vector_store %arg6[%swap3A_1325], %add3A_1324 {strides = array<i32>} : memref<448xf32, #tpu.memory_space<vmem>>, vector<16xf32>,
    %add3A_1327 = arith.constant 3840 : i32
    %add3A_1328 = vector.broadcast %add3A_1327 : i32 to vector<16xi32>
    %add3A_1329 = arith.addi %mul3A_98, %add3A_1328 : vector<16xi32>
    %gather3A_1330 = tpu.vector_load_idx %arg5[%add3A_1329] : memref<7168xf32, #tpu.memory_space<vmem>>[vector<16xi32>], vector<16xf32>,
    %add3A_1331 = arith.addf %broadcast_in_dim3A_3, %gather3A_1330 : vector<16xf32>
    %add3A_1332 = arith.constant 3841 : i32
    %add3A_1333 = vector.broadcast %add3A_1332 : i32 to vector<16xi32>
    %add3A_1334 = arith.addi %mul3A_98, %add3A_1333 : vector<16xi32>
    %gather3A_1335 = tpu.vector_load_idx %arg5[%add3A_1334] : memref<7168xf32, #tpu.memory_space<vmem>>[vector<16xi32>], vector<16xf32>,
    %add3A_1336 = arith.addf %add3A_1331, %gather3A_1335 : vector<16xf32>
    %add3A_1337 = arith.constant 3842 : i32
    %add3A_1338 = vector.broadcast %add3A_1337 : i32 to vector<16xi32>
    %add3A_1339 = arith.addi %mul3A_98, %add3A_1338 : vector<16xi32>
    %gather3A_1340 = tpu.vector_load_idx %arg5[%add3A_1339] : memref<7168xf32, #tpu.memory_space<vmem>>[vector<16xi32>], vector<16xf32>,
    %add3A_1341 = arith.addf %add3A_1336, %gather3A_1340 : vector<16xf32>
    %add3A_1342 = arith.constant 3843 : i32
    %add3A_1343 = vector.broadcast %add3A_1342 : i32 to vector<16xi32>
    %add3A_1344 = arith.addi %mul3A_98, %add3A_1343 : vector<16xi32>
    %gather3A_1345 = tpu.vector_load_idx %arg5[%add3A_1344] : memref<7168xf32, #tpu.memory_space<vmem>>[vector<16xi32>], vector<16xf32>,
    %add3A_1346 = arith.addf %add3A_1341, %gather3A_1345 : vector<16xf32>
    %add3A_1347 = arith.constant 3844 : i32
    %add3A_1348 = vector.broadcast %add3A_1347 : i32 to vector<16xi32>
    %add3A_1349 = arith.addi %mul3A_98, %add3A_1348 : vector<16xi32>
    %gather3A_1350 = tpu.vector_load_idx %arg5[%add3A_1349] : memref<7168xf32, #tpu.memory_space<vmem>>[vector<16xi32>], vector<16xf32>,
    %add3A_1351 = arith.addf %add3A_1346, %gather3A_1350 : vector<16xf32>
    %add3A_1352 = arith.constant 3845 : i32
    %add3A_1353 = vector.broadcast %add3A_1352 : i32 to vector<16xi32>
    %add3A_1354 = arith.addi %mul3A_98, %add3A_1353 : vector<16xi32>
    %gather3A_1355 = tpu.vector_load_idx %arg5[%add3A_1354] : memref<7168xf32, #tpu.memory_space<vmem>>[vector<16xi32>], vector<16xf32>,
    %add3A_1356 = arith.addf %add3A_1351, %gather3A_1355 : vector<16xf32>
    %add3A_1357 = arith.constant 3846 : i32
    %add3A_1358 = vector.broadcast %add3A_1357 : i32 to vector<16xi32>
    %add3A_1359 = arith.addi %mul3A_98, %add3A_1358 : vector<16xi32>
    %gather3A_1360 = tpu.vector_load_idx %arg5[%add3A_1359] : memref<7168xf32, #tpu.memory_space<vmem>>[vector<16xi32>], vector<16xf32>,
    %add3A_1361 = arith.addf %add3A_1356, %gather3A_1360 : vector<16xf32>
    %add3A_1362 = arith.constant 3847 : i32
    %add3A_1363 = vector.broadcast %add3A_1362 : i32 to vector<16xi32>
    %add3A_1364 = arith.addi %mul3A_98, %add3A_1363 : vector<16xi32>
    %gather3A_1365 = tpu.vector_load_idx %arg5[%add3A_1364] : memref<7168xf32, #tpu.memory_space<vmem>>[vector<16xi32>], vector<16xf32>,
    %add3A_1366 = arith.addf %add3A_1361, %gather3A_1365 : vector<16xf32>
    %add3A_1367 = arith.constant 3848 : i32
    %add3A_1368 = vector.broadcast %add3A_1367 : i32 to vector<16xi32>
    %add3A_1369 = arith.addi %mul3A_98, %add3A_1368 : vector<16xi32>
    %gather3A_1370 = tpu.vector_load_idx %arg5[%add3A_1369] : memref<7168xf32, #tpu.memory_space<vmem>>[vector<16xi32>], vector<16xf32>,
    %add3A_1371 = arith.addf %add3A_1366, %gather3A_1370 : vector<16xf32>
    %add3A_1372 = arith.constant 3849 : i32
    %add3A_1373 = vector.broadcast %add3A_1372 : i32 to vector<16xi32>
    %add3A_1374 = arith.addi %mul3A_98, %add3A_1373 : vector<16xi32>
    %gather3A_1375 = tpu.vector_load_idx %arg5[%add3A_1374] : memref<7168xf32, #tpu.memory_space<vmem>>[vector<16xi32>], vector<16xf32>,
    %add3A_1376 = arith.addf %add3A_1371, %gather3A_1375 : vector<16xf32>
    %add3A_1377 = arith.constant 3850 : i32
    %add3A_1378 = vector.broadcast %add3A_1377 : i32 to vector<16xi32>
    %add3A_1379 = arith.addi %mul3A_98, %add3A_1378 : vector<16xi32>
    %gather3A_1380 = tpu.vector_load_idx %arg5[%add3A_1379] : memref<7168xf32, #tpu.memory_space<vmem>>[vector<16xi32>], vector<16xf32>,
    %add3A_1381 = arith.addf %add3A_1376, %gather3A_1380 : vector<16xf32>
    %add3A_1382 = arith.constant 3851 : i32
    %add3A_1383 = vector.broadcast %add3A_1382 : i32 to vector<16xi32>
    %add3A_1384 = arith.addi %mul3A_98, %add3A_1383 : vector<16xi32>
    %gather3A_1385 = tpu.vector_load_idx %arg5[%add3A_1384] : memref<7168xf32, #tpu.memory_space<vmem>>[vector<16xi32>], vector<16xf32>,
    %add3A_1386 = arith.addf %add3A_1381, %gather3A_1385 : vector<16xf32>
    %add3A_1387 = arith.constant 3852 : i32
    %add3A_1388 = vector.broadcast %add3A_1387 : i32 to vector<16xi32>
    %add3A_1389 = arith.addi %mul3A_98, %add3A_1388 : vector<16xi32>
    %gather3A_1390 = tpu.vector_load_idx %arg5[%add3A_1389] : memref<7168xf32, #tpu.memory_space<vmem>>[vector<16xi32>], vector<16xf32>,
    %add3A_1391 = arith.addf %add3A_1386, %gather3A_1390 : vector<16xf32>
    %add3A_1392 = arith.constant 3853 : i32
    %add3A_1393 = vector.broadcast %add3A_1392 : i32 to vector<16xi32>
    %add3A_1394 = arith.addi %mul3A_98, %add3A_1393 : vector<16xi32>
    %gather3A_1395 = tpu.vector_load_idx %arg5[%add3A_1394] : memref<7168xf32, #tpu.memory_space<vmem>>[vector<16xi32>], vector<16xf32>,
    %add3A_1396 = arith.addf %add3A_1391, %gather3A_1395 : vector<16xf32>
    %add3A_1397 = arith.constant 3854 : i32
    %add3A_1398 = vector.broadcast %add3A_1397 : i32 to vector<16xi32>
    %add3A_1399 = arith.addi %mul3A_98, %add3A_1398 : vector<16xi32>
    %gather3A_1400 = tpu.vector_load_idx %arg5[%add3A_1399] : memref<7168xf32, #tpu.memory_space<vmem>>[vector<16xi32>], vector<16xf32>,
    %add3A_1401 = arith.addf %add3A_1396, %gather3A_1400 : vector<16xf32>
    %add3A_1402 = arith.constant 3855 : i32
    %add3A_1403 = vector.broadcast %add3A_1402 : i32 to vector<16xi32>
    %add3A_1404 = arith.addi %mul3A_98, %add3A_1403 : vector<16xi32>
    %gather3A_1405 = tpu.vector_load_idx %arg5[%add3A_1404] : memref<7168xf32, #tpu.memory_space<vmem>>[vector<16xi32>], vector<16xf32>,
    %add3A_1406 = arith.addf %add3A_1401, %gather3A_1405 : vector<16xf32>
    %swap3A_1407 = arith.constant 240 : index
    %swap3A_1408 = tpu.vector_load %arg6[%swap3A_1407] {strides = array<i32>} : memref<448xf32, #tpu.memory_space<vmem>>, vector<16xf32>,
    tpu.vector_store %arg6[%swap3A_1407], %add3A_1406 {strides = array<i32>} : memref<448xf32, #tpu.memory_space<vmem>>, vector<16xf32>,
    %add3A_1409 = arith.constant 4096 : i32
    %add3A_1410 = vector.broadcast %add3A_1409 : i32 to vector<16xi32>
    %add3A_1411 = arith.addi %mul3A_98, %add3A_1410 : vector<16xi32>
    %gather3A_1412 = tpu.vector_load_idx %arg5[%add3A_1411] : memref<7168xf32, #tpu.memory_space<vmem>>[vector<16xi32>], vector<16xf32>,
    %add3A_1413 = arith.addf %broadcast_in_dim3A_3, %gather3A_1412 : vector<16xf32>
    %add3A_1414 = arith.constant 4097 : i32
    %add3A_1415 = vector.broadcast %add3A_1414 : i32 to vector<16xi32>
    %add3A_1416 = arith.addi %mul3A_98, %add3A_1415 : vector<16xi32>
    %gather3A_1417 = tpu.vector_load_idx %arg5[%add3A_1416] : memref<7168xf32, #tpu.memory_space<vmem>>[vector<16xi32>], vector<16xf32>,
    %add3A_1418 = arith.addf %add3A_1413, %gather3A_1417 : vector<16xf32>
    %add3A_1419 = arith.constant 4098 : i32
    %add3A_1420 = vector.broadcast %add3A_1419 : i32 to vector<16xi32>
    %add3A_1421 = arith.addi %mul3A_98, %add3A_1420 : vector<16xi32>
    %gather3A_1422 = tpu.vector_load_idx %arg5[%add3A_1421] : memref<7168xf32, #tpu.memory_space<vmem>>[vector<16xi32>], vector<16xf32>,
    %add3A_1423 = arith.addf %add3A_1418, %gather3A_1422 : vector<16xf32>
    %add3A_1424 = arith.constant 4099 : i32
    %add3A_1425 = vector.broadcast %add3A_1424 : i32 to vector<16xi32>
    %add3A_1426 = arith.addi %mul3A_98, %add3A_1425 : vector<16xi32>
    %gather3A_1427 = tpu.vector_load_idx %arg5[%add3A_1426] : memref<7168xf32, #tpu.memory_space<vmem>>[vector<16xi32>], vector<16xf32>,
    %add3A_1428 = arith.addf %add3A_1423, %gather3A_1427 : vector<16xf32>
    %add3A_1429 = arith.constant 4100 : i32
    %add3A_1430 = vector.broadcast %add3A_1429 : i32 to vector<16xi32>
    %add3A_1431 = arith.addi %mul3A_98, %add3A_1430 : vector<16xi32>
    %gather3A_1432 = tpu.vector_load_idx %arg5[%add3A_1431] : memref<7168xf32, #tpu.memory_space<vmem>>[vector<16xi32>], vector<16xf32>,
    %add3A_1433 = arith.addf %add3A_1428, %gather3A_1432 : vector<16xf32>
    %add3A_1434 = arith.constant 4101 : i32
    %add3A_1435 = vector.broadcast %add3A_1434 : i32 to vector<16xi32>
    %add3A_1436 = arith.addi %mul3A_98, %add3A_1435 : vector<16xi32>
    %gather3A_1437 = tpu.vector_load_idx %arg5[%add3A_1436] : memref<7168xf32, #tpu.memory_space<vmem>>[vector<16xi32>], vector<16xf32>,
    %add3A_1438 = arith.addf %add3A_1433, %gather3A_1437 : vector<16xf32>
    %add3A_1439 = arith.constant 4102 : i32
    %add3A_1440 = vector.broadcast %add3A_1439 : i32 to vector<16xi32>
    %add3A_1441 = arith.addi %mul3A_98, %add3A_1440 : vector<16xi32>
    %gather3A_1442 = tpu.vector_load_idx %arg5[%add3A_1441] : memref<7168xf32, #tpu.memory_space<vmem>>[vector<16xi32>], vector<16xf32>,
    %add3A_1443 = arith.addf %add3A_1438, %gather3A_1442 : vector<16xf32>
    %add3A_1444 = arith.constant 4103 : i32
    %add3A_1445 = vector.broadcast %add3A_1444 : i32 to vector<16xi32>
    %add3A_1446 = arith.addi %mul3A_98, %add3A_1445 : vector<16xi32>
    %gather3A_1447 = tpu.vector_load_idx %arg5[%add3A_1446] : memref<7168xf32, #tpu.memory_space<vmem>>[vector<16xi32>], vector<16xf32>,
    %add3A_1448 = arith.addf %add3A_1443, %gather3A_1447 : vector<16xf32>
    %add3A_1449 = arith.constant 4104 : i32
    %add3A_1450 = vector.broadcast %add3A_1449 : i32 to vector<16xi32>
    %add3A_1451 = arith.addi %mul3A_98, %add3A_1450 : vector<16xi32>
    %gather3A_1452 = tpu.vector_load_idx %arg5[%add3A_1451] : memref<7168xf32, #tpu.memory_space<vmem>>[vector<16xi32>], vector<16xf32>,
    %add3A_1453 = arith.addf %add3A_1448, %gather3A_1452 : vector<16xf32>
    %add3A_1454 = arith.constant 4105 : i32
    %add3A_1455 = vector.broadcast %add3A_1454 : i32 to vector<16xi32>
    %add3A_1456 = arith.addi %mul3A_98, %add3A_1455 : vector<16xi32>
    %gather3A_1457 = tpu.vector_load_idx %arg5[%add3A_1456] : memref<7168xf32, #tpu.memory_space<vmem>>[vector<16xi32>], vector<16xf32>,
    %add3A_1458 = arith.addf %add3A_1453, %gather3A_1457 : vector<16xf32>
    %add3A_1459 = arith.constant 4106 : i32
    %add3A_1460 = vector.broadcast %add3A_1459 : i32 to vector<16xi32>
    %add3A_1461 = arith.addi %mul3A_98, %add3A_1460 : vector<16xi32>
    %gather3A_1462 = tpu.vector_load_idx %arg5[%add3A_1461] : memref<7168xf32, #tpu.memory_space<vmem>>[vector<16xi32>], vector<16xf32>,
    %add3A_1463 = arith.addf %add3A_1458, %gather3A_1462 : vector<16xf32>
    %add3A_1464 = arith.constant 4107 : i32
    %add3A_1465 = vector.broadcast %add3A_1464 : i32 to vector<16xi32>
    %add3A_1466 = arith.addi %mul3A_98, %add3A_1465 : vector<16xi32>
    %gather3A_1467 = tpu.vector_load_idx %arg5[%add3A_1466] : memref<7168xf32, #tpu.memory_space<vmem>>[vector<16xi32>], vector<16xf32>,
    %add3A_1468 = arith.addf %add3A_1463, %gather3A_1467 : vector<16xf32>
    %add3A_1469 = arith.constant 4108 : i32
    %add3A_1470 = vector.broadcast %add3A_1469 : i32 to vector<16xi32>
    %add3A_1471 = arith.addi %mul3A_98, %add3A_1470 : vector<16xi32>
    %gather3A_1472 = tpu.vector_load_idx %arg5[%add3A_1471] : memref<7168xf32, #tpu.memory_space<vmem>>[vector<16xi32>], vector<16xf32>,
    %add3A_1473 = arith.addf %add3A_1468, %gather3A_1472 : vector<16xf32>
    %add3A_1474 = arith.constant 4109 : i32
    %add3A_1475 = vector.broadcast %add3A_1474 : i32 to vector<16xi32>
    %add3A_1476 = arith.addi %mul3A_98, %add3A_1475 : vector<16xi32>
    %gather3A_1477 = tpu.vector_load_idx %arg5[%add3A_1476] : memref<7168xf32, #tpu.memory_space<vmem>>[vector<16xi32>], vector<16xf32>,
    %add3A_1478 = arith.addf %add3A_1473, %gather3A_1477 : vector<16xf32>
    %add3A_1479 = arith.constant 4110 : i32
    %add3A_1480 = vector.broadcast %add3A_1479 : i32 to vector<16xi32>
    %add3A_1481 = arith.addi %mul3A_98, %add3A_1480 : vector<16xi32>
    %gather3A_1482 = tpu.vector_load_idx %arg5[%add3A_1481] : memref<7168xf32, #tpu.memory_space<vmem>>[vector<16xi32>], vector<16xf32>,
    %add3A_1483 = arith.addf %add3A_1478, %gather3A_1482 : vector<16xf32>
    %add3A_1484 = arith.constant 4111 : i32
    %add3A_1485 = vector.broadcast %add3A_1484 : i32 to vector<16xi32>
    %add3A_1486 = arith.addi %mul3A_98, %add3A_1485 : vector<16xi32>
    %gather3A_1487 = tpu.vector_load_idx %arg5[%add3A_1486] : memref<7168xf32, #tpu.memory_space<vmem>>[vector<16xi32>], vector<16xf32>,
    %add3A_1488 = arith.addf %add3A_1483, %gather3A_1487 : vector<16xf32>
    %swap3A_1489 = arith.constant 256 : index
    %swap3A_1490 = tpu.vector_load %arg6[%swap3A_1489] {strides = array<i32>} : memref<448xf32, #tpu.memory_space<vmem>>, vector<16xf32>,
    tpu.vector_store %arg6[%swap3A_1489], %add3A_1488 {strides = array<i32>} : memref<448xf32, #tpu.memory_space<vmem>>, vector<16xf32>,
    %add3A_1491 = arith.constant 4352 : i32
    %add3A_1492 = vector.broadcast %add3A_1491 : i32 to vector<16xi32>
    %add3A_1493 = arith.addi %mul3A_98, %add3A_1492 : vector<16xi32>
    %gather3A_1494 = tpu.vector_load_idx %arg5[%add3A_1493] : memref<7168xf32, #tpu.memory_space<vmem>>[vector<16xi32>], vector<16xf32>,
    %add3A_1495 = arith.addf %broadcast_in_dim3A_3, %gather3A_1494 : vector<16xf32>
    %add3A_1496 = arith.constant 4353 : i32
    %add3A_1497 = vector.broadcast %add3A_1496 : i32 to vector<16xi32>
    %add3A_1498 = arith.addi %mul3A_98, %add3A_1497 : vector<16xi32>
    %gather3A_1499 = tpu.vector_load_idx %arg5[%add3A_1498] : memref<7168xf32, #tpu.memory_space<vmem>>[vector<16xi32>], vector<16xf32>,
    %add3A_1500 = arith.addf %add3A_1495, %gather3A_1499 : vector<16xf32>
    %add3A_1501 = arith.constant 4354 : i32
    %add3A_1502 = vector.broadcast %add3A_1501 : i32 to vector<16xi32>
    %add3A_1503 = arith.addi %mul3A_98, %add3A_1502 : vector<16xi32>
    %gather3A_1504 = tpu.vector_load_idx %arg5[%add3A_1503] : memref<7168xf32, #tpu.memory_space<vmem>>[vector<16xi32>], vector<16xf32>,
    %add3A_1505 = arith.addf %add3A_1500, %gather3A_1504 : vector<16xf32>
    %add3A_1506 = arith.constant 4355 : i32
    %add3A_1507 = vector.broadcast %add3A_1506 : i32 to vector<16xi32>
    %add3A_1508 = arith.addi %mul3A_98, %add3A_1507 : vector<16xi32>
    %gather3A_1509 = tpu.vector_load_idx %arg5[%add3A_1508] : memref<7168xf32, #tpu.memory_space<vmem>>[vector<16xi32>], vector<16xf32>,
    %add3A_1510 = arith.addf %add3A_1505, %gather3A_1509 : vector<16xf32>
    %add3A_1511 = arith.constant 4356 : i32
    %add3A_1512 = vector.broadcast %add3A_1511 : i32 to vector<16xi32>
    %add3A_1513 = arith.addi %mul3A_98, %add3A_1512 : vector<16xi32>
    %gather3A_1514 = tpu.vector_load_idx %arg5[%add3A_1513] : memref<7168xf32, #tpu.memory_space<vmem>>[vector<16xi32>], vector<16xf32>,
    %add3A_1515 = arith.addf %add3A_1510, %gather3A_1514 : vector<16xf32>
    %add3A_1516 = arith.constant 4357 : i32
    %add3A_1517 = vector.broadcast %add3A_1516 : i32 to vector<16xi32>
    %add3A_1518 = arith.addi %mul3A_98, %add3A_1517 : vector<16xi32>
    %gather3A_1519 = tpu.vector_load_idx %arg5[%add3A_1518] : memref<7168xf32, #tpu.memory_space<vmem>>[vector<16xi32>], vector<16xf32>,
    %add3A_1520 = arith.addf %add3A_1515, %gather3A_1519 : vector<16xf32>
    %add3A_1521 = arith.constant 4358 : i32
    %add3A_1522 = vector.broadcast %add3A_1521 : i32 to vector<16xi32>
    %add3A_1523 = arith.addi %mul3A_98, %add3A_1522 : vector<16xi32>
    %gather3A_1524 = tpu.vector_load_idx %arg5[%add3A_1523] : memref<7168xf32, #tpu.memory_space<vmem>>[vector<16xi32>], vector<16xf32>,
    %add3A_1525 = arith.addf %add3A_1520, %gather3A_1524 : vector<16xf32>
    %add3A_1526 = arith.constant 4359 : i32
    %add3A_1527 = vector.broadcast %add3A_1526 : i32 to vector<16xi32>
    %add3A_1528 = arith.addi %mul3A_98, %add3A_1527 : vector<16xi32>
    %gather3A_1529 = tpu.vector_load_idx %arg5[%add3A_1528] : memref<7168xf32, #tpu.memory_space<vmem>>[vector<16xi32>], vector<16xf32>,
    %add3A_1530 = arith.addf %add3A_1525, %gather3A_1529 : vector<16xf32>
    %add3A_1531 = arith.constant 4360 : i32
    %add3A_1532 = vector.broadcast %add3A_1531 : i32 to vector<16xi32>
    %add3A_1533 = arith.addi %mul3A_98, %add3A_1532 : vector<16xi32>
    %gather3A_1534 = tpu.vector_load_idx %arg5[%add3A_1533] : memref<7168xf32, #tpu.memory_space<vmem>>[vector<16xi32>], vector<16xf32>,
    %add3A_1535 = arith.addf %add3A_1530, %gather3A_1534 : vector<16xf32>
    %add3A_1536 = arith.constant 4361 : i32
    %add3A_1537 = vector.broadcast %add3A_1536 : i32 to vector<16xi32>
    %add3A_1538 = arith.addi %mul3A_98, %add3A_1537 : vector<16xi32>
    %gather3A_1539 = tpu.vector_load_idx %arg5[%add3A_1538] : memref<7168xf32, #tpu.memory_space<vmem>>[vector<16xi32>], vector<16xf32>,
    %add3A_1540 = arith.addf %add3A_1535, %gather3A_1539 : vector<16xf32>
    %add3A_1541 = arith.constant 4362 : i32
    %add3A_1542 = vector.broadcast %add3A_1541 : i32 to vector<16xi32>
    %add3A_1543 = arith.addi %mul3A_98, %add3A_1542 : vector<16xi32>
    %gather3A_1544 = tpu.vector_load_idx %arg5[%add3A_1543] : memref<7168xf32, #tpu.memory_space<vmem>>[vector<16xi32>], vector<16xf32>,
    %add3A_1545 = arith.addf %add3A_1540, %gather3A_1544 : vector<16xf32>
    %add3A_1546 = arith.constant 4363 : i32
    %add3A_1547 = vector.broadcast %add3A_1546 : i32 to vector<16xi32>
    %add3A_1548 = arith.addi %mul3A_98, %add3A_1547 : vector<16xi32>
    %gather3A_1549 = tpu.vector_load_idx %arg5[%add3A_1548] : memref<7168xf32, #tpu.memory_space<vmem>>[vector<16xi32>], vector<16xf32>,
    %add3A_1550 = arith.addf %add3A_1545, %gather3A_1549 : vector<16xf32>
    %add3A_1551 = arith.constant 4364 : i32
    %add3A_1552 = vector.broadcast %add3A_1551 : i32 to vector<16xi32>
    %add3A_1553 = arith.addi %mul3A_98, %add3A_1552 : vector<16xi32>
    %gather3A_1554 = tpu.vector_load_idx %arg5[%add3A_1553] : memref<7168xf32, #tpu.memory_space<vmem>>[vector<16xi32>], vector<16xf32>,
    %add3A_1555 = arith.addf %add3A_1550, %gather3A_1554 : vector<16xf32>
    %add3A_1556 = arith.constant 4365 : i32
    %add3A_1557 = vector.broadcast %add3A_1556 : i32 to vector<16xi32>
    %add3A_1558 = arith.addi %mul3A_98, %add3A_1557 : vector<16xi32>
    %gather3A_1559 = tpu.vector_load_idx %arg5[%add3A_1558] : memref<7168xf32, #tpu.memory_space<vmem>>[vector<16xi32>], vector<16xf32>,
    %add3A_1560 = arith.addf %add3A_1555, %gather3A_1559 : vector<16xf32>
    %add3A_1561 = arith.constant 4366 : i32
    %add3A_1562 = vector.broadcast %add3A_1561 : i32 to vector<16xi32>
    %add3A_1563 = arith.addi %mul3A_98, %add3A_1562 : vector<16xi32>
    %gather3A_1564 = tpu.vector_load_idx %arg5[%add3A_1563] : memref<7168xf32, #tpu.memory_space<vmem>>[vector<16xi32>], vector<16xf32>,
    %add3A_1565 = arith.addf %add3A_1560, %gather3A_1564 : vector<16xf32>
    %add3A_1566 = arith.constant 4367 : i32
    %add3A_1567 = vector.broadcast %add3A_1566 : i32 to vector<16xi32>
    %add3A_1568 = arith.addi %mul3A_98, %add3A_1567 : vector<16xi32>
    %gather3A_1569 = tpu.vector_load_idx %arg5[%add3A_1568] : memref<7168xf32, #tpu.memory_space<vmem>>[vector<16xi32>], vector<16xf32>,
    %add3A_1570 = arith.addf %add3A_1565, %gather3A_1569 : vector<16xf32>
    %swap3A_1571 = arith.constant 272 : index
    %swap3A_1572 = tpu.vector_load %arg6[%swap3A_1571] {strides = array<i32>} : memref<448xf32, #tpu.memory_space<vmem>>, vector<16xf32>,
    tpu.vector_store %arg6[%swap3A_1571], %add3A_1570 {strides = array<i32>} : memref<448xf32, #tpu.memory_space<vmem>>, vector<16xf32>,
    %add3A_1573 = arith.constant 4608 : i32
    %add3A_1574 = vector.broadcast %add3A_1573 : i32 to vector<16xi32>
    %add3A_1575 = arith.addi %mul3A_98, %add3A_1574 : vector<16xi32>
    %gather3A_1576 = tpu.vector_load_idx %arg5[%add3A_1575] : memref<7168xf32, #tpu.memory_space<vmem>>[vector<16xi32>], vector<16xf32>,
    %add3A_1577 = arith.addf %broadcast_in_dim3A_3, %gather3A_1576 : vector<16xf32>
    %add3A_1578 = arith.constant 4609 : i32
    %add3A_1579 = vector.broadcast %add3A_1578 : i32 to vector<16xi32>
    %add3A_1580 = arith.addi %mul3A_98, %add3A_1579 : vector<16xi32>
    %gather3A_1581 = tpu.vector_load_idx %arg5[%add3A_1580] : memref<7168xf32, #tpu.memory_space<vmem>>[vector<16xi32>], vector<16xf32>,
    %add3A_1582 = arith.addf %add3A_1577, %gather3A_1581 : vector<16xf32>
    %add3A_1583 = arith.constant 4610 : i32
    %add3A_1584 = vector.broadcast %add3A_1583 : i32 to vector<16xi32>
    %add3A_1585 = arith.addi %mul3A_98, %add3A_1584 : vector<16xi32>
    %gather3A_1586 = tpu.vector_load_idx %arg5[%add3A_1585] : memref<7168xf32, #tpu.memory_space<vmem>>[vector<16xi32>], vector<16xf32>,
    %add3A_1587 = arith.addf %add3A_1582, %gather3A_1586 : vector<16xf32>
    %add3A_1588 = arith.constant 4611 : i32
    %add3A_1589 = vector.broadcast %add3A_1588 : i32 to vector<16xi32>
    %add3A_1590 = arith.addi %mul3A_98, %add3A_1589 : vector<16xi32>
    %gather3A_1591 = tpu.vector_load_idx %arg5[%add3A_1590] : memref<7168xf32, #tpu.memory_space<vmem>>[vector<16xi32>], vector<16xf32>,
    %add3A_1592 = arith.addf %add3A_1587, %gather3A_1591 : vector<16xf32>
    %add3A_1593 = arith.constant 4612 : i32
    %add3A_1594 = vector.broadcast %add3A_1593 : i32 to vector<16xi32>
    %add3A_1595 = arith.addi %mul3A_98, %add3A_1594 : vector<16xi32>
    %gather3A_1596 = tpu.vector_load_idx %arg5[%add3A_1595] : memref<7168xf32, #tpu.memory_space<vmem>>[vector<16xi32>], vector<16xf32>,
    %add3A_1597 = arith.addf %add3A_1592, %gather3A_1596 : vector<16xf32>
    %add3A_1598 = arith.constant 4613 : i32
    %add3A_1599 = vector.broadcast %add3A_1598 : i32 to vector<16xi32>
    %add3A_1600 = arith.addi %mul3A_98, %add3A_1599 : vector<16xi32>
    %gather3A_1601 = tpu.vector_load_idx %arg5[%add3A_1600] : memref<7168xf32, #tpu.memory_space<vmem>>[vector<16xi32>], vector<16xf32>,
    %add3A_1602 = arith.addf %add3A_1597, %gather3A_1601 : vector<16xf32>
    %add3A_1603 = arith.constant 4614 : i32
    %add3A_1604 = vector.broadcast %add3A_1603 : i32 to vector<16xi32>
    %add3A_1605 = arith.addi %mul3A_98, %add3A_1604 : vector<16xi32>
    %gather3A_1606 = tpu.vector_load_idx %arg5[%add3A_1605] : memref<7168xf32, #tpu.memory_space<vmem>>[vector<16xi32>], vector<16xf32>,
    %add3A_1607 = arith.addf %add3A_1602, %gather3A_1606 : vector<16xf32>
    %add3A_1608 = arith.constant 4615 : i32
    %add3A_1609 = vector.broadcast %add3A_1608 : i32 to vector<16xi32>
    %add3A_1610 = arith.addi %mul3A_98, %add3A_1609 : vector<16xi32>
    %gather3A_1611 = tpu.vector_load_idx %arg5[%add3A_1610] : memref<7168xf32, #tpu.memory_space<vmem>>[vector<16xi32>], vector<16xf32>,
    %add3A_1612 = arith.addf %add3A_1607, %gather3A_1611 : vector<16xf32>
    %add3A_1613 = arith.constant 4616 : i32
    %add3A_1614 = vector.broadcast %add3A_1613 : i32 to vector<16xi32>
    %add3A_1615 = arith.addi %mul3A_98, %add3A_1614 : vector<16xi32>
    %gather3A_1616 = tpu.vector_load_idx %arg5[%add3A_1615] : memref<7168xf32, #tpu.memory_space<vmem>>[vector<16xi32>], vector<16xf32>,
    %add3A_1617 = arith.addf %add3A_1612, %gather3A_1616 : vector<16xf32>
    %add3A_1618 = arith.constant 4617 : i32
    %add3A_1619 = vector.broadcast %add3A_1618 : i32 to vector<16xi32>
    %add3A_1620 = arith.addi %mul3A_98, %add3A_1619 : vector<16xi32>
    %gather3A_1621 = tpu.vector_load_idx %arg5[%add3A_1620] : memref<7168xf32, #tpu.memory_space<vmem>>[vector<16xi32>], vector<16xf32>,
    %add3A_1622 = arith.addf %add3A_1617, %gather3A_1621 : vector<16xf32>
    %add3A_1623 = arith.constant 4618 : i32
    %add3A_1624 = vector.broadcast %add3A_1623 : i32 to vector<16xi32>
    %add3A_1625 = arith.addi %mul3A_98, %add3A_1624 : vector<16xi32>
    %gather3A_1626 = tpu.vector_load_idx %arg5[%add3A_1625] : memref<7168xf32, #tpu.memory_space<vmem>>[vector<16xi32>], vector<16xf32>,
    %add3A_1627 = arith.addf %add3A_1622, %gather3A_1626 : vector<16xf32>
    %add3A_1628 = arith.constant 4619 : i32
    %add3A_1629 = vector.broadcast %add3A_1628 : i32 to vector<16xi32>
    %add3A_1630 = arith.addi %mul3A_98, %add3A_1629 : vector<16xi32>
    %gather3A_1631 = tpu.vector_load_idx %arg5[%add3A_1630] : memref<7168xf32, #tpu.memory_space<vmem>>[vector<16xi32>], vector<16xf32>,
    %add3A_1632 = arith.addf %add3A_1627, %gather3A_1631 : vector<16xf32>
    %add3A_1633 = arith.constant 4620 : i32
    %add3A_1634 = vector.broadcast %add3A_1633 : i32 to vector<16xi32>
    %add3A_1635 = arith.addi %mul3A_98, %add3A_1634 : vector<16xi32>
    %gather3A_1636 = tpu.vector_load_idx %arg5[%add3A_1635] : memref<7168xf32, #tpu.memory_space<vmem>>[vector<16xi32>], vector<16xf32>,
    %add3A_1637 = arith.addf %add3A_1632, %gather3A_1636 : vector<16xf32>
    %add3A_1638 = arith.constant 4621 : i32
    %add3A_1639 = vector.broadcast %add3A_1638 : i32 to vector<16xi32>
    %add3A_1640 = arith.addi %mul3A_98, %add3A_1639 : vector<16xi32>
    %gather3A_1641 = tpu.vector_load_idx %arg5[%add3A_1640] : memref<7168xf32, #tpu.memory_space<vmem>>[vector<16xi32>], vector<16xf32>,
    %add3A_1642 = arith.addf %add3A_1637, %gather3A_1641 : vector<16xf32>
    %add3A_1643 = arith.constant 4622 : i32
    %add3A_1644 = vector.broadcast %add3A_1643 : i32 to vector<16xi32>
    %add3A_1645 = arith.addi %mul3A_98, %add3A_1644 : vector<16xi32>
    %gather3A_1646 = tpu.vector_load_idx %arg5[%add3A_1645] : memref<7168xf32, #tpu.memory_space<vmem>>[vector<16xi32>], vector<16xf32>,
    %add3A_1647 = arith.addf %add3A_1642, %gather3A_1646 : vector<16xf32>
    %add3A_1648 = arith.constant 4623 : i32
    %add3A_1649 = vector.broadcast %add3A_1648 : i32 to vector<16xi32>
    %add3A_1650 = arith.addi %mul3A_98, %add3A_1649 : vector<16xi32>
    %gather3A_1651 = tpu.vector_load_idx %arg5[%add3A_1650] : memref<7168xf32, #tpu.memory_space<vmem>>[vector<16xi32>], vector<16xf32>,
    %add3A_1652 = arith.addf %add3A_1647, %gather3A_1651 : vector<16xf32>
    %swap3A_1653 = arith.constant 288 : index
    %swap3A_1654 = tpu.vector_load %arg6[%swap3A_1653] {strides = array<i32>} : memref<448xf32, #tpu.memory_space<vmem>>, vector<16xf32>,
    tpu.vector_store %arg6[%swap3A_1653], %add3A_1652 {strides = array<i32>} : memref<448xf32, #tpu.memory_space<vmem>>, vector<16xf32>,
    %add3A_1655 = arith.constant 4864 : i32
    %add3A_1656 = vector.broadcast %add3A_1655 : i32 to vector<16xi32>
    %add3A_1657 = arith.addi %mul3A_98, %add3A_1656 : vector<16xi32>
    %gather3A_1658 = tpu.vector_load_idx %arg5[%add3A_1657] : memref<7168xf32, #tpu.memory_space<vmem>>[vector<16xi32>], vector<16xf32>,
    %add3A_1659 = arith.addf %broadcast_in_dim3A_3, %gather3A_1658 : vector<16xf32>
    %add3A_1660 = arith.constant 4865 : i32
    %add3A_1661 = vector.broadcast %add3A_1660 : i32 to vector<16xi32>
    %add3A_1662 = arith.addi %mul3A_98, %add3A_1661 : vector<16xi32>
    %gather3A_1663 = tpu.vector_load_idx %arg5[%add3A_1662] : memref<7168xf32, #tpu.memory_space<vmem>>[vector<16xi32>], vector<16xf32>,
    %add3A_1664 = arith.addf %add3A_1659, %gather3A_1663 : vector<16xf32>
    %add3A_1665 = arith.constant 4866 : i32
    %add3A_1666 = vector.broadcast %add3A_1665 : i32 to vector<16xi32>
    %add3A_1667 = arith.addi %mul3A_98, %add3A_1666 : vector<16xi32>
    %gather3A_1668 = tpu.vector_load_idx %arg5[%add3A_1667] : memref<7168xf32, #tpu.memory_space<vmem>>[vector<16xi32>], vector<16xf32>,
    %add3A_1669 = arith.addf %add3A_1664, %gather3A_1668 : vector<16xf32>
    %add3A_1670 = arith.constant 4867 : i32
    %add3A_1671 = vector.broadcast %add3A_1670 : i32 to vector<16xi32>
    %add3A_1672 = arith.addi %mul3A_98, %add3A_1671 : vector<16xi32>
    %gather3A_1673 = tpu.vector_load_idx %arg5[%add3A_1672] : memref<7168xf32, #tpu.memory_space<vmem>>[vector<16xi32>], vector<16xf32>,
    %add3A_1674 = arith.addf %add3A_1669, %gather3A_1673 : vector<16xf32>
    %add3A_1675 = arith.constant 4868 : i32
    %add3A_1676 = vector.broadcast %add3A_1675 : i32 to vector<16xi32>
    %add3A_1677 = arith.addi %mul3A_98, %add3A_1676 : vector<16xi32>
    %gather3A_1678 = tpu.vector_load_idx %arg5[%add3A_1677] : memref<7168xf32, #tpu.memory_space<vmem>>[vector<16xi32>], vector<16xf32>,
    %add3A_1679 = arith.addf %add3A_1674, %gather3A_1678 : vector<16xf32>
    %add3A_1680 = arith.constant 4869 : i32
    %add3A_1681 = vector.broadcast %add3A_1680 : i32 to vector<16xi32>
    %add3A_1682 = arith.addi %mul3A_98, %add3A_1681 : vector<16xi32>
    %gather3A_1683 = tpu.vector_load_idx %arg5[%add3A_1682] : memref<7168xf32, #tpu.memory_space<vmem>>[vector<16xi32>], vector<16xf32>,
    %add3A_1684 = arith.addf %add3A_1679, %gather3A_1683 : vector<16xf32>
    %add3A_1685 = arith.constant 4870 : i32
    %add3A_1686 = vector.broadcast %add3A_1685 : i32 to vector<16xi32>
    %add3A_1687 = arith.addi %mul3A_98, %add3A_1686 : vector<16xi32>
    %gather3A_1688 = tpu.vector_load_idx %arg5[%add3A_1687] : memref<7168xf32, #tpu.memory_space<vmem>>[vector<16xi32>], vector<16xf32>,
    %add3A_1689 = arith.addf %add3A_1684, %gather3A_1688 : vector<16xf32>
    %add3A_1690 = arith.constant 4871 : i32
    %add3A_1691 = vector.broadcast %add3A_1690 : i32 to vector<16xi32>
    %add3A_1692 = arith.addi %mul3A_98, %add3A_1691 : vector<16xi32>
    %gather3A_1693 = tpu.vector_load_idx %arg5[%add3A_1692] : memref<7168xf32, #tpu.memory_space<vmem>>[vector<16xi32>], vector<16xf32>,
    %add3A_1694 = arith.addf %add3A_1689, %gather3A_1693 : vector<16xf32>
    %add3A_1695 = arith.constant 4872 : i32
    %add3A_1696 = vector.broadcast %add3A_1695 : i32 to vector<16xi32>
    %add3A_1697 = arith.addi %mul3A_98, %add3A_1696 : vector<16xi32>
    %gather3A_1698 = tpu.vector_load_idx %arg5[%add3A_1697] : memref<7168xf32, #tpu.memory_space<vmem>>[vector<16xi32>], vector<16xf32>,
    %add3A_1699 = arith.addf %add3A_1694, %gather3A_1698 : vector<16xf32>
    %add3A_1700 = arith.constant 4873 : i32
    %add3A_1701 = vector.broadcast %add3A_1700 : i32 to vector<16xi32>
    %add3A_1702 = arith.addi %mul3A_98, %add3A_1701 : vector<16xi32>
    %gather3A_1703 = tpu.vector_load_idx %arg5[%add3A_1702] : memref<7168xf32, #tpu.memory_space<vmem>>[vector<16xi32>], vector<16xf32>,
    %add3A_1704 = arith.addf %add3A_1699, %gather3A_1703 : vector<16xf32>
    %add3A_1705 = arith.constant 4874 : i32
    %add3A_1706 = vector.broadcast %add3A_1705 : i32 to vector<16xi32>
    %add3A_1707 = arith.addi %mul3A_98, %add3A_1706 : vector<16xi32>
    %gather3A_1708 = tpu.vector_load_idx %arg5[%add3A_1707] : memref<7168xf32, #tpu.memory_space<vmem>>[vector<16xi32>], vector<16xf32>,
    %add3A_1709 = arith.addf %add3A_1704, %gather3A_1708 : vector<16xf32>
    %add3A_1710 = arith.constant 4875 : i32
    %add3A_1711 = vector.broadcast %add3A_1710 : i32 to vector<16xi32>
    %add3A_1712 = arith.addi %mul3A_98, %add3A_1711 : vector<16xi32>
    %gather3A_1713 = tpu.vector_load_idx %arg5[%add3A_1712] : memref<7168xf32, #tpu.memory_space<vmem>>[vector<16xi32>], vector<16xf32>,
    %add3A_1714 = arith.addf %add3A_1709, %gather3A_1713 : vector<16xf32>
    %add3A_1715 = arith.constant 4876 : i32
    %add3A_1716 = vector.broadcast %add3A_1715 : i32 to vector<16xi32>
    %add3A_1717 = arith.addi %mul3A_98, %add3A_1716 : vector<16xi32>
    %gather3A_1718 = tpu.vector_load_idx %arg5[%add3A_1717] : memref<7168xf32, #tpu.memory_space<vmem>>[vector<16xi32>], vector<16xf32>,
    %add3A_1719 = arith.addf %add3A_1714, %gather3A_1718 : vector<16xf32>
    %add3A_1720 = arith.constant 4877 : i32
    %add3A_1721 = vector.broadcast %add3A_1720 : i32 to vector<16xi32>
    %add3A_1722 = arith.addi %mul3A_98, %add3A_1721 : vector<16xi32>
    %gather3A_1723 = tpu.vector_load_idx %arg5[%add3A_1722] : memref<7168xf32, #tpu.memory_space<vmem>>[vector<16xi32>], vector<16xf32>,
    %add3A_1724 = arith.addf %add3A_1719, %gather3A_1723 : vector<16xf32>
    %add3A_1725 = arith.constant 4878 : i32
    %add3A_1726 = vector.broadcast %add3A_1725 : i32 to vector<16xi32>
    %add3A_1727 = arith.addi %mul3A_98, %add3A_1726 : vector<16xi32>
    %gather3A_1728 = tpu.vector_load_idx %arg5[%add3A_1727] : memref<7168xf32, #tpu.memory_space<vmem>>[vector<16xi32>], vector<16xf32>,
    %add3A_1729 = arith.addf %add3A_1724, %gather3A_1728 : vector<16xf32>
    %add3A_1730 = arith.constant 4879 : i32
    %add3A_1731 = vector.broadcast %add3A_1730 : i32 to vector<16xi32>
    %add3A_1732 = arith.addi %mul3A_98, %add3A_1731 : vector<16xi32>
    %gather3A_1733 = tpu.vector_load_idx %arg5[%add3A_1732] : memref<7168xf32, #tpu.memory_space<vmem>>[vector<16xi32>], vector<16xf32>,
    %add3A_1734 = arith.addf %add3A_1729, %gather3A_1733 : vector<16xf32>
    %swap3A_1735 = arith.constant 304 : index
    %swap3A_1736 = tpu.vector_load %arg6[%swap3A_1735] {strides = array<i32>} : memref<448xf32, #tpu.memory_space<vmem>>, vector<16xf32>,
    tpu.vector_store %arg6[%swap3A_1735], %add3A_1734 {strides = array<i32>} : memref<448xf32, #tpu.memory_space<vmem>>, vector<16xf32>,
    %add3A_1737 = arith.constant 5120 : i32
    %add3A_1738 = vector.broadcast %add3A_1737 : i32 to vector<16xi32>
    %add3A_1739 = arith.addi %mul3A_98, %add3A_1738 : vector<16xi32>
    %gather3A_1740 = tpu.vector_load_idx %arg5[%add3A_1739] : memref<7168xf32, #tpu.memory_space<vmem>>[vector<16xi32>], vector<16xf32>,
    %add3A_1741 = arith.addf %broadcast_in_dim3A_3, %gather3A_1740 : vector<16xf32>
    %add3A_1742 = arith.constant 5121 : i32
    %add3A_1743 = vector.broadcast %add3A_1742 : i32 to vector<16xi32>
    %add3A_1744 = arith.addi %mul3A_98, %add3A_1743 : vector<16xi32>
    %gather3A_1745 = tpu.vector_load_idx %arg5[%add3A_1744] : memref<7168xf32, #tpu.memory_space<vmem>>[vector<16xi32>], vector<16xf32>,
    %add3A_1746 = arith.addf %add3A_1741, %gather3A_1745 : vector<16xf32>
    %add3A_1747 = arith.constant 5122 : i32
    %add3A_1748 = vector.broadcast %add3A_1747 : i32 to vector<16xi32>
    %add3A_1749 = arith.addi %mul3A_98, %add3A_1748 : vector<16xi32>
    %gather3A_1750 = tpu.vector_load_idx %arg5[%add3A_1749] : memref<7168xf32, #tpu.memory_space<vmem>>[vector<16xi32>], vector<16xf32>,
    %add3A_1751 = arith.addf %add3A_1746, %gather3A_1750 : vector<16xf32>
    %add3A_1752 = arith.constant 5123 : i32
    %add3A_1753 = vector.broadcast %add3A_1752 : i32 to vector<16xi32>
    %add3A_1754 = arith.addi %mul3A_98, %add3A_1753 : vector<16xi32>
    %gather3A_1755 = tpu.vector_load_idx %arg5[%add3A_1754] : memref<7168xf32, #tpu.memory_space<vmem>>[vector<16xi32>], vector<16xf32>,
    %add3A_1756 = arith.addf %add3A_1751, %gather3A_1755 : vector<16xf32>
    %add3A_1757 = arith.constant 5124 : i32
    %add3A_1758 = vector.broadcast %add3A_1757 : i32 to vector<16xi32>
    %add3A_1759 = arith.addi %mul3A_98, %add3A_1758 : vector<16xi32>
    %gather3A_1760 = tpu.vector_load_idx %arg5[%add3A_1759] : memref<7168xf32, #tpu.memory_space<vmem>>[vector<16xi32>], vector<16xf32>,
    %add3A_1761 = arith.addf %add3A_1756, %gather3A_1760 : vector<16xf32>
    %add3A_1762 = arith.constant 5125 : i32
    %add3A_1763 = vector.broadcast %add3A_1762 : i32 to vector<16xi32>
    %add3A_1764 = arith.addi %mul3A_98, %add3A_1763 : vector<16xi32>
    %gather3A_1765 = tpu.vector_load_idx %arg5[%add3A_1764] : memref<7168xf32, #tpu.memory_space<vmem>>[vector<16xi32>], vector<16xf32>,
    %add3A_1766 = arith.addf %add3A_1761, %gather3A_1765 : vector<16xf32>
    %add3A_1767 = arith.constant 5126 : i32
    %add3A_1768 = vector.broadcast %add3A_1767 : i32 to vector<16xi32>
    %add3A_1769 = arith.addi %mul3A_98, %add3A_1768 : vector<16xi32>
    %gather3A_1770 = tpu.vector_load_idx %arg5[%add3A_1769] : memref<7168xf32, #tpu.memory_space<vmem>>[vector<16xi32>], vector<16xf32>,
    %add3A_1771 = arith.addf %add3A_1766, %gather3A_1770 : vector<16xf32>
    %add3A_1772 = arith.constant 5127 : i32
    %add3A_1773 = vector.broadcast %add3A_1772 : i32 to vector<16xi32>
    %add3A_1774 = arith.addi %mul3A_98, %add3A_1773 : vector<16xi32>
    %gather3A_1775 = tpu.vector_load_idx %arg5[%add3A_1774] : memref<7168xf32, #tpu.memory_space<vmem>>[vector<16xi32>], vector<16xf32>,
    %add3A_1776 = arith.addf %add3A_1771, %gather3A_1775 : vector<16xf32>
    %add3A_1777 = arith.constant 5128 : i32
    %add3A_1778 = vector.broadcast %add3A_1777 : i32 to vector<16xi32>
    %add3A_1779 = arith.addi %mul3A_98, %add3A_1778 : vector<16xi32>
    %gather3A_1780 = tpu.vector_load_idx %arg5[%add3A_1779] : memref<7168xf32, #tpu.memory_space<vmem>>[vector<16xi32>], vector<16xf32>,
    %add3A_1781 = arith.addf %add3A_1776, %gather3A_1780 : vector<16xf32>
    %add3A_1782 = arith.constant 5129 : i32
    %add3A_1783 = vector.broadcast %add3A_1782 : i32 to vector<16xi32>
    %add3A_1784 = arith.addi %mul3A_98, %add3A_1783 : vector<16xi32>
    %gather3A_1785 = tpu.vector_load_idx %arg5[%add3A_1784] : memref<7168xf32, #tpu.memory_space<vmem>>[vector<16xi32>], vector<16xf32>,
    %add3A_1786 = arith.addf %add3A_1781, %gather3A_1785 : vector<16xf32>
    %add3A_1787 = arith.constant 5130 : i32
    %add3A_1788 = vector.broadcast %add3A_1787 : i32 to vector<16xi32>
    %add3A_1789 = arith.addi %mul3A_98, %add3A_1788 : vector<16xi32>
    %gather3A_1790 = tpu.vector_load_idx %arg5[%add3A_1789] : memref<7168xf32, #tpu.memory_space<vmem>>[vector<16xi32>], vector<16xf32>,
    %add3A_1791 = arith.addf %add3A_1786, %gather3A_1790 : vector<16xf32>
    %add3A_1792 = arith.constant 5131 : i32
    %add3A_1793 = vector.broadcast %add3A_1792 : i32 to vector<16xi32>
    %add3A_1794 = arith.addi %mul3A_98, %add3A_1793 : vector<16xi32>
    %gather3A_1795 = tpu.vector_load_idx %arg5[%add3A_1794] : memref<7168xf32, #tpu.memory_space<vmem>>[vector<16xi32>], vector<16xf32>,
    %add3A_1796 = arith.addf %add3A_1791, %gather3A_1795 : vector<16xf32>
    %add3A_1797 = arith.constant 5132 : i32
    %add3A_1798 = vector.broadcast %add3A_1797 : i32 to vector<16xi32>
    %add3A_1799 = arith.addi %mul3A_98, %add3A_1798 : vector<16xi32>
    %gather3A_1800 = tpu.vector_load_idx %arg5[%add3A_1799] : memref<7168xf32, #tpu.memory_space<vmem>>[vector<16xi32>], vector<16xf32>,
    %add3A_1801 = arith.addf %add3A_1796, %gather3A_1800 : vector<16xf32>
    %add3A_1802 = arith.constant 5133 : i32
    %add3A_1803 = vector.broadcast %add3A_1802 : i32 to vector<16xi32>
    %add3A_1804 = arith.addi %mul3A_98, %add3A_1803 : vector<16xi32>
    %gather3A_1805 = tpu.vector_load_idx %arg5[%add3A_1804] : memref<7168xf32, #tpu.memory_space<vmem>>[vector<16xi32>], vector<16xf32>,
    %add3A_1806 = arith.addf %add3A_1801, %gather3A_1805 : vector<16xf32>
    %add3A_1807 = arith.constant 5134 : i32
    %add3A_1808 = vector.broadcast %add3A_1807 : i32 to vector<16xi32>
    %add3A_1809 = arith.addi %mul3A_98, %add3A_1808 : vector<16xi32>
    %gather3A_1810 = tpu.vector_load_idx %arg5[%add3A_1809] : memref<7168xf32, #tpu.memory_space<vmem>>[vector<16xi32>], vector<16xf32>,
    %add3A_1811 = arith.addf %add3A_1806, %gather3A_1810 : vector<16xf32>
    %add3A_1812 = arith.constant 5135 : i32
    %add3A_1813 = vector.broadcast %add3A_1812 : i32 to vector<16xi32>
    %add3A_1814 = arith.addi %mul3A_98, %add3A_1813 : vector<16xi32>
    %gather3A_1815 = tpu.vector_load_idx %arg5[%add3A_1814] : memref<7168xf32, #tpu.memory_space<vmem>>[vector<16xi32>], vector<16xf32>,
    %add3A_1816 = arith.addf %add3A_1811, %gather3A_1815 : vector<16xf32>
    %swap3A_1817 = arith.constant 320 : index
    %swap3A_1818 = tpu.vector_load %arg6[%swap3A_1817] {strides = array<i32>} : memref<448xf32, #tpu.memory_space<vmem>>, vector<16xf32>,
    tpu.vector_store %arg6[%swap3A_1817], %add3A_1816 {strides = array<i32>} : memref<448xf32, #tpu.memory_space<vmem>>, vector<16xf32>,
    %add3A_1819 = arith.constant 5376 : i32
    %add3A_1820 = vector.broadcast %add3A_1819 : i32 to vector<16xi32>
    %add3A_1821 = arith.addi %mul3A_98, %add3A_1820 : vector<16xi32>
    %gather3A_1822 = tpu.vector_load_idx %arg5[%add3A_1821] : memref<7168xf32, #tpu.memory_space<vmem>>[vector<16xi32>], vector<16xf32>,
    %add3A_1823 = arith.addf %broadcast_in_dim3A_3, %gather3A_1822 : vector<16xf32>
    %add3A_1824 = arith.constant 5377 : i32
    %add3A_1825 = vector.broadcast %add3A_1824 : i32 to vector<16xi32>
    %add3A_1826 = arith.addi %mul3A_98, %add3A_1825 : vector<16xi32>
    %gather3A_1827 = tpu.vector_load_idx %arg5[%add3A_1826] : memref<7168xf32, #tpu.memory_space<vmem>>[vector<16xi32>], vector<16xf32>,
    %add3A_1828 = arith.addf %add3A_1823, %gather3A_1827 : vector<16xf32>
    %add3A_1829 = arith.constant 5378 : i32
    %add3A_1830 = vector.broadcast %add3A_1829 : i32 to vector<16xi32>
    %add3A_1831 = arith.addi %mul3A_98, %add3A_1830 : vector<16xi32>
    %gather3A_1832 = tpu.vector_load_idx %arg5[%add3A_1831] : memref<7168xf32, #tpu.memory_space<vmem>>[vector<16xi32>], vector<16xf32>,
    %add3A_1833 = arith.addf %add3A_1828, %gather3A_1832 : vector<16xf32>
    %add3A_1834 = arith.constant 5379 : i32
    %add3A_1835 = vector.broadcast %add3A_1834 : i32 to vector<16xi32>
    %add3A_1836 = arith.addi %mul3A_98, %add3A_1835 : vector<16xi32>
    %gather3A_1837 = tpu.vector_load_idx %arg5[%add3A_1836] : memref<7168xf32, #tpu.memory_space<vmem>>[vector<16xi32>], vector<16xf32>,
    %add3A_1838 = arith.addf %add3A_1833, %gather3A_1837 : vector<16xf32>
    %add3A_1839 = arith.constant 5380 : i32
    %add3A_1840 = vector.broadcast %add3A_1839 : i32 to vector<16xi32>
    %add3A_1841 = arith.addi %mul3A_98, %add3A_1840 : vector<16xi32>
    %gather3A_1842 = tpu.vector_load_idx %arg5[%add3A_1841] : memref<7168xf32, #tpu.memory_space<vmem>>[vector<16xi32>], vector<16xf32>,
    %add3A_1843 = arith.addf %add3A_1838, %gather3A_1842 : vector<16xf32>
    %add3A_1844 = arith.constant 5381 : i32
    %add3A_1845 = vector.broadcast %add3A_1844 : i32 to vector<16xi32>
    %add3A_1846 = arith.addi %mul3A_98, %add3A_1845 : vector<16xi32>
    %gather3A_1847 = tpu.vector_load_idx %arg5[%add3A_1846] : memref<7168xf32, #tpu.memory_space<vmem>>[vector<16xi32>], vector<16xf32>,
    %add3A_1848 = arith.addf %add3A_1843, %gather3A_1847 : vector<16xf32>
    %add3A_1849 = arith.constant 5382 : i32
    %add3A_1850 = vector.broadcast %add3A_1849 : i32 to vector<16xi32>
    %add3A_1851 = arith.addi %mul3A_98, %add3A_1850 : vector<16xi32>
    %gather3A_1852 = tpu.vector_load_idx %arg5[%add3A_1851] : memref<7168xf32, #tpu.memory_space<vmem>>[vector<16xi32>], vector<16xf32>,
    %add3A_1853 = arith.addf %add3A_1848, %gather3A_1852 : vector<16xf32>
    %add3A_1854 = arith.constant 5383 : i32
    %add3A_1855 = vector.broadcast %add3A_1854 : i32 to vector<16xi32>
    %add3A_1856 = arith.addi %mul3A_98, %add3A_1855 : vector<16xi32>
    %gather3A_1857 = tpu.vector_load_idx %arg5[%add3A_1856] : memref<7168xf32, #tpu.memory_space<vmem>>[vector<16xi32>], vector<16xf32>,
    %add3A_1858 = arith.addf %add3A_1853, %gather3A_1857 : vector<16xf32>
    %add3A_1859 = arith.constant 5384 : i32
    %add3A_1860 = vector.broadcast %add3A_1859 : i32 to vector<16xi32>
    %add3A_1861 = arith.addi %mul3A_98, %add3A_1860 : vector<16xi32>
    %gather3A_1862 = tpu.vector_load_idx %arg5[%add3A_1861] : memref<7168xf32, #tpu.memory_space<vmem>>[vector<16xi32>], vector<16xf32>,
    %add3A_1863 = arith.addf %add3A_1858, %gather3A_1862 : vector<16xf32>
    %add3A_1864 = arith.constant 5385 : i32
    %add3A_1865 = vector.broadcast %add3A_1864 : i32 to vector<16xi32>
    %add3A_1866 = arith.addi %mul3A_98, %add3A_1865 : vector<16xi32>
    %gather3A_1867 = tpu.vector_load_idx %arg5[%add3A_1866] : memref<7168xf32, #tpu.memory_space<vmem>>[vector<16xi32>], vector<16xf32>,
    %add3A_1868 = arith.addf %add3A_1863, %gather3A_1867 : vector<16xf32>
    %add3A_1869 = arith.constant 5386 : i32
    %add3A_1870 = vector.broadcast %add3A_1869 : i32 to vector<16xi32>
    %add3A_1871 = arith.addi %mul3A_98, %add3A_1870 : vector<16xi32>
    %gather3A_1872 = tpu.vector_load_idx %arg5[%add3A_1871] : memref<7168xf32, #tpu.memory_space<vmem>>[vector<16xi32>], vector<16xf32>,
    %add3A_1873 = arith.addf %add3A_1868, %gather3A_1872 : vector<16xf32>
    %add3A_1874 = arith.constant 5387 : i32
    %add3A_1875 = vector.broadcast %add3A_1874 : i32 to vector<16xi32>
    %add3A_1876 = arith.addi %mul3A_98, %add3A_1875 : vector<16xi32>
    %gather3A_1877 = tpu.vector_load_idx %arg5[%add3A_1876] : memref<7168xf32, #tpu.memory_space<vmem>>[vector<16xi32>], vector<16xf32>,
    %add3A_1878 = arith.addf %add3A_1873, %gather3A_1877 : vector<16xf32>
    %add3A_1879 = arith.constant 5388 : i32
    %add3A_1880 = vector.broadcast %add3A_1879 : i32 to vector<16xi32>
    %add3A_1881 = arith.addi %mul3A_98, %add3A_1880 : vector<16xi32>
    %gather3A_1882 = tpu.vector_load_idx %arg5[%add3A_1881] : memref<7168xf32, #tpu.memory_space<vmem>>[vector<16xi32>], vector<16xf32>,
    %add3A_1883 = arith.addf %add3A_1878, %gather3A_1882 : vector<16xf32>
    %add3A_1884 = arith.constant 5389 : i32
    %add3A_1885 = vector.broadcast %add3A_1884 : i32 to vector<16xi32>
    %add3A_1886 = arith.addi %mul3A_98, %add3A_1885 : vector<16xi32>
    %gather3A_1887 = tpu.vector_load_idx %arg5[%add3A_1886] : memref<7168xf32, #tpu.memory_space<vmem>>[vector<16xi32>], vector<16xf32>,
    %add3A_1888 = arith.addf %add3A_1883, %gather3A_1887 : vector<16xf32>
    %add3A_1889 = arith.constant 5390 : i32
    %add3A_1890 = vector.broadcast %add3A_1889 : i32 to vector<16xi32>
    %add3A_1891 = arith.addi %mul3A_98, %add3A_1890 : vector<16xi32>
    %gather3A_1892 = tpu.vector_load_idx %arg5[%add3A_1891] : memref<7168xf32, #tpu.memory_space<vmem>>[vector<16xi32>], vector<16xf32>,
    %add3A_1893 = arith.addf %add3A_1888, %gather3A_1892 : vector<16xf32>
    %add3A_1894 = arith.constant 5391 : i32
    %add3A_1895 = vector.broadcast %add3A_1894 : i32 to vector<16xi32>
    %add3A_1896 = arith.addi %mul3A_98, %add3A_1895 : vector<16xi32>
    %gather3A_1897 = tpu.vector_load_idx %arg5[%add3A_1896] : memref<7168xf32, #tpu.memory_space<vmem>>[vector<16xi32>], vector<16xf32>,
    %add3A_1898 = arith.addf %add3A_1893, %gather3A_1897 : vector<16xf32>
    %swap3A_1899 = arith.constant 336 : index
    %swap3A_1900 = tpu.vector_load %arg6[%swap3A_1899] {strides = array<i32>} : memref<448xf32, #tpu.memory_space<vmem>>, vector<16xf32>,
    tpu.vector_store %arg6[%swap3A_1899], %add3A_1898 {strides = array<i32>} : memref<448xf32, #tpu.memory_space<vmem>>, vector<16xf32>,
    %add3A_1901 = arith.constant 5632 : i32
    %add3A_1902 = vector.broadcast %add3A_1901 : i32 to vector<16xi32>
    %add3A_1903 = arith.addi %mul3A_98, %add3A_1902 : vector<16xi32>
    %gather3A_1904 = tpu.vector_load_idx %arg5[%add3A_1903] : memref<7168xf32, #tpu.memory_space<vmem>>[vector<16xi32>], vector<16xf32>,
    %add3A_1905 = arith.addf %broadcast_in_dim3A_3, %gather3A_1904 : vector<16xf32>
    %add3A_1906 = arith.constant 5633 : i32
    %add3A_1907 = vector.broadcast %add3A_1906 : i32 to vector<16xi32>
    %add3A_1908 = arith.addi %mul3A_98, %add3A_1907 : vector<16xi32>
    %gather3A_1909 = tpu.vector_load_idx %arg5[%add3A_1908] : memref<7168xf32, #tpu.memory_space<vmem>>[vector<16xi32>], vector<16xf32>,
    %add3A_1910 = arith.addf %add3A_1905, %gather3A_1909 : vector<16xf32>
    %add3A_1911 = arith.constant 5634 : i32
    %add3A_1912 = vector.broadcast %add3A_1911 : i32 to vector<16xi32>
    %add3A_1913 = arith.addi %mul3A_98, %add3A_1912 : vector<16xi32>
    %gather3A_1914 = tpu.vector_load_idx %arg5[%add3A_1913] : memref<7168xf32, #tpu.memory_space<vmem>>[vector<16xi32>], vector<16xf32>,
    %add3A_1915 = arith.addf %add3A_1910, %gather3A_1914 : vector<16xf32>
    %add3A_1916 = arith.constant 5635 : i32
    %add3A_1917 = vector.broadcast %add3A_1916 : i32 to vector<16xi32>
    %add3A_1918 = arith.addi %mul3A_98, %add3A_1917 : vector<16xi32>
    %gather3A_1919 = tpu.vector_load_idx %arg5[%add3A_1918] : memref<7168xf32, #tpu.memory_space<vmem>>[vector<16xi32>], vector<16xf32>,
    %add3A_1920 = arith.addf %add3A_1915, %gather3A_1919 : vector<16xf32>
    %add3A_1921 = arith.constant 5636 : i32
    %add3A_1922 = vector.broadcast %add3A_1921 : i32 to vector<16xi32>
    %add3A_1923 = arith.addi %mul3A_98, %add3A_1922 : vector<16xi32>
    %gather3A_1924 = tpu.vector_load_idx %arg5[%add3A_1923] : memref<7168xf32, #tpu.memory_space<vmem>>[vector<16xi32>], vector<16xf32>,
    %add3A_1925 = arith.addf %add3A_1920, %gather3A_1924 : vector<16xf32>
    %add3A_1926 = arith.constant 5637 : i32
    %add3A_1927 = vector.broadcast %add3A_1926 : i32 to vector<16xi32>
    %add3A_1928 = arith.addi %mul3A_98, %add3A_1927 : vector<16xi32>
    %gather3A_1929 = tpu.vector_load_idx %arg5[%add3A_1928] : memref<7168xf32, #tpu.memory_space<vmem>>[vector<16xi32>], vector<16xf32>,
    %add3A_1930 = arith.addf %add3A_1925, %gather3A_1929 : vector<16xf32>
    %add3A_1931 = arith.constant 5638 : i32
    %add3A_1932 = vector.broadcast %add3A_1931 : i32 to vector<16xi32>
    %add3A_1933 = arith.addi %mul3A_98, %add3A_1932 : vector<16xi32>
    %gather3A_1934 = tpu.vector_load_idx %arg5[%add3A_1933] : memref<7168xf32, #tpu.memory_space<vmem>>[vector<16xi32>], vector<16xf32>,
    %add3A_1935 = arith.addf %add3A_1930, %gather3A_1934 : vector<16xf32>
    %add3A_1936 = arith.constant 5639 : i32
    %add3A_1937 = vector.broadcast %add3A_1936 : i32 to vector<16xi32>
    %add3A_1938 = arith.addi %mul3A_98, %add3A_1937 : vector<16xi32>
    %gather3A_1939 = tpu.vector_load_idx %arg5[%add3A_1938] : memref<7168xf32, #tpu.memory_space<vmem>>[vector<16xi32>], vector<16xf32>,
    %add3A_1940 = arith.addf %add3A_1935, %gather3A_1939 : vector<16xf32>
    %add3A_1941 = arith.constant 5640 : i32
    %add3A_1942 = vector.broadcast %add3A_1941 : i32 to vector<16xi32>
    %add3A_1943 = arith.addi %mul3A_98, %add3A_1942 : vector<16xi32>
    %gather3A_1944 = tpu.vector_load_idx %arg5[%add3A_1943] : memref<7168xf32, #tpu.memory_space<vmem>>[vector<16xi32>], vector<16xf32>,
    %add3A_1945 = arith.addf %add3A_1940, %gather3A_1944 : vector<16xf32>
    %add3A_1946 = arith.constant 5641 : i32
    %add3A_1947 = vector.broadcast %add3A_1946 : i32 to vector<16xi32>
    %add3A_1948 = arith.addi %mul3A_98, %add3A_1947 : vector<16xi32>
    %gather3A_1949 = tpu.vector_load_idx %arg5[%add3A_1948] : memref<7168xf32, #tpu.memory_space<vmem>>[vector<16xi32>], vector<16xf32>,
    %add3A_1950 = arith.addf %add3A_1945, %gather3A_1949 : vector<16xf32>
    %add3A_1951 = arith.constant 5642 : i32
    %add3A_1952 = vector.broadcast %add3A_1951 : i32 to vector<16xi32>
    %add3A_1953 = arith.addi %mul3A_98, %add3A_1952 : vector<16xi32>
    %gather3A_1954 = tpu.vector_load_idx %arg5[%add3A_1953] : memref<7168xf32, #tpu.memory_space<vmem>>[vector<16xi32>], vector<16xf32>,
    %add3A_1955 = arith.addf %add3A_1950, %gather3A_1954 : vector<16xf32>
    %add3A_1956 = arith.constant 5643 : i32
    %add3A_1957 = vector.broadcast %add3A_1956 : i32 to vector<16xi32>
    %add3A_1958 = arith.addi %mul3A_98, %add3A_1957 : vector<16xi32>
    %gather3A_1959 = tpu.vector_load_idx %arg5[%add3A_1958] : memref<7168xf32, #tpu.memory_space<vmem>>[vector<16xi32>], vector<16xf32>,
    %add3A_1960 = arith.addf %add3A_1955, %gather3A_1959 : vector<16xf32>
    %add3A_1961 = arith.constant 5644 : i32
    %add3A_1962 = vector.broadcast %add3A_1961 : i32 to vector<16xi32>
    %add3A_1963 = arith.addi %mul3A_98, %add3A_1962 : vector<16xi32>
    %gather3A_1964 = tpu.vector_load_idx %arg5[%add3A_1963] : memref<7168xf32, #tpu.memory_space<vmem>>[vector<16xi32>], vector<16xf32>,
    %add3A_1965 = arith.addf %add3A_1960, %gather3A_1964 : vector<16xf32>
    %add3A_1966 = arith.constant 5645 : i32
    %add3A_1967 = vector.broadcast %add3A_1966 : i32 to vector<16xi32>
    %add3A_1968 = arith.addi %mul3A_98, %add3A_1967 : vector<16xi32>
    %gather3A_1969 = tpu.vector_load_idx %arg5[%add3A_1968] : memref<7168xf32, #tpu.memory_space<vmem>>[vector<16xi32>], vector<16xf32>,
    %add3A_1970 = arith.addf %add3A_1965, %gather3A_1969 : vector<16xf32>
    %add3A_1971 = arith.constant 5646 : i32
    %add3A_1972 = vector.broadcast %add3A_1971 : i32 to vector<16xi32>
    %add3A_1973 = arith.addi %mul3A_98, %add3A_1972 : vector<16xi32>
    %gather3A_1974 = tpu.vector_load_idx %arg5[%add3A_1973] : memref<7168xf32, #tpu.memory_space<vmem>>[vector<16xi32>], vector<16xf32>,
    %add3A_1975 = arith.addf %add3A_1970, %gather3A_1974 : vector<16xf32>
    %add3A_1976 = arith.constant 5647 : i32
    %add3A_1977 = vector.broadcast %add3A_1976 : i32 to vector<16xi32>
    %add3A_1978 = arith.addi %mul3A_98, %add3A_1977 : vector<16xi32>
    %gather3A_1979 = tpu.vector_load_idx %arg5[%add3A_1978] : memref<7168xf32, #tpu.memory_space<vmem>>[vector<16xi32>], vector<16xf32>,
    %add3A_1980 = arith.addf %add3A_1975, %gather3A_1979 : vector<16xf32>
    %swap3A_1981 = arith.constant 352 : index
    %swap3A_1982 = tpu.vector_load %arg6[%swap3A_1981] {strides = array<i32>} : memref<448xf32, #tpu.memory_space<vmem>>, vector<16xf32>,
    tpu.vector_store %arg6[%swap3A_1981], %add3A_1980 {strides = array<i32>} : memref<448xf32, #tpu.memory_space<vmem>>, vector<16xf32>,
    %add3A_1983 = arith.constant 5888 : i32
    %add3A_1984 = vector.broadcast %add3A_1983 : i32 to vector<16xi32>
    %add3A_1985 = arith.addi %mul3A_98, %add3A_1984 : vector<16xi32>
    %gather3A_1986 = tpu.vector_load_idx %arg5[%add3A_1985] : memref<7168xf32, #tpu.memory_space<vmem>>[vector<16xi32>], vector<16xf32>,
    %add3A_1987 = arith.addf %broadcast_in_dim3A_3, %gather3A_1986 : vector<16xf32>
    %add3A_1988 = arith.constant 5889 : i32
    %add3A_1989 = vector.broadcast %add3A_1988 : i32 to vector<16xi32>
    %add3A_1990 = arith.addi %mul3A_98, %add3A_1989 : vector<16xi32>
    %gather3A_1991 = tpu.vector_load_idx %arg5[%add3A_1990] : memref<7168xf32, #tpu.memory_space<vmem>>[vector<16xi32>], vector<16xf32>,
    %add3A_1992 = arith.addf %add3A_1987, %gather3A_1991 : vector<16xf32>
    %add3A_1993 = arith.constant 5890 : i32
    %add3A_1994 = vector.broadcast %add3A_1993 : i32 to vector<16xi32>
    %add3A_1995 = arith.addi %mul3A_98, %add3A_1994 : vector<16xi32>
    %gather3A_1996 = tpu.vector_load_idx %arg5[%add3A_1995] : memref<7168xf32, #tpu.memory_space<vmem>>[vector<16xi32>], vector<16xf32>,
    %add3A_1997 = arith.addf %add3A_1992, %gather3A_1996 : vector<16xf32>
    %add3A_1998 = arith.constant 5891 : i32
    %add3A_1999 = vector.broadcast %add3A_1998 : i32 to vector<16xi32>
    %add3A_2000 = arith.addi %mul3A_98, %add3A_1999 : vector<16xi32>
    %gather3A_2001 = tpu.vector_load_idx %arg5[%add3A_2000] : memref<7168xf32, #tpu.memory_space<vmem>>[vector<16xi32>], vector<16xf32>,
    %add3A_2002 = arith.addf %add3A_1997, %gather3A_2001 : vector<16xf32>
    %add3A_2003 = arith.constant 5892 : i32
    %add3A_2004 = vector.broadcast %add3A_2003 : i32 to vector<16xi32>
    %add3A_2005 = arith.addi %mul3A_98, %add3A_2004 : vector<16xi32>
    %gather3A_2006 = tpu.vector_load_idx %arg5[%add3A_2005] : memref<7168xf32, #tpu.memory_space<vmem>>[vector<16xi32>], vector<16xf32>,
    %add3A_2007 = arith.addf %add3A_2002, %gather3A_2006 : vector<16xf32>
    %add3A_2008 = arith.constant 5893 : i32
    %add3A_2009 = vector.broadcast %add3A_2008 : i32 to vector<16xi32>
    %add3A_2010 = arith.addi %mul3A_98, %add3A_2009 : vector<16xi32>
    %gather3A_2011 = tpu.vector_load_idx %arg5[%add3A_2010] : memref<7168xf32, #tpu.memory_space<vmem>>[vector<16xi32>], vector<16xf32>,
    %add3A_2012 = arith.addf %add3A_2007, %gather3A_2011 : vector<16xf32>
    %add3A_2013 = arith.constant 5894 : i32
    %add3A_2014 = vector.broadcast %add3A_2013 : i32 to vector<16xi32>
    %add3A_2015 = arith.addi %mul3A_98, %add3A_2014 : vector<16xi32>
    %gather3A_2016 = tpu.vector_load_idx %arg5[%add3A_2015] : memref<7168xf32, #tpu.memory_space<vmem>>[vector<16xi32>], vector<16xf32>,
    %add3A_2017 = arith.addf %add3A_2012, %gather3A_2016 : vector<16xf32>
    %add3A_2018 = arith.constant 5895 : i32
    %add3A_2019 = vector.broadcast %add3A_2018 : i32 to vector<16xi32>
    %add3A_2020 = arith.addi %mul3A_98, %add3A_2019 : vector<16xi32>
    %gather3A_2021 = tpu.vector_load_idx %arg5[%add3A_2020] : memref<7168xf32, #tpu.memory_space<vmem>>[vector<16xi32>], vector<16xf32>,
    %add3A_2022 = arith.addf %add3A_2017, %gather3A_2021 : vector<16xf32>
    %add3A_2023 = arith.constant 5896 : i32
    %add3A_2024 = vector.broadcast %add3A_2023 : i32 to vector<16xi32>
    %add3A_2025 = arith.addi %mul3A_98, %add3A_2024 : vector<16xi32>
    %gather3A_2026 = tpu.vector_load_idx %arg5[%add3A_2025] : memref<7168xf32, #tpu.memory_space<vmem>>[vector<16xi32>], vector<16xf32>,
    %add3A_2027 = arith.addf %add3A_2022, %gather3A_2026 : vector<16xf32>
    %add3A_2028 = arith.constant 5897 : i32
    %add3A_2029 = vector.broadcast %add3A_2028 : i32 to vector<16xi32>
    %add3A_2030 = arith.addi %mul3A_98, %add3A_2029 : vector<16xi32>
    %gather3A_2031 = tpu.vector_load_idx %arg5[%add3A_2030] : memref<7168xf32, #tpu.memory_space<vmem>>[vector<16xi32>], vector<16xf32>,
    %add3A_2032 = arith.addf %add3A_2027, %gather3A_2031 : vector<16xf32>
    %add3A_2033 = arith.constant 5898 : i32
    %add3A_2034 = vector.broadcast %add3A_2033 : i32 to vector<16xi32>
    %add3A_2035 = arith.addi %mul3A_98, %add3A_2034 : vector<16xi32>
    %gather3A_2036 = tpu.vector_load_idx %arg5[%add3A_2035] : memref<7168xf32, #tpu.memory_space<vmem>>[vector<16xi32>], vector<16xf32>,
    %add3A_2037 = arith.addf %add3A_2032, %gather3A_2036 : vector<16xf32>
    %add3A_2038 = arith.constant 5899 : i32
    %add3A_2039 = vector.broadcast %add3A_2038 : i32 to vector<16xi32>
    %add3A_2040 = arith.addi %mul3A_98, %add3A_2039 : vector<16xi32>
    %gather3A_2041 = tpu.vector_load_idx %arg5[%add3A_2040] : memref<7168xf32, #tpu.memory_space<vmem>>[vector<16xi32>], vector<16xf32>,
    %add3A_2042 = arith.addf %add3A_2037, %gather3A_2041 : vector<16xf32>
    %add3A_2043 = arith.constant 5900 : i32
    %add3A_2044 = vector.broadcast %add3A_2043 : i32 to vector<16xi32>
    %add3A_2045 = arith.addi %mul3A_98, %add3A_2044 : vector<16xi32>
    %gather3A_2046 = tpu.vector_load_idx %arg5[%add3A_2045] : memref<7168xf32, #tpu.memory_space<vmem>>[vector<16xi32>], vector<16xf32>,
    %add3A_2047 = arith.addf %add3A_2042, %gather3A_2046 : vector<16xf32>
    %add3A_2048 = arith.constant 5901 : i32
    %add3A_2049 = vector.broadcast %add3A_2048 : i32 to vector<16xi32>
    %add3A_2050 = arith.addi %mul3A_98, %add3A_2049 : vector<16xi32>
    %gather3A_2051 = tpu.vector_load_idx %arg5[%add3A_2050] : memref<7168xf32, #tpu.memory_space<vmem>>[vector<16xi32>], vector<16xf32>,
    %add3A_2052 = arith.addf %add3A_2047, %gather3A_2051 : vector<16xf32>
    %add3A_2053 = arith.constant 5902 : i32
    %add3A_2054 = vector.broadcast %add3A_2053 : i32 to vector<16xi32>
    %add3A_2055 = arith.addi %mul3A_98, %add3A_2054 : vector<16xi32>
    %gather3A_2056 = tpu.vector_load_idx %arg5[%add3A_2055] : memref<7168xf32, #tpu.memory_space<vmem>>[vector<16xi32>], vector<16xf32>,
    %add3A_2057 = arith.addf %add3A_2052, %gather3A_2056 : vector<16xf32>
    %add3A_2058 = arith.constant 5903 : i32
    %add3A_2059 = vector.broadcast %add3A_2058 : i32 to vector<16xi32>
    %add3A_2060 = arith.addi %mul3A_98, %add3A_2059 : vector<16xi32>
    %gather3A_2061 = tpu.vector_load_idx %arg5[%add3A_2060] : memref<7168xf32, #tpu.memory_space<vmem>>[vector<16xi32>], vector<16xf32>,
    %add3A_2062 = arith.addf %add3A_2057, %gather3A_2061 : vector<16xf32>
    %swap3A_2063 = arith.constant 368 : index
    %swap3A_2064 = tpu.vector_load %arg6[%swap3A_2063] {strides = array<i32>} : memref<448xf32, #tpu.memory_space<vmem>>, vector<16xf32>,
    tpu.vector_store %arg6[%swap3A_2063], %add3A_2062 {strides = array<i32>} : memref<448xf32, #tpu.memory_space<vmem>>, vector<16xf32>,
    %add3A_2065 = arith.constant 6144 : i32
    %add3A_2066 = vector.broadcast %add3A_2065 : i32 to vector<16xi32>
    %add3A_2067 = arith.addi %mul3A_98, %add3A_2066 : vector<16xi32>
    %gather3A_2068 = tpu.vector_load_idx %arg5[%add3A_2067] : memref<7168xf32, #tpu.memory_space<vmem>>[vector<16xi32>], vector<16xf32>,
    %add3A_2069 = arith.addf %broadcast_in_dim3A_3, %gather3A_2068 : vector<16xf32>
    %add3A_2070 = arith.constant 6145 : i32
    %add3A_2071 = vector.broadcast %add3A_2070 : i32 to vector<16xi32>
    %add3A_2072 = arith.addi %mul3A_98, %add3A_2071 : vector<16xi32>
    %gather3A_2073 = tpu.vector_load_idx %arg5[%add3A_2072] : memref<7168xf32, #tpu.memory_space<vmem>>[vector<16xi32>], vector<16xf32>,
    %add3A_2074 = arith.addf %add3A_2069, %gather3A_2073 : vector<16xf32>
    %add3A_2075 = arith.constant 6146 : i32
    %add3A_2076 = vector.broadcast %add3A_2075 : i32 to vector<16xi32>
    %add3A_2077 = arith.addi %mul3A_98, %add3A_2076 : vector<16xi32>
    %gather3A_2078 = tpu.vector_load_idx %arg5[%add3A_2077] : memref<7168xf32, #tpu.memory_space<vmem>>[vector<16xi32>], vector<16xf32>,
    %add3A_2079 = arith.addf %add3A_2074, %gather3A_2078 : vector<16xf32>
    %add3A_2080 = arith.constant 6147 : i32
    %add3A_2081 = vector.broadcast %add3A_2080 : i32 to vector<16xi32>
    %add3A_2082 = arith.addi %mul3A_98, %add3A_2081 : vector<16xi32>
    %gather3A_2083 = tpu.vector_load_idx %arg5[%add3A_2082] : memref<7168xf32, #tpu.memory_space<vmem>>[vector<16xi32>], vector<16xf32>,
    %add3A_2084 = arith.addf %add3A_2079, %gather3A_2083 : vector<16xf32>
    %add3A_2085 = arith.constant 6148 : i32
    %add3A_2086 = vector.broadcast %add3A_2085 : i32 to vector<16xi32>
    %add3A_2087 = arith.addi %mul3A_98, %add3A_2086 : vector<16xi32>
    %gather3A_2088 = tpu.vector_load_idx %arg5[%add3A_2087] : memref<7168xf32, #tpu.memory_space<vmem>>[vector<16xi32>], vector<16xf32>,
    %add3A_2089 = arith.addf %add3A_2084, %gather3A_2088 : vector<16xf32>
    %add3A_2090 = arith.constant 6149 : i32
    %add3A_2091 = vector.broadcast %add3A_2090 : i32 to vector<16xi32>
    %add3A_2092 = arith.addi %mul3A_98, %add3A_2091 : vector<16xi32>
    %gather3A_2093 = tpu.vector_load_idx %arg5[%add3A_2092] : memref<7168xf32, #tpu.memory_space<vmem>>[vector<16xi32>], vector<16xf32>,
    %add3A_2094 = arith.addf %add3A_2089, %gather3A_2093 : vector<16xf32>
    %add3A_2095 = arith.constant 6150 : i32
    %add3A_2096 = vector.broadcast %add3A_2095 : i32 to vector<16xi32>
    %add3A_2097 = arith.addi %mul3A_98, %add3A_2096 : vector<16xi32>
    %gather3A_2098 = tpu.vector_load_idx %arg5[%add3A_2097] : memref<7168xf32, #tpu.memory_space<vmem>>[vector<16xi32>], vector<16xf32>,
    %add3A_2099 = arith.addf %add3A_2094, %gather3A_2098 : vector<16xf32>
    %add3A_2100 = arith.constant 6151 : i32
    %add3A_2101 = vector.broadcast %add3A_2100 : i32 to vector<16xi32>
    %add3A_2102 = arith.addi %mul3A_98, %add3A_2101 : vector<16xi32>
    %gather3A_2103 = tpu.vector_load_idx %arg5[%add3A_2102] : memref<7168xf32, #tpu.memory_space<vmem>>[vector<16xi32>], vector<16xf32>,
    %add3A_2104 = arith.addf %add3A_2099, %gather3A_2103 : vector<16xf32>
    %add3A_2105 = arith.constant 6152 : i32
    %add3A_2106 = vector.broadcast %add3A_2105 : i32 to vector<16xi32>
    %add3A_2107 = arith.addi %mul3A_98, %add3A_2106 : vector<16xi32>
    %gather3A_2108 = tpu.vector_load_idx %arg5[%add3A_2107] : memref<7168xf32, #tpu.memory_space<vmem>>[vector<16xi32>], vector<16xf32>,
    %add3A_2109 = arith.addf %add3A_2104, %gather3A_2108 : vector<16xf32>
    %add3A_2110 = arith.constant 6153 : i32
    %add3A_2111 = vector.broadcast %add3A_2110 : i32 to vector<16xi32>
    %add3A_2112 = arith.addi %mul3A_98, %add3A_2111 : vector<16xi32>
    %gather3A_2113 = tpu.vector_load_idx %arg5[%add3A_2112] : memref<7168xf32, #tpu.memory_space<vmem>>[vector<16xi32>], vector<16xf32>,
    %add3A_2114 = arith.addf %add3A_2109, %gather3A_2113 : vector<16xf32>
    %add3A_2115 = arith.constant 6154 : i32
    %add3A_2116 = vector.broadcast %add3A_2115 : i32 to vector<16xi32>
    %add3A_2117 = arith.addi %mul3A_98, %add3A_2116 : vector<16xi32>
    %gather3A_2118 = tpu.vector_load_idx %arg5[%add3A_2117] : memref<7168xf32, #tpu.memory_space<vmem>>[vector<16xi32>], vector<16xf32>,
    %add3A_2119 = arith.addf %add3A_2114, %gather3A_2118 : vector<16xf32>
    %add3A_2120 = arith.constant 6155 : i32
    %add3A_2121 = vector.broadcast %add3A_2120 : i32 to vector<16xi32>
    %add3A_2122 = arith.addi %mul3A_98, %add3A_2121 : vector<16xi32>
    %gather3A_2123 = tpu.vector_load_idx %arg5[%add3A_2122] : memref<7168xf32, #tpu.memory_space<vmem>>[vector<16xi32>], vector<16xf32>,
    %add3A_2124 = arith.addf %add3A_2119, %gather3A_2123 : vector<16xf32>
    %add3A_2125 = arith.constant 6156 : i32
    %add3A_2126 = vector.broadcast %add3A_2125 : i32 to vector<16xi32>
    %add3A_2127 = arith.addi %mul3A_98, %add3A_2126 : vector<16xi32>
    %gather3A_2128 = tpu.vector_load_idx %arg5[%add3A_2127] : memref<7168xf32, #tpu.memory_space<vmem>>[vector<16xi32>], vector<16xf32>,
    %add3A_2129 = arith.addf %add3A_2124, %gather3A_2128 : vector<16xf32>
    %add3A_2130 = arith.constant 6157 : i32
    %add3A_2131 = vector.broadcast %add3A_2130 : i32 to vector<16xi32>
    %add3A_2132 = arith.addi %mul3A_98, %add3A_2131 : vector<16xi32>
    %gather3A_2133 = tpu.vector_load_idx %arg5[%add3A_2132] : memref<7168xf32, #tpu.memory_space<vmem>>[vector<16xi32>], vector<16xf32>,
    %add3A_2134 = arith.addf %add3A_2129, %gather3A_2133 : vector<16xf32>
    %add3A_2135 = arith.constant 6158 : i32
    %add3A_2136 = vector.broadcast %add3A_2135 : i32 to vector<16xi32>
    %add3A_2137 = arith.addi %mul3A_98, %add3A_2136 : vector<16xi32>
    %gather3A_2138 = tpu.vector_load_idx %arg5[%add3A_2137] : memref<7168xf32, #tpu.memory_space<vmem>>[vector<16xi32>], vector<16xf32>,
    %add3A_2139 = arith.addf %add3A_2134, %gather3A_2138 : vector<16xf32>
    %add3A_2140 = arith.constant 6159 : i32
    %add3A_2141 = vector.broadcast %add3A_2140 : i32 to vector<16xi32>
    %add3A_2142 = arith.addi %mul3A_98, %add3A_2141 : vector<16xi32>
    %gather3A_2143 = tpu.vector_load_idx %arg5[%add3A_2142] : memref<7168xf32, #tpu.memory_space<vmem>>[vector<16xi32>], vector<16xf32>,
    %add3A_2144 = arith.addf %add3A_2139, %gather3A_2143 : vector<16xf32>
    %swap3A_2145 = arith.constant 384 : index
    %swap3A_2146 = tpu.vector_load %arg6[%swap3A_2145] {strides = array<i32>} : memref<448xf32, #tpu.memory_space<vmem>>, vector<16xf32>,
    tpu.vector_store %arg6[%swap3A_2145], %add3A_2144 {strides = array<i32>} : memref<448xf32, #tpu.memory_space<vmem>>, vector<16xf32>,
    %add3A_2147 = arith.constant 6400 : i32
    %add3A_2148 = vector.broadcast %add3A_2147 : i32 to vector<16xi32>
    %add3A_2149 = arith.addi %mul3A_98, %add3A_2148 : vector<16xi32>
    %gather3A_2150 = tpu.vector_load_idx %arg5[%add3A_2149] : memref<7168xf32, #tpu.memory_space<vmem>>[vector<16xi32>], vector<16xf32>,
    %add3A_2151 = arith.addf %broadcast_in_dim3A_3, %gather3A_2150 : vector<16xf32>
    %add3A_2152 = arith.constant 6401 : i32
    %add3A_2153 = vector.broadcast %add3A_2152 : i32 to vector<16xi32>
    %add3A_2154 = arith.addi %mul3A_98, %add3A_2153 : vector<16xi32>
    %gather3A_2155 = tpu.vector_load_idx %arg5[%add3A_2154] : memref<7168xf32, #tpu.memory_space<vmem>>[vector<16xi32>], vector<16xf32>,
    %add3A_2156 = arith.addf %add3A_2151, %gather3A_2155 : vector<16xf32>
    %add3A_2157 = arith.constant 6402 : i32
    %add3A_2158 = vector.broadcast %add3A_2157 : i32 to vector<16xi32>
    %add3A_2159 = arith.addi %mul3A_98, %add3A_2158 : vector<16xi32>
    %gather3A_2160 = tpu.vector_load_idx %arg5[%add3A_2159] : memref<7168xf32, #tpu.memory_space<vmem>>[vector<16xi32>], vector<16xf32>,
    %add3A_2161 = arith.addf %add3A_2156, %gather3A_2160 : vector<16xf32>
    %add3A_2162 = arith.constant 6403 : i32
    %add3A_2163 = vector.broadcast %add3A_2162 : i32 to vector<16xi32>
    %add3A_2164 = arith.addi %mul3A_98, %add3A_2163 : vector<16xi32>
    %gather3A_2165 = tpu.vector_load_idx %arg5[%add3A_2164] : memref<7168xf32, #tpu.memory_space<vmem>>[vector<16xi32>], vector<16xf32>,
    %add3A_2166 = arith.addf %add3A_2161, %gather3A_2165 : vector<16xf32>
    %add3A_2167 = arith.constant 6404 : i32
    %add3A_2168 = vector.broadcast %add3A_2167 : i32 to vector<16xi32>
    %add3A_2169 = arith.addi %mul3A_98, %add3A_2168 : vector<16xi32>
    %gather3A_2170 = tpu.vector_load_idx %arg5[%add3A_2169] : memref<7168xf32, #tpu.memory_space<vmem>>[vector<16xi32>], vector<16xf32>,
    %add3A_2171 = arith.addf %add3A_2166, %gather3A_2170 : vector<16xf32>
    %add3A_2172 = arith.constant 6405 : i32
    %add3A_2173 = vector.broadcast %add3A_2172 : i32 to vector<16xi32>
    %add3A_2174 = arith.addi %mul3A_98, %add3A_2173 : vector<16xi32>
    %gather3A_2175 = tpu.vector_load_idx %arg5[%add3A_2174] : memref<7168xf32, #tpu.memory_space<vmem>>[vector<16xi32>], vector<16xf32>,
    %add3A_2176 = arith.addf %add3A_2171, %gather3A_2175 : vector<16xf32>
    %add3A_2177 = arith.constant 6406 : i32
    %add3A_2178 = vector.broadcast %add3A_2177 : i32 to vector<16xi32>
    %add3A_2179 = arith.addi %mul3A_98, %add3A_2178 : vector<16xi32>
    %gather3A_2180 = tpu.vector_load_idx %arg5[%add3A_2179] : memref<7168xf32, #tpu.memory_space<vmem>>[vector<16xi32>], vector<16xf32>,
    %add3A_2181 = arith.addf %add3A_2176, %gather3A_2180 : vector<16xf32>
    %add3A_2182 = arith.constant 6407 : i32
    %add3A_2183 = vector.broadcast %add3A_2182 : i32 to vector<16xi32>
    %add3A_2184 = arith.addi %mul3A_98, %add3A_2183 : vector<16xi32>
    %gather3A_2185 = tpu.vector_load_idx %arg5[%add3A_2184] : memref<7168xf32, #tpu.memory_space<vmem>>[vector<16xi32>], vector<16xf32>,
    %add3A_2186 = arith.addf %add3A_2181, %gather3A_2185 : vector<16xf32>
    %add3A_2187 = arith.constant 6408 : i32
    %add3A_2188 = vector.broadcast %add3A_2187 : i32 to vector<16xi32>
    %add3A_2189 = arith.addi %mul3A_98, %add3A_2188 : vector<16xi32>
    %gather3A_2190 = tpu.vector_load_idx %arg5[%add3A_2189] : memref<7168xf32, #tpu.memory_space<vmem>>[vector<16xi32>], vector<16xf32>,
    %add3A_2191 = arith.addf %add3A_2186, %gather3A_2190 : vector<16xf32>
    %add3A_2192 = arith.constant 6409 : i32
    %add3A_2193 = vector.broadcast %add3A_2192 : i32 to vector<16xi32>
    %add3A_2194 = arith.addi %mul3A_98, %add3A_2193 : vector<16xi32>
    %gather3A_2195 = tpu.vector_load_idx %arg5[%add3A_2194] : memref<7168xf32, #tpu.memory_space<vmem>>[vector<16xi32>], vector<16xf32>,
    %add3A_2196 = arith.addf %add3A_2191, %gather3A_2195 : vector<16xf32>
    %add3A_2197 = arith.constant 6410 : i32
    %add3A_2198 = vector.broadcast %add3A_2197 : i32 to vector<16xi32>
    %add3A_2199 = arith.addi %mul3A_98, %add3A_2198 : vector<16xi32>
    %gather3A_2200 = tpu.vector_load_idx %arg5[%add3A_2199] : memref<7168xf32, #tpu.memory_space<vmem>>[vector<16xi32>], vector<16xf32>,
    %add3A_2201 = arith.addf %add3A_2196, %gather3A_2200 : vector<16xf32>
    %add3A_2202 = arith.constant 6411 : i32
    %add3A_2203 = vector.broadcast %add3A_2202 : i32 to vector<16xi32>
    %add3A_2204 = arith.addi %mul3A_98, %add3A_2203 : vector<16xi32>
    %gather3A_2205 = tpu.vector_load_idx %arg5[%add3A_2204] : memref<7168xf32, #tpu.memory_space<vmem>>[vector<16xi32>], vector<16xf32>,
    %add3A_2206 = arith.addf %add3A_2201, %gather3A_2205 : vector<16xf32>
    %add3A_2207 = arith.constant 6412 : i32
    %add3A_2208 = vector.broadcast %add3A_2207 : i32 to vector<16xi32>
    %add3A_2209 = arith.addi %mul3A_98, %add3A_2208 : vector<16xi32>
    %gather3A_2210 = tpu.vector_load_idx %arg5[%add3A_2209] : memref<7168xf32, #tpu.memory_space<vmem>>[vector<16xi32>], vector<16xf32>,
    %add3A_2211 = arith.addf %add3A_2206, %gather3A_2210 : vector<16xf32>
    %add3A_2212 = arith.constant 6413 : i32
    %add3A_2213 = vector.broadcast %add3A_2212 : i32 to vector<16xi32>
    %add3A_2214 = arith.addi %mul3A_98, %add3A_2213 : vector<16xi32>
    %gather3A_2215 = tpu.vector_load_idx %arg5[%add3A_2214] : memref<7168xf32, #tpu.memory_space<vmem>>[vector<16xi32>], vector<16xf32>,
    %add3A_2216 = arith.addf %add3A_2211, %gather3A_2215 : vector<16xf32>
    %add3A_2217 = arith.constant 6414 : i32
    %add3A_2218 = vector.broadcast %add3A_2217 : i32 to vector<16xi32>
    %add3A_2219 = arith.addi %mul3A_98, %add3A_2218 : vector<16xi32>
    %gather3A_2220 = tpu.vector_load_idx %arg5[%add3A_2219] : memref<7168xf32, #tpu.memory_space<vmem>>[vector<16xi32>], vector<16xf32>,
    %add3A_2221 = arith.addf %add3A_2216, %gather3A_2220 : vector<16xf32>
    %add3A_2222 = arith.constant 6415 : i32
    %add3A_2223 = vector.broadcast %add3A_2222 : i32 to vector<16xi32>
    %add3A_2224 = arith.addi %mul3A_98, %add3A_2223 : vector<16xi32>
    %gather3A_2225 = tpu.vector_load_idx %arg5[%add3A_2224] : memref<7168xf32, #tpu.memory_space<vmem>>[vector<16xi32>], vector<16xf32>,
    %add3A_2226 = arith.addf %add3A_2221, %gather3A_2225 : vector<16xf32>
    %swap3A_2227 = arith.constant 400 : index
    %swap3A_2228 = tpu.vector_load %arg6[%swap3A_2227] {strides = array<i32>} : memref<448xf32, #tpu.memory_space<vmem>>, vector<16xf32>,
    tpu.vector_store %arg6[%swap3A_2227], %add3A_2226 {strides = array<i32>} : memref<448xf32, #tpu.memory_space<vmem>>, vector<16xf32>,
    %add3A_2229 = arith.constant 6656 : i32
    %add3A_2230 = vector.broadcast %add3A_2229 : i32 to vector<16xi32>
    %add3A_2231 = arith.addi %mul3A_98, %add3A_2230 : vector<16xi32>
    %gather3A_2232 = tpu.vector_load_idx %arg5[%add3A_2231] : memref<7168xf32, #tpu.memory_space<vmem>>[vector<16xi32>], vector<16xf32>,
    %add3A_2233 = arith.addf %broadcast_in_dim3A_3, %gather3A_2232 : vector<16xf32>
    %add3A_2234 = arith.constant 6657 : i32
    %add3A_2235 = vector.broadcast %add3A_2234 : i32 to vector<16xi32>
    %add3A_2236 = arith.addi %mul3A_98, %add3A_2235 : vector<16xi32>
    %gather3A_2237 = tpu.vector_load_idx %arg5[%add3A_2236] : memref<7168xf32, #tpu.memory_space<vmem>>[vector<16xi32>], vector<16xf32>,
    %add3A_2238 = arith.addf %add3A_2233, %gather3A_2237 : vector<16xf32>
    %add3A_2239 = arith.constant 6658 : i32
    %add3A_2240 = vector.broadcast %add3A_2239 : i32 to vector<16xi32>
    %add3A_2241 = arith.addi %mul3A_98, %add3A_2240 : vector<16xi32>
    %gather3A_2242 = tpu.vector_load_idx %arg5[%add3A_2241] : memref<7168xf32, #tpu.memory_space<vmem>>[vector<16xi32>], vector<16xf32>,
    %add3A_2243 = arith.addf %add3A_2238, %gather3A_2242 : vector<16xf32>
    %add3A_2244 = arith.constant 6659 : i32
    %add3A_2245 = vector.broadcast %add3A_2244 : i32 to vector<16xi32>
    %add3A_2246 = arith.addi %mul3A_98, %add3A_2245 : vector<16xi32>
    %gather3A_2247 = tpu.vector_load_idx %arg5[%add3A_2246] : memref<7168xf32, #tpu.memory_space<vmem>>[vector<16xi32>], vector<16xf32>,
    %add3A_2248 = arith.addf %add3A_2243, %gather3A_2247 : vector<16xf32>
    %add3A_2249 = arith.constant 6660 : i32
    %add3A_2250 = vector.broadcast %add3A_2249 : i32 to vector<16xi32>
    %add3A_2251 = arith.addi %mul3A_98, %add3A_2250 : vector<16xi32>
    %gather3A_2252 = tpu.vector_load_idx %arg5[%add3A_2251] : memref<7168xf32, #tpu.memory_space<vmem>>[vector<16xi32>], vector<16xf32>,
    %add3A_2253 = arith.addf %add3A_2248, %gather3A_2252 : vector<16xf32>
    %add3A_2254 = arith.constant 6661 : i32
    %add3A_2255 = vector.broadcast %add3A_2254 : i32 to vector<16xi32>
    %add3A_2256 = arith.addi %mul3A_98, %add3A_2255 : vector<16xi32>
    %gather3A_2257 = tpu.vector_load_idx %arg5[%add3A_2256] : memref<7168xf32, #tpu.memory_space<vmem>>[vector<16xi32>], vector<16xf32>,
    %add3A_2258 = arith.addf %add3A_2253, %gather3A_2257 : vector<16xf32>
    %add3A_2259 = arith.constant 6662 : i32
    %add3A_2260 = vector.broadcast %add3A_2259 : i32 to vector<16xi32>
    %add3A_2261 = arith.addi %mul3A_98, %add3A_2260 : vector<16xi32>
    %gather3A_2262 = tpu.vector_load_idx %arg5[%add3A_2261] : memref<7168xf32, #tpu.memory_space<vmem>>[vector<16xi32>], vector<16xf32>,
    %add3A_2263 = arith.addf %add3A_2258, %gather3A_2262 : vector<16xf32>
    %add3A_2264 = arith.constant 6663 : i32
    %add3A_2265 = vector.broadcast %add3A_2264 : i32 to vector<16xi32>
    %add3A_2266 = arith.addi %mul3A_98, %add3A_2265 : vector<16xi32>
    %gather3A_2267 = tpu.vector_load_idx %arg5[%add3A_2266] : memref<7168xf32, #tpu.memory_space<vmem>>[vector<16xi32>], vector<16xf32>,
    %add3A_2268 = arith.addf %add3A_2263, %gather3A_2267 : vector<16xf32>
    %add3A_2269 = arith.constant 6664 : i32
    %add3A_2270 = vector.broadcast %add3A_2269 : i32 to vector<16xi32>
    %add3A_2271 = arith.addi %mul3A_98, %add3A_2270 : vector<16xi32>
    %gather3A_2272 = tpu.vector_load_idx %arg5[%add3A_2271] : memref<7168xf32, #tpu.memory_space<vmem>>[vector<16xi32>], vector<16xf32>,
    %add3A_2273 = arith.addf %add3A_2268, %gather3A_2272 : vector<16xf32>
    %add3A_2274 = arith.constant 6665 : i32
    %add3A_2275 = vector.broadcast %add3A_2274 : i32 to vector<16xi32>
    %add3A_2276 = arith.addi %mul3A_98, %add3A_2275 : vector<16xi32>
    %gather3A_2277 = tpu.vector_load_idx %arg5[%add3A_2276] : memref<7168xf32, #tpu.memory_space<vmem>>[vector<16xi32>], vector<16xf32>,
    %add3A_2278 = arith.addf %add3A_2273, %gather3A_2277 : vector<16xf32>
    %add3A_2279 = arith.constant 6666 : i32
    %add3A_2280 = vector.broadcast %add3A_2279 : i32 to vector<16xi32>
    %add3A_2281 = arith.addi %mul3A_98, %add3A_2280 : vector<16xi32>
    %gather3A_2282 = tpu.vector_load_idx %arg5[%add3A_2281] : memref<7168xf32, #tpu.memory_space<vmem>>[vector<16xi32>], vector<16xf32>,
    %add3A_2283 = arith.addf %add3A_2278, %gather3A_2282 : vector<16xf32>
    %add3A_2284 = arith.constant 6667 : i32
    %add3A_2285 = vector.broadcast %add3A_2284 : i32 to vector<16xi32>
    %add3A_2286 = arith.addi %mul3A_98, %add3A_2285 : vector<16xi32>
    %gather3A_2287 = tpu.vector_load_idx %arg5[%add3A_2286] : memref<7168xf32, #tpu.memory_space<vmem>>[vector<16xi32>], vector<16xf32>,
    %add3A_2288 = arith.addf %add3A_2283, %gather3A_2287 : vector<16xf32>
    %add3A_2289 = arith.constant 6668 : i32
    %add3A_2290 = vector.broadcast %add3A_2289 : i32 to vector<16xi32>
    %add3A_2291 = arith.addi %mul3A_98, %add3A_2290 : vector<16xi32>
    %gather3A_2292 = tpu.vector_load_idx %arg5[%add3A_2291] : memref<7168xf32, #tpu.memory_space<vmem>>[vector<16xi32>], vector<16xf32>,
    %add3A_2293 = arith.addf %add3A_2288, %gather3A_2292 : vector<16xf32>
    %add3A_2294 = arith.constant 6669 : i32
    %add3A_2295 = vector.broadcast %add3A_2294 : i32 to vector<16xi32>
    %add3A_2296 = arith.addi %mul3A_98, %add3A_2295 : vector<16xi32>
    %gather3A_2297 = tpu.vector_load_idx %arg5[%add3A_2296] : memref<7168xf32, #tpu.memory_space<vmem>>[vector<16xi32>], vector<16xf32>,
    %add3A_2298 = arith.addf %add3A_2293, %gather3A_2297 : vector<16xf32>
    %add3A_2299 = arith.constant 6670 : i32
    %add3A_2300 = vector.broadcast %add3A_2299 : i32 to vector<16xi32>
    %add3A_2301 = arith.addi %mul3A_98, %add3A_2300 : vector<16xi32>
    %gather3A_2302 = tpu.vector_load_idx %arg5[%add3A_2301] : memref<7168xf32, #tpu.memory_space<vmem>>[vector<16xi32>], vector<16xf32>,
    %add3A_2303 = arith.addf %add3A_2298, %gather3A_2302 : vector<16xf32>
    %add3A_2304 = arith.constant 6671 : i32
    %add3A_2305 = vector.broadcast %add3A_2304 : i32 to vector<16xi32>
    %add3A_2306 = arith.addi %mul3A_98, %add3A_2305 : vector<16xi32>
    %gather3A_2307 = tpu.vector_load_idx %arg5[%add3A_2306] : memref<7168xf32, #tpu.memory_space<vmem>>[vector<16xi32>], vector<16xf32>,
    %add3A_2308 = arith.addf %add3A_2303, %gather3A_2307 : vector<16xf32>
    %swap3A_2309 = arith.constant 416 : index
    %swap3A_2310 = tpu.vector_load %arg6[%swap3A_2309] {strides = array<i32>} : memref<448xf32, #tpu.memory_space<vmem>>, vector<16xf32>,
    tpu.vector_store %arg6[%swap3A_2309], %add3A_2308 {strides = array<i32>} : memref<448xf32, #tpu.memory_space<vmem>>, vector<16xf32>,
    %add3A_2311 = arith.constant 6912 : i32
    %add3A_2312 = vector.broadcast %add3A_2311 : i32 to vector<16xi32>
    %add3A_2313 = arith.addi %mul3A_98, %add3A_2312 : vector<16xi32>
    %gather3A_2314 = tpu.vector_load_idx %arg5[%add3A_2313] : memref<7168xf32, #tpu.memory_space<vmem>>[vector<16xi32>], vector<16xf32>,
    %add3A_2315 = arith.addf %broadcast_in_dim3A_3, %gather3A_2314 : vector<16xf32>
    %add3A_2316 = arith.constant 6913 : i32
    %add3A_2317 = vector.broadcast %add3A_2316 : i32 to vector<16xi32>
    %add3A_2318 = arith.addi %mul3A_98, %add3A_2317 : vector<16xi32>
    %gather3A_2319 = tpu.vector_load_idx %arg5[%add3A_2318] : memref<7168xf32, #tpu.memory_space<vmem>>[vector<16xi32>], vector<16xf32>,
    %add3A_2320 = arith.addf %add3A_2315, %gather3A_2319 : vector<16xf32>
    %add3A_2321 = arith.constant 6914 : i32
    %add3A_2322 = vector.broadcast %add3A_2321 : i32 to vector<16xi32>
    %add3A_2323 = arith.addi %mul3A_98, %add3A_2322 : vector<16xi32>
    %gather3A_2324 = tpu.vector_load_idx %arg5[%add3A_2323] : memref<7168xf32, #tpu.memory_space<vmem>>[vector<16xi32>], vector<16xf32>,
    %add3A_2325 = arith.addf %add3A_2320, %gather3A_2324 : vector<16xf32>
    %add3A_2326 = arith.constant 6915 : i32
    %add3A_2327 = vector.broadcast %add3A_2326 : i32 to vector<16xi32>
    %add3A_2328 = arith.addi %mul3A_98, %add3A_2327 : vector<16xi32>
    %gather3A_2329 = tpu.vector_load_idx %arg5[%add3A_2328] : memref<7168xf32, #tpu.memory_space<vmem>>[vector<16xi32>], vector<16xf32>,
    %add3A_2330 = arith.addf %add3A_2325, %gather3A_2329 : vector<16xf32>
    %add3A_2331 = arith.constant 6916 : i32
    %add3A_2332 = vector.broadcast %add3A_2331 : i32 to vector<16xi32>
    %add3A_2333 = arith.addi %mul3A_98, %add3A_2332 : vector<16xi32>
    %gather3A_2334 = tpu.vector_load_idx %arg5[%add3A_2333] : memref<7168xf32, #tpu.memory_space<vmem>>[vector<16xi32>], vector<16xf32>,
    %add3A_2335 = arith.addf %add3A_2330, %gather3A_2334 : vector<16xf32>
    %add3A_2336 = arith.constant 6917 : i32
    %add3A_2337 = vector.broadcast %add3A_2336 : i32 to vector<16xi32>
    %add3A_2338 = arith.addi %mul3A_98, %add3A_2337 : vector<16xi32>
    %gather3A_2339 = tpu.vector_load_idx %arg5[%add3A_2338] : memref<7168xf32, #tpu.memory_space<vmem>>[vector<16xi32>], vector<16xf32>,
    %add3A_2340 = arith.addf %add3A_2335, %gather3A_2339 : vector<16xf32>
    %add3A_2341 = arith.constant 6918 : i32
    %add3A_2342 = vector.broadcast %add3A_2341 : i32 to vector<16xi32>
    %add3A_2343 = arith.addi %mul3A_98, %add3A_2342 : vector<16xi32>
    %gather3A_2344 = tpu.vector_load_idx %arg5[%add3A_2343] : memref<7168xf32, #tpu.memory_space<vmem>>[vector<16xi32>], vector<16xf32>,
    %add3A_2345 = arith.addf %add3A_2340, %gather3A_2344 : vector<16xf32>
    %add3A_2346 = arith.constant 6919 : i32
    %add3A_2347 = vector.broadcast %add3A_2346 : i32 to vector<16xi32>
    %add3A_2348 = arith.addi %mul3A_98, %add3A_2347 : vector<16xi32>
    %gather3A_2349 = tpu.vector_load_idx %arg5[%add3A_2348] : memref<7168xf32, #tpu.memory_space<vmem>>[vector<16xi32>], vector<16xf32>,
    %add3A_2350 = arith.addf %add3A_2345, %gather3A_2349 : vector<16xf32>
    %add3A_2351 = arith.constant 6920 : i32
    %add3A_2352 = vector.broadcast %add3A_2351 : i32 to vector<16xi32>
    %add3A_2353 = arith.addi %mul3A_98, %add3A_2352 : vector<16xi32>
    %gather3A_2354 = tpu.vector_load_idx %arg5[%add3A_2353] : memref<7168xf32, #tpu.memory_space<vmem>>[vector<16xi32>], vector<16xf32>,
    %add3A_2355 = arith.addf %add3A_2350, %gather3A_2354 : vector<16xf32>
    %add3A_2356 = arith.constant 6921 : i32
    %add3A_2357 = vector.broadcast %add3A_2356 : i32 to vector<16xi32>
    %add3A_2358 = arith.addi %mul3A_98, %add3A_2357 : vector<16xi32>
    %gather3A_2359 = tpu.vector_load_idx %arg5[%add3A_2358] : memref<7168xf32, #tpu.memory_space<vmem>>[vector<16xi32>], vector<16xf32>,
    %add3A_2360 = arith.addf %add3A_2355, %gather3A_2359 : vector<16xf32>
    %add3A_2361 = arith.constant 6922 : i32
    %add3A_2362 = vector.broadcast %add3A_2361 : i32 to vector<16xi32>
    %add3A_2363 = arith.addi %mul3A_98, %add3A_2362 : vector<16xi32>
    %gather3A_2364 = tpu.vector_load_idx %arg5[%add3A_2363] : memref<7168xf32, #tpu.memory_space<vmem>>[vector<16xi32>], vector<16xf32>,
    %add3A_2365 = arith.addf %add3A_2360, %gather3A_2364 : vector<16xf32>
    %add3A_2366 = arith.constant 6923 : i32
    %add3A_2367 = vector.broadcast %add3A_2366 : i32 to vector<16xi32>
    %add3A_2368 = arith.addi %mul3A_98, %add3A_2367 : vector<16xi32>
    %gather3A_2369 = tpu.vector_load_idx %arg5[%add3A_2368] : memref<7168xf32, #tpu.memory_space<vmem>>[vector<16xi32>], vector<16xf32>,
    %add3A_2370 = arith.addf %add3A_2365, %gather3A_2369 : vector<16xf32>
    %add3A_2371 = arith.constant 6924 : i32
    %add3A_2372 = vector.broadcast %add3A_2371 : i32 to vector<16xi32>
    %add3A_2373 = arith.addi %mul3A_98, %add3A_2372 : vector<16xi32>
    %gather3A_2374 = tpu.vector_load_idx %arg5[%add3A_2373] : memref<7168xf32, #tpu.memory_space<vmem>>[vector<16xi32>], vector<16xf32>,
    %add3A_2375 = arith.addf %add3A_2370, %gather3A_2374 : vector<16xf32>
    %add3A_2376 = arith.constant 6925 : i32
    %add3A_2377 = vector.broadcast %add3A_2376 : i32 to vector<16xi32>
    %add3A_2378 = arith.addi %mul3A_98, %add3A_2377 : vector<16xi32>
    %gather3A_2379 = tpu.vector_load_idx %arg5[%add3A_2378] : memref<7168xf32, #tpu.memory_space<vmem>>[vector<16xi32>], vector<16xf32>,
    %add3A_2380 = arith.addf %add3A_2375, %gather3A_2379 : vector<16xf32>
    %add3A_2381 = arith.constant 6926 : i32
    %add3A_2382 = vector.broadcast %add3A_2381 : i32 to vector<16xi32>
    %add3A_2383 = arith.addi %mul3A_98, %add3A_2382 : vector<16xi32>
    %gather3A_2384 = tpu.vector_load_idx %arg5[%add3A_2383] : memref<7168xf32, #tpu.memory_space<vmem>>[vector<16xi32>], vector<16xf32>,
    %add3A_2385 = arith.addf %add3A_2380, %gather3A_2384 : vector<16xf32>
    %add3A_2386 = arith.constant 6927 : i32
    %add3A_2387 = vector.broadcast %add3A_2386 : i32 to vector<16xi32>
    %add3A_2388 = arith.addi %mul3A_98, %add3A_2387 : vector<16xi32>
    %gather3A_2389 = tpu.vector_load_idx %arg5[%add3A_2388] : memref<7168xf32, #tpu.memory_space<vmem>>[vector<16xi32>], vector<16xf32>,
    %add3A_2390 = arith.addf %add3A_2385, %gather3A_2389 : vector<16xf32>
    %swap3A_2391 = arith.constant 432 : index
    %swap3A_2392 = tpu.vector_load %arg6[%swap3A_2391] {strides = array<i32>} : memref<448xf32, #tpu.memory_space<vmem>>, vector<16xf32>,
    tpu.vector_store %arg6[%swap3A_2391], %add3A_2390 {strides = array<i32>} : memref<448xf32, #tpu.memory_space<vmem>>, vector<16xf32>,
    "tpu.region"() ({
      %run_scoped3A = tpu.sem_alloc : memref<!tpu.dma_semaphore, #tpu.memory_space<semaphore_mem>>
      %dma_start3A_2393 = arith.constant 0 : i32
      %dma_start3A_2394 = tpu.memref_slice %arg3[%add3A, %dma_start3A_2393] : memref<32x448xf32, #tpu.memory_space<hbm>> -> memref<1x448xf32, #tpu.memory_space<hbm>>
      %dma_start3A_2395 = tpu.memref_squeeze %dma_start3A_2394 : memref<1x448xf32, #tpu.memory_space<hbm>> -> memref<448xf32, #tpu.memory_space<hbm>>
      %dma_start3A_2396 = arith.constant 0 : i32
      %dma_start3A_2397 = tpu.memref_slice %arg3[%add3A, %dma_start3A_2396] : memref<32x448xf32, #tpu.memory_space<hbm>> -> memref<1x448xf32, #tpu.memory_space<hbm>>
      %dma_start3A_2398 = tpu.memref_squeeze %dma_start3A_2397 : memref<1x448xf32, #tpu.memory_space<hbm>> -> memref<448xf32, #tpu.memory_space<hbm>>
      tpu.enqueue_dma source(%arg6 : memref<448xf32, #tpu.memory_space<vmem>>) target(%dma_start3A_2398 : memref<448xf32, #tpu.memory_space<hbm>>) target_semaphore(%run_scoped3A : memref<!tpu.dma_semaphore, #tpu.memory_space<semaphore_mem>>)
      %dma_wait3A_2399 = arith.constant 0 : i32
      %dma_wait3A_2400 = tpu.memref_slice %arg3[%add3A, %dma_wait3A_2399] : memref<32x448xf32, #tpu.memory_space<hbm>> -> memref<1x448xf32, #tpu.memory_space<hbm>>
      %dma_wait3A_2401 = tpu.memref_squeeze %dma_wait3A_2400 : memref<1x448xf32, #tpu.memory_space<hbm>> -> memref<448xf32, #tpu.memory_space<hbm>>
      %dma_wait3A_2402 = arith.constant 0 : i32
      %dma_wait3A_2403 = tpu.memref_slice %arg3[%add3A, %dma_wait3A_2402] : memref<32x448xf32, #tpu.memory_space<hbm>> -> memref<1x448xf32, #tpu.memory_space<hbm>>
      %dma_wait3A_2404 = tpu.memref_squeeze %dma_wait3A_2403 : memref<1x448xf32, #tpu.memory_space<hbm>> -> memref<448xf32, #tpu.memory_space<hbm>>
      tpu.wait_dma2 semaphore(%run_scoped3A : memref<!tpu.dma_semaphore, #tpu.memory_space<semaphore_mem>>) src(%arg6 : memref<448xf32, #tpu.memory_space<vmem>>) dst(%dma_wait3A_2404 : memref<448xf32, #tpu.memory_space<hbm>>)
      tpu.yield
    }) : () -> ()
    return
  }
}

module attributes {stable_mosaic.version = 14 : i64} {
  func.func @_bins_body(%arg0: i32, %arg1: memref<21x131072xf32, #tpu.memory_space<vmem>>, %arg2: memref<131072xi32, #tpu.memory_space<vmem>>, %arg3: memref<131072xi32, #tpu.memory_space<vmem>>) attributes {dimension_semantics = [#tpu.dimension_semantics<arbitrary>], iteration_bounds = array<i64: 16>, scalar_prefetch = 0 : i64, scratch_operands = 0 : i64, tpu.core_type = #tpu.core_type<tc>, window_params = [{transform_indices = @transform_0, window_bounds = array<i64: 21, 131072>}, {transform_indices = @transform_1, window_bounds = array<i64: 131072>}, {transform_indices = @transform_2, window_bounds = array<i64: 131072>}]} {
    %get3A = arith.constant 0 : index
    %get3A_0 = arith.constant 0 : index
    %get3A_1 = vector.load %arg1[%get3A, %get3A_0] : memref<21x131072xf32, #tpu.memory_space<vmem>>, vector<21x131072xf32>
    %iota3A = tpu.iota {dimensions = array<i32: 0>} : vector<21x131072xi32>
    %eq3A = arith.constant 0 : i32
    %eq3A_2 = vector.broadcast %eq3A : i32 to vector<21x131072xi32>
    %eq3A_3 = arith.cmpi eq, %iota3A, %eq3A_2 : vector<21x131072xi32>
    %jit3A = arith.constant 0xFF800000 : f32
    %broadcast_in_dim3A = vector.broadcast %jit3A : f32 to vector<21x131072xf32>
    %select_n3A = arith.select %eq3A_3, %broadcast_in_dim3A, %get3A_1 : vector<21x131072xi1>, vector<21x131072xf32>
    %reduce_max3A = arith.constant dense<0xFF800000> : vector<131072xf32>
    %reduce_max3A_4 = vector.multi_reduction <maximumf>, %select_n3A, %reduce_max3A [0] : vector<21x131072xf32> to vector<131072xf32>
    %broadcast_in_dim3A_5 = vector.shape_cast %reduce_max3A_4 : vector<131072xf32> to vector<1x131072xf32>
    %eq3A_6 = vector.broadcast %broadcast_in_dim3A_5 : vector<1x131072xf32> to vector<21x131072xf32>
    %eq3A_7 = arith.cmpf oeq, %select_n3A, %eq3A_6 : vector<21x131072xf32>
    %mul3A = arith.constant 21 : i32
    %mul3A_8 = vector.broadcast %mul3A : i32 to vector<21x131072xi32>
    %mul3A_9 = arith.muli %iota3A, %mul3A_8 : vector<21x131072xi32>
    %jit3A_10 = arith.constant 441 : i32
    %broadcast_in_dim3A_11 = vector.broadcast %jit3A_10 : i32 to vector<21x131072xi32>
    %select_n3A_12 = arith.select %eq3A_7, %mul3A_9, %broadcast_in_dim3A_11 : vector<21x131072xi1>, vector<21x131072xi32>
    %reduce_min3A = arith.constant dense<2147483647> : vector<131072xi32>
    %reduce_min3A_13 = vector.multi_reduction <minsi>, %select_n3A_12, %reduce_min3A [0] : vector<21x131072xi32> to vector<131072xi32>
    %get3A_14 = arith.constant 0 : index
    %get3A_15 = vector.load %arg2[%get3A_14] : memref<131072xi32, #tpu.memory_space<vmem>>, vector<131072xi32>
    %add3A = arith.addi %reduce_min3A_13, %get3A_15 : vector<131072xi32>
    %swap3A = arith.constant 0 : index
    %swap3A_16 = vector.load %arg3[%swap3A] : memref<131072xi32, #tpu.memory_space<vmem>>, vector<131072xi32>
    tpu.vector_store %arg3[%swap3A], %add3A {strides = array<i32>} : memref<131072xi32, #tpu.memory_space<vmem>>, vector<131072xi32>,
    return
  }
  func.func @transform_0(%arg0: i32) -> (i32, i32) {
    %add3A = arith.constant 0 : i32
    %add3A_0 = arith.addi %arg0, %add3A : i32
    %c0_i32 = arith.constant 0 : i32
    %c0_i32_1 = arith.constant 0 : i32
    return %c0_i32, %add3A_0 : i32, i32
  }
  func.func @transform_1(%arg0: i32) -> i32 {
    %add3A = arith.constant 0 : i32
    %add3A_0 = arith.addi %arg0, %add3A : i32
    %c0_i32 = arith.constant 0 : i32
    return %add3A_0 : i32
  }
  func.func @transform_2(%arg0: i32) -> i32 {
    %c0_i32 = arith.constant 0 : i32
    return %arg0 : i32
  }
}

</mosaic_0001>

<sc_bundles>
// kernel: kernel.4.cloned.1.call-start
scs
__scs_entry_jumppad:
0x0: {  	(pc) =	sbr.rel $0x88, $3  }
0x1: {  	(tag) =	ssettag $0x0;
	lr =	simm.s32 $0x1  }
0x2: {  	[smem:$0x3F9F] =	sst lr;
	_ =	strace $0xD0000000  }
0x3: {  	_ = 	snop  }
0x4: {  	_ = 	snop  }
0x5: {  	_ = 	snop  }
0x6: {  	_ = 	snop  }
0x7: {  	_ = 	snop  }
__scs_overlays_trampoline_lowered:
0x8: {  	[smem:$0x3FAE] =	sst s0  }
0x9: {  	[smem:$0x3FAF] =	sst s1  }
0xa: {  	[smem:$0x3FB0] =	sst s2  }
0xb: {  	[smem:$0x3FB1] =	sst s3  }
0xc: {  	[smem:$0x3FB2] =	sst s4  }
0xd: {  	[smem:$0x3FB3] =	sst s5  }
0xe: {  	[smem:$0x3FB4] =	sst s6  }
0xf: {  	[smem:$0x3FB5] =	sst s7  }
0x10: {  	[smem:$0x3FB6] =	sst s8  }
0x11: {  	[smem:$0x3FB7] =	sst s9;
	s0 =	simm.s32 @!p0 $0x0  }
0x12: {  	s1 =	sld [smem:$0x3F9D];
	s0 =	simm.s32 @p0 $0x1  }
0x13: {  	[smem:$0x3FB8] =	sst s0;
	s0 =	simm.s32 @!p1 $0x0  }
0x14: {  	s2 =	sld [smem:$0x3F9C];
	s0 =	simm.s32 @p1 $0x1  }
0x15: {  	[smem:$0x3FB9] =	sst s0;
	s0 =	simm.s32 @!p2 $0x0  }
0x16: {  	s3 =	sld [smem:$0x3FDB];
	s0 =	simm.s32 @p2 $0x1  }
0x17: {  	s4 =	simm.s32 $0x1BF5;
	[smem:$0x3FBB] =	sst s0  }
0x18: {  	s0 =	sld [smem:$0x3F9E];
	_ =	swait.ge [sflag:s4], $0x0  }
0x19: {  	s7 =	sld [smem:$0x3F9F]  }
0x1a: {  	s8 =	sadd.s32 $0xFFFFE003, lr  }
0x1b: {  	s9 =	sadd.s32 $0xFFFFFEF7, lr;
	s5 =	simm.s32 $0xFFFFFFFF;
	p2 =	slt.u32 s8, $0xFFFFF086  }
0x1c: {  	p1 =	slt.u32 s9, $0xF7A;
	s5 =	simm.s32 @!p2 $0x0  }
0x1d: {  	s5 =	simm.s32 @p1 $0x1;
	p0 =	seq.s32 s7, s2  }
0x1e: {  	s7 =	smul.u32 @!p0 $0xF7A, s2;
	p2 =	seq.s32 @!p0 s5, $0x0  }
0x1f: {  	s9 =	smul.u32 $0xF7A, s1;
	s8 =	simm.s32 @!p0 $0x1BF5;
	p2 =	por !p2, p0  }
0x20: {  	[sflag:s8] =	ssyncset.s32 @!p0 $0xFFFFF086;
	s6 =	sadd.s32 @!p0 s3, s7;
	s7 =	simm.s32 @!p0 $0x108  }
0x21: {  	s3 =	sadd.s32 s3, s9;
	s6 =	sadd.s32 @!p0 $0x88, s6;
	s7 =	simm.s32 @p2 $0x1082  }
0x22: {  	[simem:s7], [sflag:s8] =	dma.local @!p0 [hbm:s6], $0xF7A  }
0x23: {  	s9 =	sor.u32 $0xD0000000, s2;
	s6 =	simm.s32 $0x108;
	_ =	swait.ge @!p0 [sflag:s8], $0x0  }
0x24: {  	s3 =	sadd.s32 $0x88, s3;
	s6 =	simm.s32 @!p1 $0x1082;
	[sflag:s4] =	ssyncset.s32 $0xFFFFF086  }
0x25: {  	[simem:s6], [sflag:s4] =	dma.local [hbm:s3], $0xF7A  }
0x26: {  	[smem:$0x3F9F] =	sst s1;
	(tag) =	ssettag s2;
	_ =	strace s9  }
0x27: {  	s1 =	sld [smem:$0x3FAF]  }
0x28: {  	s2 =	sld [smem:$0x3FB0]  }
0x29: {  	s4 =	sld [smem:$0x3FB2]  }
0x2a: {  	p0 =	seq.s32 s5, $0x0;
	s5 =	sld [smem:$0x3FB3]  }
0x2b: {  	s6 =	sld [smem:$0x3FB4]  }
0x2c: {  	s7 =	sld [smem:$0x3FB5]  }
0x2d: {  	s3 =	simm.s32 $0x108;
	s8 =	sld [smem:$0x3FB6]  }
0x2e: {  	s3 =	simm.s32 @!p0 $0x1082;
	s9 =	sld [smem:$0x3FB7]  }
0x2f: {  	lr =	sadd.s32 s0, s3;
	s0 =	sld [smem:$0x3FAE]  }
0x30: {  	s3 =	sld [smem:$0x3FB1]  }
0x31: {  	[smem:$0x3FBA] =	sst s10  }
0x32: {  	s10 =	sld [smem:$0x3FB8];
	_ =	sdelay $0x3  }
0x33: {  	p0 =	seq.s32 s10, $0x1;
	s10 =	sld [smem:$0x3FBA];
	_ =	sdelay $0x3  }
0x34: {  	[smem:$0x3FBA] =	sst s10  }
0x35: {  	s10 =	sld [smem:$0x3FB9];
	_ =	sdelay $0x3  }
0x36: {  	p1 =	seq.s32 s10, $0x1;
	s10 =	sld [smem:$0x3FBA];
	_ =	sdelay $0x3  }
0x37: {  	[smem:$0x3FBA] =	sst s10  }
0x38: {  	s10 =	sld [smem:$0x3FBB]  }
0x39: {  	_ = 	snop;
	(pc) =	sbr.ind lr, $3  }
0x3a: {  	_ = 	snop  }
0x3b: {  	_ = 	snop  }
0x3c: {  	p2 =	seq.s32 s10, $0x1;
	s10 =	sld [smem:$0x3FBA]  }
0x3d: {  	_ =	shalt  }
0x3e: {  	_ =	shalt  }
0x3f: {  	_ =	shalt  }
0x40: {  	_ =	shalt  }
0x41: {  	_ =	shalt  }
0x42: {  	_ =	shalt  }
0x43: {  	_ =	shalt  }
0x44: {  	_ =	shalt  }
0x45: {  	_ =	shalt  }
0x46: {  	_ =	shalt  }
0x47: {  	_ =	shalt  }
0x48: {  	_ =	shalt  }
0x49: {  	_ =	shalt  }
0x4a: {  	_ =	shalt  }
0x4b: {  	_ =	shalt  }
0x4c: {  	_ =	shalt  }
0x4d: {  	_ =	shalt  }
0x4e: {  	_ =	shalt  }
0x4f: {  	_ =	shalt  }
0x50: {  	_ =	shalt  }
0x51: {  	_ =	shalt  }
0x52: {  	_ =	shalt  }
0x53: {  	_ =	shalt  }
0x54: {  	_ =	shalt  }
0x55: {  	_ =	shalt  }
0x56: {  	_ =	shalt  }
0x57: {  	_ =	shalt  }
0x58: {  	_ =	shalt  }
0x59: {  	_ =	shalt  }
0x5a: {  	_ =	shalt  }
0x5b: {  	_ =	shalt  }
0x5c: {  	_ =	shalt  }
0x5d: {  	_ =	shalt  }
0x5e: {  	_ =	shalt  }
0x5f: {  	_ =	shalt  }
0x60: {  	_ =	shalt  }
0x61: {  	_ =	shalt  }
0x62: {  	_ =	shalt  }
0x63: {  	_ =	shalt  }
0x64: {  	_ =	shalt  }
0x65: {  	_ =	shalt  }
0x66: {  	_ =	shalt  }
0x67: {  	_ =	shalt  }
0x68: {  	_ =	shalt  }
0x69: {  	_ =	shalt  }
0x6a: {  	_ =	shalt  }
0x6b: {  	_ =	shalt  }
0x6c: {  	_ =	shalt  }
0x6d: {  	_ =	shalt  }
0x6e: {  	_ =	shalt  }
0x6f: {  	_ =	shalt  }
0x70: {  	_ =	shalt  }
0x71: {  	_ =	shalt  }
0x72: {  	_ =	shalt  }
0x73: {  	_ =	shalt  }
0x74: {  	_ =	shalt  }
0x75: {  	_ =	shalt  }
0x76: {  	_ =	shalt  }
0x77: {  	_ =	shalt  }
0x78: {  	_ =	shalt  }
0x79: {  	_ =	shalt  }
0x7a: {  	_ =	shalt  }
0x7b: {  	_ =	shalt  }
0x7c: {  	_ =	shalt  }
0x7d: {  	_ =	shalt  }
0x7e: {  	_ =	shalt  }
0x7f: {  	_ =	shalt  }
0x80: {  	_ =	shalt  }
0x81: {  	_ =	shalt  }
0x82: {  	_ =	shalt  }
0x83: {  	_ =	shalt  }
0x84: {  	_ =	shalt  }
0x85: {  	_ =	shalt  }
0x86: {  	_ =	shalt  }
0x87: {  	_ =	shalt  }
.Lfunc_end0:
.L_simem_size_0:
called_computation_lowered:
.L_overlay_start_0:
0x88: {  	s2 =	sld [smem:$0x3FD9]  }
0x89: {  	s3 =	sld [smem:$0x3FFE];
	_ =	sdelay $0x1  }
0x8a: {  	s1 =	srdreg.scid  }
0x8b: {  	s0 =	sand.u32 $0x1, s1  }
0x8c: {  	s16 =	sshll.u32 s0, $0xA;
	s2 =	sadd.s32 s3, s2  }
0x8d: {  	s2 =	sadd.s32 s2, s16  }
0x8e: {  	[smem:$0x3FC6] =	sst s2  }
0x8f: {  	_ = 	snop  }
0x90: {  	(tm) =	ssettm $0x1  }
0x91: {  	s17 =	sld [smem:$0x3FFB];
	_ =	sdelay $0x3  }
0x92: {  	_ =	strace s17  }
0x93: {  	s2 =	sld [smem:$0x3FFC];
	_ =	sdelay $0x3  }
0x94: {  	_ =	strace s2  }
0x95: {  	s2 =	sld [smem:$0x3FFD];
	_ =	sdelay $0x3  }
0x96: {  	_ =	strace s2  }
0x97: {  	_ =	strace $0x8FFFFFFF  }
0x98: {  	s18 =	sld [smem:$0x3FDB];
	_ =	sdelay $0x1  }
0x99: {  	s19 =	simm.s32 $_scs_section_size  }
0x9a: {  	s4 =	simm.s32 $_size__tile_overlayer_lowered;
	s5 =	simm.s32 $_tile_overlayer_lowered  }
0x9b: {  	s22 =	simm.s32 $0x1BFF;
	s21 =	sshll.u32 s5, $0x1;
	s2 =	sadd.s32 s19, s18  }
0x9c: {  	s6 =	simm.s32 $0x0;
	s20 =	sshll.u32 s4, $0x1;
	s4 =	sadd.s32 s21, s2  }
0x9d: {  	[timem:s6], [sflag:s22] =	dma.local [hbm:s4], s20  }
0x9e: {  	_ =	swait.ge [sflag:s22], s20  }
0x9f: {  	s3 =	ssub.s32 $0x0, s20;
	[sflag:s22] =	ssyncset.done $0x0  }
0xa0: {  	[sflag:s22] =	ssyncadd.s32 s3;
	_ =	sdelay $0x1  }
0xa1: {  	s23 =	simm.s32 $0x1B8B  }
0xa2: {  	_ =	swait.ge [sflag:s23], $0x1  }
0xa3: {  	[sflag:s23] =	ssyncset.done $0x0  }
0xa4: {  	s25 =	simm.s32 $0x1B8E;
	s24 =	sld [smem:$0x3FFE];
	[sflag:s23] =	ssyncadd.s32 $0xFFFFFFFF  }
0xa5: {  	s26 =	simm.s32 $execute0_lowered;
	[smem:$0x3FD2] =	sst s25  }
0xa6: {  	s4 =	sshll.u32 s26, $0x1;
	_ =	strace $0x80000046;
	[dreg:$0x1] =	wrdreg $0xFFFFFFFF  }
0xa7: {  	s28 =	simm.s32 $_size_execute0_lowered;
	s2 =	sadd.s32 s2, s4;
	[dreg:$0x0] =	wrdreg $0x0  }
0xa8: {  	s4 =	sshll.u32 s28, $0x1;
	[dreg:$0x2] =	wrdreg s2  }
0xa9: {  	[dreg:$0x3] =	wrdreg s4  }
0xaa: {  	[dreg:$0x4] =	wrdreg $0xC0  }
0xab: {  	_ =	task [dreg:s6], $0x5FFFF  }
0xac: {  	[dreg:$0x1] =	wrdreg $0xFFFFFFFF  }
0xad: {  	[dreg:$0x0] =	wrdreg $0x60  }
0xae: {  	[dreg:$0x2] =	wrdreg s24  }
0xaf: {  	[dreg:$0x3] =	wrdreg $0x9  }
0xb0: {  	_ =	task.clear_ibuf [dreg:s6], $0x4FFFF;
	_ =	strace $0x90000046  }
0xb1: {  	s29 =	simm.s32 $0x9;
	_ =	strace $0x80000048  }
0xb2: {  	_ =	swait.ge [sflag:s29], $0x1  }
0xb3: {  	[sflag:s29] =	ssyncadd.s32 $0xFFFFFFFF  }
0xb4: {  	_ =	strace $0x90000048  }
0xb5: {  	_ =	sfence  }
0xb6: {  	s30 =	sld [smem:$0x0];
	_ =	sdelay $0x2  }
0xb7: {  	s31 =	sshll.u32 s1, $0xD;
	s1 =	sshrl.u32 s1, $0x2  }
0xb8: {  	s3 =	sand.u32 $0x4000, s31;
	s1 =	sadd.s32 s1, s30  }
0xb9: {  	s0 =	sor.u32 s3, s0;
	s1 =	sshll.u32 s1, $0x11  }
0xba: {  	s0 =	sor.u32 s1, s0  }
0xbb: {  	s0 =	sadd.s32 $0x8F2B, s0  }
0xbc: {  	[sflag:s0] =	ssyncadd.remote.s32 $0x1  }
0xbd: {  	_ =	sfence.sel $0xFFFF  }
0xbe: {  	[dreg:$0x0] =	wrdreg $0xFFFFFFFF;
	(pc) =	sbr.abs _section_cstart, $3  }
0xbf: {  	[dreg:$0x1] =	wrdreg $0xFFFFFFFF  }
0xc0: {  	_ =	task.clear_ibuf [dreg:s6], $0x2FFFF;
	_ =	strace $0x9FFFFFFF  }
0xc1: {  	(tm) =	ssettm $0x7FFFFFFF  }
tec
execute0_lowered:
.L_overlay_start_1:
0x0: {  	(tag) =	ssettag $0x1  }
0x1: {  	v0 =	vlaneseq.u32  }
0x2: {  	v1 =	vmul.u32 $0x10, v0;
	_ =	sdelay $0x1  }
0x3: {  	v2 =	vimm.f32 $0.0e+00;
	v4 =	vor.u32 $0x1, v1  }
0x4: {  	v15 =	vor.u32 $0xC, v1;
	v16 =	vor.u32 $0xD, v1;
	v17 =	vor.u32 $0xE, v1  }
0x5: {  	v18 =	vor.u32 $0xF, v1;
	v19 =	vor.u32 $0x100, v1;
	v20 =	vor.u32 $0x101, v1  }
0x6: {  	v21 =	vor.u32 $0x102, v1;
	v22 =	vor.u32 $0x103, v1;
	v23 =	vor.u32 $0x104, v1  }
0x7: {  	v24 =	vor.u32 $0x105, v1;
	v25 =	vor.u32 $0x106, v1;
	v26 =	vor.u32 $0x107, v1  }
0x8: {  	v27 =	vor.u32 $0x108, v1;
	v28 =	vor.u32 $0x109, v1;
	v29 =	vor.u32 $0x10A, v1  }
0x9: {  	v30 =	vor.u32 $0x10B, v1;
	v31 =	vor.u32 $0x10C, v1;
	v32 =	vor.u32 $0x10D, v1  }
0xa: {  	v33 =	vor.u32 $0x10E, v1;
	v34 =	vor.u32 $0x10F, v1;
	v35 =	vor.u32 $0x200, v1  }
0xb: {  	s3 =	rddreg [dreg:$0x0];
	v36 =	vor.u32 $0x201, v1;
	v37 =	vor.u32 $0x202, v1;
	v38 =	vor.u32 $0x203, v1  }
0xc: {  	s0 =	rddreg [dreg:$0x1];
	v39 =	vor.u32 $0x204, v1;
	v40 =	vor.u32 $0x205, v1;
	[tilespmem:$0x1FF50] =	vst v4;
	v4 =	vor.u32 $0x2, v1  }
0xd: {  	s4 =	srdreg.scid;
	s1 =	stileid.u32;
	s2 =	simm.s32 $0x0;
	v41 =	vor.u32 $0x206, v1;
	v42 =	vor.u32 $0x207, v1;
	[tilespmem:$0x1FF60] =	vst v4;
	v4 =	vor.u32 $0x3, v1  }
0xe: {  	s9 =	simm.s32 $0x1;
	s10 =	simm.s32 $0x8000;
	s11 =	simm.s32 $0x2;
	v43 =	vor.u32 $0x208, v1;
	v44 =	vor.u32 $0x209, v1;
	[tilespmem:$0x1FF70] =	vst v4;
	v4 =	vor.u32 $0x4, v1  }
0xf: {  	s12 =	simm.s32 $0x80;
	s13 =	simm.s32 $0x400;
	s14 =	simm.s32 $0x9C00;
	v45 =	vor.u32 $0x20A, v1;
	v46 =	vor.u32 $0x20B, v1;
	[tilespmem:$0x1FF80] =	vst v4;
	v4 =	vor.u32 $0x5, v1  }
0x10: {  	s15 =	simm.s32 $0x3;
	s16 =	simm.s32 $0x0;
	s4 =	sand.u32 $0x1, s4;
	v47 =	vor.u32 $0x20C, v1;
	v48 =	vor.u32 $0x20D, v1;
	[tilespmem:$0x1FF90] =	vst v4;
	v4 =	vor.u32 $0x6, v1  }
0x11: {  	s5 =	sshll.u32 s1, $0x1;
	[smem:$0x7FF] =	sst s2;
	s7 =	sshll.u32 s1, $0x7;
	v49 =	vor.u32 $0x20E, v1;
	v50 =	vor.u32 $0x20F, v1;
	[tilespmem:$0x1FFA0] =	vst v4;
	v4 =	vor.u32 $0x7, v1  }
0x12: {  	s5 =	sor.u32 s4, s5;
	s4 =	ssub.s32 $0x2, s4;
	s7 =	sand.u32 $0x600, s7;
	v51 =	vor.u32 $0x300, v1;
	v52 =	vor.u32 $0x301, v1;
	[tilespmem:$0x1FFB0] =	vst v4;
	v4 =	vor.u32 $0x8, v1  }
0x13: {  	s6 =	sshll.u32 s5, $0xD;
	s8 =	sshrl.u32 s4, $0x1;
	s5 =	sshll.u32 s5, $0x4;
	v53 =	vor.u32 $0x302, v1;
	v54 =	vor.u32 $0x303, v1;
	[tilespmem:$0x1FFC0] =	vst v4;
	v4 =	vor.u32 $0x9, v1  }
0x14: {  	s7 =	sadd.s32 s7, s3;
	v55 =	vor.u32 $0x304, v1;
	v56 =	vor.u32 $0x305, v1;
	s6 =	sadd.s32 s6, s3;
	s8 =	ssub.s32 s4, s8;
	[tilespmem:$0x1FFD0] =	vst v4;
	v4 =	vor.u32 $0xA, v1  }
0x15: {  	v3 =	vimm.f32 $1.000000000e+00;
	v57 =	vor.u32 $0x306, v1;
	s5 =	sand.u32 $0x70, s5;
	s3 =	sadd.s32 $0x400, s6;
	s4 =	sadd.s32 $0xC00, s6;
	[tilespmem:$0x1FFE0] =	vst v4;
	v4 =	vor.u32 $0xB, v1  }
0x16: {  	v58 =	vor.u32 $0x307, v1;
	v59 =	vor.u32 $0x308, v1;
	v60 =	vor.u32 $0x309, v1;
	s7 =	sadd.s32 s5, s7;
	s5 =	sadd.s32 $0x1400, s6;
	s6 =	sadd.s32 $0x1C00, s6;
	[tilespmem:$0x1FFF0] =	vst v4  }
0x17: {  	v61 =	vor.u32 $0x30A, v1;
	v62 =	vor.u32 $0x30B, v1;
	v63 =	vor.u32 $0x30C, v1;
	s8 =	smax.u32 s8, $0x1;
	s7 =	sadd.s32 $0x40400, s7;
	_ =	strace $0x80000047  }
.LBB2_1:
0x18: {  	s17 =	simm.s32 $0x8040  }
0x19: {  	[tilespmem:s17+$0xFFFFFFC0] =	vst v2  }
0x1a: {  	[tilespmem:s17+$0x30] =	vst v2  }
0x1b: {  	[tilespmem:s17+$0x20] =	vst v2  }
0x1c: {  	[tilespmem:s17+$0x10] =	vst v2  }
0x1d: {  	[tilespmem:s17+$0x0] =	vst v2  }
0x1e: {  	[tilespmem:s17+$0xFFFFFFF0] =	vst v2  }
0x1f: {  	s18 =	simm.s32 $0x0;
	[tilespmem:s17+$0xFFFFFFE0] =	vst v2  }
.LBB2_2:
0x20: {  	s18 =	sadd.s32 $0x8, s18;
	[tilespmem:s17+$0xFFFFFFD0] =	vst v2;
	s17 =	sadd.s32 $0x80, s17  }
0x21: {  	[tilespmem:s17+$0xFFFFFFC0] =	vst v2;
	p0 =	slt.u32 s18, $0x1B8  }
0x22: {  	[tilespmem:s17+$0x30] =	vst v2  }
.Ltmp0:
0x23: {  	[tilespmem:s17+$0x20] =	vst v2;
	(pc) =	sbr.rel @p0 .LBB2_2-.Ltmp0, $4  }
0x24: {  	[tilespmem:s17+$0x10] =	vst v2  }
0x25: {  	[tilespmem:s17+$0x0] =	vst v2  }
0x26: {  	[tilespmem:s17+$0xFFFFFFF0] =	vst v2  }
0x27: {  	[tilespmem:s17+$0xFFFFFFE0] =	vst v2  }
0x28: {  	s18 =	simm.s32 $0x0  }
0x29: {  	[tilespmem:s17+$0xFFFFFFD0] =	vst v2;
	s17 =	simm.s32 $0x10;
	s20 =	sadd.s32 $0x0, s3;
	s19 =	simm.s32 $0x100  }
.LBB2_4:
0x2a: {  	[tilespmem:s18], [sflag:$0x1] =	stream.linear.gather [hbm4b:s20+s2], $0x80, $0x38;
	[tilespmem:$0x9E00] =	vst v63  }
0x2b: {  	s20 =	smov.u32 s17;
	s18 =	smov.u32 s19;
	p0 =	sne.s32 s17, $0x7F0  }
.Ltmp1:
0x2c: {  	s17 =	sadd.s32 $0x10, s17;
	(pc) =	sbr.rel @p0 .LBB2_4-.Ltmp1, $2  }
0x2d: {  	_ =	sdelay $0x2  }
0x2e: {  	s19 =	sadd.s32 $0x100, s19;
	s20 =	sadd.s32 s20, s3  }
0x2f: {  	[tilespmem:s18], [sflag:$0x1] =	stream.linear.gather [hbm4b:s20+s2], $0x80, $0x38;
	[tilespmem:$0x9E00] =	vst v63  }
0x30: {  	s17 =	simm.s32 $0x80  }
0x31: {  	s18 =	simm.s32 $0x10;
	s20 =	sadd.s32 $0x0, s4;
	s19 =	simm.s32 $0x180  }
.LBB2_6:
0x32: {  	[tilespmem:s17], [sflag:$0x2] =	stream.linear.gather [hbm4b:s20+s2], $0x80, $0x38;
	[tilespmem:$0x9E00] =	vst v63  }
0x33: {  	s20 =	smov.u32 s18;
	s17 =	smov.u32 s19;
	p0 =	sne.s32 s18, $0x7F0  }
.Ltmp2:
0x34: {  	s18 =	sadd.s32 $0x10, s18;
	(pc) =	sbr.rel @p0 .LBB2_6-.Ltmp2, $2  }
0x35: {  	_ =	sdelay $0x2  }
0x36: {  	s19 =	sadd.s32 $0x100, s19;
	s20 =	sadd.s32 s20, s4  }
0x37: {  	[tilespmem:s17], [sflag:$0x2] =	stream.linear.gather [hbm4b:s20+s2], $0x80, $0x38;
	[tilespmem:$0x9E00] =	vst v63  }
0x38: {  	_ =	swait.ge [sflag:s9], $0x4000  }
0x39: {  	[sflag:s9] =	ssyncset.done $0x0  }
0x3a: {  	s31 =	simm.s32 $0x40;
	[sflag:s9] =	ssyncadd.s32 $0xFFFFC000  }
0x3b: {  	v4 =	vld [tilespmem:s31+$0x30]  }
0x3c: {  	v5 =	vld [tilespmem:s31+$0xFFFFFFD0]  }
0x3d: {  	v6 =	vld [tilespmem:s31+$0xFFFFFFE0]  }
0x3e: {  	v7 =	vld [tilespmem:s31+$0xFFFFFFF0]  }
0x3f: {  	v8 =	vld [tilespmem:s31+$0x0]  }
0x40: {  	v4 =	vshll.u32 v4, $0x4  }
0x41: {  	v5 =	vshll.u32 v5, $0x4;
	v4 =	vor.u32 v0, v4  }
0x42: {  	v6 =	vshll.u32 v6, $0x4;
	v5 =	vor.u32 v0, v5  }
0x43: {  	v9 =	vld [tilespmem:s31+$0x10];
	v7 =	vshll.u32 v7, $0x4;
	v6 =	vor.u32 v0, v6  }
0x44: {  	v10 =	vld [tilespmem:s31+$0x20];
	v8 =	vshll.u32 v8, $0x4;
	v7 =	vor.u32 v0, v7  }
0x45: {  	v11 =	vld [tilespmem:s31+$0xFFFFFFC0];
	v8 =	vor.u32 v0, v8  }
0x46: {  	[tilespmem:v4+s10+$0x0] =	vst.idx.add.f32.msk $0xffff, v3  }
0x47: {  	[tilespmem:v5+s10+$0x0] =	vst.idx.add.f32.msk $0xffff, v3  }
0x48: {  	[tilespmem:v6+s10+$0x0] =	vst.idx.add.f32.msk $0xffff, v3  }
0x49: {  	[tilespmem:v7+s10+$0x0] =	vst.idx.add.f32.msk $0xffff, v3  }
0x4a: {  	v4 =	vshll.u32 v9, $0x4;
	v5 =	vshll.u32 v10, $0x4;
	v6 =	vshll.u32 v11, $0x4;
	[tilespmem:v8+s10+$0x0] =	vst.idx.add.f32.msk $0xffff, v3  }
0x4b: {  	s17 =	simm.s32 $0x0;
	s18 =	simm.s32 $0x140;
	v4 =	vor.u32 v0, v4;
	v5 =	vor.u32 v0, v5;
	v6 =	vor.u32 v0, v6  }
.LBB2_8:
0x4c: {  	v7 =	vld [tilespmem:s18+$0x30];
	s17 =	sadd.s32 $0x8, s17  }
0x4d: {  	v8 =	vld [tilespmem:s18+$0xFFFFFFD0];
	p0 =	slt.u32 s17, $0x3F8  }
0x4e: {  	v9 =	vld [tilespmem:s18+$0xFFFFFFE0]  }
0x4f: {  	v10 =	vld [tilespmem:s18+$0xFFFFFFF0]  }
0x50: {  	v11 =	vld [tilespmem:s18+$0x0]  }
0x51: {  	v12 =	vld [tilespmem:s18+$0x10];
	v7 =	vshll.u32 v7, $0x4  }
0x52: {  	v8 =	vshll.u32 v8, $0x4;
	v13 =	vld [tilespmem:s18+$0x20];
	v7 =	vor.u32 v0, v7  }
0x53: {  	v14 =	vld [tilespmem:s18+$0xFFFFFFC0];
	v8 =	vor.u32 v0, v8;
	v9 =	vshll.u32 v9, $0x4  }
0x54: {  	v9 =	vor.u32 v0, v9;
	v10 =	vshll.u32 v10, $0x4;
	[tilespmem:v6+s10+$0x0] =	vst.idx.add.f32.msk $0xffff, v3  }
0x55: {  	v10 =	vor.u32 v0, v10;
	v6 =	vshll.u32 v11, $0x4;
	[tilespmem:v4+s10+$0x0] =	vst.idx.add.f32.msk $0xffff, v3  }
0x56: {  	v11 =	vor.u32 v0, v6;
	v4 =	vshll.u32 v12, $0x4;
	[tilespmem:v5+s10+$0x0] =	vst.idx.add.f32.msk $0xffff, v3  }
.Ltmp3:
0x57: {  	v4 =	vor.u32 v0, v4;
	v5 =	vshll.u32 v13, $0x4;
	[tilespmem:v7+s10+$0x0] =	vst.idx.add.f32.msk $0xffff, v3;
	(pc) =	sbr.rel @p0 .LBB2_8-.Ltmp3, $4  }
0x58: {  	v6 =	vshll.u32 v14, $0x4;
	[tilespmem:v8+s10+$0x0] =	vst.idx.add.f32.msk $0xffff, v3;
	v5 =	vor.u32 v0, v5  }
0x59: {  	v6 =	vor.u32 v0, v6;
	[tilespmem:v9+s10+$0x0] =	vst.idx.add.f32.msk $0xffff, v3  }
0x5a: {  	[tilespmem:v10+s10+$0x0] =	vst.idx.add.f32.msk $0xffff, v3  }
0x5b: {  	s18 =	sadd.s32 $0x100, s18;
	[tilespmem:v11+s10+$0x0] =	vst.idx.add.f32.msk $0xffff, v3  }
0x5c: {  	_ =	sdelay $0x3  }
0x5d: {  	[tilespmem:v6+s10+$0x0] =	vst.idx.add.f32.msk $0xffff, v3  }
0x5e: {  	[tilespmem:v4+s10+$0x0] =	vst.idx.add.f32.msk $0xffff, v3;
	s17 =	simm.s32 $0x0  }
0x5f: {  	[tilespmem:v5+s10+$0x0] =	vst.idx.add.f32.msk $0xffff, v3;
	s18 =	simm.s32 $0x10;
	s20 =	sadd.s32 $0x0, s5;
	s19 =	simm.s32 $0x100  }
.LBB2_10:
0x60: {  	[tilespmem:s17], [sflag:$0x1] =	stream.linear.gather [hbm4b:s20+s2], $0x80, $0x38;
	[tilespmem:$0x9E00] =	vst v63  }
0x61: {  	s20 =	smov.u32 s18;
	s17 =	smov.u32 s19;
	p0 =	sne.s32 s18, $0x7F0  }
.Ltmp4:
0x62: {  	s18 =	sadd.s32 $0x10, s18;
	(pc) =	sbr.rel @p0 .LBB2_10-.Ltmp4, $2  }
0x63: {  	_ =	sdelay $0x2  }
0x64: {  	s19 =	sadd.s32 $0x100, s19;
	s20 =	sadd.s32 s20, s5  }
0x65: {  	[tilespmem:s17], [sflag:$0x1] =	stream.linear.gather [hbm4b:s20+s2], $0x80, $0x38;
	[tilespmem:$0x9E00] =	vst v63  }
0x66: {  	_ =	swait.ge [sflag:s11], $0x4000  }
0x67: {  	[sflag:s11] =	ssyncset.done $0x0  }
0x68: {  	s31 =	simm.s32 $0xF0;
	[sflag:s11] =	ssyncadd.s32 $0xFFFFC000  }
0x69: {  	v4 =	vld [tilespmem:s31+$0x0]  }
0x6a: {  	v5 =	vld [tilespmem:s31+$0xFFFFFFA0]  }
0x6b: {  	v6 =	vld [tilespmem:s31+$0xFFFFFFB0]  }
0x6c: {  	v7 =	vld [tilespmem:s31+$0xFFFFFFC0]  }
0x6d: {  	v8 =	vld [tilespmem:s31+$0xFFFFFFD0]  }
0x6e: {  	v4 =	vshll.u32 v4, $0x4  }
0x6f: {  	v5 =	vshll.u32 v5, $0x4;
	v4 =	vor.u32 v0, v4  }
0x70: {  	v6 =	vshll.u32 v6, $0x4;
	v5 =	vor.u32 v0, v5  }
0x71: {  	v9 =	vld [tilespmem:s31+$0xFFFFFFE0];
	v7 =	vshll.u32 v7, $0x4;
	v6 =	vor.u32 v0, v6  }
0x72: {  	v10 =	vld [tilespmem:s31+$0xFFFFFFF0];
	v8 =	vshll.u32 v8, $0x4;
	v7 =	vor.u32 v0, v7  }
0x73: {  	v11 =	vld [tilespmem:s31+$0xFFFFFF90];
	v8 =	vor.u32 v0, v8  }
0x74: {  	[tilespmem:v4+s10+$0x0] =	vst.idx.add.f32.msk $0xffff, v3  }
0x75: {  	[tilespmem:v5+s10+$0x0] =	vst.idx.add.f32.msk $0xffff, v3  }
0x76: {  	[tilespmem:v6+s10+$0x0] =	vst.idx.add.f32.msk $0xffff, v3  }
0x77: {  	[tilespmem:v7+s10+$0x0] =	vst.idx.add.f32.msk $0xffff, v3  }
0x78: {  	v4 =	vshll.u32 v9, $0x4;
	v5 =	vshll.u32 v10, $0x4;
	v6 =	vshll.u32 v11, $0x4;
	[tilespmem:v8+s10+$0x0] =	vst.idx.add.f32.msk $0xffff, v3  }
0x79: {  	s17 =	simm.s32 $0x0;
	s18 =	simm.s32 $0x1F0;
	v4 =	vor.u32 v0, v4;
	v5 =	vor.u32 v0, v5;
	v6 =	vor.u32 v0, v6  }
.LBB2_12:
0x7a: {  	v7 =	vld [tilespmem:s18+$0x0];
	s17 =	sadd.s32 $0x8, s17  }
0x7b: {  	v8 =	vld [tilespmem:s18+$0xFFFFFFA0];
	p0 =	slt.u32 s17, $0x3F8  }
0x7c: {  	v9 =	vld [tilespmem:s18+$0xFFFFFFB0]  }
0x7d: {  	v10 =	vld [tilespmem:s18+$0xFFFFFFC0]  }
0x7e: {  	v11 =	vld [tilespmem:s18+$0xFFFFFFD0]  }
0x7f: {  	v12 =	vld [tilespmem:s18+$0xFFFFFFE0];
	v7 =	vshll.u32 v7, $0x4  }
0x80: {  	v8 =	vshll.u32 v8, $0x4;
	v13 =	vld [tilespmem:s18+$0xFFFFFFF0];
	v7 =	vor.u32 v0, v7  }
0x81: {  	v14 =	vld [tilespmem:s18+$0xFFFFFF90];
	v8 =	vor.u32 v0, v8;
	v9 =	vshll.u32 v9, $0x4  }
0x82: {  	v9 =	vor.u32 v0, v9;
	v10 =	vshll.u32 v10, $0x4;
	[tilespmem:v6+s10+$0x0] =	vst.idx.add.f32.msk $0xffff, v3  }
0x83: {  	v10 =	vor.u32 v0, v10;
	v6 =	vshll.u32 v11, $0x4;
	[tilespmem:v4+s10+$0x0] =	vst.idx.add.f32.msk $0xffff, v3  }
0x84: {  	v11 =	vor.u32 v0, v6;
	v4 =	vshll.u32 v12, $0x4;
	[tilespmem:v5+s10+$0x0] =	vst.idx.add.f32.msk $0xffff, v3  }
.Ltmp5:
0x85: {  	v4 =	vor.u32 v0, v4;
	v5 =	vshll.u32 v13, $0x4;
	[tilespmem:v7+s10+$0x0] =	vst.idx.add.f32.msk $0xffff, v3;
	(pc) =	sbr.rel @p0 .LBB2_12-.Ltmp5, $4  }
0x86: {  	v6 =	vshll.u32 v14, $0x4;
	[tilespmem:v8+s10+$0x0] =	vst.idx.add.f32.msk $0xffff, v3;
	v5 =	vor.u32 v0, v5  }
0x87: {  	v6 =	vor.u32 v0, v6;
	[tilespmem:v9+s10+$0x0] =	vst.idx.add.f32.msk $0xffff, v3  }
0x88: {  	[tilespmem:v10+s10+$0x0] =	vst.idx.add.f32.msk $0xffff, v3  }
0x89: {  	s18 =	sadd.s32 $0x100, s18;
	[tilespmem:v11+s10+$0x0] =	vst.idx.add.f32.msk $0xffff, v3  }
0x8a: {  	_ =	sdelay $0x3  }
0x8b: {  	[tilespmem:v6+s10+$0x0] =	vst.idx.add.f32.msk $0xffff, v3  }
0x8c: {  	[tilespmem:v4+s10+$0x0] =	vst.idx.add.f32.msk $0xffff, v3;
	s17 =	simm.s32 $0x80  }
0x8d: {  	[tilespmem:v5+s10+$0x0] =	vst.idx.add.f32.msk $0xffff, v3;
	s18 =	simm.s32 $0x10;
	s20 =	sadd.s32 $0x0, s6;
	s19 =	simm.s32 $0x180  }
.LBB2_14:
0x8e: {  	[tilespmem:s17], [sflag:$0x2] =	stream.linear.gather [hbm4b:s20+s2], $0x80, $0x38;
	[tilespmem:$0x9E00] =	vst v63  }
0x8f: {  	s20 =	smov.u32 s18;
	s17 =	smov.u32 s19;
	p0 =	sne.s32 s18, $0x7F0  }
.Ltmp6:
0x90: {  	s18 =	sadd.s32 $0x10, s18;
	(pc) =	sbr.rel @p0 .LBB2_14-.Ltmp6, $2  }
0x91: {  	_ =	sdelay $0x2  }
0x92: {  	s19 =	sadd.s32 $0x100, s19;
	s20 =	sadd.s32 s20, s6  }
0x93: {  	[tilespmem:s17], [sflag:$0x2] =	stream.linear.gather [hbm4b:s20+s2], $0x80, $0x38;
	[tilespmem:$0x9E00] =	vst v63  }
0x94: {  	_ =	swait.ge [sflag:s9], $0x4000  }
0x95: {  	[sflag:s9] =	ssyncset.done $0x0  }
0x96: {  	s31 =	simm.s32 $0x40;
	[sflag:s9] =	ssyncadd.s32 $0xFFFFC000  }
0x97: {  	v4 =	vld [tilespmem:s31+$0x30]  }
0x98: {  	v5 =	vld [tilespmem:s31+$0xFFFFFFD0]  }
0x99: {  	v6 =	vld [tilespmem:s31+$0xFFFFFFE0]  }
0x9a: {  	v7 =	vld [tilespmem:s31+$0xFFFFFFF0]  }
0x9b: {  	v8 =	vld [tilespmem:s31+$0x0]  }
0x9c: {  	v4 =	vshll.u32 v4, $0x4  }
0x9d: {  	v5 =	vshll.u32 v5, $0x4;
	v4 =	vor.u32 v0, v4  }
0x9e: {  	v6 =	vshll.u32 v6, $0x4;
	v5 =	vor.u32 v0, v5  }
0x9f: {  	v9 =	vld [tilespmem:s31+$0x10];
	v7 =	vshll.u32 v7, $0x4;
	v6 =	vor.u32 v0, v6  }
0xa0: {  	v10 =	vld [tilespmem:s31+$0x20];
	v8 =	vshll.u32 v8, $0x4;
	v7 =	vor.u32 v0, v7  }
0xa1: {  	v11 =	vld [tilespmem:s31+$0xFFFFFFC0];
	v8 =	vor.u32 v0, v8  }
0xa2: {  	[tilespmem:v4+s10+$0x0] =	vst.idx.add.f32.msk $0xffff, v3  }
0xa3: {  	[tilespmem:v5+s10+$0x0] =	vst.idx.add.f32.msk $0xffff, v3  }
0xa4: {  	[tilespmem:v6+s10+$0x0] =	vst.idx.add.f32.msk $0xffff, v3  }
0xa5: {  	[tilespmem:v7+s10+$0x0] =	vst.idx.add.f32.msk $0xffff, v3  }
0xa6: {  	v4 =	vshll.u32 v9, $0x4;
	v5 =	vshll.u32 v10, $0x4;
	v6 =	vshll.u32 v11, $0x4;
	[tilespmem:v8+s10+$0x0] =	vst.idx.add.f32.msk $0xffff, v3  }
0xa7: {  	s17 =	simm.s32 $0x0;
	s18 =	simm.s32 $0x140;
	v4 =	vor.u32 v0, v4;
	v5 =	vor.u32 v0, v5;
	v6 =	vor.u32 v0, v6  }
.LBB2_16:
0xa8: {  	v7 =	vld [tilespmem:s18+$0x30];
	s17 =	sadd.s32 $0x8, s17  }
0xa9: {  	v8 =	vld [tilespmem:s18+$0xFFFFFFD0];
	p0 =	slt.u32 s17, $0x3F8  }
0xaa: {  	v9 =	vld [tilespmem:s18+$0xFFFFFFE0]  }
0xab: {  	v10 =	vld [tilespmem:s18+$0xFFFFFFF0]  }
0xac: {  	v11 =	vld [tilespmem:s18+$0x0]  }
0xad: {  	v12 =	vld [tilespmem:s18+$0x10];
	v7 =	vshll.u32 v7, $0x4  }
0xae: {  	v8 =	vshll.u32 v8, $0x4;
	v13 =	vld [tilespmem:s18+$0x20];
	v7 =	vor.u32 v0, v7  }
0xaf: {  	v14 =	vld [tilespmem:s18+$0xFFFFFFC0];
	v8 =	vor.u32 v0, v8;
	v9 =	vshll.u32 v9, $0x4  }
0xb0: {  	v9 =	vor.u32 v0, v9;
	v10 =	vshll.u32 v10, $0x4;
	[tilespmem:v6+s10+$0x0] =	vst.idx.add.f32.msk $0xffff, v3  }
0xb1: {  	v10 =	vor.u32 v0, v10;
	v6 =	vshll.u32 v11, $0x4;
	[tilespmem:v4+s10+$0x0] =	vst.idx.add.f32.msk $0xffff, v3  }
0xb2: {  	v11 =	vor.u32 v0, v6;
	v4 =	vshll.u32 v12, $0x4;
	[tilespmem:v5+s10+$0x0] =	vst.idx.add.f32.msk $0xffff, v3  }
.Ltmp7:
0xb3: {  	v4 =	vor.u32 v0, v4;
	v5 =	vshll.u32 v13, $0x4;
	[tilespmem:v7+s10+$0x0] =	vst.idx.add.f32.msk $0xffff, v3;
	(pc) =	sbr.rel @p0 .LBB2_16-.Ltmp7, $4  }
0xb4: {  	v6 =	vshll.u32 v14, $0x4;
	[tilespmem:v8+s10+$0x0] =	vst.idx.add.f32.msk $0xffff, v3;
	v5 =	vor.u32 v0, v5  }
0xb5: {  	v6 =	vor.u32 v0, v6;
	[tilespmem:v9+s10+$0x0] =	vst.idx.add.f32.msk $0xffff, v3  }
0xb6: {  	[tilespmem:v10+s10+$0x0] =	vst.idx.add.f32.msk $0xffff, v3  }
0xb7: {  	s18 =	sadd.s32 $0x100, s18;
	[tilespmem:v11+s10+$0x0] =	vst.idx.add.f32.msk $0xffff, v3  }
0xb8: {  	_ =	sdelay $0x3  }
0xb9: {  	[tilespmem:v6+s10+$0x0] =	vst.idx.add.f32.msk $0xffff, v3  }
0xba: {  	[tilespmem:v4+s10+$0x0] =	vst.idx.add.f32.msk $0xffff, v3  }
0xbb: {  	[tilespmem:v5+s10+$0x0] =	vst.idx.add.f32.msk $0xffff, v3  }
0xbc: {  	_ =	swait.ge [sflag:s11], $0x4000  }
0xbd: {  	[sflag:s11] =	ssyncset.done $0x0  }
0xbe: {  	s17 =	simm.s32 $0xF0;
	[sflag:s11] =	ssyncadd.s32 $0xFFFFC000  }
0xbf: {  	v4 =	vld [tilespmem:s17+$0x0]  }
0xc0: {  	v5 =	vld [tilespmem:s17+$0xFFFFFFA0]  }
0xc1: {  	v6 =	vld [tilespmem:s17+$0xFFFFFFB0]  }
0xc2: {  	v7 =	vld [tilespmem:s17+$0xFFFFFFC0]  }
0xc3: {  	v8 =	vld [tilespmem:s17+$0xFFFFFFD0]  }
0xc4: {  	v4 =	vshll.u32 v4, $0x4  }
0xc5: {  	v5 =	vshll.u32 v5, $0x4;
	v4 =	vor.u32 v0, v4  }
0xc6: {  	v6 =	vshll.u32 v6, $0x4;
	v5 =	vor.u32 v0, v5  }
0xc7: {  	v9 =	vld [tilespmem:s17+$0xFFFFFFE0];
	v7 =	vshll.u32 v7, $0x4;
	v6 =	vor.u32 v0, v6  }
0xc8: {  	v10 =	vld [tilespmem:s17+$0xFFFFFFF0];
	v8 =	vshll.u32 v8, $0x4;
	v7 =	vor.u32 v0, v7  }
0xc9: {  	v11 =	vld [tilespmem:s17+$0xFFFFFF90];
	v8 =	vor.u32 v0, v8  }
0xca: {  	[tilespmem:v4+s10+$0x0] =	vst.idx.add.f32.msk $0xffff, v3  }
0xcb: {  	[tilespmem:v5+s10+$0x0] =	vst.idx.add.f32.msk $0xffff, v3  }
0xcc: {  	[tilespmem:v6+s10+$0x0] =	vst.idx.add.f32.msk $0xffff, v3  }
0xcd: {  	[tilespmem:v7+s10+$0x0] =	vst.idx.add.f32.msk $0xffff, v3  }
0xce: {  	v4 =	vshll.u32 v9, $0x4;
	v5 =	vshll.u32 v10, $0x4;
	v6 =	vshll.u32 v11, $0x4;
	[tilespmem:v8+s10+$0x0] =	vst.idx.add.f32.msk $0xffff, v3  }
0xcf: {  	s18 =	simm.s32 $0x1F0;
	s17 =	simm.s32 $0x0;
	v4 =	vor.u32 v0, v4;
	v5 =	vor.u32 v0, v5;
	v6 =	vor.u32 v0, v6  }
.LBB2_18:
0xd0: {  	v7 =	vld [tilespmem:s18+$0x0];
	s17 =	sadd.s32 $0x8, s17  }
0xd1: {  	v8 =	vld [tilespmem:s18+$0xFFFFFFA0];
	p0 =	slt.u32 s17, $0x3F8  }
0xd2: {  	v9 =	vld [tilespmem:s18+$0xFFFFFFB0]  }
0xd3: {  	v10 =	vld [tilespmem:s18+$0xFFFFFFC0]  }
0xd4: {  	v11 =	vld [tilespmem:s18+$0xFFFFFFD0]  }
0xd5: {  	v12 =	vld [tilespmem:s18+$0xFFFFFFE0];
	v7 =	vshll.u32 v7, $0x4  }
0xd6: {  	v8 =	vshll.u32 v8, $0x4;
	v13 =	vld [tilespmem:s18+$0xFFFFFFF0];
	v7 =	vor.u32 v0, v7  }
0xd7: {  	v14 =	vld [tilespmem:s18+$0xFFFFFF90];
	v8 =	vor.u32 v0, v8;
	v9 =	vshll.u32 v9, $0x4  }
0xd8: {  	v9 =	vor.u32 v0, v9;
	v10 =	vshll.u32 v10, $0x4;
	[tilespmem:v6+s10+$0x0] =	vst.idx.add.f32.msk $0xffff, v3  }
0xd9: {  	v10 =	vor.u32 v0, v10;
	v6 =	vshll.u32 v11, $0x4;
	[tilespmem:v4+s10+$0x0] =	vst.idx.add.f32.msk $0xffff, v3  }
0xda: {  	v11 =	vor.u32 v0, v6;
	v4 =	vshll.u32 v12, $0x4;
	[tilespmem:v5+s10+$0x0] =	vst.idx.add.f32.msk $0xffff, v3  }
.Ltmp8:
0xdb: {  	v4 =	vor.u32 v0, v4;
	v5 =	vshll.u32 v13, $0x4;
	[tilespmem:v7+s10+$0x0] =	vst.idx.add.f32.msk $0xffff, v3;
	(pc) =	sbr.rel @p0 .LBB2_18-.Ltmp8, $4  }
0xdc: {  	v6 =	vshll.u32 v14, $0x4;
	[tilespmem:v8+s10+$0x0] =	vst.idx.add.f32.msk $0xffff, v3;
	v5 =	vor.u32 v0, v5  }
0xdd: {  	v6 =	vor.u32 v0, v6;
	[tilespmem:v9+s10+$0x0] =	vst.idx.add.f32.msk $0xffff, v3  }
0xde: {  	[tilespmem:v10+s10+$0x0] =	vst.idx.add.f32.msk $0xffff, v3  }
0xdf: {  	s18 =	sadd.s32 $0x100, s18;
	[tilespmem:v11+s10+$0x0] =	vst.idx.add.f32.msk $0xffff, v3  }
0xe0: {  	_ =	sdelay $0x3  }
0xe1: {  	[tilespmem:v6+s10+$0x0] =	vst.idx.add.f32.msk $0xffff, v3  }
0xe2: {  	[tilespmem:v4+s10+$0x0] =	vst.idx.add.f32.msk $0xffff, v3  }
0xe3: {  	[tilespmem:v5+s10+$0x0] =	vst.idx.add.f32.msk $0xffff, v3  }
0xe4: {  	v5 =	vld [tilespmem:$0x1FF50];
	_ =	sdelay $0x5  }
0xe5: {  	v4 =	vld.idx.msk [tilespmem:v1+s10+$0x0], $0xffff;
	_ =	sdelay $0x1  }
0xe6: {  	v5 =	vld.idx.msk [tilespmem:v5+s10+$0x0], $0xffff  }
0xe7: {  	v6 =	vld [tilespmem:$0x1FF60];
	_ =	sdelay $0x1  }
0xe8: {  	v7 =	vld [tilespmem:$0x1FF70];
	v4 =	vadd.f32 $0.0e+00, v4;
	_ =	sdelay $0x1  }
0xe9: {  	v4 =	vadd.f32 v5, v4;
	v5 =	vld [tilespmem:$0x1FF80];
	_ =	sdelay $0x3  }
0xea: {  	v6 =	vld.idx.msk [tilespmem:v6+s10+$0x0], $0xffff;
	_ =	sdelay $0x1  }
0xeb: {  	v7 =	vld.idx.msk [tilespmem:v7+s10+$0x0], $0xffff;
	_ =	sdelay $0x1  }
0xec: {  	v5 =	vld.idx.msk [tilespmem:v5+s10+$0x0], $0xffff  }
0xed: {  	v10 =	vld [tilespmem:$0x1FF90];
	v4 =	vadd.f32 v6, v4;
	_ =	sdelay $0x1  }
0xee: {  	v11 =	vld [tilespmem:$0x1FFA0];
	v4 =	vadd.f32 v7, v4;
	_ =	sdelay $0x1  }
0xef: {  	v4 =	vadd.f32 v5, v4;
	v5 =	vld [tilespmem:$0x1FFB0];
	_ =	sdelay $0x3  }
0xf0: {  	v6 =	vld.idx.msk [tilespmem:v10+s10+$0x0], $0xffff;
	_ =	sdelay $0x1  }
0xf1: {  	v7 =	vld.idx.msk [tilespmem:v11+s10+$0x0], $0xffff;
	_ =	sdelay $0x1  }
0xf2: {  	v5 =	vld.idx.msk [tilespmem:v5+s10+$0x0], $0xffff  }
0xf3: {  	v9 =	vld [tilespmem:$0x1FFC0];
	v4 =	vadd.f32 v6, v4;
	_ =	sdelay $0x1  }
0xf4: {  	v10 =	vld [tilespmem:$0x1FFD0];
	v4 =	vadd.f32 v7, v4;
	_ =	sdelay $0x1  }
0xf5: {  	v4 =	vadd.f32 v5, v4;
	v5 =	vld [tilespmem:$0x1FFE0];
	_ =	sdelay $0x1  }
0xf6: {  	v11 =	vld [tilespmem:$0x1FFF0];
	_ =	sdelay $0x1  }
0xf7: {  	v6 =	vld.idx.msk [tilespmem:v9+s10+$0x0], $0xffff;
	_ =	sdelay $0x1  }
0xf8: {  	v7 =	vld.idx.msk [tilespmem:v10+s10+$0x0], $0xffff;
	_ =	sdelay $0x1  }
0xf9: {  	v5 =	vld.idx.msk [tilespmem:v5+s10+$0x0], $0xffff  }
0xfa: {  	v4 =	vadd.f32 v6, v4  }
0xfb: {  	v6 =	vld.idx.msk [tilespmem:v11+s10+$0x0], $0xffff  }
0xfc: {  	v4 =	vadd.f32 v7, v4  }
0xfd: {  	v9 =	vld.idx.msk [tilespmem:v15+s10+$0x0], $0xffff  }
0xfe: {  	v4 =	vadd.f32 v5, v4  }
0xff: {  	v5 =	vld.idx.msk [tilespmem:v16+s10+$0x0], $0xffff  }
0x100: {  	v4 =	vadd.f32 v6, v4  }
0x101: {  	v10 =	vld.idx.msk [tilespmem:v17+s10+$0x0], $0xffff  }
0x102: {  	v4 =	vadd.f32 v9, v4  }
0x103: {  	v11 =	vld.idx.msk [tilespmem:v18+s10+$0x0], $0xffff  }
0x104: {  	v4 =	vadd.f32 v5, v4;
	_ =	sdelay $0x1  }
0x105: {  	v4 =	vadd.f32 v10, v4;
	_ =	sdelay $0x1  }
0x106: {  	v4 =	vadd.f32 v11, v4;
	_ =	sdelay $0x1  }
0x107: {  	[tilespmem:$0x9C00] =	vst v4  }
0x108: {  	v4 =	vld.idx.msk [tilespmem:v19+s10+$0x0], $0xffff;
	_ =	sdelay $0x1  }
0x109: {  	v5 =	vld.idx.msk [tilespmem:v20+s10+$0x0], $0xffff;
	_ =	sdelay $0x1  }
0x10a: {  	v9 =	vld.idx.msk [tilespmem:v21+s10+$0x0], $0xffff  }
0x10b: {  	v4 =	vadd.f32 $0.0e+00, v4  }
0x10c: {  	v10 =	vld.idx.msk [tilespmem:v22+s10+$0x0], $0xffff  }
0x10d: {  	v4 =	vadd.f32 v5, v4  }
0x10e: {  	v5 =	vld.idx.msk [tilespmem:v23+s10+$0x0], $0xffff  }
0x10f: {  	v4 =	vadd.f32 v9, v4  }
0x110: {  	v11 =	vld.idx.msk [tilespmem:v24+s10+$0x0], $0xffff  }
0x111: {  	v4 =	vadd.f32 v10, v4  }
0x112: {  	v9 =	vld.idx.msk [tilespmem:v25+s10+$0x0], $0xffff  }
0x113: {  	v4 =	vadd.f32 v5, v4  }
0x114: {  	v5 =	vld.idx.msk [tilespmem:v26+s10+$0x0], $0xffff  }
0x115: {  	v4 =	vadd.f32 v11, v4  }
0x116: {  	v10 =	vld.idx.msk [tilespmem:v27+s10+$0x0], $0xffff  }
0x117: {  	v4 =	vadd.f32 v9, v4  }
0x118: {  	v11 =	vld.idx.msk [tilespmem:v28+s10+$0x0], $0xffff  }
0x119: {  	v4 =	vadd.f32 v5, v4  }
0x11a: {  	v5 =	vld.idx.msk [tilespmem:v29+s10+$0x0], $0xffff  }
0x11b: {  	v4 =	vadd.f32 v10, v4  }
0x11c: {  	v9 =	vld.idx.msk [tilespmem:v30+s10+$0x0], $0xffff  }
0x11d: {  	v4 =	vadd.f32 v11, v4  }
0x11e: {  	v10 =	vld.idx.msk [tilespmem:v31+s10+$0x0], $0xffff  }
0x11f: {  	v4 =	vadd.f32 v5, v4  }
0x120: {  	v5 =	vld.idx.msk [tilespmem:v32+s10+$0x0], $0xffff  }
0x121: {  	v4 =	vadd.f32 v9, v4  }
0x122: {  	v11 =	vld.idx.msk [tilespmem:v33+s10+$0x0], $0xffff  }
0x123: {  	v4 =	vadd.f32 v10, v4  }
0x124: {  	v9 =	vld.idx.msk [tilespmem:v34+s10+$0x0], $0xffff  }
0x125: {  	v4 =	vadd.f32 v5, v4;
	_ =	sdelay $0x1  }
0x126: {  	v4 =	vadd.f32 v11, v4;
	_ =	sdelay $0x1  }
0x127: {  	v4 =	vadd.f32 v9, v4;
	_ =	sdelay $0x1  }
0x128: {  	[tilespmem:$0x9C10] =	vst v4  }
0x129: {  	v4 =	vld.idx.msk [tilespmem:v35+s10+$0x0], $0xffff;
	_ =	sdelay $0x1  }
0x12a: {  	v5 =	vld.idx.msk [tilespmem:v36+s10+$0x0], $0xffff;
	_ =	sdelay $0x1  }
0x12b: {  	v10 =	vld.idx.msk [tilespmem:v37+s10+$0x0], $0xffff  }
0x12c: {  	v4 =	vadd.f32 $0.0e+00, v4  }
0x12d: {  	v11 =	vld.idx.msk [tilespmem:v38+s10+$0x0], $0xffff  }
0x12e: {  	v4 =	vadd.f32 v5, v4  }
0x12f: {  	v5 =	vld.idx.msk [tilespmem:v39+s10+$0x0], $0xffff  }
0x130: {  	v4 =	vadd.f32 v10, v4  }
0x131: {  	v9 =	vld.idx.msk [tilespmem:v40+s10+$0x0], $0xffff  }
0x132: {  	v4 =	vadd.f32 v11, v4  }
0x133: {  	v10 =	vld.idx.msk [tilespmem:v41+s10+$0x0], $0xffff  }
0x134: {  	v4 =	vadd.f32 v5, v4  }
0x135: {  	v5 =	vld.idx.msk [tilespmem:v42+s10+$0x0], $0xffff  }
0x136: {  	v4 =	vadd.f32 v9, v4  }
0x137: {  	v11 =	vld.idx.msk [tilespmem:v43+s10+$0x0], $0xffff  }
0x138: {  	v4 =	vadd.f32 v10, v4  }
0x139: {  	v9 =	vld.idx.msk [tilespmem:v44+s10+$0x0], $0xffff  }
0x13a: {  	v4 =	vadd.f32 v5, v4  }
0x13b: {  	v5 =	vld.idx.msk [tilespmem:v45+s10+$0x0], $0xffff  }
0x13c: {  	v4 =	vadd.f32 v11, v4  }
0x13d: {  	v10 =	vld.idx.msk [tilespmem:v46+s10+$0x0], $0xffff  }
0x13e: {  	v4 =	vadd.f32 v9, v4  }
0x13f: {  	v11 =	vld.idx.msk [tilespmem:v47+s10+$0x0], $0xffff  }
0x140: {  	v4 =	vadd.f32 v5, v4  }
0x141: {  	v5 =	vld.idx.msk [tilespmem:v48+s10+$0x0], $0xffff  }
0x142: {  	v4 =	vadd.f32 v10, v4  }
0x143: {  	v9 =	vld.idx.msk [tilespmem:v49+s10+$0x0], $0xffff  }
0x144: {  	v4 =	vadd.f32 v11, v4  }
0x145: {  	v10 =	vld.idx.msk [tilespmem:v50+s10+$0x0], $0xffff  }
0x146: {  	v4 =	vadd.f32 v5, v4;
	_ =	sdelay $0x1  }
0x147: {  	v4 =	vadd.f32 v9, v4;
	_ =	sdelay $0x1  }
0x148: {  	v4 =	vadd.f32 v10, v4;
	_ =	sdelay $0x1  }
0x149: {  	[tilespmem:$0x9C20] =	vst v4  }
0x14a: {  	v4 =	vld.idx.msk [tilespmem:v51+s10+$0x0], $0xffff;
	_ =	sdelay $0x1  }
0x14b: {  	v5 =	vld.idx.msk [tilespmem:v52+s10+$0x0], $0xffff;
	_ =	sdelay $0x1  }
0x14c: {  	v11 =	vld.idx.msk [tilespmem:v53+s10+$0x0], $0xffff  }
0x14d: {  	v4 =	vadd.f32 $0.0e+00, v4  }
0x14e: {  	v9 =	vld.idx.msk [tilespmem:v54+s10+$0x0], $0xffff  }
0x14f: {  	v4 =	vadd.f32 v5, v4  }
0x150: {  	v5 =	vld.idx.msk [tilespmem:v55+s10+$0x0], $0xffff  }
0x151: {  	v4 =	vadd.f32 v11, v4  }
0x152: {  	v10 =	vld.idx.msk [tilespmem:v56+s10+$0x0], $0xffff  }
0x153: {  	v4 =	vadd.f32 v9, v4  }
0x154: {  	v11 =	vld.idx.msk [tilespmem:v57+s10+$0x0], $0xffff  }
0x155: {  	v4 =	vadd.f32 v5, v4  }
0x156: {  	v5 =	vld.idx.msk [tilespmem:v58+s10+$0x0], $0xffff  }
0x157: {  	v4 =	vadd.f32 v10, v4  }
0x158: {  	v9 =	vld.idx.msk [tilespmem:v59+s10+$0x0], $0xffff  }
0x159: {  	v4 =	vadd.f32 v11, v4  }
0x15a: {  	v7 =	vld.idx.msk [tilespmem:v60+s10+$0x0], $0xffff  }
0x15b: {  	v4 =	vadd.f32 v5, v4  }
0x15c: {  	v5 =	vld.idx.msk [tilespmem:v61+s10+$0x0], $0xffff  }
0x15d: {  	v6 =	vor.u32 $0x30D, v1;
	v4 =	vadd.f32 v9, v4  }
0x15e: {  	v8 =	vld.idx.msk [tilespmem:v62+s10+$0x0], $0xffff  }
0x15f: {  	v4 =	vadd.f32 v7, v4;
	v7 =	vor.u32 $0x30E, v1  }
0x160: {  	v9 =	vld.idx.msk [tilespmem:v63+s10+$0x0], $0xffff  }
0x161: {  	v4 =	vadd.f32 v5, v4;
	v5 =	vor.u32 $0x30F, v1  }
0x162: {  	v6 =	vld.idx.msk [tilespmem:v6+s10+$0x0], $0xffff  }
0x163: {  	v4 =	vadd.f32 v8, v4  }
0x164: {  	v7 =	vld.idx.msk [tilespmem:v7+s10+$0x0], $0xffff  }
0x165: {  	v4 =	vadd.f32 v9, v4  }
0x166: {  	v5 =	vld.idx.msk [tilespmem:v5+s10+$0x0], $0xffff  }
0x167: {  	v4 =	vadd.f32 v6, v4;
	_ =	sdelay $0x1  }
0x168: {  	v10 =	vor.u32 $0x400, v1;
	v4 =	vadd.f32 v7, v4;
	_ =	sdelay $0x1  }
0x169: {  	v4 =	vadd.f32 v5, v4;
	v5 =	vor.u32 $0x401, v1;
	_ =	sdelay $0x1  }
0x16a: {  	[tilespmem:$0x9C30] =	vst v4;
	v4 =	vor.u32 $0x402, v1  }
0x16b: {  	v6 =	vld.idx.msk [tilespmem:v10+s10+$0x0], $0xffff  }
0x16c: {  	v7 =	vor.u32 $0x403, v1  }
0x16d: {  	v5 =	vld.idx.msk [tilespmem:v5+s10+$0x0], $0xffff  }
0x16e: {  	v8 =	vor.u32 $0x404, v1  }
0x16f: {  	v4 =	vld.idx.msk [tilespmem:v4+s10+$0x0], $0xffff  }
0x170: {  	v9 =	vor.u32 $0x405, v1;
	v6 =	vadd.f32 $0.0e+00, v6  }
0x171: {  	v7 =	vld.idx.msk [tilespmem:v7+s10+$0x0], $0xffff  }
0x172: {  	v5 =	vadd.f32 v5, v6;
	v6 =	vor.u32 $0x406, v1  }
0x173: {  	v8 =	vld.idx.msk [tilespmem:v8+s10+$0x0], $0xffff  }
0x174: {  	v4 =	vadd.f32 v4, v5;
	v5 =	vor.u32 $0x407, v1  }
0x175: {  	v9 =	vld.idx.msk [tilespmem:v9+s10+$0x0], $0xffff  }
0x176: {  	v4 =	vadd.f32 v7, v4;
	v7 =	vor.u32 $0x408, v1  }
0x177: {  	v6 =	vld.idx.msk [tilespmem:v6+s10+$0x0], $0xffff  }
0x178: {  	v4 =	vadd.f32 v8, v4;
	v8 =	vor.u32 $0x409, v1  }
0x179: {  	v5 =	vld.idx.msk [tilespmem:v5+s10+$0x0], $0xffff  }
0x17a: {  	v4 =	vadd.f32 v9, v4;
	v9 =	vor.u32 $0x40A, v1  }
0x17b: {  	v7 =	vld.idx.msk [tilespmem:v7+s10+$0x0], $0xffff  }
0x17c: {  	v4 =	vadd.f32 v6, v4;
	v6 =	vor.u32 $0x40B, v1  }
0x17d: {  	v8 =	vld.idx.msk [tilespmem:v8+s10+$0x0], $0xffff  }
0x17e: {  	v4 =	vadd.f32 v5, v4;
	v5 =	vor.u32 $0x40C, v1  }
0x17f: {  	v9 =	vld.idx.msk [tilespmem:v9+s10+$0x0], $0xffff  }
0x180: {  	v4 =	vadd.f32 v7, v4;
	v7 =	vor.u32 $0x40D, v1  }
0x181: {  	v6 =	vld.idx.msk [tilespmem:v6+s10+$0x0], $0xffff  }
0x182: {  	v4 =	vadd.f32 v8, v4;
	v8 =	vor.u32 $0x40E, v1  }
0x183: {  	v5 =	vld.idx.msk [tilespmem:v5+s10+$0x0], $0xffff  }
0x184: {  	v4 =	vadd.f32 v9, v4;
	v9 =	vor.u32 $0x40F, v1  }
0x185: {  	v7 =	vld.idx.msk [tilespmem:v7+s10+$0x0], $0xffff  }
0x186: {  	v4 =	vadd.f32 v6, v4  }
0x187: {  	v11 =	vld.idx.msk [tilespmem:v8+s10+$0x0], $0xffff  }
0x188: {  	v4 =	vadd.f32 v5, v4  }
0x189: {  	v5 =	vld.idx.msk [tilespmem:v9+s10+$0x0], $0xffff  }
0x18a: {  	v4 =	vadd.f32 v7, v4;
	_ =	sdelay $0x1  }
0x18b: {  	v10 =	vor.u32 $0x500, v1;
	v4 =	vadd.f32 v11, v4;
	_ =	sdelay $0x1  }
0x18c: {  	v4 =	vadd.f32 v5, v4;
	v5 =	vor.u32 $0x501, v1;
	_ =	sdelay $0x1  }
0x18d: {  	[tilespmem:$0x9C40] =	vst v4;
	v4 =	vor.u32 $0x502, v1  }
0x18e: {  	v6 =	vld.idx.msk [tilespmem:v10+s10+$0x0], $0xffff  }
0x18f: {  	v7 =	vor.u32 $0x503, v1  }
0x190: {  	v5 =	vld.idx.msk [tilespmem:v5+s10+$0x0], $0xffff  }
0x191: {  	v8 =	vor.u32 $0x504, v1  }
0x192: {  	v4 =	vld.idx.msk [tilespmem:v4+s10+$0x0], $0xffff  }
0x193: {  	v9 =	vor.u32 $0x505, v1;
	v6 =	vadd.f32 $0.0e+00, v6  }
0x194: {  	v7 =	vld.idx.msk [tilespmem:v7+s10+$0x0], $0xffff  }
0x195: {  	v5 =	vadd.f32 v5, v6;
	v6 =	vor.u32 $0x506, v1  }
0x196: {  	v8 =	vld.idx.msk [tilespmem:v8+s10+$0x0], $0xffff  }
0x197: {  	v4 =	vadd.f32 v4, v5;
	v5 =	vor.u32 $0x507, v1  }
0x198: {  	v9 =	vld.idx.msk [tilespmem:v9+s10+$0x0], $0xffff  }
0x199: {  	v4 =	vadd.f32 v7, v4;
	v7 =	vor.u32 $0x508, v1  }
0x19a: {  	v6 =	vld.idx.msk [tilespmem:v6+s10+$0x0], $0xffff  }
0x19b: {  	v4 =	vadd.f32 v8, v4;
	v8 =	vor.u32 $0x509, v1  }
0x19c: {  	v5 =	vld.idx.msk [tilespmem:v5+s10+$0x0], $0xffff  }
0x19d: {  	v4 =	vadd.f32 v9, v4;
	v9 =	vor.u32 $0x50A, v1  }
0x19e: {  	v7 =	vld.idx.msk [tilespmem:v7+s10+$0x0], $0xffff  }
0x19f: {  	v4 =	vadd.f32 v6, v4;
	v6 =	vor.u32 $0x50B, v1  }
0x1a0: {  	v8 =	vld.idx.msk [tilespmem:v8+s10+$0x0], $0xffff  }
0x1a1: {  	v4 =	vadd.f32 v5, v4;
	v5 =	vor.u32 $0x50C, v1  }
0x1a2: {  	v9 =	vld.idx.msk [tilespmem:v9+s10+$0x0], $0xffff  }
0x1a3: {  	v4 =	vadd.f32 v7, v4;
	v7 =	vor.u32 $0x50D, v1  }
0x1a4: {  	v6 =	vld.idx.msk [tilespmem:v6+s10+$0x0], $0xffff  }
0x1a5: {  	v4 =	vadd.f32 v8, v4;
	v8 =	vor.u32 $0x50E, v1  }
0x1a6: {  	v5 =	vld.idx.msk [tilespmem:v5+s10+$0x0], $0xffff  }
0x1a7: {  	v4 =	vadd.f32 v9, v4;
	v9 =	vor.u32 $0x50F, v1  }
0x1a8: {  	v7 =	vld.idx.msk [tilespmem:v7+s10+$0x0], $0xffff  }
0x1a9: {  	v4 =	vadd.f32 v6, v4  }
0x1aa: {  	v11 =	vld.idx.msk [tilespmem:v8+s10+$0x0], $0xffff  }
0x1ab: {  	v4 =	vadd.f32 v5, v4  }
0x1ac: {  	v5 =	vld.idx.msk [tilespmem:v9+s10+$0x0], $0xffff  }
0x1ad: {  	v4 =	vadd.f32 v7, v4;
	_ =	sdelay $0x1  }
0x1ae: {  	v10 =	vor.u32 $0x600, v1;
	v4 =	vadd.f32 v11, v4;
	_ =	sdelay $0x1  }
0x1af: {  	v4 =	vadd.f32 v5, v4;
	v5 =	vor.u32 $0x601, v1;
	_ =	sdelay $0x1  }
0x1b0: {  	[tilespmem:$0x9C50] =	vst v4;
	v4 =	vor.u32 $0x602, v1  }
0x1b1: {  	v6 =	vld.idx.msk [tilespmem:v10+s10+$0x0], $0xffff  }
0x1b2: {  	v7 =	vor.u32 $0x603, v1  }
0x1b3: {  	v5 =	vld.idx.msk [tilespmem:v5+s10+$0x0], $0xffff  }
0x1b4: {  	v8 =	vor.u32 $0x604, v1  }
0x1b5: {  	v4 =	vld.idx.msk [tilespmem:v4+s10+$0x0], $0xffff  }
0x1b6: {  	v9 =	vor.u32 $0x605, v1;
	v6 =	vadd.f32 $0.0e+00, v6  }
0x1b7: {  	v7 =	vld.idx.msk [tilespmem:v7+s10+$0x0], $0xffff  }
0x1b8: {  	v5 =	vadd.f32 v5, v6;
	v6 =	vor.u32 $0x606, v1  }
0x1b9: {  	v8 =	vld.idx.msk [tilespmem:v8+s10+$0x0], $0xffff  }
0x1ba: {  	v4 =	vadd.f32 v4, v5;
	v5 =	vor.u32 $0x607, v1  }
0x1bb: {  	v9 =	vld.idx.msk [tilespmem:v9+s10+$0x0], $0xffff  }
0x1bc: {  	v4 =	vadd.f32 v7, v4;
	v7 =	vor.u32 $0x608, v1  }
0x1bd: {  	v6 =	vld.idx.msk [tilespmem:v6+s10+$0x0], $0xffff  }
0x1be: {  	v4 =	vadd.f32 v8, v4;
	v8 =	vor.u32 $0x609, v1  }
0x1bf: {  	v5 =	vld.idx.msk [tilespmem:v5+s10+$0x0], $0xffff  }
0x1c0: {  	v4 =	vadd.f32 v9, v4;
	v9 =	vor.u32 $0x60A, v1  }
0x1c1: {  	v7 =	vld.idx.msk [tilespmem:v7+s10+$0x0], $0xffff  }
0x1c2: {  	v4 =	vadd.f32 v6, v4;
	v6 =	vor.u32 $0x60B, v1  }
0x1c3: {  	v8 =	vld.idx.msk [tilespmem:v8+s10+$0x0], $0xffff  }
0x1c4: {  	v4 =	vadd.f32 v5, v4;
	v5 =	vor.u32 $0x60C, v1  }
0x1c5: {  	v9 =	vld.idx.msk [tilespmem:v9+s10+$0x0], $0xffff  }
0x1c6: {  	v4 =	vadd.f32 v7, v4;
	v7 =	vor.u32 $0x60D, v1  }
0x1c7: {  	v6 =	vld.idx.msk [tilespmem:v6+s10+$0x0], $0xffff  }
0x1c8: {  	v4 =	vadd.f32 v8, v4;
	v8 =	vor.u32 $0x60E, v1  }
0x1c9: {  	v5 =	vld.idx.msk [tilespmem:v5+s10+$0x0], $0xffff  }
0x1ca: {  	v4 =	vadd.f32 v9, v4;
	v9 =	vor.u32 $0x60F, v1  }
0x1cb: {  	v7 =	vld.idx.msk [tilespmem:v7+s10+$0x0], $0xffff  }
0x1cc: {  	v4 =	vadd.f32 v6, v4  }
0x1cd: {  	v11 =	vld.idx.msk [tilespmem:v8+s10+$0x0], $0xffff  }
0x1ce: {  	v4 =	vadd.f32 v5, v4  }
0x1cf: {  	v5 =	vld.idx.msk [tilespmem:v9+s10+$0x0], $0xffff  }
0x1d0: {  	v4 =	vadd.f32 v7, v4;
	_ =	sdelay $0x1  }
0x1d1: {  	v10 =	vor.u32 $0x700, v1;
	v4 =	vadd.f32 v11, v4;
	_ =	sdelay $0x1  }
0x1d2: {  	v4 =	vadd.f32 v5, v4;
	v5 =	vor.u32 $0x701, v1;
	_ =	sdelay $0x1  }
0x1d3: {  	[tilespmem:$0x9C60] =	vst v4;
	v4 =	vor.u32 $0x702, v1  }
0x1d4: {  	v6 =	vld.idx.msk [tilespmem:v10+s10+$0x0], $0xffff  }
0x1d5: {  	v7 =	vor.u32 $0x703, v1  }
0x1d6: {  	v5 =	vld.idx.msk [tilespmem:v5+s10+$0x0], $0xffff  }
0x1d7: {  	v8 =	vor.u32 $0x704, v1  }
0x1d8: {  	v4 =	vld.idx.msk [tilespmem:v4+s10+$0x0], $0xffff  }
0x1d9: {  	v9 =	vor.u32 $0x705, v1;
	v6 =	vadd.f32 $0.0e+00, v6  }
0x1da: {  	v7 =	vld.idx.msk [tilespmem:v7+s10+$0x0], $0xffff  }
0x1db: {  	v5 =	vadd.f32 v5, v6;
	v6 =	vor.u32 $0x706, v1  }
0x1dc: {  	v8 =	vld.idx.msk [tilespmem:v8+s10+$0x0], $0xffff  }
0x1dd: {  	v4 =	vadd.f32 v4, v5;
	v5 =	vor.u32 $0x707, v1  }
0x1de: {  	v9 =	vld.idx.msk [tilespmem:v9+s10+$0x0], $0xffff  }
0x1df: {  	v4 =	vadd.f32 v7, v4;
	v7 =	vor.u32 $0x708, v1  }
0x1e0: {  	v6 =	vld.idx.msk [tilespmem:v6+s10+$0x0], $0xffff  }
0x1e1: {  	v4 =	vadd.f32 v8, v4;
	v8 =	vor.u32 $0x709, v1  }
0x1e2: {  	v5 =	vld.idx.msk [tilespmem:v5+s10+$0x0], $0xffff  }
0x1e3: {  	v4 =	vadd.f32 v9, v4;
	v9 =	vor.u32 $0x70A, v1  }
0x1e4: {  	v7 =	vld.idx.msk [tilespmem:v7+s10+$0x0], $0xffff  }
0x1e5: {  	v4 =	vadd.f32 v6, v4;
	v6 =	vor.u32 $0x70B, v1  }
0x1e6: {  	v8 =	vld.idx.msk [tilespmem:v8+s10+$0x0], $0xffff  }
0x1e7: {  	v4 =	vadd.f32 v5, v4;
	v5 =	vor.u32 $0x70C, v1  }
0x1e8: {  	v9 =	vld.idx.msk [tilespmem:v9+s10+$0x0], $0xffff  }
0x1e9: {  	v4 =	vadd.f32 v7, v4;
	v7 =	vor.u32 $0x70D, v1  }
0x1ea: {  	v6 =	vld.idx.msk [tilespmem:v6+s10+$0x0], $0xffff  }
0x1eb: {  	v4 =	vadd.f32 v8, v4;
	v8 =	vor.u32 $0x70E, v1  }
0x1ec: {  	v5 =	vld.idx.msk [tilespmem:v5+s10+$0x0], $0xffff  }
0x1ed: {  	v4 =	vadd.f32 v9, v4;
	v9 =	vor.u32 $0x70F, v1  }
0x1ee: {  	v7 =	vld.idx.msk [tilespmem:v7+s10+$0x0], $0xffff  }
0x1ef: {  	v4 =	vadd.f32 v6, v4  }
0x1f0: {  	v11 =	vld.idx.msk [tilespmem:v8+s10+$0x0], $0xffff  }
0x1f1: {  	v4 =	vadd.f32 v5, v4  }
0x1f2: {  	v5 =	vld.idx.msk [tilespmem:v9+s10+$0x0], $0xffff  }
0x1f3: {  	v4 =	vadd.f32 v7, v4;
	_ =	sdelay $0x1  }
0x1f4: {  	v10 =	vor.u32 $0x800, v1;
	v4 =	vadd.f32 v11, v4;
	_ =	sdelay $0x1  }
0x1f5: {  	v4 =	vadd.f32 v5, v4;
	v5 =	vor.u32 $0x801, v1;
	_ =	sdelay $0x1  }
0x1f6: {  	[tilespmem:$0x9C70] =	vst v4;
	v4 =	vor.u32 $0x802, v1  }
0x1f7: {  	v6 =	vld.idx.msk [tilespmem:v10+s10+$0x0], $0xffff  }
0x1f8: {  	v7 =	vor.u32 $0x803, v1  }
0x1f9: {  	v5 =	vld.idx.msk [tilespmem:v5+s10+$0x0], $0xffff  }
0x1fa: {  	v8 =	vor.u32 $0x804, v1  }
0x1fb: {  	v4 =	vld.idx.msk [tilespmem:v4+s10+$0x0], $0xffff  }
0x1fc: {  	v9 =	vor.u32 $0x805, v1;
	v6 =	vadd.f32 $0.0e+00, v6  }
0x1fd: {  	v7 =	vld.idx.msk [tilespmem:v7+s10+$0x0], $0xffff  }
0x1fe: {  	v5 =	vadd.f32 v5, v6;
	v6 =	vor.u32 $0x806, v1  }
0x1ff: {  	v8 =	vld.idx.msk [tilespmem:v8+s10+$0x0], $0xffff  }
0x200: {  	v4 =	vadd.f32 v4, v5;
	v5 =	vor.u32 $0x807, v1  }
0x201: {  	v9 =	vld.idx.msk [tilespmem:v9+s10+$0x0], $0xffff  }
0x202: {  	v4 =	vadd.f32 v7, v4;
	v7 =	vor.u32 $0x808, v1  }
0x203: {  	v6 =	vld.idx.msk [tilespmem:v6+s10+$0x0], $0xffff  }
0x204: {  	v4 =	vadd.f32 v8, v4;
	v8 =	vor.u32 $0x809, v1  }
0x205: {  	v5 =	vld.idx.msk [tilespmem:v5+s10+$0x0], $0xffff  }
0x206: {  	v4 =	vadd.f32 v9, v4;
	v9 =	vor.u32 $0x80A, v1  }
0x207: {  	v7 =	vld.idx.msk [tilespmem:v7+s10+$0x0], $0xffff  }
0x208: {  	v4 =	vadd.f32 v6, v4;
	v6 =	vor.u32 $0x80B, v1  }
0x209: {  	v8 =	vld.idx.msk [tilespmem:v8+s10+$0x0], $0xffff  }
0x20a: {  	v4 =	vadd.f32 v5, v4;
	v5 =	vor.u32 $0x80C, v1  }
0x20b: {  	v9 =	vld.idx.msk [tilespmem:v9+s10+$0x0], $0xffff  }
0x20c: {  	v4 =	vadd.f32 v7, v4;
	v7 =	vor.u32 $0x80D, v1  }
0x20d: {  	v6 =	vld.idx.msk [tilespmem:v6+s10+$0x0], $0xffff  }
0x20e: {  	v4 =	vadd.f32 v8, v4;
	v8 =	vor.u32 $0x80E, v1  }
0x20f: {  	v5 =	vld.idx.msk [tilespmem:v5+s10+$0x0], $0xffff  }
0x210: {  	v4 =	vadd.f32 v9, v4;
	v9 =	vor.u32 $0x80F, v1  }
0x211: {  	v7 =	vld.idx.msk [tilespmem:v7+s10+$0x0], $0xffff  }
0x212: {  	v4 =	vadd.f32 v6, v4  }
0x213: {  	v11 =	vld.idx.msk [tilespmem:v8+s10+$0x0], $0xffff  }
0x214: {  	v4 =	vadd.f32 v5, v4  }
0x215: {  	v5 =	vld.idx.msk [tilespmem:v9+s10+$0x0], $0xffff  }
0x216: {  	v4 =	vadd.f32 v7, v4;
	_ =	sdelay $0x1  }
0x217: {  	v10 =	vor.u32 $0x900, v1;
	v4 =	vadd.f32 v11, v4;
	_ =	sdelay $0x1  }
0x218: {  	v4 =	vadd.f32 v5, v4;
	v5 =	vor.u32 $0x901, v1;
	_ =	sdelay $0x1  }
0x219: {  	[tilespmem:$0x9C80] =	vst v4;
	v4 =	vor.u32 $0x902, v1  }
0x21a: {  	v6 =	vld.idx.msk [tilespmem:v10+s10+$0x0], $0xffff  }
0x21b: {  	v7 =	vor.u32 $0x903, v1  }
0x21c: {  	v5 =	vld.idx.msk [tilespmem:v5+s10+$0x0], $0xffff  }
0x21d: {  	v8 =	vor.u32 $0x904, v1  }
0x21e: {  	v4 =	vld.idx.msk [tilespmem:v4+s10+$0x0], $0xffff  }
0x21f: {  	v9 =	vor.u32 $0x905, v1;
	v6 =	vadd.f32 $0.0e+00, v6  }
0x220: {  	v7 =	vld.idx.msk [tilespmem:v7+s10+$0x0], $0xffff  }
0x221: {  	v5 =	vadd.f32 v5, v6;
	v6 =	vor.u32 $0x906, v1  }
0x222: {  	v8 =	vld.idx.msk [tilespmem:v8+s10+$0x0], $0xffff  }
0x223: {  	v4 =	vadd.f32 v4, v5;
	v5 =	vor.u32 $0x907, v1  }
0x224: {  	v9 =	vld.idx.msk [tilespmem:v9+s10+$0x0], $0xffff  }
0x225: {  	v4 =	vadd.f32 v7, v4;
	v7 =	vor.u32 $0x908, v1  }
0x226: {  	v6 =	vld.idx.msk [tilespmem:v6+s10+$0x0], $0xffff  }
0x227: {  	v4 =	vadd.f32 v8, v4;
	v8 =	vor.u32 $0x909, v1  }
0x228: {  	v5 =	vld.idx.msk [tilespmem:v5+s10+$0x0], $0xffff  }
0x229: {  	v4 =	vadd.f32 v9, v4;
	v9 =	vor.u32 $0x90A, v1  }
0x22a: {  	v7 =	vld.idx.msk [tilespmem:v7+s10+$0x0], $0xffff  }
0x22b: {  	v4 =	vadd.f32 v6, v4;
	v6 =	vor.u32 $0x90B, v1  }
0x22c: {  	v8 =	vld.idx.msk [tilespmem:v8+s10+$0x0], $0xffff  }
0x22d: {  	v4 =	vadd.f32 v5, v4;
	v5 =	vor.u32 $0x90C, v1  }
0x22e: {  	v9 =	vld.idx.msk [tilespmem:v9+s10+$0x0], $0xffff  }
0x22f: {  	v4 =	vadd.f32 v7, v4;
	v7 =	vor.u32 $0x90D, v1  }
0x230: {  	v6 =	vld.idx.msk [tilespmem:v6+s10+$0x0], $0xffff  }
0x231: {  	v4 =	vadd.f32 v8, v4;
	v8 =	vor.u32 $0x90E, v1  }
0x232: {  	v5 =	vld.idx.msk [tilespmem:v5+s10+$0x0], $0xffff  }
0x233: {  	v4 =	vadd.f32 v9, v4;
	v9 =	vor.u32 $0x90F, v1  }
0x234: {  	v7 =	vld.idx.msk [tilespmem:v7+s10+$0x0], $0xffff  }
0x235: {  	v4 =	vadd.f32 v6, v4  }
0x236: {  	v11 =	vld.idx.msk [tilespmem:v8+s10+$0x0], $0xffff  }
0x237: {  	v4 =	vadd.f32 v5, v4  }
0x238: {  	v5 =	vld.idx.msk [tilespmem:v9+s10+$0x0], $0xffff  }
0x239: {  	v4 =	vadd.f32 v7, v4;
	_ =	sdelay $0x1  }
0x23a: {  	v10 =	vor.u32 $0xA00, v1;
	v4 =	vadd.f32 v11, v4;
	_ =	sdelay $0x1  }
0x23b: {  	v4 =	vadd.f32 v5, v4;
	v5 =	vor.u32 $0xA01, v1;
	_ =	sdelay $0x1  }
0x23c: {  	[tilespmem:$0x9C90] =	vst v4;
	v4 =	vor.u32 $0xA02, v1  }
0x23d: {  	v6 =	vld.idx.msk [tilespmem:v10+s10+$0x0], $0xffff  }
0x23e: {  	v7 =	vor.u32 $0xA03, v1  }
0x23f: {  	v5 =	vld.idx.msk [tilespmem:v5+s10+$0x0], $0xffff  }
0x240: {  	v8 =	vor.u32 $0xA04, v1  }
0x241: {  	v4 =	vld.idx.msk [tilespmem:v4+s10+$0x0], $0xffff  }
0x242: {  	v9 =	vor.u32 $0xA05, v1;
	v6 =	vadd.f32 $0.0e+00, v6  }
0x243: {  	v7 =	vld.idx.msk [tilespmem:v7+s10+$0x0], $0xffff  }
0x244: {  	v5 =	vadd.f32 v5, v6;
	v6 =	vor.u32 $0xA06, v1  }
0x245: {  	v8 =	vld.idx.msk [tilespmem:v8+s10+$0x0], $0xffff  }
0x246: {  	v4 =	vadd.f32 v4, v5;
	v5 =	vor.u32 $0xA07, v1  }
0x247: {  	v9 =	vld.idx.msk [tilespmem:v9+s10+$0x0], $0xffff  }
0x248: {  	v4 =	vadd.f32 v7, v4;
	v7 =	vor.u32 $0xA08, v1  }
0x249: {  	v6 =	vld.idx.msk [tilespmem:v6+s10+$0x0], $0xffff  }
0x24a: {  	v4 =	vadd.f32 v8, v4;
	v8 =	vor.u32 $0xA09, v1  }
0x24b: {  	v5 =	vld.idx.msk [tilespmem:v5+s10+$0x0], $0xffff  }
0x24c: {  	v4 =	vadd.f32 v9, v4;
	v9 =	vor.u32 $0xA0A, v1  }
0x24d: {  	v7 =	vld.idx.msk [tilespmem:v7+s10+$0x0], $0xffff  }
0x24e: {  	v4 =	vadd.f32 v6, v4;
	v6 =	vor.u32 $0xA0B, v1  }
0x24f: {  	v8 =	vld.idx.msk [tilespmem:v8+s10+$0x0], $0xffff  }
0x250: {  	v4 =	vadd.f32 v5, v4;
	v5 =	vor.u32 $0xA0C, v1  }
0x251: {  	v9 =	vld.idx.msk [tilespmem:v9+s10+$0x0], $0xffff  }
0x252: {  	v4 =	vadd.f32 v7, v4;
	v7 =	vor.u32 $0xA0D, v1  }
0x253: {  	v6 =	vld.idx.msk [tilespmem:v6+s10+$0x0], $0xffff  }
0x254: {  	v4 =	vadd.f32 v8, v4;
	v8 =	vor.u32 $0xA0E, v1  }
0x255: {  	v5 =	vld.idx.msk [tilespmem:v5+s10+$0x0], $0xffff  }
0x256: {  	v4 =	vadd.f32 v9, v4;
	v9 =	vor.u32 $0xA0F, v1  }
0x257: {  	v7 =	vld.idx.msk [tilespmem:v7+s10+$0x0], $0xffff  }
0x258: {  	v4 =	vadd.f32 v6, v4  }
0x259: {  	v11 =	vld.idx.msk [tilespmem:v8+s10+$0x0], $0xffff  }
0x25a: {  	v4 =	vadd.f32 v5, v4  }
0x25b: {  	v5 =	vld.idx.msk [tilespmem:v9+s10+$0x0], $0xffff  }
0x25c: {  	v4 =	vadd.f32 v7, v4;
	_ =	sdelay $0x1  }
0x25d: {  	v10 =	vor.u32 $0xB00, v1;
	v4 =	vadd.f32 v11, v4;
	_ =	sdelay $0x1  }
0x25e: {  	v4 =	vadd.f32 v5, v4;
	v5 =	vor.u32 $0xB01, v1;
	_ =	sdelay $0x1  }
0x25f: {  	[tilespmem:$0x9CA0] =	vst v4;
	v4 =	vor.u32 $0xB02, v1  }
0x260: {  	v6 =	vld.idx.msk [tilespmem:v10+s10+$0x0], $0xffff  }
0x261: {  	v7 =	vor.u32 $0xB03, v1  }
0x262: {  	v5 =	vld.idx.msk [tilespmem:v5+s10+$0x0], $0xffff  }
0x263: {  	v8 =	vor.u32 $0xB04, v1  }
0x264: {  	v4 =	vld.idx.msk [tilespmem:v4+s10+$0x0], $0xffff  }
0x265: {  	v9 =	vor.u32 $0xB05, v1;
	v6 =	vadd.f32 $0.0e+00, v6  }
0x266: {  	v7 =	vld.idx.msk [tilespmem:v7+s10+$0x0], $0xffff  }
0x267: {  	v5 =	vadd.f32 v5, v6;
	v6 =	vor.u32 $0xB06, v1  }
0x268: {  	v8 =	vld.idx.msk [tilespmem:v8+s10+$0x0], $0xffff  }
0x269: {  	v4 =	vadd.f32 v4, v5;
	v5 =	vor.u32 $0xB07, v1  }
0x26a: {  	v9 =	vld.idx.msk [tilespmem:v9+s10+$0x0], $0xffff  }
0x26b: {  	v4 =	vadd.f32 v7, v4;
	v7 =	vor.u32 $0xB08, v1  }
0x26c: {  	v6 =	vld.idx.msk [tilespmem:v6+s10+$0x0], $0xffff  }
0x26d: {  	v4 =	vadd.f32 v8, v4;
	v8 =	vor.u32 $0xB09, v1  }
0x26e: {  	v5 =	vld.idx.msk [tilespmem:v5+s10+$0x0], $0xffff  }
0x26f: {  	v4 =	vadd.f32 v9, v4;
	v9 =	vor.u32 $0xB0A, v1  }
0x270: {  	v7 =	vld.idx.msk [tilespmem:v7+s10+$0x0], $0xffff  }
0x271: {  	v4 =	vadd.f32 v6, v4;
	v6 =	vor.u32 $0xB0B, v1  }
0x272: {  	v8 =	vld.idx.msk [tilespmem:v8+s10+$0x0], $0xffff  }
0x273: {  	v4 =	vadd.f32 v5, v4;
	v5 =	vor.u32 $0xB0C, v1  }
0x274: {  	v9 =	vld.idx.msk [tilespmem:v9+s10+$0x0], $0xffff  }
0x275: {  	v4 =	vadd.f32 v7, v4;
	v7 =	vor.u32 $0xB0D, v1  }
0x276: {  	v6 =	vld.idx.msk [tilespmem:v6+s10+$0x0], $0xffff  }
0x277: {  	v4 =	vadd.f32 v8, v4;
	v8 =	vor.u32 $0xB0E, v1  }
0x278: {  	v5 =	vld.idx.msk [tilespmem:v5+s10+$0x0], $0xffff  }
0x279: {  	v4 =	vadd.f32 v9, v4;
	v9 =	vor.u32 $0xB0F, v1  }
0x27a: {  	v7 =	vld.idx.msk [tilespmem:v7+s10+$0x0], $0xffff  }
0x27b: {  	v4 =	vadd.f32 v6, v4  }
0x27c: {  	v11 =	vld.idx.msk [tilespmem:v8+s10+$0x0], $0xffff  }
0x27d: {  	v4 =	vadd.f32 v5, v4  }
0x27e: {  	v5 =	vld.idx.msk [tilespmem:v9+s10+$0x0], $0xffff  }
0x27f: {  	v4 =	vadd.f32 v7, v4;
	_ =	sdelay $0x1  }
0x280: {  	v10 =	vor.u32 $0xC00, v1;
	v4 =	vadd.f32 v11, v4;
	_ =	sdelay $0x1  }
0x281: {  	v4 =	vadd.f32 v5, v4;
	v5 =	vor.u32 $0xC01, v1;
	_ =	sdelay $0x1  }
0x282: {  	[tilespmem:$0x9CB0] =	vst v4;
	v4 =	vor.u32 $0xC02, v1  }
0x283: {  	v6 =	vld.idx.msk [tilespmem:v10+s10+$0x0], $0xffff  }
0x284: {  	v7 =	vor.u32 $0xC03, v1  }
0x285: {  	v5 =	vld.idx.msk [tilespmem:v5+s10+$0x0], $0xffff  }
0x286: {  	v8 =	vor.u32 $0xC04, v1  }
0x287: {  	v4 =	vld.idx.msk [tilespmem:v4+s10+$0x0], $0xffff  }
0x288: {  	v9 =	vor.u32 $0xC05, v1;
	v6 =	vadd.f32 $0.0e+00, v6  }
0x289: {  	v7 =	vld.idx.msk [tilespmem:v7+s10+$0x0], $0xffff  }
0x28a: {  	v5 =	vadd.f32 v5, v6;
	v6 =	vor.u32 $0xC06, v1  }
0x28b: {  	v8 =	vld.idx.msk [tilespmem:v8+s10+$0x0], $0xffff  }
0x28c: {  	v4 =	vadd.f32 v4, v5;
	v5 =	vor.u32 $0xC07, v1  }
0x28d: {  	v9 =	vld.idx.msk [tilespmem:v9+s10+$0x0], $0xffff  }
0x28e: {  	v4 =	vadd.f32 v7, v4;
	v7 =	vor.u32 $0xC08, v1  }
0x28f: {  	v6 =	vld.idx.msk [tilespmem:v6+s10+$0x0], $0xffff  }
0x290: {  	v4 =	vadd.f32 v8, v4;
	v8 =	vor.u32 $0xC09, v1  }
0x291: {  	v5 =	vld.idx.msk [tilespmem:v5+s10+$0x0], $0xffff  }
0x292: {  	v4 =	vadd.f32 v9, v4;
	v9 =	vor.u32 $0xC0A, v1  }
0x293: {  	v7 =	vld.idx.msk [tilespmem:v7+s10+$0x0], $0xffff  }
0x294: {  	v4 =	vadd.f32 v6, v4;
	v6 =	vor.u32 $0xC0B, v1  }
0x295: {  	v8 =	vld.idx.msk [tilespmem:v8+s10+$0x0], $0xffff  }
0x296: {  	v4 =	vadd.f32 v5, v4;
	v5 =	vor.u32 $0xC0C, v1  }
0x297: {  	v9 =	vld.idx.msk [tilespmem:v9+s10+$0x0], $0xffff  }
0x298: {  	v4 =	vadd.f32 v7, v4;
	v7 =	vor.u32 $0xC0D, v1  }
0x299: {  	v6 =	vld.idx.msk [tilespmem:v6+s10+$0x0], $0xffff  }
0x29a: {  	v4 =	vadd.f32 v8, v4;
	v8 =	vor.u32 $0xC0E, v1  }
0x29b: {  	v5 =	vld.idx.msk [tilespmem:v5+s10+$0x0], $0xffff  }
0x29c: {  	v4 =	vadd.f32 v9, v4;
	v9 =	vor.u32 $0xC0F, v1  }
0x29d: {  	v7 =	vld.idx.msk [tilespmem:v7+s10+$0x0], $0xffff  }
0x29e: {  	v4 =	vadd.f32 v6, v4  }
0x29f: {  	v11 =	vld.idx.msk [tilespmem:v8+s10+$0x0], $0xffff  }
0x2a0: {  	v4 =	vadd.f32 v5, v4  }
0x2a1: {  	v5 =	vld.idx.msk [tilespmem:v9+s10+$0x0], $0xffff  }
0x2a2: {  	v4 =	vadd.f32 v7, v4;
	_ =	sdelay $0x1  }
0x2a3: {  	v10 =	vor.u32 $0xD00, v1;
	v4 =	vadd.f32 v11, v4;
	_ =	sdelay $0x1  }
0x2a4: {  	v4 =	vadd.f32 v5, v4;
	v5 =	vor.u32 $0xD01, v1;
	_ =	sdelay $0x1  }
0x2a5: {  	[tilespmem:$0x9CC0] =	vst v4;
	v4 =	vor.u32 $0xD02, v1  }
0x2a6: {  	v6 =	vld.idx.msk [tilespmem:v10+s10+$0x0], $0xffff  }
0x2a7: {  	v7 =	vor.u32 $0xD03, v1  }
0x2a8: {  	v5 =	vld.idx.msk [tilespmem:v5+s10+$0x0], $0xffff  }
0x2a9: {  	v8 =	vor.u32 $0xD04, v1  }
0x2aa: {  	v4 =	vld.idx.msk [tilespmem:v4+s10+$0x0], $0xffff  }
0x2ab: {  	v9 =	vor.u32 $0xD05, v1;
	v6 =	vadd.f32 $0.0e+00, v6  }
0x2ac: {  	v7 =	vld.idx.msk [tilespmem:v7+s10+$0x0], $0xffff  }
0x2ad: {  	v5 =	vadd.f32 v5, v6;
	v6 =	vor.u32 $0xD06, v1  }
0x2ae: {  	v8 =	vld.idx.msk [tilespmem:v8+s10+$0x0], $0xffff  }
0x2af: {  	v4 =	vadd.f32 v4, v5;
	v5 =	vor.u32 $0xD07, v1  }
0x2b0: {  	v9 =	vld.idx.msk [tilespmem:v9+s10+$0x0], $0xffff  }
0x2b1: {  	v4 =	vadd.f32 v7, v4;
	v7 =	vor.u32 $0xD08, v1  }
0x2b2: {  	v6 =	vld.idx.msk [tilespmem:v6+s10+$0x0], $0xffff  }
0x2b3: {  	v4 =	vadd.f32 v8, v4;
	v8 =	vor.u32 $0xD09, v1  }
0x2b4: {  	v5 =	vld.idx.msk [tilespmem:v5+s10+$0x0], $0xffff  }
0x2b5: {  	v4 =	vadd.f32 v9, v4;
	v9 =	vor.u32 $0xD0A, v1  }
0x2b6: {  	v7 =	vld.idx.msk [tilespmem:v7+s10+$0x0], $0xffff  }
0x2b7: {  	v4 =	vadd.f32 v6, v4;
	v6 =	vor.u32 $0xD0B, v1  }
0x2b8: {  	v8 =	vld.idx.msk [tilespmem:v8+s10+$0x0], $0xffff  }
0x2b9: {  	v4 =	vadd.f32 v5, v4;
	v5 =	vor.u32 $0xD0C, v1  }
0x2ba: {  	v9 =	vld.idx.msk [tilespmem:v9+s10+$0x0], $0xffff  }
0x2bb: {  	v4 =	vadd.f32 v7, v4;
	v7 =	vor.u32 $0xD0D, v1  }
0x2bc: {  	v6 =	vld.idx.msk [tilespmem:v6+s10+$0x0], $0xffff  }
0x2bd: {  	v4 =	vadd.f32 v8, v4;
	v8 =	vor.u32 $0xD0E, v1  }
0x2be: {  	v5 =	vld.idx.msk [tilespmem:v5+s10+$0x0], $0xffff  }
0x2bf: {  	v4 =	vadd.f32 v9, v4;
	v9 =	vor.u32 $0xD0F, v1  }
0x2c0: {  	v7 =	vld.idx.msk [tilespmem:v7+s10+$0x0], $0xffff  }
0x2c1: {  	v4 =	vadd.f32 v6, v4  }
0x2c2: {  	v11 =	vld.idx.msk [tilespmem:v8+s10+$0x0], $0xffff  }
0x2c3: {  	v4 =	vadd.f32 v5, v4  }
0x2c4: {  	v5 =	vld.idx.msk [tilespmem:v9+s10+$0x0], $0xffff  }
0x2c5: {  	v4 =	vadd.f32 v7, v4;
	_ =	sdelay $0x1  }
0x2c6: {  	v10 =	vor.u32 $0xE00, v1;
	v4 =	vadd.f32 v11, v4;
	_ =	sdelay $0x1  }
0x2c7: {  	v4 =	vadd.f32 v5, v4;
	v5 =	vor.u32 $0xE01, v1;
	_ =	sdelay $0x1  }
0x2c8: {  	[tilespmem:$0x9CD0] =	vst v4;
	v4 =	vor.u32 $0xE02, v1  }
0x2c9: {  	v6 =	vld.idx.msk [tilespmem:v10+s10+$0x0], $0xffff  }
0x2ca: {  	v7 =	vor.u32 $0xE03, v1  }
0x2cb: {  	v5 =	vld.idx.msk [tilespmem:v5+s10+$0x0], $0xffff  }
0x2cc: {  	v8 =	vor.u32 $0xE04, v1  }
0x2cd: {  	v4 =	vld.idx.msk [tilespmem:v4+s10+$0x0], $0xffff  }
0x2ce: {  	v9 =	vor.u32 $0xE05, v1;
	v6 =	vadd.f32 $0.0e+00, v6  }
0x2cf: {  	v7 =	vld.idx.msk [tilespmem:v7+s10+$0x0], $0xffff  }
0x2d0: {  	v5 =	vadd.f32 v5, v6;
	v6 =	vor.u32 $0xE06, v1  }
0x2d1: {  	v8 =	vld.idx.msk [tilespmem:v8+s10+$0x0], $0xffff  }
0x2d2: {  	v4 =	vadd.f32 v4, v5;
	v5 =	vor.u32 $0xE07, v1  }
0x2d3: {  	v9 =	vld.idx.msk [tilespmem:v9+s10+$0x0], $0xffff  }
0x2d4: {  	v4 =	vadd.f32 v7, v4;
	v7 =	vor.u32 $0xE08, v1  }
0x2d5: {  	v6 =	vld.idx.msk [tilespmem:v6+s10+$0x0], $0xffff  }
0x2d6: {  	v4 =	vadd.f32 v8, v4;
	v8 =	vor.u32 $0xE09, v1  }
0x2d7: {  	v5 =	vld.idx.msk [tilespmem:v5+s10+$0x0], $0xffff  }
0x2d8: {  	v4 =	vadd.f32 v9, v4;
	v9 =	vor.u32 $0xE0A, v1  }
0x2d9: {  	v7 =	vld.idx.msk [tilespmem:v7+s10+$0x0], $0xffff  }
0x2da: {  	v4 =	vadd.f32 v6, v4;
	v6 =	vor.u32 $0xE0B, v1  }
0x2db: {  	v8 =	vld.idx.msk [tilespmem:v8+s10+$0x0], $0xffff  }
0x2dc: {  	v4 =	vadd.f32 v5, v4;
	v5 =	vor.u32 $0xE0C, v1  }
0x2dd: {  	v9 =	vld.idx.msk [tilespmem:v9+s10+$0x0], $0xffff  }
0x2de: {  	v4 =	vadd.f32 v7, v4;
	v7 =	vor.u32 $0xE0D, v1  }
0x2df: {  	v6 =	vld.idx.msk [tilespmem:v6+s10+$0x0], $0xffff  }
0x2e0: {  	v4 =	vadd.f32 v8, v4;
	v8 =	vor.u32 $0xE0E, v1  }
0x2e1: {  	v5 =	vld.idx.msk [tilespmem:v5+s10+$0x0], $0xffff  }
0x2e2: {  	v4 =	vadd.f32 v9, v4;
	v9 =	vor.u32 $0xE0F, v1  }
0x2e3: {  	v7 =	vld.idx.msk [tilespmem:v7+s10+$0x0], $0xffff  }
0x2e4: {  	v4 =	vadd.f32 v6, v4  }
0x2e5: {  	v11 =	vld.idx.msk [tilespmem:v8+s10+$0x0], $0xffff  }
0x2e6: {  	v4 =	vadd.f32 v5, v4  }
0x2e7: {  	v5 =	vld.idx.msk [tilespmem:v9+s10+$0x0], $0xffff  }
0x2e8: {  	v4 =	vadd.f32 v7, v4;
	_ =	sdelay $0x1  }
0x2e9: {  	v10 =	vor.u32 $0xF00, v1;
	v4 =	vadd.f32 v11, v4;
	_ =	sdelay $0x1  }
0x2ea: {  	v4 =	vadd.f32 v5, v4;
	v5 =	vor.u32 $0xF01, v1;
	_ =	sdelay $0x1  }
0x2eb: {  	[tilespmem:$0x9CE0] =	vst v4;
	v4 =	vor.u32 $0xF02, v1  }
0x2ec: {  	v6 =	vld.idx.msk [tilespmem:v10+s10+$0x0], $0xffff  }
0x2ed: {  	v7 =	vor.u32 $0xF03, v1  }
0x2ee: {  	v5 =	vld.idx.msk [tilespmem:v5+s10+$0x0], $0xffff  }
0x2ef: {  	v8 =	vor.u32 $0xF04, v1  }
0x2f0: {  	v4 =	vld.idx.msk [tilespmem:v4+s10+$0x0], $0xffff  }
0x2f1: {  	v9 =	vor.u32 $0xF05, v1;
	v6 =	vadd.f32 $0.0e+00, v6  }
0x2f2: {  	v7 =	vld.idx.msk [tilespmem:v7+s10+$0x0], $0xffff  }
0x2f3: {  	v5 =	vadd.f32 v5, v6;
	v6 =	vor.u32 $0xF06, v1  }
0x2f4: {  	v8 =	vld.idx.msk [tilespmem:v8+s10+$0x0], $0xffff  }
0x2f5: {  	v4 =	vadd.f32 v4, v5;
	v5 =	vor.u32 $0xF07, v1  }
0x2f6: {  	v9 =	vld.idx.msk [tilespmem:v9+s10+$0x0], $0xffff  }
0x2f7: {  	v4 =	vadd.f32 v7, v4;
	v7 =	vor.u32 $0xF08, v1  }
0x2f8: {  	v6 =	vld.idx.msk [tilespmem:v6+s10+$0x0], $0xffff  }
0x2f9: {  	v4 =	vadd.f32 v8, v4;
	v8 =	vor.u32 $0xF09, v1  }
0x2fa: {  	v5 =	vld.idx.msk [tilespmem:v5+s10+$0x0], $0xffff  }
0x2fb: {  	v4 =	vadd.f32 v9, v4;
	v9 =	vor.u32 $0xF0A, v1  }
0x2fc: {  	v7 =	vld.idx.msk [tilespmem:v7+s10+$0x0], $0xffff  }
0x2fd: {  	v4 =	vadd.f32 v6, v4;
	v6 =	vor.u32 $0xF0B, v1  }
0x2fe: {  	v8 =	vld.idx.msk [tilespmem:v8+s10+$0x0], $0xffff  }
0x2ff: {  	v4 =	vadd.f32 v5, v4;
	v5 =	vor.u32 $0xF0C, v1  }
0x300: {  	v9 =	vld.idx.msk [tilespmem:v9+s10+$0x0], $0xffff  }
0x301: {  	v4 =	vadd.f32 v7, v4;
	v7 =	vor.u32 $0xF0D, v1  }
0x302: {  	v6 =	vld.idx.msk [tilespmem:v6+s10+$0x0], $0xffff  }
0x303: {  	v4 =	vadd.f32 v8, v4;
	v8 =	vor.u32 $0xF0E, v1  }
0x304: {  	v5 =	vld.idx.msk [tilespmem:v5+s10+$0x0], $0xffff  }
0x305: {  	v4 =	vadd.f32 v9, v4;
	v9 =	vor.u32 $0xF0F, v1  }
0x306: {  	v7 =	vld.idx.msk [tilespmem:v7+s10+$0x0], $0xffff  }
0x307: {  	v4 =	vadd.f32 v6, v4  }
0x308: {  	v11 =	vld.idx.msk [tilespmem:v8+s10+$0x0], $0xffff  }
0x309: {  	v4 =	vadd.f32 v5, v4  }
0x30a: {  	v5 =	vld.idx.msk [tilespmem:v9+s10+$0x0], $0xffff  }
0x30b: {  	v4 =	vadd.f32 v7, v4;
	_ =	sdelay $0x1  }
0x30c: {  	v10 =	vor.u32 $0x1000, v1;
	v4 =	vadd.f32 v11, v4;
	_ =	sdelay $0x1  }
0x30d: {  	v4 =	vadd.f32 v5, v4;
	v5 =	vor.u32 $0x1001, v1;
	_ =	sdelay $0x1  }
0x30e: {  	[tilespmem:$0x9CF0] =	vst v4;
	v4 =	vor.u32 $0x1002, v1  }
0x30f: {  	v6 =	vld.idx.msk [tilespmem:v10+s10+$0x0], $0xffff  }
0x310: {  	v7 =	vor.u32 $0x1003, v1  }
0x311: {  	v5 =	vld.idx.msk [tilespmem:v5+s10+$0x0], $0xffff  }
0x312: {  	v8 =	vor.u32 $0x1004, v1  }
0x313: {  	v4 =	vld.idx.msk [tilespmem:v4+s10+$0x0], $0xffff  }
0x314: {  	v9 =	vor.u32 $0x1005, v1;
	v6 =	vadd.f32 $0.0e+00, v6  }
0x315: {  	v7 =	vld.idx.msk [tilespmem:v7+s10+$0x0], $0xffff  }
0x316: {  	v5 =	vadd.f32 v5, v6;
	v6 =	vor.u32 $0x1006, v1  }
0x317: {  	v8 =	vld.idx.msk [tilespmem:v8+s10+$0x0], $0xffff  }
0x318: {  	v4 =	vadd.f32 v4, v5;
	v5 =	vor.u32 $0x1007, v1  }
0x319: {  	v9 =	vld.idx.msk [tilespmem:v9+s10+$0x0], $0xffff  }
0x31a: {  	v4 =	vadd.f32 v7, v4;
	v7 =	vor.u32 $0x1008, v1  }
0x31b: {  	v6 =	vld.idx.msk [tilespmem:v6+s10+$0x0], $0xffff  }
0x31c: {  	v4 =	vadd.f32 v8, v4;
	v8 =	vor.u32 $0x1009, v1  }
0x31d: {  	v5 =	vld.idx.msk [tilespmem:v5+s10+$0x0], $0xffff  }
0x31e: {  	v4 =	vadd.f32 v9, v4;
	v9 =	vor.u32 $0x100A, v1  }
0x31f: {  	v7 =	vld.idx.msk [tilespmem:v7+s10+$0x0], $0xffff  }
0x320: {  	v4 =	vadd.f32 v6, v4;
	v6 =	vor.u32 $0x100B, v1  }
0x321: {  	v8 =	vld.idx.msk [tilespmem:v8+s10+$0x0], $0xffff  }
0x322: {  	v4 =	vadd.f32 v5, v4;
	v5 =	vor.u32 $0x100C, v1  }
0x323: {  	v9 =	vld.idx.msk [tilespmem:v9+s10+$0x0], $0xffff  }
0x324: {  	v4 =	vadd.f32 v7, v4;
	v7 =	vor.u32 $0x100D, v1  }
0x325: {  	v6 =	vld.idx.msk [tilespmem:v6+s10+$0x0], $0xffff  }
0x326: {  	v4 =	vadd.f32 v8, v4;
	v8 =	vor.u32 $0x100E, v1  }
0x327: {  	v5 =	vld.idx.msk [tilespmem:v5+s10+$0x0], $0xffff  }
0x328: {  	v4 =	vadd.f32 v9, v4;
	v9 =	vor.u32 $0x100F, v1  }
0x329: {  	v7 =	vld.idx.msk [tilespmem:v7+s10+$0x0], $0xffff  }
0x32a: {  	v4 =	vadd.f32 v6, v4  }
0x32b: {  	v11 =	vld.idx.msk [tilespmem:v8+s10+$0x0], $0xffff  }
0x32c: {  	v4 =	vadd.f32 v5, v4  }
0x32d: {  	v5 =	vld.idx.msk [tilespmem:v9+s10+$0x0], $0xffff  }
0x32e: {  	v4 =	vadd.f32 v7, v4;
	_ =	sdelay $0x1  }
0x32f: {  	v10 =	vor.u32 $0x1100, v1;
	v4 =	vadd.f32 v11, v4;
	_ =	sdelay $0x1  }
0x330: {  	v4 =	vadd.f32 v5, v4;
	v5 =	vor.u32 $0x1101, v1;
	_ =	sdelay $0x1  }
0x331: {  	[tilespmem:$0x9D00] =	vst v4;
	v4 =	vor.u32 $0x1102, v1  }
0x332: {  	v6 =	vld.idx.msk [tilespmem:v10+s10+$0x0], $0xffff  }
0x333: {  	v7 =	vor.u32 $0x1103, v1  }
0x334: {  	v5 =	vld.idx.msk [tilespmem:v5+s10+$0x0], $0xffff  }
0x335: {  	v8 =	vor.u32 $0x1104, v1  }
0x336: {  	v4 =	vld.idx.msk [tilespmem:v4+s10+$0x0], $0xffff  }
0x337: {  	v9 =	vor.u32 $0x1105, v1;
	v6 =	vadd.f32 $0.0e+00, v6  }
0x338: {  	v7 =	vld.idx.msk [tilespmem:v7+s10+$0x0], $0xffff  }
0x339: {  	v5 =	vadd.f32 v5, v6;
	v6 =	vor.u32 $0x1106, v1  }
0x33a: {  	v8 =	vld.idx.msk [tilespmem:v8+s10+$0x0], $0xffff  }
0x33b: {  	v4 =	vadd.f32 v4, v5;
	v5 =	vor.u32 $0x1107, v1  }
0x33c: {  	v9 =	vld.idx.msk [tilespmem:v9+s10+$0x0], $0xffff  }
0x33d: {  	v4 =	vadd.f32 v7, v4;
	v7 =	vor.u32 $0x1108, v1  }
0x33e: {  	v6 =	vld.idx.msk [tilespmem:v6+s10+$0x0], $0xffff  }
0x33f: {  	v4 =	vadd.f32 v8, v4;
	v8 =	vor.u32 $0x1109, v1  }
0x340: {  	v5 =	vld.idx.msk [tilespmem:v5+s10+$0x0], $0xffff  }
0x341: {  	v4 =	vadd.f32 v9, v4;
	v9 =	vor.u32 $0x110A, v1  }
0x342: {  	v7 =	vld.idx.msk [tilespmem:v7+s10+$0x0], $0xffff  }
0x343: {  	v4 =	vadd.f32 v6, v4;
	v6 =	vor.u32 $0x110B, v1  }
0x344: {  	v8 =	vld.idx.msk [tilespmem:v8+s10+$0x0], $0xffff  }
0x345: {  	v4 =	vadd.f32 v5, v4;
	v5 =	vor.u32 $0x110C, v1  }
0x346: {  	v9 =	vld.idx.msk [tilespmem:v9+s10+$0x0], $0xffff  }
0x347: {  	v4 =	vadd.f32 v7, v4;
	v7 =	vor.u32 $0x110D, v1  }
0x348: {  	v6 =	vld.idx.msk [tilespmem:v6+s10+$0x0], $0xffff  }
0x349: {  	v4 =	vadd.f32 v8, v4;
	v8 =	vor.u32 $0x110E, v1  }
0x34a: {  	v5 =	vld.idx.msk [tilespmem:v5+s10+$0x0], $0xffff  }
0x34b: {  	v4 =	vadd.f32 v9, v4;
	v9 =	vor.u32 $0x110F, v1  }
0x34c: {  	v7 =	vld.idx.msk [tilespmem:v7+s10+$0x0], $0xffff  }
0x34d: {  	v4 =	vadd.f32 v6, v4  }
0x34e: {  	v11 =	vld.idx.msk [tilespmem:v8+s10+$0x0], $0xffff  }
0x34f: {  	v4 =	vadd.f32 v5, v4  }
0x350: {  	v5 =	vld.idx.msk [tilespmem:v9+s10+$0x0], $0xffff  }
0x351: {  	v4 =	vadd.f32 v7, v4;
	_ =	sdelay $0x1  }
0x352: {  	v10 =	vor.u32 $0x1200, v1;
	v4 =	vadd.f32 v11, v4;
	_ =	sdelay $0x1  }
0x353: {  	v4 =	vadd.f32 v5, v4;
	v5 =	vor.u32 $0x1201, v1;
	_ =	sdelay $0x1  }
0x354: {  	[tilespmem:$0x9D10] =	vst v4;
	v4 =	vor.u32 $0x1202, v1  }
0x355: {  	v6 =	vld.idx.msk [tilespmem:v10+s10+$0x0], $0xffff  }
0x356: {  	v7 =	vor.u32 $0x1203, v1  }
0x357: {  	v5 =	vld.idx.msk [tilespmem:v5+s10+$0x0], $0xffff  }
0x358: {  	v8 =	vor.u32 $0x1204, v1  }
0x359: {  	v4 =	vld.idx.msk [tilespmem:v4+s10+$0x0], $0xffff  }
0x35a: {  	v9 =	vor.u32 $0x1205, v1;
	v6 =	vadd.f32 $0.0e+00, v6  }
0x35b: {  	v7 =	vld.idx.msk [tilespmem:v7+s10+$0x0], $0xffff  }
0x35c: {  	v5 =	vadd.f32 v5, v6;
	v6 =	vor.u32 $0x1206, v1  }
0x35d: {  	v8 =	vld.idx.msk [tilespmem:v8+s10+$0x0], $0xffff  }
0x35e: {  	v4 =	vadd.f32 v4, v5;
	v5 =	vor.u32 $0x1207, v1  }
0x35f: {  	v9 =	vld.idx.msk [tilespmem:v9+s10+$0x0], $0xffff  }
0x360: {  	v4 =	vadd.f32 v7, v4;
	v7 =	vor.u32 $0x1208, v1  }
0x361: {  	v6 =	vld.idx.msk [tilespmem:v6+s10+$0x0], $0xffff  }
0x362: {  	v4 =	vadd.f32 v8, v4;
	v8 =	vor.u32 $0x1209, v1  }
0x363: {  	v5 =	vld.idx.msk [tilespmem:v5+s10+$0x0], $0xffff  }
0x364: {  	v4 =	vadd.f32 v9, v4;
	v9 =	vor.u32 $0x120A, v1  }
0x365: {  	v7 =	vld.idx.msk [tilespmem:v7+s10+$0x0], $0xffff  }
0x366: {  	v4 =	vadd.f32 v6, v4;
	v6 =	vor.u32 $0x120B, v1  }
0x367: {  	v8 =	vld.idx.msk [tilespmem:v8+s10+$0x0], $0xffff  }
0x368: {  	v4 =	vadd.f32 v5, v4;
	v5 =	vor.u32 $0x120C, v1  }
0x369: {  	v9 =	vld.idx.msk [tilespmem:v9+s10+$0x0], $0xffff  }
0x36a: {  	v4 =	vadd.f32 v7, v4;
	v7 =	vor.u32 $0x120D, v1  }
0x36b: {  	v6 =	vld.idx.msk [tilespmem:v6+s10+$0x0], $0xffff  }
0x36c: {  	v4 =	vadd.f32 v8, v4;
	v8 =	vor.u32 $0x120E, v1  }
0x36d: {  	v5 =	vld.idx.msk [tilespmem:v5+s10+$0x0], $0xffff  }
0x36e: {  	v4 =	vadd.f32 v9, v4;
	v9 =	vor.u32 $0x120F, v1  }
0x36f: {  	v7 =	vld.idx.msk [tilespmem:v7+s10+$0x0], $0xffff  }
0x370: {  	v4 =	vadd.f32 v6, v4  }
0x371: {  	v11 =	vld.idx.msk [tilespmem:v8+s10+$0x0], $0xffff  }
0x372: {  	v4 =	vadd.f32 v5, v4  }
0x373: {  	v5 =	vld.idx.msk [tilespmem:v9+s10+$0x0], $0xffff  }
0x374: {  	v4 =	vadd.f32 v7, v4;
	_ =	sdelay $0x1  }
0x375: {  	v10 =	vor.u32 $0x1300, v1;
	v4 =	vadd.f32 v11, v4;
	_ =	sdelay $0x1  }
0x376: {  	v4 =	vadd.f32 v5, v4;
	v5 =	vor.u32 $0x1301, v1;
	_ =	sdelay $0x1  }
0x377: {  	[tilespmem:$0x9D20] =	vst v4;
	v4 =	vor.u32 $0x1302, v1  }
0x378: {  	v6 =	vld.idx.msk [tilespmem:v10+s10+$0x0], $0xffff  }
0x379: {  	v7 =	vor.u32 $0x1303, v1  }
0x37a: {  	v5 =	vld.idx.msk [tilespmem:v5+s10+$0x0], $0xffff  }
0x37b: {  	v8 =	vor.u32 $0x1304, v1  }
0x37c: {  	v4 =	vld.idx.msk [tilespmem:v4+s10+$0x0], $0xffff  }
0x37d: {  	v9 =	vor.u32 $0x1305, v1;
	v6 =	vadd.f32 $0.0e+00, v6  }
0x37e: {  	v7 =	vld.idx.msk [tilespmem:v7+s10+$0x0], $0xffff  }
0x37f: {  	v5 =	vadd.f32 v5, v6;
	v6 =	vor.u32 $0x1306, v1  }
0x380: {  	v8 =	vld.idx.msk [tilespmem:v8+s10+$0x0], $0xffff  }
0x381: {  	v4 =	vadd.f32 v4, v5;
	v5 =	vor.u32 $0x1307, v1  }
0x382: {  	v9 =	vld.idx.msk [tilespmem:v9+s10+$0x0], $0xffff  }
0x383: {  	v4 =	vadd.f32 v7, v4;
	v7 =	vor.u32 $0x1308, v1  }
0x384: {  	v6 =	vld.idx.msk [tilespmem:v6+s10+$0x0], $0xffff  }
0x385: {  	v4 =	vadd.f32 v8, v4;
	v8 =	vor.u32 $0x1309, v1  }
0x386: {  	v5 =	vld.idx.msk [tilespmem:v5+s10+$0x0], $0xffff  }
0x387: {  	v4 =	vadd.f32 v9, v4;
	v9 =	vor.u32 $0x130A, v1  }
0x388: {  	v7 =	vld.idx.msk [tilespmem:v7+s10+$0x0], $0xffff  }
0x389: {  	v4 =	vadd.f32 v6, v4;
	v6 =	vor.u32 $0x130B, v1  }
0x38a: {  	v8 =	vld.idx.msk [tilespmem:v8+s10+$0x0], $0xffff  }
0x38b: {  	v4 =	vadd.f32 v5, v4;
	v5 =	vor.u32 $0x130C, v1  }
0x38c: {  	v9 =	vld.idx.msk [tilespmem:v9+s10+$0x0], $0xffff  }
0x38d: {  	v4 =	vadd.f32 v7, v4;
	v7 =	vor.u32 $0x130D, v1  }
0x38e: {  	v6 =	vld.idx.msk [tilespmem:v6+s10+$0x0], $0xffff  }
0x38f: {  	v4 =	vadd.f32 v8, v4;
	v8 =	vor.u32 $0x130E, v1  }
0x390: {  	v5 =	vld.idx.msk [tilespmem:v5+s10+$0x0], $0xffff  }
0x391: {  	v4 =	vadd.f32 v9, v4;
	v9 =	vor.u32 $0x130F, v1  }
0x392: {  	v7 =	vld.idx.msk [tilespmem:v7+s10+$0x0], $0xffff  }
0x393: {  	v4 =	vadd.f32 v6, v4  }
0x394: {  	v11 =	vld.idx.msk [tilespmem:v8+s10+$0x0], $0xffff  }
0x395: {  	v4 =	vadd.f32 v5, v4  }
0x396: {  	v5 =	vld.idx.msk [tilespmem:v9+s10+$0x0], $0xffff  }
0x397: {  	v4 =	vadd.f32 v7, v4;
	_ =	sdelay $0x1  }
0x398: {  	v10 =	vor.u32 $0x1400, v1;
	v4 =	vadd.f32 v11, v4;
	_ =	sdelay $0x1  }
0x399: {  	v4 =	vadd.f32 v5, v4;
	v5 =	vor.u32 $0x1401, v1;
	_ =	sdelay $0x1  }
0x39a: {  	[tilespmem:$0x9D30] =	vst v4;
	v4 =	vor.u32 $0x1402, v1  }
0x39b: {  	v6 =	vld.idx.msk [tilespmem:v10+s10+$0x0], $0xffff  }
0x39c: {  	v7 =	vor.u32 $0x1403, v1  }
0x39d: {  	v5 =	vld.idx.msk [tilespmem:v5+s10+$0x0], $0xffff  }
0x39e: {  	v8 =	vor.u32 $0x1404, v1  }
0x39f: {  	v4 =	vld.idx.msk [tilespmem:v4+s10+$0x0], $0xffff  }
0x3a0: {  	v9 =	vor.u32 $0x1405, v1;
	v6 =	vadd.f32 $0.0e+00, v6  }
0x3a1: {  	v7 =	vld.idx.msk [tilespmem:v7+s10+$0x0], $0xffff  }
0x3a2: {  	v5 =	vadd.f32 v5, v6;
	v6 =	vor.u32 $0x1406, v1  }
0x3a3: {  	v8 =	vld.idx.msk [tilespmem:v8+s10+$0x0], $0xffff  }
0x3a4: {  	v4 =	vadd.f32 v4, v5;
	v5 =	vor.u32 $0x1407, v1  }
0x3a5: {  	v9 =	vld.idx.msk [tilespmem:v9+s10+$0x0], $0xffff  }
0x3a6: {  	v4 =	vadd.f32 v7, v4;
	v7 =	vor.u32 $0x1408, v1  }
0x3a7: {  	v6 =	vld.idx.msk [tilespmem:v6+s10+$0x0], $0xffff  }
0x3a8: {  	v4 =	vadd.f32 v8, v4;
	v8 =	vor.u32 $0x1409, v1  }
0x3a9: {  	v5 =	vld.idx.msk [tilespmem:v5+s10+$0x0], $0xffff  }
0x3aa: {  	v4 =	vadd.f32 v9, v4;
	v9 =	vor.u32 $0x140A, v1  }
0x3ab: {  	v7 =	vld.idx.msk [tilespmem:v7+s10+$0x0], $0xffff  }
0x3ac: {  	v4 =	vadd.f32 v6, v4;
	v6 =	vor.u32 $0x140B, v1  }
0x3ad: {  	v8 =	vld.idx.msk [tilespmem:v8+s10+$0x0], $0xffff  }
0x3ae: {  	v4 =	vadd.f32 v5, v4;
	v5 =	vor.u32 $0x140C, v1  }
0x3af: {  	v9 =	vld.idx.msk [tilespmem:v9+s10+$0x0], $0xffff  }
0x3b0: {  	v4 =	vadd.f32 v7, v4;
	v7 =	vor.u32 $0x140D, v1  }
0x3b1: {  	v6 =	vld.idx.msk [tilespmem:v6+s10+$0x0], $0xffff  }
0x3b2: {  	v4 =	vadd.f32 v8, v4;
	v8 =	vor.u32 $0x140E, v1  }
0x3b3: {  	v5 =	vld.idx.msk [tilespmem:v5+s10+$0x0], $0xffff  }
0x3b4: {  	v4 =	vadd.f32 v9, v4;
	v9 =	vor.u32 $0x140F, v1  }
0x3b5: {  	v7 =	vld.idx.msk [tilespmem:v7+s10+$0x0], $0xffff  }
0x3b6: {  	v4 =	vadd.f32 v6, v4  }
0x3b7: {  	v11 =	vld.idx.msk [tilespmem:v8+s10+$0x0], $0xffff  }
0x3b8: {  	v4 =	vadd.f32 v5, v4  }
0x3b9: {  	v5 =	vld.idx.msk [tilespmem:v9+s10+$0x0], $0xffff  }
0x3ba: {  	v4 =	vadd.f32 v7, v4;
	_ =	sdelay $0x1  }
0x3bb: {  	v10 =	vor.u32 $0x1500, v1;
	v4 =	vadd.f32 v11, v4;
	_ =	sdelay $0x1  }
0x3bc: {  	v4 =	vadd.f32 v5, v4;
	v5 =	vor.u32 $0x1501, v1;
	_ =	sdelay $0x1  }
0x3bd: {  	[tilespmem:$0x9D40] =	vst v4;
	v4 =	vor.u32 $0x1502, v1  }
0x3be: {  	v6 =	vld.idx.msk [tilespmem:v10+s10+$0x0], $0xffff  }
0x3bf: {  	v7 =	vor.u32 $0x1503, v1  }
0x3c0: {  	v5 =	vld.idx.msk [tilespmem:v5+s10+$0x0], $0xffff  }
0x3c1: {  	v8 =	vor.u32 $0x1504, v1  }
0x3c2: {  	v4 =	vld.idx.msk [tilespmem:v4+s10+$0x0], $0xffff  }
0x3c3: {  	v9 =	vor.u32 $0x1505, v1;
	v6 =	vadd.f32 $0.0e+00, v6  }
0x3c4: {  	v7 =	vld.idx.msk [tilespmem:v7+s10+$0x0], $0xffff  }
0x3c5: {  	v5 =	vadd.f32 v5, v6;
	v6 =	vor.u32 $0x1506, v1  }
0x3c6: {  	v8 =	vld.idx.msk [tilespmem:v8+s10+$0x0], $0xffff  }
0x3c7: {  	v4 =	vadd.f32 v4, v5;
	v5 =	vor.u32 $0x1507, v1  }
0x3c8: {  	v9 =	vld.idx.msk [tilespmem:v9+s10+$0x0], $0xffff  }
0x3c9: {  	v4 =	vadd.f32 v7, v4;
	v7 =	vor.u32 $0x1508, v1  }
0x3ca: {  	v6 =	vld.idx.msk [tilespmem:v6+s10+$0x0], $0xffff  }
0x3cb: {  	v4 =	vadd.f32 v8, v4;
	v8 =	vor.u32 $0x1509, v1  }
0x3cc: {  	v5 =	vld.idx.msk [tilespmem:v5+s10+$0x0], $0xffff  }
0x3cd: {  	v4 =	vadd.f32 v9, v4;
	v9 =	vor.u32 $0x150A, v1  }
0x3ce: {  	v7 =	vld.idx.msk [tilespmem:v7+s10+$0x0], $0xffff  }
0x3cf: {  	v4 =	vadd.f32 v6, v4;
	v6 =	vor.u32 $0x150B, v1  }
0x3d0: {  	v8 =	vld.idx.msk [tilespmem:v8+s10+$0x0], $0xffff  }
0x3d1: {  	v4 =	vadd.f32 v5, v4;
	v5 =	vor.u32 $0x150C, v1  }
0x3d2: {  	v9 =	vld.idx.msk [tilespmem:v9+s10+$0x0], $0xffff  }
0x3d3: {  	v4 =	vadd.f32 v7, v4;
	v7 =	vor.u32 $0x150D, v1  }
0x3d4: {  	v6 =	vld.idx.msk [tilespmem:v6+s10+$0x0], $0xffff  }
0x3d5: {  	v4 =	vadd.f32 v8, v4;
	v8 =	vor.u32 $0x150E, v1  }
0x3d6: {  	v5 =	vld.idx.msk [tilespmem:v5+s10+$0x0], $0xffff  }
0x3d7: {  	v4 =	vadd.f32 v9, v4;
	v9 =	vor.u32 $0x150F, v1  }
0x3d8: {  	v7 =	vld.idx.msk [tilespmem:v7+s10+$0x0], $0xffff  }
0x3d9: {  	v4 =	vadd.f32 v6, v4  }
0x3da: {  	v11 =	vld.idx.msk [tilespmem:v8+s10+$0x0], $0xffff  }
0x3db: {  	v4 =	vadd.f32 v5, v4  }
0x3dc: {  	v5 =	vld.idx.msk [tilespmem:v9+s10+$0x0], $0xffff  }
0x3dd: {  	v4 =	vadd.f32 v7, v4;
	_ =	sdelay $0x1  }
0x3de: {  	v10 =	vor.u32 $0x1600, v1;
	v4 =	vadd.f32 v11, v4;
	_ =	sdelay $0x1  }
0x3df: {  	v4 =	vadd.f32 v5, v4;
	v5 =	vor.u32 $0x1601, v1;
	_ =	sdelay $0x1  }
0x3e0: {  	[tilespmem:$0x9D50] =	vst v4;
	v4 =	vor.u32 $0x1602, v1  }
0x3e1: {  	v6 =	vld.idx.msk [tilespmem:v10+s10+$0x0], $0xffff  }
0x3e2: {  	v7 =	vor.u32 $0x1603, v1  }
0x3e3: {  	v5 =	vld.idx.msk [tilespmem:v5+s10+$0x0], $0xffff  }
0x3e4: {  	v8 =	vor.u32 $0x1604, v1  }
0x3e5: {  	v4 =	vld.idx.msk [tilespmem:v4+s10+$0x0], $0xffff  }
0x3e6: {  	v9 =	vor.u32 $0x1605, v1;
	v6 =	vadd.f32 $0.0e+00, v6  }
0x3e7: {  	v7 =	vld.idx.msk [tilespmem:v7+s10+$0x0], $0xffff  }
0x3e8: {  	v5 =	vadd.f32 v5, v6;
	v6 =	vor.u32 $0x1606, v1  }
0x3e9: {  	v8 =	vld.idx.msk [tilespmem:v8+s10+$0x0], $0xffff  }
0x3ea: {  	v4 =	vadd.f32 v4, v5;
	v5 =	vor.u32 $0x1607, v1  }
0x3eb: {  	v9 =	vld.idx.msk [tilespmem:v9+s10+$0x0], $0xffff  }
0x3ec: {  	v4 =	vadd.f32 v7, v4;
	v7 =	vor.u32 $0x1608, v1  }
0x3ed: {  	v6 =	vld.idx.msk [tilespmem:v6+s10+$0x0], $0xffff  }
0x3ee: {  	v4 =	vadd.f32 v8, v4;
	v8 =	vor.u32 $0x1609, v1  }
0x3ef: {  	v5 =	vld.idx.msk [tilespmem:v5+s10+$0x0], $0xffff  }
0x3f0: {  	v4 =	vadd.f32 v9, v4;
	v9 =	vor.u32 $0x160A, v1  }
0x3f1: {  	v7 =	vld.idx.msk [tilespmem:v7+s10+$0x0], $0xffff  }
0x3f2: {  	v4 =	vadd.f32 v6, v4;
	v6 =	vor.u32 $0x160B, v1  }
0x3f3: {  	v8 =	vld.idx.msk [tilespmem:v8+s10+$0x0], $0xffff  }
0x3f4: {  	v4 =	vadd.f32 v5, v4;
	v5 =	vor.u32 $0x160C, v1  }
0x3f5: {  	v9 =	vld.idx.msk [tilespmem:v9+s10+$0x0], $0xffff  }
0x3f6: {  	v4 =	vadd.f32 v7, v4;
	v7 =	vor.u32 $0x160D, v1  }
0x3f7: {  	v6 =	vld.idx.msk [tilespmem:v6+s10+$0x0], $0xffff  }
0x3f8: {  	v4 =	vadd.f32 v8, v4;
	v8 =	vor.u32 $0x160E, v1  }
0x3f9: {  	v5 =	vld.idx.msk [tilespmem:v5+s10+$0x0], $0xffff  }
0x3fa: {  	v4 =	vadd.f32 v9, v4;
	v9 =	vor.u32 $0x160F, v1  }
0x3fb: {  	v7 =	vld.idx.msk [tilespmem:v7+s10+$0x0], $0xffff  }
0x3fc: {  	v4 =	vadd.f32 v6, v4  }
0x3fd: {  	v11 =	vld.idx.msk [tilespmem:v8+s10+$0x0], $0xffff  }
0x3fe: {  	v4 =	vadd.f32 v5, v4  }
0x3ff: {  	v5 =	vld.idx.msk [tilespmem:v9+s10+$0x0], $0xffff  }
0x400: {  	v4 =	vadd.f32 v7, v4;
	_ =	sdelay $0x1  }
0x401: {  	v10 =	vor.u32 $0x1700, v1;
	v4 =	vadd.f32 v11, v4;
	_ =	sdelay $0x1  }
0x402: {  	v4 =	vadd.f32 v5, v4;
	v5 =	vor.u32 $0x1701, v1;
	_ =	sdelay $0x1  }
0x403: {  	[tilespmem:$0x9D60] =	vst v4;
	v4 =	vor.u32 $0x1702, v1  }
0x404: {  	v6 =	vld.idx.msk [tilespmem:v10+s10+$0x0], $0xffff  }
0x405: {  	v7 =	vor.u32 $0x1703, v1  }
0x406: {  	v5 =	vld.idx.msk [tilespmem:v5+s10+$0x0], $0xffff  }
0x407: {  	v8 =	vor.u32 $0x1704, v1  }
0x408: {  	v4 =	vld.idx.msk [tilespmem:v4+s10+$0x0], $0xffff  }
0x409: {  	v9 =	vor.u32 $0x1705, v1;
	v6 =	vadd.f32 $0.0e+00, v6  }
0x40a: {  	v7 =	vld.idx.msk [tilespmem:v7+s10+$0x0], $0xffff  }
0x40b: {  	v5 =	vadd.f32 v5, v6;
	v6 =	vor.u32 $0x1706, v1  }
0x40c: {  	v8 =	vld.idx.msk [tilespmem:v8+s10+$0x0], $0xffff  }
0x40d: {  	v4 =	vadd.f32 v4, v5;
	v5 =	vor.u32 $0x1707, v1  }
0x40e: {  	v9 =	vld.idx.msk [tilespmem:v9+s10+$0x0], $0xffff  }
0x40f: {  	v4 =	vadd.f32 v7, v4;
	v7 =	vor.u32 $0x1708, v1  }
0x410: {  	v6 =	vld.idx.msk [tilespmem:v6+s10+$0x0], $0xffff  }
0x411: {  	v4 =	vadd.f32 v8, v4;
	v8 =	vor.u32 $0x1709, v1  }
0x412: {  	v5 =	vld.idx.msk [tilespmem:v5+s10+$0x0], $0xffff  }
0x413: {  	v4 =	vadd.f32 v9, v4;
	v9 =	vor.u32 $0x170A, v1  }
0x414: {  	v7 =	vld.idx.msk [tilespmem:v7+s10+$0x0], $0xffff  }
0x415: {  	v4 =	vadd.f32 v6, v4;
	v6 =	vor.u32 $0x170B, v1  }
0x416: {  	v8 =	vld.idx.msk [tilespmem:v8+s10+$0x0], $0xffff  }
0x417: {  	v4 =	vadd.f32 v5, v4;
	v5 =	vor.u32 $0x170C, v1  }
0x418: {  	v9 =	vld.idx.msk [tilespmem:v9+s10+$0x0], $0xffff  }
0x419: {  	v4 =	vadd.f32 v7, v4;
	v7 =	vor.u32 $0x170D, v1  }
0x41a: {  	v6 =	vld.idx.msk [tilespmem:v6+s10+$0x0], $0xffff  }
0x41b: {  	v4 =	vadd.f32 v8, v4;
	v8 =	vor.u32 $0x170E, v1  }
0x41c: {  	v5 =	vld.idx.msk [tilespmem:v5+s10+$0x0], $0xffff  }
0x41d: {  	v4 =	vadd.f32 v9, v4;
	v9 =	vor.u32 $0x170F, v1  }
0x41e: {  	v7 =	vld.idx.msk [tilespmem:v7+s10+$0x0], $0xffff  }
0x41f: {  	v4 =	vadd.f32 v6, v4  }
0x420: {  	v11 =	vld.idx.msk [tilespmem:v8+s10+$0x0], $0xffff  }
0x421: {  	v4 =	vadd.f32 v5, v4  }
0x422: {  	v5 =	vld.idx.msk [tilespmem:v9+s10+$0x0], $0xffff  }
0x423: {  	v4 =	vadd.f32 v7, v4;
	_ =	sdelay $0x1  }
0x424: {  	v10 =	vor.u32 $0x1800, v1;
	v4 =	vadd.f32 v11, v4;
	_ =	sdelay $0x1  }
0x425: {  	v4 =	vadd.f32 v5, v4;
	v5 =	vor.u32 $0x1801, v1;
	_ =	sdelay $0x1  }
0x426: {  	[tilespmem:$0x9D70] =	vst v4;
	v4 =	vor.u32 $0x1802, v1  }
0x427: {  	v6 =	vld.idx.msk [tilespmem:v10+s10+$0x0], $0xffff  }
0x428: {  	v7 =	vor.u32 $0x1803, v1  }
0x429: {  	v5 =	vld.idx.msk [tilespmem:v5+s10+$0x0], $0xffff  }
0x42a: {  	v8 =	vor.u32 $0x1804, v1  }
0x42b: {  	v4 =	vld.idx.msk [tilespmem:v4+s10+$0x0], $0xffff  }
0x42c: {  	v9 =	vor.u32 $0x1805, v1;
	v6 =	vadd.f32 $0.0e+00, v6  }
0x42d: {  	v7 =	vld.idx.msk [tilespmem:v7+s10+$0x0], $0xffff  }
0x42e: {  	v5 =	vadd.f32 v5, v6;
	v6 =	vor.u32 $0x1806, v1  }
0x42f: {  	v8 =	vld.idx.msk [tilespmem:v8+s10+$0x0], $0xffff  }
0x430: {  	v4 =	vadd.f32 v4, v5;
	v5 =	vor.u32 $0x1807, v1  }
0x431: {  	v9 =	vld.idx.msk [tilespmem:v9+s10+$0x0], $0xffff  }
0x432: {  	v4 =	vadd.f32 v7, v4;
	v7 =	vor.u32 $0x1808, v1  }
0x433: {  	v6 =	vld.idx.msk [tilespmem:v6+s10+$0x0], $0xffff  }
0x434: {  	v4 =	vadd.f32 v8, v4;
	v8 =	vor.u32 $0x1809, v1  }
0x435: {  	v5 =	vld.idx.msk [tilespmem:v5+s10+$0x0], $0xffff  }
0x436: {  	v4 =	vadd.f32 v9, v4;
	v9 =	vor.u32 $0x180A, v1  }
0x437: {  	v7 =	vld.idx.msk [tilespmem:v7+s10+$0x0], $0xffff  }
0x438: {  	v4 =	vadd.f32 v6, v4;
	v6 =	vor.u32 $0x180B, v1  }
0x439: {  	v8 =	vld.idx.msk [tilespmem:v8+s10+$0x0], $0xffff  }
0x43a: {  	v4 =	vadd.f32 v5, v4;
	v5 =	vor.u32 $0x180C, v1  }
0x43b: {  	v9 =	vld.idx.msk [tilespmem:v9+s10+$0x0], $0xffff  }
0x43c: {  	v4 =	vadd.f32 v7, v4;
	v7 =	vor.u32 $0x180D, v1  }
0x43d: {  	v6 =	vld.idx.msk [tilespmem:v6+s10+$0x0], $0xffff  }
0x43e: {  	v4 =	vadd.f32 v8, v4;
	v8 =	vor.u32 $0x180E, v1  }
0x43f: {  	v5 =	vld.idx.msk [tilespmem:v5+s10+$0x0], $0xffff  }
0x440: {  	v4 =	vadd.f32 v9, v4;
	v9 =	vor.u32 $0x180F, v1  }
0x441: {  	v7 =	vld.idx.msk [tilespmem:v7+s10+$0x0], $0xffff  }
0x442: {  	v4 =	vadd.f32 v6, v4  }
0x443: {  	v11 =	vld.idx.msk [tilespmem:v8+s10+$0x0], $0xffff  }
0x444: {  	v4 =	vadd.f32 v5, v4  }
0x445: {  	v5 =	vld.idx.msk [tilespmem:v9+s10+$0x0], $0xffff  }
0x446: {  	v4 =	vadd.f32 v7, v4;
	_ =	sdelay $0x1  }
0x447: {  	v10 =	vor.u32 $0x1900, v1;
	v4 =	vadd.f32 v11, v4;
	_ =	sdelay $0x1  }
0x448: {  	v4 =	vadd.f32 v5, v4;
	v5 =	vor.u32 $0x1901, v1;
	_ =	sdelay $0x1  }
0x449: {  	[tilespmem:$0x9D80] =	vst v4;
	v4 =	vor.u32 $0x1902, v1  }
0x44a: {  	v6 =	vld.idx.msk [tilespmem:v10+s10+$0x0], $0xffff  }
0x44b: {  	v7 =	vor.u32 $0x1903, v1  }
0x44c: {  	v5 =	vld.idx.msk [tilespmem:v5+s10+$0x0], $0xffff  }
0x44d: {  	v8 =	vor.u32 $0x1904, v1  }
0x44e: {  	v4 =	vld.idx.msk [tilespmem:v4+s10+$0x0], $0xffff  }
0x44f: {  	v9 =	vor.u32 $0x1905, v1;
	v6 =	vadd.f32 $0.0e+00, v6  }
0x450: {  	v7 =	vld.idx.msk [tilespmem:v7+s10+$0x0], $0xffff  }
0x451: {  	v5 =	vadd.f32 v5, v6;
	v6 =	vor.u32 $0x1906, v1  }
0x452: {  	v8 =	vld.idx.msk [tilespmem:v8+s10+$0x0], $0xffff  }
0x453: {  	v4 =	vadd.f32 v4, v5;
	v5 =	vor.u32 $0x1907, v1  }
0x454: {  	v9 =	vld.idx.msk [tilespmem:v9+s10+$0x0], $0xffff  }
0x455: {  	v4 =	vadd.f32 v7, v4;
	v7 =	vor.u32 $0x1908, v1  }
0x456: {  	v6 =	vld.idx.msk [tilespmem:v6+s10+$0x0], $0xffff  }
0x457: {  	v4 =	vadd.f32 v8, v4;
	v8 =	vor.u32 $0x1909, v1  }
0x458: {  	v5 =	vld.idx.msk [tilespmem:v5+s10+$0x0], $0xffff  }
0x459: {  	v4 =	vadd.f32 v9, v4;
	v9 =	vor.u32 $0x190A, v1  }
0x45a: {  	v7 =	vld.idx.msk [tilespmem:v7+s10+$0x0], $0xffff  }
0x45b: {  	v4 =	vadd.f32 v6, v4;
	v6 =	vor.u32 $0x190B, v1  }
0x45c: {  	v8 =	vld.idx.msk [tilespmem:v8+s10+$0x0], $0xffff  }
0x45d: {  	v4 =	vadd.f32 v5, v4;
	v5 =	vor.u32 $0x190C, v1  }
0x45e: {  	v9 =	vld.idx.msk [tilespmem:v9+s10+$0x0], $0xffff  }
0x45f: {  	v4 =	vadd.f32 v7, v4;
	v7 =	vor.u32 $0x190D, v1  }
0x460: {  	v6 =	vld.idx.msk [tilespmem:v6+s10+$0x0], $0xffff  }
0x461: {  	v4 =	vadd.f32 v8, v4;
	v8 =	vor.u32 $0x190E, v1  }
0x462: {  	v5 =	vld.idx.msk [tilespmem:v5+s10+$0x0], $0xffff  }
0x463: {  	v4 =	vadd.f32 v9, v4;
	v9 =	vor.u32 $0x190F, v1  }
0x464: {  	v7 =	vld.idx.msk [tilespmem:v7+s10+$0x0], $0xffff  }
0x465: {  	v4 =	vadd.f32 v6, v4  }
0x466: {  	v11 =	vld.idx.msk [tilespmem:v8+s10+$0x0], $0xffff  }
0x467: {  	v4 =	vadd.f32 v5, v4  }
0x468: {  	v5 =	vld.idx.msk [tilespmem:v9+s10+$0x0], $0xffff  }
0x469: {  	v4 =	vadd.f32 v7, v4;
	_ =	sdelay $0x1  }
0x46a: {  	v10 =	vor.u32 $0x1A00, v1;
	v4 =	vadd.f32 v11, v4;
	_ =	sdelay $0x1  }
0x46b: {  	v4 =	vadd.f32 v5, v4;
	v5 =	vor.u32 $0x1A01, v1;
	_ =	sdelay $0x1  }
0x46c: {  	[tilespmem:$0x9D90] =	vst v4;
	v4 =	vor.u32 $0x1A02, v1  }
0x46d: {  	v6 =	vld.idx.msk [tilespmem:v10+s10+$0x0], $0xffff  }
0x46e: {  	v7 =	vor.u32 $0x1A03, v1  }
0x46f: {  	v5 =	vld.idx.msk [tilespmem:v5+s10+$0x0], $0xffff  }
0x470: {  	v8 =	vor.u32 $0x1A04, v1  }
0x471: {  	v4 =	vld.idx.msk [tilespmem:v4+s10+$0x0], $0xffff  }
0x472: {  	v9 =	vor.u32 $0x1A05, v1;
	v6 =	vadd.f32 $0.0e+00, v6  }
0x473: {  	v7 =	vld.idx.msk [tilespmem:v7+s10+$0x0], $0xffff  }
0x474: {  	v5 =	vadd.f32 v5, v6;
	v6 =	vor.u32 $0x1A06, v1  }
0x475: {  	v8 =	vld.idx.msk [tilespmem:v8+s10+$0x0], $0xffff  }
0x476: {  	v4 =	vadd.f32 v4, v5;
	v5 =	vor.u32 $0x1A07, v1  }
0x477: {  	v9 =	vld.idx.msk [tilespmem:v9+s10+$0x0], $0xffff  }
0x478: {  	v4 =	vadd.f32 v7, v4;
	v7 =	vor.u32 $0x1A08, v1  }
0x479: {  	v6 =	vld.idx.msk [tilespmem:v6+s10+$0x0], $0xffff  }
0x47a: {  	v4 =	vadd.f32 v8, v4;
	v8 =	vor.u32 $0x1A09, v1  }
0x47b: {  	v5 =	vld.idx.msk [tilespmem:v5+s10+$0x0], $0xffff  }
0x47c: {  	v4 =	vadd.f32 v9, v4;
	v9 =	vor.u32 $0x1A0A, v1  }
0x47d: {  	v7 =	vld.idx.msk [tilespmem:v7+s10+$0x0], $0xffff  }
0x47e: {  	v4 =	vadd.f32 v6, v4;
	v6 =	vor.u32 $0x1A0B, v1  }
0x47f: {  	v8 =	vld.idx.msk [tilespmem:v8+s10+$0x0], $0xffff  }
0x480: {  	v4 =	vadd.f32 v5, v4;
	v5 =	vor.u32 $0x1A0C, v1  }
0x481: {  	v9 =	vld.idx.msk [tilespmem:v9+s10+$0x0], $0xffff  }
0x482: {  	v4 =	vadd.f32 v7, v4;
	v7 =	vor.u32 $0x1A0D, v1  }
0x483: {  	v6 =	vld.idx.msk [tilespmem:v6+s10+$0x0], $0xffff  }
0x484: {  	v4 =	vadd.f32 v8, v4;
	v8 =	vor.u32 $0x1A0E, v1  }
0x485: {  	v5 =	vld.idx.msk [tilespmem:v5+s10+$0x0], $0xffff  }
0x486: {  	v4 =	vadd.f32 v9, v4;
	v9 =	vor.u32 $0x1A0F, v1  }
0x487: {  	v7 =	vld.idx.msk [tilespmem:v7+s10+$0x0], $0xffff  }
0x488: {  	v4 =	vadd.f32 v6, v4  }
0x489: {  	v11 =	vld.idx.msk [tilespmem:v8+s10+$0x0], $0xffff  }
0x48a: {  	v4 =	vadd.f32 v5, v4  }
0x48b: {  	v5 =	vld.idx.msk [tilespmem:v9+s10+$0x0], $0xffff  }
0x48c: {  	v4 =	vadd.f32 v7, v4;
	_ =	sdelay $0x1  }
0x48d: {  	v10 =	vor.u32 $0x1B00, v1;
	v4 =	vadd.f32 v11, v4;
	_ =	sdelay $0x1  }
0x48e: {  	v4 =	vadd.f32 v5, v4;
	v5 =	vor.u32 $0x1B01, v1;
	_ =	sdelay $0x1  }
0x48f: {  	[tilespmem:$0x9DA0] =	vst v4;
	v4 =	vor.u32 $0x1B02, v1  }
0x490: {  	v6 =	vld.idx.msk [tilespmem:v10+s10+$0x0], $0xffff  }
0x491: {  	v7 =	vor.u32 $0x1B03, v1  }
0x492: {  	v5 =	vld.idx.msk [tilespmem:v5+s10+$0x0], $0xffff  }
0x493: {  	v8 =	vor.u32 $0x1B04, v1  }
0x494: {  	v4 =	vld.idx.msk [tilespmem:v4+s10+$0x0], $0xffff  }
0x495: {  	v9 =	vor.u32 $0x1B05, v1;
	v6 =	vadd.f32 $0.0e+00, v6  }
0x496: {  	v7 =	vld.idx.msk [tilespmem:v7+s10+$0x0], $0xffff  }
0x497: {  	v5 =	vadd.f32 v5, v6;
	v6 =	vor.u32 $0x1B06, v1  }
0x498: {  	v8 =	vld.idx.msk [tilespmem:v8+s10+$0x0], $0xffff  }
0x499: {  	v4 =	vadd.f32 v4, v5;
	v5 =	vor.u32 $0x1B07, v1  }
0x49a: {  	v9 =	vld.idx.msk [tilespmem:v9+s10+$0x0], $0xffff  }
0x49b: {  	v4 =	vadd.f32 v7, v4;
	v7 =	vor.u32 $0x1B08, v1  }
0x49c: {  	v6 =	vld.idx.msk [tilespmem:v6+s10+$0x0], $0xffff  }
0x49d: {  	v4 =	vadd.f32 v8, v4;
	v8 =	vor.u32 $0x1B09, v1  }
0x49e: {  	v5 =	vld.idx.msk [tilespmem:v5+s10+$0x0], $0xffff  }
0x49f: {  	v4 =	vadd.f32 v9, v4;
	v9 =	vor.u32 $0x1B0A, v1  }
0x4a0: {  	v7 =	vld.idx.msk [tilespmem:v7+s10+$0x0], $0xffff  }
0x4a1: {  	v4 =	vadd.f32 v6, v4;
	v6 =	vor.u32 $0x1B0B, v1  }
0x4a2: {  	v8 =	vld.idx.msk [tilespmem:v8+s10+$0x0], $0xffff  }
0x4a3: {  	v4 =	vadd.f32 v5, v4;
	v5 =	vor.u32 $0x1B0C, v1  }
0x4a4: {  	v9 =	vld.idx.msk [tilespmem:v9+s10+$0x0], $0xffff  }
0x4a5: {  	v4 =	vadd.f32 v7, v4;
	v7 =	vor.u32 $0x1B0D, v1  }
0x4a6: {  	v6 =	vld.idx.msk [tilespmem:v6+s10+$0x0], $0xffff  }
0x4a7: {  	v4 =	vadd.f32 v8, v4;
	v8 =	vor.u32 $0x1B0E, v1  }
0x4a8: {  	v5 =	vld.idx.msk [tilespmem:v5+s10+$0x0], $0xffff  }
0x4a9: {  	v4 =	vadd.f32 v9, v4;
	v9 =	vor.u32 $0x1B0F, v1  }
0x4aa: {  	v7 =	vld.idx.msk [tilespmem:v7+s10+$0x0], $0xffff  }
0x4ab: {  	v4 =	vadd.f32 v6, v4  }
0x4ac: {  	v11 =	vld.idx.msk [tilespmem:v8+s10+$0x0], $0xffff  }
0x4ad: {  	v4 =	vadd.f32 v5, v4  }
0x4ae: {  	v5 =	vld.idx.msk [tilespmem:v9+s10+$0x0], $0xffff  }
0x4af: {  	v4 =	vadd.f32 v7, v4;
	_ =	sdelay $0x1  }
0x4b0: {  	v4 =	vadd.f32 v11, v4;
	_ =	sdelay $0x1  }
0x4b1: {  	s16 =	sadd.s32 $0x1, s16;
	v4 =	vadd.f32 v5, v4  }
0x4b2: {  	p0 =	sne.s32 s16, s8  }
.Ltmp9:
0x4b3: {  	[tilespmem:$0x9DB0] =	vst v4;
	(pc) =	sbr.rel @p0 .LBB2_1-.Ltmp9, $4  }
0x4b4: {  	[hbm4b:s7+s12] =	stream.strided.scatter [tilespmem:s14], [sflag:$0x3], $0x200, s13, s12, $0x38;
	[tilespmem:$0x9E00] =	vst v63  }
0x4b5: {  	_ =	swait.ge [sflag:s15], $0x200  }
0x4b6: {  	[sflag:s15] =	ssyncset.done $0x0  }
0x4b7: {  	[sflag:s15] =	ssyncadd.s32 $0xFFFFFE00  }
0x4b8: {  	_ =	sfence.sel $0x180000  }
0x4b9: {  	[bflag:$0x0] =	sbarrier.arrive $0xFFFF  }
0x4ba: {  	p0 =	sne.s32 s1, $0x0;
	_ =	strace $0x90000047  }
0x4bb: {  	s0 =	sadd.s32 @!p0 $0x100000, s0;
	[bflag:$0x2] =	sbarrier.arrive $0xFFFF  }
0x4bc: {  	[sflag:s0] =	ssyncadd.tile.s32 @!p0 $0x1;
	_ =	shalt  }
.Lfunc_end2:
_tile_overlayer_lowered:
.L_overlay_start_2:
0x4bd: {  	(tag) =	ssettag $0x2  }
0x4be: {  	s0 =	rddreg [dreg:$0x0];
	s2 =	stileid.u32  }
0x4bf: {  	s1 =	rddreg [dreg:$0x1];
	p0 =	sne.s32 s2, $0x0  }
0x4c0: {  	s3 =	rddreg [dreg:$0x2];
	[bflag:$0x3] =	sbarrier.arrive $0xFFFF;
	s2 =	simm.s32 @!p0 $0x1C03  }
0x4c1: {  	[timem:s3], [sflag:s2] =	dma.local @!p0 [hbm:s0], s1  }
0x4c2: {  	s0 =	simm.s32 @!p0 $0x3  }
0x4c3: {  	_ =	swait.ge @!p0 [sflag:s0], s1  }
0x4c4: {  	s1 =	ssub.s32 @!p0 $0x0, s1;
	[sflag:s0] =	ssyncset.done @!p0 $0x0  }
0x4c5: {  	[sflag:s0] =	ssyncadd.s32 @!p0 s1  }
0x4c6: {  	[bflag:$0x3] =	sbarrier.arrive $0xFFFF  }
0x4c7: {  	_ =	shalt  }

</sc_bundles>
